<compile_context>
chip_gen: v7x
topology: tpu7x:2x2x1
jax: 0.10.2.dev20260603
libtpu: 0.0.44.dev20260713+nightly
codegen_flags: <defaults>
</compile_context>

<pallas_src>
import functools

import jax
import jax.numpy as jnp
from jax import lax
from jax.experimental import pallas as pl
from jax.experimental.pallas import tpu as pltpu
from jax.experimental.pallas import tpu_sc as plsc

N = 100000
E = 1600000
D_IN = 128
DIM = 32
HALF = 16
N_GRAPHS = 128
N_CLASSES = 10

BLK = 2000
GRID = N // BLK

CHE = 1024
NCHUNK = -(-E // (16 * CHE))
EPT = NCHUNK * CHE
EPAD = 16 * EPT - E
ACC_ROWS = 100008
INIT_PT = 6256
INIT_LAST = N - 15 * INIT_PT


def _sc_pass(src_hbm, dst_hbm, p_hbm, out_hbm, out_idx,
             sidx, didx, rows, acc, sem, s):
    r0 = s * INIT_PT

    @pl.when(s < 15)
    def _():
        pltpu.sync_copy(p_hbm.at[pl.ds(r0, INIT_PT), :],
                        acc.at[pl.ds(r0, INIT_PT), :])

    @pl.when(s == 15)
    def _():
        pltpu.sync_copy(p_hbm.at[pl.ds(15 * INIT_PT, INIT_LAST), :],
                        acc.at[pl.ds(15 * INIT_PT, INIT_LAST), :])

    plsc.subcore_barrier()

    def chunk(j, carry):
        e0 = s * EPT + j * CHE
        pltpu.sync_copy(src_hbm.at[pl.ds(e0, CHE)], sidx)
        pltpu.sync_copy(dst_hbm.at[pl.ds(e0, CHE)], didx)
        pltpu.async_copy(p_hbm.at[sidx], rows, sem).wait()
        pltpu.sync_copy(rows, acc.at[didx], add=True)
        return carry

    lax.fori_loop(0, NCHUNK, chunk, 0)
    plsc.subcore_barrier()

    @pl.when(s < 15)
    def _():
        pltpu.sync_copy(acc.at[pl.ds(r0, INIT_PT), :],
                        out_hbm.at[out_idx, pl.ds(r0, INIT_PT), :])

    @pl.when(s == 15)
    def _():
        pltpu.sync_copy(acc.at[pl.ds(15 * INIT_PT, INIT_LAST), :],
                        out_hbm.at[out_idx, pl.ds(15 * INIT_PT, INIT_LAST), :])

    plsc.subcore_barrier()


def _sc_body2(src_hbm, dst_hbm, p0_hbm, p1_hbm, out_hbm,
              sidx, didx, rows, acc, sem):
    c = lax.axis_index("c")
    s = lax.axis_index("s")

    @pl.when(c == 0)
    def _():
        _sc_pass(src_hbm, dst_hbm, p0_hbm, out_hbm, 0,
                 sidx, didx, rows, acc, sem, s)

    @pl.when(c == 1)
    def _():
        _sc_pass(src_hbm, dst_hbm, p1_hbm, out_hbm, 1,
                 sidx, didx, rows, acc, sem, s)


def _sc_body8(src_hbm, dst_hbm, x0, x1, x2, x3, x4, x5, x6, x7, out_hbm,
              sidx, didx, rows, acc, sem):
    c = lax.axis_index("c")
    s = lax.axis_index("s")
    slabs = (x0, x1, x2, x3, x4, x5, x6, x7)
    for t in range(4):
        @pl.when(c == 0)
        def _(t=t):
            _sc_pass(src_hbm, dst_hbm, slabs[2 * t], out_hbm, 2 * t,
                     sidx, didx, rows, acc, sem, s)

        @pl.when(c == 1)
        def _(t=t):
            _sc_pass(src_hbm, dst_hbm, slabs[2 * t + 1], out_hbm, 2 * t + 1,
                     sidx, didx, rows, acc, sem, s)


_SC_SCRATCH = [
    pltpu.VMEM((CHE,), jnp.int32),
    pltpu.VMEM((CHE,), jnp.int32),
    pltpu.VMEM((CHE, HALF), jnp.float32),
    pltpu.VMEM_SHARED((ACC_ROWS, HALF), jnp.float32),
    pltpu.SemaphoreType.DMA,
]


@functools.cache
def _mk_sc2():
    return pl.kernel(
        _sc_body2,
        out_type=jax.ShapeDtypeStruct((2, N, HALF), jnp.float32),
        mesh=plsc.VectorSubcoreMesh(core_axis_name="c", subcore_axis_name="s",
                                    num_cores=2, num_subcores=16),
        scratch_types=list(_SC_SCRATCH),
        compiler_params=pltpu.CompilerParams(use_tc_tiling_on_sc=False),
    )


@functools.cache
def _mk_sc8():
    return pl.kernel(
        _sc_body8,
        out_type=jax.ShapeDtypeStruct((8, N, HALF), jnp.float32),
        mesh=plsc.VectorSubcoreMesh(core_axis_name="c", subcore_axis_name="s",
                                    num_cores=2, num_subcores=16),
        scratch_types=list(_SC_SCRATCH),
        compiler_params=pltpu.CompilerParams(use_tc_tiling_on_sc=False),
    )


def _sc_seg_sum(srcp, dstp, h0, h1):
    return _mk_sc2()(srcp, dstp, h0, h1)


def _sc_seg_sum_x(srcp, dstp, slabs):
    return _mk_sc8()(srcp, dstp, *slabs)


def _bn_body(u_ref, st_ref, g_ref, bb_ref, h0_ref, h1_ref):
    st = st_ref[...]
    mu = st[0:1, :] * (1.0 / N)
    var = st[1:2, :] * (1.0 / N) - mu * mu
    scale = lax.rsqrt(var + 1e-5) * g_ref[...]
    h = (u_ref[...] - mu) * scale + bb_ref[...]
    h0_ref[...] = h[:, :HALF]
    h1_ref[...] = h[:, HALF:]


def _mlp_tail(m, w2_ref, b2_ref, u_ref, st_ref, i):
    r = jnp.maximum(m, 0.0)
    u = jnp.maximum(
        jnp.dot(r, w2_ref[...], preferred_element_type=jnp.float32)
        + b2_ref[...], 0.0)
    u_ref[...] = u

    @pl.when(i == 0)
    def _():
        st_ref[...] = jnp.zeros((2, DIM), jnp.float32)

    s1 = jnp.sum(u, axis=0, keepdims=True)
    s2 = jnp.sum(u * u, axis=0, keepdims=True)
    st_ref[...] += jnp.concatenate([s1, s2], axis=0)


def _b0_body(a0, a1, a2, a3, a4, a5, a6, a7, w1_ref, b1_ref, w2_ref, b2_ref,
             u_ref, st_ref):
    i = pl.program_id(0)
    hagg = jnp.concatenate(
        [jnp.reshape(a[...], (BLK, HALF)) for a in
         (a0, a1, a2, a3, a4, a5, a6, a7)], axis=1)
    m = (jnp.dot(hagg, w1_ref[...], preferred_element_type=jnp.float32)
         + b1_ref[...])
    _mlp_tail(m, w2_ref, b2_ref, u_ref, st_ref, i)


def _b_body(a0_ref, a1_ref, w1_ref, b1_ref, w2_ref, b2_ref, u_ref, st_ref):
    i = pl.program_id(0)
    hagg = jnp.concatenate([jnp.reshape(a0_ref[...], (BLK, HALF)),
                            jnp.reshape(a1_ref[...], (BLK, HALF))], axis=1)
    m = (jnp.dot(hagg, w1_ref[...], preferred_element_type=jnp.float32)
         + b1_ref[...])
    _mlp_tail(m, w2_ref, b2_ref, u_ref, st_ref, i)


def _f_body(u_ref, st_ref, g_ref, bb_ref, bt_ref, f1w_ref, f1b_ref,
            f2w_ref, f2b_ref, o_ref, pool_acc):
    i = pl.program_id(0)
    st = st_ref[...]
    mu = st[0:1, :] * (1.0 / N)
    var = st[1:2, :] * (1.0 / N) - mu * mu
    scale = lax.rsqrt(var + 1e-5) * g_ref[...]
    h = (u_ref[...] - mu) * scale + bb_ref[...]

    @pl.when(i == 0)
    def _():
        pool_acc[...] = jnp.zeros((N_GRAPHS, DIM), jnp.float32)

    bt = jnp.reshape(bt_ref[...], (1, BLK))
    oh = (lax.broadcasted_iota(jnp.int32, (N_GRAPHS, BLK), 0) == bt
          ).astype(jnp.float32)
    pool_acc[...] += jnp.dot(oh, h, preferred_element_type=jnp.float32,
                             precision=lax.Precision.HIGHEST)

    @pl.when(i == GRID - 1)
    def _():
        pooled = pool_acc[...]
        z = jnp.maximum(
            jnp.dot(pooled, f1w_ref[...], preferred_element_type=jnp.float32)
            + f1b_ref[...], 0.0)
        z = (jnp.dot(z, f2w_ref[...], preferred_element_type=jnp.float32)
             + f2b_ref[...])
        zm = jnp.max(z, axis=1, keepdims=True)
        lse = jnp.log(jnp.sum(jnp.exp(z - zm), axis=1, keepdims=True)) + zm
        o_ref[...] = z - lse


_W = pl.BlockSpec((2, DIM), lambda i: (0, 0))
_V = pl.BlockSpec((1, DIM), lambda i: (0, 0))


def _slab_spec(k):
    return pl.BlockSpec((1, BLK, HALF), lambda i, k=k: (k, i, 0))


def _mk_bn():
    return pl.pallas_call(
        _bn_body,
        grid=(GRID,),
        in_specs=[pl.BlockSpec((BLK, DIM), lambda i: (i, 0)), _W, _V, _V],
        out_specs=[pl.BlockSpec((BLK, HALF), lambda i: (i, 0))] * 2,
        out_shape=[jax.ShapeDtypeStruct((N, HALF), jnp.float32)] * 2,
    )


def _mk_b0():
    return pl.pallas_call(
        _b0_body,
        grid=(GRID,),
        in_specs=[_slab_spec(k) for k in range(8)] + [
            pl.BlockSpec((D_IN, DIM), lambda i: (0, 0)),
            _V,
            pl.BlockSpec((DIM, DIM), lambda i: (0, 0)),
            _V,
        ],
        out_specs=[pl.BlockSpec((BLK, DIM), lambda i: (i, 0)), _W],
        out_shape=[jax.ShapeDtypeStruct((N, DIM), jnp.float32),
                   jax.ShapeDtypeStruct((2, DIM), jnp.float32)],
    )


def _mk_b():
    return pl.pallas_call(
        _b_body,
        grid=(GRID,),
        in_specs=[_slab_spec(0), _slab_spec(1),
                  pl.BlockSpec((DIM, DIM), lambda i: (0, 0)),
                  _V,
                  pl.BlockSpec((DIM, DIM), lambda i: (0, 0)),
                  _V],
        out_specs=[pl.BlockSpec((BLK, DIM), lambda i: (i, 0)), _W],
        out_shape=[jax.ShapeDtypeStruct((N, DIM), jnp.float32),
                   jax.ShapeDtypeStruct((2, DIM), jnp.float32)],
    )


def _mk_f():
    return pl.pallas_call(
        _f_body,
        grid=(GRID,),
        in_specs=[
            pl.BlockSpec((BLK, DIM), lambda i: (i, 0)),
            _W, _V, _V,
            pl.BlockSpec((1, 1, BLK), lambda i: (i, 0, 0)),
            pl.BlockSpec((DIM, DIM), lambda i: (0, 0)),
            _V,
            pl.BlockSpec((DIM, N_CLASSES), lambda i: (0, 0)),
            pl.BlockSpec((1, N_CLASSES), lambda i: (0, 0)),
        ],
        out_specs=pl.BlockSpec((N_GRAPHS, N_CLASSES), lambda i: (0, 0)),
        out_shape=jax.ShapeDtypeStruct((N_GRAPHS, N_CLASSES), jnp.float32),
        scratch_shapes=[pltpu.VMEM((N_GRAPHS, DIM), jnp.float32)],
    )


def kernel(x, edge_index, batch, params):
    src = edge_index[0]
    dst = edge_index[1]
    pad_src = (jnp.arange(EPAD, dtype=jnp.int32) * 16) % N
    pad_dst = N + (jnp.arange(EPAD, dtype=jnp.int32) % (ACC_ROWS - N))
    srcp = jnp.concatenate([src, pad_src])
    dstp = jnp.concatenate([dst, pad_dst])
    bt3 = batch.reshape(GRID, 1, BLK)
    xs = tuple(x[:, k * HALF:(k + 1) * HALF] for k in range(8))

    bn_call = _mk_bn()
    b0_call = _mk_b0()
    b_call = _mk_b()
    f_call = _mk_f()

    u = st = None
    for l in range(5):
        c = params["convs"][l]
        if l == 0:
            aggx = _sc_seg_sum_x(srcp, dstp, xs)
            u, st = b0_call(*([aggx] * 8), c["w1"],
                            c["b1"].reshape(1, DIM), c["w2"],
                            c["b2"].reshape(1, DIM))
        else:
            bn = params["bns"][l - 1]
            h0, h1 = bn_call(u, st, bn["g"].reshape(1, DIM),
                             bn["b"].reshape(1, DIM))
            agg = _sc_seg_sum(srcp, dstp, h0, h1)
            u, st = b_call(agg, agg, c["w1"], c["b1"].reshape(1, DIM),
                           c["w2"], c["b2"].reshape(1, DIM))
    bn = params["bns"][4]
    return f_call(u, st, bn["g"].reshape(1, DIM), bn["b"].reshape(1, DIM),
                  bt3, params["fc1_w"], params["fc1_b"].reshape(1, DIM),
                  params["fc2_w"], params["fc2_b"].reshape(1, N_CLASSES))

# --- scband reference (transcript-rebuilt; emitter-appended) ---
"""Pipeline reference for scband-gin-33062658245469 (READ-ONLY COPY).

The authoritative reference and input builder live on the scoring server;
editing this copy changes nothing except your own understanding.
"""

import jax, jax.numpy as jnp
import numpy as np

N_NODES = 100000
N_EDGES = 1600000
D_IN = 128
DIM = 32
N_CLASSES = 10
N_GRAPHS = 128


def _init_params(key):
    ks = jax.random.split(key, 16)
    params = {"convs": [], "bns": []}
    fan_in = D_IN
    i = 0
    for l in range(5):
        w1 = jax.random.normal(ks[i], (fan_in, DIM), dtype=jnp.float32) / np.sqrt(fan_in); i += 1
        b1 = jnp.zeros((DIM,), jnp.float32)
        w2 = jax.random.normal(ks[i], (DIM, DIM), dtype=jnp.float32) / np.sqrt(DIM); i += 1
        b2 = jnp.zeros((DIM,), jnp.float32)
        params["convs"].append({"w1": w1, "b1": b1, "w2": w2, "b2": b2})
        params["bns"].append({"g": jnp.ones((DIM,), jnp.float32), "b": jnp.zeros((DIM,), jnp.float32)})
        fan_in = DIM
    params["fc1_w"] = jax.random.normal(ks[i], (DIM, DIM), dtype=jnp.float32) / np.sqrt(DIM); i += 1
    params["fc1_b"] = jnp.zeros((DIM,), jnp.float32)
    params["fc2_w"] = jax.random.normal(ks[i], (DIM, N_CLASSES), dtype=jnp.float32) / np.sqrt(DIM); i += 1
    params["fc2_b"] = jnp.zeros((N_CLASSES,), jnp.float32)
    return params


def setup_inputs(seed: int = 0):
    key = jax.random.key(seed)
    kx, ke, kb, kp = jax.random.split(key, 4)
    x = jax.random.normal(kx, (N_NODES, D_IN), dtype=jnp.float32)
    edge_index = jax.random.randint(ke, (2, N_EDGES), 0, N_NODES, dtype=jnp.int32)
    batch = jnp.sort(jax.random.randint(kb, (N_NODES,), 0, N_GRAPHS, dtype=jnp.int32))
    params = _init_params(kp)
    return {"x": x, "edge_index": edge_index, "batch": batch, "params": params}


def _bn(h, g, b):
    # BatchNorm1d in training mode: batch statistics
    mu = jnp.mean(h, axis=0)
    var = jnp.var(h, axis=0)
    return (h - mu) / jnp.sqrt(var + 1e-5) * g + b


def _forward(x, params, edge_index, batch):
    src = edge_index[0]
    dst = edge_index[1]
    h = x
    for l in range(5):
        c = params["convs"][l]
        # GINConv: nn((1+eps)*x + sum_{j->i} x_j), eps=0 (train_eps=False default)
        agg = jax.ops.segment_sum(h[src], dst, num_segments=N_NODES)
        m = h + agg
        m = jnp.maximum(m @ c["w1"] + c["b1"], 0.0) @ c["w2"] + c["b2"]
        h = jnp.maximum(m, 0.0)  # F.relu(conv(...))
        bn = params["bns"][l]
        h = _bn(h, bn["g"], bn["b"])
    pooled = jax.ops.segment_sum(h, batch, num_segments=N_GRAPHS)  # global_add_pool
    out = jnp.maximum(pooled @ params["fc1_w"] + params["fc1_b"], 0.0)
    out = out @ params["fc2_w"] + params["fc2_b"]
    return jax.nn.log_softmax(out, axis=-1)


def reference(x, edge_index, batch, params):
    return _forward(x, params, edge_index, batch)

if __name__ == "__main__":
    import jax
    _d = setup_inputs()
    print(jax.jit(kernel)(*tuple(_d.values())))

</pallas_src>

<mosaic_0001>
#map = affine_map<(d0, d1) -> (0)>
#map1 = affine_map<(d0, d1) -> (0, 0)>
#map2 = affine_map<(d0, d1) -> (0, 0, 0)>
module attributes {stable_mosaic.version = 14 : i64} {
  func.func @_sc_body8(%arg0: i32, %arg1: i32, %arg2: memref<1605632xi32, #tpu.memory_space<hbm>>, %arg3: memref<1605632xi32, #tpu.memory_space<hbm>>, %arg4: memref<100000x16xf32, #tpu.memory_space<hbm>>, %arg5: memref<100000x16xf32, #tpu.memory_space<hbm>>, %arg6: memref<100000x16xf32, #tpu.memory_space<hbm>>, %arg7: memref<100000x16xf32, #tpu.memory_space<hbm>>, %arg8: memref<100000x16xf32, #tpu.memory_space<hbm>>, %arg9: memref<100000x16xf32, #tpu.memory_space<hbm>>, %arg10: memref<100000x16xf32, #tpu.memory_space<hbm>>, %arg11: memref<100000x16xf32, #tpu.memory_space<hbm>>, %arg12: memref<8x100000x16xf32, #tpu.memory_space<hbm>>, %arg13: memref<1024xi32, #tpu.memory_space<vmem>>, %arg14: memref<1024xi32, #tpu.memory_space<vmem>>, %arg15: memref<1024x16xf32, #tpu.memory_space<vmem>>, %arg16: memref<100008x16xf32, #tpu.memory_space<vmem_shared>>, %arg17: memref<!tpu.dma_semaphore, #tpu.memory_space<semaphore_mem>>) attributes {dimension_semantics = [#tpu.dimension_semantics<core_parallel>, #tpu.dimension_semantics<subcore_parallel>], iteration_bounds = array<i64: 2, 16>, scalar_prefetch = 0 : i64, scratch_operands = 5 : i64, tpu.core_type = #tpu.core_type<sc_vector_subcore>, window_params = [{transform_indices = #map}, {transform_indices = #map}, {transform_indices = #map1}, {transform_indices = #map1}, {transform_indices = #map1}, {transform_indices = #map1}, {transform_indices = #map1}, {transform_indices = #map1}, {transform_indices = #map1}, {transform_indices = #map1}, {transform_indices = #map2}]} {
    %eq3A = arith.constant 0 : i32
    %eq3A_0 = arith.cmpi eq, %arg0, %eq3A : i32
    %convert_element_type3A = arith.extui %eq3A_0 : i1 to i32
    %cond3A = arith.constant 0 : i32
    %cond3A_1 = arith.cmpi ne, %convert_element_type3A, %cond3A : i32
    scf.if %cond3A_1 {
      %mul3A = arith.constant 6256 : i32
      %mul3A_37 = arith.muli %arg1, %mul3A : i32
      %lt3A = arith.constant 15 : i32
      %lt3A_38 = arith.cmpi slt, %arg1, %lt3A : i32
      %convert_element_type3A_39 = arith.extui %lt3A_38 : i1 to i32
      %cond3A_40 = arith.constant 0 : i32
      %cond3A_41 = arith.cmpi ne, %convert_element_type3A_39, %cond3A_40 : i32
      scf.if %cond3A_41 {
        "tpu.region"() ({
          %run_scoped3A = tpu.sem_alloc : memref<!tpu.dma_semaphore, #tpu.memory_space<semaphore_mem>>
          %dma_start3A = arith.constant 0 : i32
          %dma_start3A_64 = tpu.memref_slice %arg16[%mul3A_37, %dma_start3A] : memref<100008x16xf32, #tpu.memory_space<vmem_shared>> -> memref<6256x16xf32, #tpu.memory_space<vmem_shared>>
          %dma_start3A_65 = arith.constant 0 : i32
          %dma_start3A_66 = tpu.memref_slice %arg4[%mul3A_37, %dma_start3A_65] : memref<100000x16xf32, #tpu.memory_space<hbm>> -> memref<6256x16xf32, #tpu.memory_space<hbm>>
          tpu.enqueue_dma source(%dma_start3A_66 : memref<6256x16xf32, #tpu.memory_space<hbm>>) target(%dma_start3A_64 : memref<6256x16xf32, #tpu.memory_space<vmem_shared>>) target_semaphore(%run_scoped3A : memref<!tpu.dma_semaphore, #tpu.memory_space<semaphore_mem>>)
          %dma_wait3A = arith.constant 0 : i32
          %dma_wait3A_67 = tpu.memref_slice %arg16[%mul3A_37, %dma_wait3A] : memref<100008x16xf32, #tpu.memory_space<vmem_shared>> -> memref<6256x16xf32, #tpu.memory_space<vmem_shared>>
          %dma_wait3A_68 = arith.constant 0 : i32
          %dma_wait3A_69 = tpu.memref_slice %arg4[%mul3A_37, %dma_wait3A_68] : memref<100000x16xf32, #tpu.memory_space<hbm>> -> memref<6256x16xf32, #tpu.memory_space<hbm>>
          tpu.wait_dma2 semaphore(%run_scoped3A : memref<!tpu.dma_semaphore, #tpu.memory_space<semaphore_mem>>) src(%dma_wait3A_69 : memref<6256x16xf32, #tpu.memory_space<hbm>>) dst(%dma_wait3A_67 : memref<6256x16xf32, #tpu.memory_space<vmem_shared>>)
          tpu.yield
        }) : () -> ()
      } else {
      }
      %eq3A_42 = arith.constant 15 : i32
      %eq3A_43 = arith.cmpi eq, %arg1, %eq3A_42 : i32
      %convert_element_type3A_44 = arith.extui %eq3A_43 : i1 to i32
      %cond3A_45 = arith.constant 0 : i32
      %cond3A_46 = arith.cmpi ne, %convert_element_type3A_44, %cond3A_45 : i32
      scf.if %cond3A_46 {
        "tpu.region"() ({
          %run_scoped3A = tpu.sem_alloc : memref<!tpu.dma_semaphore, #tpu.memory_space<semaphore_mem>>
          %dma_start3A = arith.constant 93840 : i32
          %dma_start3A_64 = arith.constant 0 : i32
          %dma_start3A_65 = tpu.memref_slice %arg16[%dma_start3A, %dma_start3A_64] : memref<100008x16xf32, #tpu.memory_space<vmem_shared>> -> memref<6160x16xf32, #tpu.memory_space<vmem_shared>>
          %dma_start3A_66 = arith.constant 93840 : i32
          %dma_start3A_67 = arith.constant 0 : i32
          %dma_start3A_68 = tpu.memref_slice %arg4[%dma_start3A_66, %dma_start3A_67] : memref<100000x16xf32, #tpu.memory_space<hbm>> -> memref<6160x16xf32, #tpu.memory_space<hbm>>
          tpu.enqueue_dma source(%dma_start3A_68 : memref<6160x16xf32, #tpu.memory_space<hbm>>) target(%dma_start3A_65 : memref<6160x16xf32, #tpu.memory_space<vmem_shared>>) target_semaphore(%run_scoped3A : memref<!tpu.dma_semaphore, #tpu.memory_space<semaphore_mem>>)
          %dma_wait3A = arith.constant 93840 : i32
          %dma_wait3A_69 = arith.constant 0 : i32
          %dma_wait3A_70 = tpu.memref_slice %arg16[%dma_wait3A, %dma_wait3A_69] : memref<100008x16xf32, #tpu.memory_space<vmem_shared>> -> memref<6160x16xf32, #tpu.memory_space<vmem_shared>>
          %dma_wait3A_71 = arith.constant 93840 : i32
          %dma_wait3A_72 = arith.constant 0 : i32
          %dma_wait3A_73 = tpu.memref_slice %arg4[%dma_wait3A_71, %dma_wait3A_72] : memref<100000x16xf32, #tpu.memory_space<hbm>> -> memref<6160x16xf32, #tpu.memory_space<hbm>>
          tpu.wait_dma2 semaphore(%run_scoped3A : memref<!tpu.dma_semaphore, #tpu.memory_space<semaphore_mem>>) src(%dma_wait3A_73 : memref<6160x16xf32, #tpu.memory_space<hbm>>) dst(%dma_wait3A_70 : memref<6160x16xf32, #tpu.memory_space<vmem_shared>>)
          tpu.yield
        }) : () -> ()
      } else {
      }
      %barrier3A = arith.constant 0 : index
      tpu.barrier barrier_id(%barrier3A)
      %scan3A = arith.constant 0 : i32
      %scan3A_47 = arith.constant 0 : i32
      %scan3A_48 = arith.constant 98 : i32
      %scan3A_49 = arith.addi %scan3A_47, %scan3A_48 : i32
      %scan3A_50 = arith.constant 1 : i32
      scf.for %scan3A_64 = %scan3A_47 to %scan3A_49 step %scan3A_50  : i32 {
        %mul3A_65 = arith.constant 100352 : i32
        %mul3A_66 = arith.muli %arg1, %mul3A_65 : i32
        %mul3A_67 = arith.constant 1024 : i32
        %mul3A_68 = arith.muli %scan3A_64, %mul3A_67 : i32
        %add3A = arith.addi %mul3A_66, %mul3A_68 : i32
        "tpu.region"() ({
          %run_scoped3A = tpu.sem_alloc : memref<!tpu.dma_semaphore, #tpu.memory_space<semaphore_mem>>
          %dma_start3A_73 = tpu.memref_slice %arg2[%add3A] : memref<1605632xi32, #tpu.memory_space<hbm>> -> memref<1024xi32, #tpu.memory_space<hbm>>
          %dma_start3A_74 = tpu.memref_slice %arg2[%add3A] : memref<1605632xi32, #tpu.memory_space<hbm>> -> memref<1024xi32, #tpu.memory_space<hbm>>
          tpu.enqueue_dma source(%dma_start3A_74 : memref<1024xi32, #tpu.memory_space<hbm>>) target(%arg13 : memref<1024xi32, #tpu.memory_space<vmem>>) target_semaphore(%run_scoped3A : memref<!tpu.dma_semaphore, #tpu.memory_space<semaphore_mem>>)
          %dma_wait3A_75 = tpu.memref_slice %arg2[%add3A] : memref<1605632xi32, #tpu.memory_space<hbm>> -> memref<1024xi32, #tpu.memory_space<hbm>>
          %dma_wait3A_76 = tpu.memref_slice %arg2[%add3A] : memref<1605632xi32, #tpu.memory_space<hbm>> -> memref<1024xi32, #tpu.memory_space<hbm>>
          tpu.wait_dma2 semaphore(%run_scoped3A : memref<!tpu.dma_semaphore, #tpu.memory_space<semaphore_mem>>) src(%dma_wait3A_76 : memref<1024xi32, #tpu.memory_space<hbm>>) dst(%arg13 : memref<1024xi32, #tpu.memory_space<vmem>>)
          tpu.yield
        }) : () -> ()
        "tpu.region"() ({
          %run_scoped3A = tpu.sem_alloc : memref<!tpu.dma_semaphore, #tpu.memory_space<semaphore_mem>>
          %dma_start3A_73 = tpu.memref_slice %arg3[%add3A] : memref<1605632xi32, #tpu.memory_space<hbm>> -> memref<1024xi32, #tpu.memory_space<hbm>>
          %dma_start3A_74 = tpu.memref_slice %arg3[%add3A] : memref<1605632xi32, #tpu.memory_space<hbm>> -> memref<1024xi32, #tpu.memory_space<hbm>>
          tpu.enqueue_dma source(%dma_start3A_74 : memref<1024xi32, #tpu.memory_space<hbm>>) target(%arg14 : memref<1024xi32, #tpu.memory_space<vmem>>) target_semaphore(%run_scoped3A : memref<!tpu.dma_semaphore, #tpu.memory_space<semaphore_mem>>)
          %dma_wait3A_75 = tpu.memref_slice %arg3[%add3A] : memref<1605632xi32, #tpu.memory_space<hbm>> -> memref<1024xi32, #tpu.memory_space<hbm>>
          %dma_wait3A_76 = tpu.memref_slice %arg3[%add3A] : memref<1605632xi32, #tpu.memory_space<hbm>> -> memref<1024xi32, #tpu.memory_space<hbm>>
          tpu.wait_dma2 semaphore(%run_scoped3A : memref<!tpu.dma_semaphore, #tpu.memory_space<semaphore_mem>>) src(%dma_wait3A_76 : memref<1024xi32, #tpu.memory_space<hbm>>) dst(%arg14 : memref<1024xi32, #tpu.memory_space<vmem>>)
          tpu.yield
        }) : () -> ()
        %dma_start3A = arith.constant 0 : i32
        %dma_start3A_69 = arith.constant 0 : i32
        %dma_start3A_70 = tpu.memref_slice %arg4[%dma_start3A, %dma_start3A_69] : memref<100000x16xf32, #tpu.memory_space<hbm>> -> memref<100000x16xf32, #tpu.memory_space<hbm>>
        tpu.enqueue_indirect_dma source(%dma_start3A_70 : memref<100000x16xf32, #tpu.memory_space<hbm>>) target(%arg15 : memref<1024x16xf32, #tpu.memory_space<vmem>>) offsets(%arg13 : memref<1024xi32, #tpu.memory_space<vmem>>) semaphore(%arg17 : memref<!tpu.dma_semaphore, #tpu.memory_space<semaphore_mem>>)
        %dma_wait3A = arith.constant 0 : i32
        %dma_wait3A_71 = arith.constant 0 : i32
        %dma_wait3A_72 = tpu.memref_slice %arg4[%dma_wait3A, %dma_wait3A_71] : memref<100000x16xf32, #tpu.memory_space<hbm>> -> memref<100000x16xf32, #tpu.memory_space<hbm>>
        tpu.wait_indirect_dma semaphore(%arg17 : memref<!tpu.dma_semaphore, #tpu.memory_space<semaphore_mem>>) src(%dma_wait3A_72 : memref<100000x16xf32, #tpu.memory_space<hbm>>) dst(%arg15 : memref<1024x16xf32, #tpu.memory_space<vmem>>)
        "tpu.region"() ({
          %run_scoped3A = tpu.sem_alloc : memref<!tpu.dma_semaphore, #tpu.memory_space<semaphore_mem>>
          %dma_start3A_73 = arith.constant 0 : i32
          %dma_start3A_74 = arith.constant 0 : i32
          %dma_start3A_75 = tpu.memref_slice %arg16[%dma_start3A_73, %dma_start3A_74] : memref<100008x16xf32, #tpu.memory_space<vmem_shared>> -> memref<100008x16xf32, #tpu.memory_space<vmem_shared>>
          tpu.enqueue_indirect_dma source(%arg15 : memref<1024x16xf32, #tpu.memory_space<vmem>>) target(%dma_start3A_75 : memref<100008x16xf32, #tpu.memory_space<vmem_shared>>) offsets(%arg14 : memref<1024xi32, #tpu.memory_space<vmem>>) semaphore(%run_scoped3A : memref<!tpu.dma_semaphore, #tpu.memory_space<semaphore_mem>>) {add = true}
          %dma_wait3A_76 = arith.constant 0 : i32
          %dma_wait3A_77 = arith.constant 0 : i32
          %dma_wait3A_78 = tpu.memref_slice %arg16[%dma_wait3A_76, %dma_wait3A_77] : memref<100008x16xf32, #tpu.memory_space<vmem_shared>> -> memref<100008x16xf32, #tpu.memory_space<vmem_shared>>
          tpu.wait_indirect_dma semaphore(%run_scoped3A : memref<!tpu.dma_semaphore, #tpu.memory_space<semaphore_mem>>) src(%arg15 : memref<1024x16xf32, #tpu.memory_space<vmem>>) dst(%dma_wait3A_78 : memref<100008x16xf32, #tpu.memory_space<vmem_shared>>)
          tpu.yield
        }) : () -> ()
      }
      %scan3A_51 = arith.constant 98 : i32
      %barrier3A_52 = arith.constant 0 : index
      tpu.barrier barrier_id(%barrier3A_52)
      %lt3A_53 = arith.constant 15 : i32
      %lt3A_54 = arith.cmpi slt, %arg1, %lt3A_53 : i32
      %convert_element_type3A_55 = arith.extui %lt3A_54 : i1 to i32
      %cond3A_56 = arith.constant 0 : i32
      %cond3A_57 = arith.cmpi ne, %convert_element_type3A_55, %cond3A_56 : i32
      scf.if %cond3A_57 {
        %run_scoped3A = arith.constant 0 : i32
        "tpu.region"() ({
          %run_scoped3A_64 = tpu.sem_alloc : memref<!tpu.dma_semaphore, #tpu.memory_space<semaphore_mem>>
          %dma_start3A = arith.constant 0 : i32
          %dma_start3A_65 = tpu.memref_slice %arg12[%run_scoped3A, %mul3A_37, %dma_start3A] : memref<8x100000x16xf32, #tpu.memory_space<hbm>> -> memref<1x6256x16xf32, #tpu.memory_space<hbm>>
          %dma_start3A_66 = tpu.memref_squeeze %dma_start3A_65 : memref<1x6256x16xf32, #tpu.memory_space<hbm>> -> memref<6256x16xf32, #tpu.memory_space<hbm>>
          %dma_start3A_67 = arith.constant 0 : i32
          %dma_start3A_68 = tpu.memref_slice %arg16[%mul3A_37, %dma_start3A_67] : memref<100008x16xf32, #tpu.memory_space<vmem_shared>> -> memref<6256x16xf32, #tpu.memory_space<vmem_shared>>
          tpu.enqueue_dma source(%dma_start3A_68 : memref<6256x16xf32, #tpu.memory_space<vmem_shared>>) target(%dma_start3A_66 : memref<6256x16xf32, #tpu.memory_space<hbm>>) target_semaphore(%run_scoped3A_64 : memref<!tpu.dma_semaphore, #tpu.memory_space<semaphore_mem>>)
          %dma_wait3A = arith.constant 0 : i32
          %dma_wait3A_69 = tpu.memref_slice %arg12[%run_scoped3A, %mul3A_37, %dma_wait3A] : memref<8x100000x16xf32, #tpu.memory_space<hbm>> -> memref<1x6256x16xf32, #tpu.memory_space<hbm>>
          %dma_wait3A_70 = tpu.memref_squeeze %dma_wait3A_69 : memref<1x6256x16xf32, #tpu.memory_space<hbm>> -> memref<6256x16xf32, #tpu.memory_space<hbm>>
          %dma_wait3A_71 = arith.constant 0 : i32
          %dma_wait3A_72 = tpu.memref_slice %arg16[%mul3A_37, %dma_wait3A_71] : memref<100008x16xf32, #tpu.memory_space<vmem_shared>> -> memref<6256x16xf32, #tpu.memory_space<vmem_shared>>
          tpu.wait_dma2 semaphore(%run_scoped3A_64 : memref<!tpu.dma_semaphore, #tpu.memory_space<semaphore_mem>>) src(%dma_wait3A_72 : memref<6256x16xf32, #tpu.memory_space<vmem_shared>>) dst(%dma_wait3A_70 : memref<6256x16xf32, #tpu.memory_space<hbm>>)
          tpu.yield
        }) : () -> ()
      } else {
      }
      %eq3A_58 = arith.constant 15 : i32
      %eq3A_59 = arith.cmpi eq, %arg1, %eq3A_58 : i32
      %convert_element_type3A_60 = arith.extui %eq3A_59 : i1 to i32
      %cond3A_61 = arith.constant 0 : i32
      %cond3A_62 = arith.cmpi ne, %convert_element_type3A_60, %cond3A_61 : i32
      scf.if %cond3A_62 {
        %run_scoped3A = arith.constant 0 : i32
        "tpu.region"() ({
          %run_scoped3A_64 = tpu.sem_alloc : memref<!tpu.dma_semaphore, #tpu.memory_space<semaphore_mem>>
          %dma_start3A = arith.constant 93840 : i32
          %dma_start3A_65 = arith.constant 0 : i32
          %dma_start3A_66 = tpu.memref_slice %arg12[%run_scoped3A, %dma_start3A, %dma_start3A_65] : memref<8x100000x16xf32, #tpu.memory_space<hbm>> -> memref<1x6160x16xf32, #tpu.memory_space<hbm>>
          %dma_start3A_67 = tpu.memref_squeeze %dma_start3A_66 : memref<1x6160x16xf32, #tpu.memory_space<hbm>> -> memref<6160x16xf32, #tpu.memory_space<hbm>>
          %dma_start3A_68 = arith.constant 93840 : i32
          %dma_start3A_69 = arith.constant 0 : i32
          %dma_start3A_70 = tpu.memref_slice %arg16[%dma_start3A_68, %dma_start3A_69] : memref<100008x16xf32, #tpu.memory_space<vmem_shared>> -> memref<6160x16xf32, #tpu.memory_space<vmem_shared>>
          tpu.enqueue_dma source(%dma_start3A_70 : memref<6160x16xf32, #tpu.memory_space<vmem_shared>>) target(%dma_start3A_67 : memref<6160x16xf32, #tpu.memory_space<hbm>>) target_semaphore(%run_scoped3A_64 : memref<!tpu.dma_semaphore, #tpu.memory_space<semaphore_mem>>)
          %dma_wait3A = arith.constant 93840 : i32
          %dma_wait3A_71 = arith.constant 0 : i32
          %dma_wait3A_72 = tpu.memref_slice %arg12[%run_scoped3A, %dma_wait3A, %dma_wait3A_71] : memref<8x100000x16xf32, #tpu.memory_space<hbm>> -> memref<1x6160x16xf32, #tpu.memory_space<hbm>>
          %dma_wait3A_73 = tpu.memref_squeeze %dma_wait3A_72 : memref<1x6160x16xf32, #tpu.memory_space<hbm>> -> memref<6160x16xf32, #tpu.memory_space<hbm>>
          %dma_wait3A_74 = arith.constant 93840 : i32
          %dma_wait3A_75 = arith.constant 0 : i32
          %dma_wait3A_76 = tpu.memref_slice %arg16[%dma_wait3A_74, %dma_wait3A_75] : memref<100008x16xf32, #tpu.memory_space<vmem_shared>> -> memref<6160x16xf32, #tpu.memory_space<vmem_shared>>
          tpu.wait_dma2 semaphore(%run_scoped3A_64 : memref<!tpu.dma_semaphore, #tpu.memory_space<semaphore_mem>>) src(%dma_wait3A_76 : memref<6160x16xf32, #tpu.memory_space<vmem_shared>>) dst(%dma_wait3A_73 : memref<6160x16xf32, #tpu.memory_space<hbm>>)
          tpu.yield
        }) : () -> ()
      } else {
      }
      %barrier3A_63 = arith.constant 0 : index
      tpu.barrier barrier_id(%barrier3A_63)
    } else {
    }
    %eq3A_2 = arith.constant 1 : i32
    %eq3A_3 = arith.cmpi eq, %arg0, %eq3A_2 : i32
    %convert_element_type3A_4 = arith.extui %eq3A_3 : i1 to i32
    %cond3A_5 = arith.constant 0 : i32
    %cond3A_6 = arith.cmpi ne, %convert_element_type3A_4, %cond3A_5 : i32
    scf.if %cond3A_6 {
      %mul3A = arith.constant 6256 : i32
      %mul3A_37 = arith.muli %arg1, %mul3A : i32
      %lt3A = arith.constant 15 : i32
      %lt3A_38 = arith.cmpi slt, %arg1, %lt3A : i32
      %convert_element_type3A_39 = arith.extui %lt3A_38 : i1 to i32
      %cond3A_40 = arith.constant 0 : i32
      %cond3A_41 = arith.cmpi ne, %convert_element_type3A_39, %cond3A_40 : i32
      scf.if %cond3A_41 {
        "tpu.region"() ({
          %run_scoped3A = tpu.sem_alloc : memref<!tpu.dma_semaphore, #tpu.memory_space<semaphore_mem>>
          %dma_start3A = arith.constant 0 : i32
          %dma_start3A_64 = tpu.memref_slice %arg16[%mul3A_37, %dma_start3A] : memref<100008x16xf32, #tpu.memory_space<vmem_shared>> -> memref<6256x16xf32, #tpu.memory_space<vmem_shared>>
          %dma_start3A_65 = arith.constant 0 : i32
          %dma_start3A_66 = tpu.memref_slice %arg5[%mul3A_37, %dma_start3A_65] : memref<100000x16xf32, #tpu.memory_space<hbm>> -> memref<6256x16xf32, #tpu.memory_space<hbm>>
          tpu.enqueue_dma source(%dma_start3A_66 : memref<6256x16xf32, #tpu.memory_space<hbm>>) target(%dma_start3A_64 : memref<6256x16xf32, #tpu.memory_space<vmem_shared>>) target_semaphore(%run_scoped3A : memref<!tpu.dma_semaphore, #tpu.memory_space<semaphore_mem>>)
          %dma_wait3A = arith.constant 0 : i32
          %dma_wait3A_67 = tpu.memref_slice %arg16[%mul3A_37, %dma_wait3A] : memref<100008x16xf32, #tpu.memory_space<vmem_shared>> -> memref<6256x16xf32, #tpu.memory_space<vmem_shared>>
          %dma_wait3A_68 = arith.constant 0 : i32
          %dma_wait3A_69 = tpu.memref_slice %arg5[%mul3A_37, %dma_wait3A_68] : memref<100000x16xf32, #tpu.memory_space<hbm>> -> memref<6256x16xf32, #tpu.memory_space<hbm>>
          tpu.wait_dma2 semaphore(%run_scoped3A : memref<!tpu.dma_semaphore, #tpu.memory_space<semaphore_mem>>) src(%dma_wait3A_69 : memref<6256x16xf32, #tpu.memory_space<hbm>>) dst(%dma_wait3A_67 : memref<6256x16xf32, #tpu.memory_space<vmem_shared>>)
          tpu.yield
        }) : () -> ()
      } else {
      }
      %eq3A_42 = arith.constant 15 : i32
      %eq3A_43 = arith.cmpi eq, %arg1, %eq3A_42 : i32
      %convert_element_type3A_44 = arith.extui %eq3A_43 : i1 to i32
      %cond3A_45 = arith.constant 0 : i32
      %cond3A_46 = arith.cmpi ne, %convert_element_type3A_44, %cond3A_45 : i32
      scf.if %cond3A_46 {
        "tpu.region"() ({
          %run_scoped3A = tpu.sem_alloc : memref<!tpu.dma_semaphore, #tpu.memory_space<semaphore_mem>>
          %dma_start3A = arith.constant 93840 : i32
          %dma_start3A_64 = arith.constant 0 : i32
          %dma_start3A_65 = tpu.memref_slice %arg16[%dma_start3A, %dma_start3A_64] : memref<100008x16xf32, #tpu.memory_space<vmem_shared>> -> memref<6160x16xf32, #tpu.memory_space<vmem_shared>>
          %dma_start3A_66 = arith.constant 93840 : i32
          %dma_start3A_67 = arith.constant 0 : i32
          %dma_start3A_68 = tpu.memref_slice %arg5[%dma_start3A_66, %dma_start3A_67] : memref<100000x16xf32, #tpu.memory_space<hbm>> -> memref<6160x16xf32, #tpu.memory_space<hbm>>
          tpu.enqueue_dma source(%dma_start3A_68 : memref<6160x16xf32, #tpu.memory_space<hbm>>) target(%dma_start3A_65 : memref<6160x16xf32, #tpu.memory_space<vmem_shared>>) target_semaphore(%run_scoped3A : memref<!tpu.dma_semaphore, #tpu.memory_space<semaphore_mem>>)
          %dma_wait3A = arith.constant 93840 : i32
          %dma_wait3A_69 = arith.constant 0 : i32
          %dma_wait3A_70 = tpu.memref_slice %arg16[%dma_wait3A, %dma_wait3A_69] : memref<100008x16xf32, #tpu.memory_space<vmem_shared>> -> memref<6160x16xf32, #tpu.memory_space<vmem_shared>>
          %dma_wait3A_71 = arith.constant 93840 : i32
          %dma_wait3A_72 = arith.constant 0 : i32
          %dma_wait3A_73 = tpu.memref_slice %arg5[%dma_wait3A_71, %dma_wait3A_72] : memref<100000x16xf32, #tpu.memory_space<hbm>> -> memref<6160x16xf32, #tpu.memory_space<hbm>>
          tpu.wait_dma2 semaphore(%run_scoped3A : memref<!tpu.dma_semaphore, #tpu.memory_space<semaphore_mem>>) src(%dma_wait3A_73 : memref<6160x16xf32, #tpu.memory_space<hbm>>) dst(%dma_wait3A_70 : memref<6160x16xf32, #tpu.memory_space<vmem_shared>>)
          tpu.yield
        }) : () -> ()
      } else {
      }
      %barrier3A = arith.constant 0 : index
      tpu.barrier barrier_id(%barrier3A)
      %scan3A = arith.constant 0 : i32
      %scan3A_47 = arith.constant 0 : i32
      %scan3A_48 = arith.constant 98 : i32
      %scan3A_49 = arith.addi %scan3A_47, %scan3A_48 : i32
      %scan3A_50 = arith.constant 1 : i32
      scf.for %scan3A_64 = %scan3A_47 to %scan3A_49 step %scan3A_50  : i32 {
        %mul3A_65 = arith.constant 100352 : i32
        %mul3A_66 = arith.muli %arg1, %mul3A_65 : i32
        %mul3A_67 = arith.constant 1024 : i32
        %mul3A_68 = arith.muli %scan3A_64, %mul3A_67 : i32
        %add3A = arith.addi %mul3A_66, %mul3A_68 : i32
        "tpu.region"() ({
          %run_scoped3A = tpu.sem_alloc : memref<!tpu.dma_semaphore, #tpu.memory_space<semaphore_mem>>
          %dma_start3A_73 = tpu.memref_slice %arg2[%add3A] : memref<1605632xi32, #tpu.memory_space<hbm>> -> memref<1024xi32, #tpu.memory_space<hbm>>
          %dma_start3A_74 = tpu.memref_slice %arg2[%add3A] : memref<1605632xi32, #tpu.memory_space<hbm>> -> memref<1024xi32, #tpu.memory_space<hbm>>
          tpu.enqueue_dma source(%dma_start3A_74 : memref<1024xi32, #tpu.memory_space<hbm>>) target(%arg13 : memref<1024xi32, #tpu.memory_space<vmem>>) target_semaphore(%run_scoped3A : memref<!tpu.dma_semaphore, #tpu.memory_space<semaphore_mem>>)
          %dma_wait3A_75 = tpu.memref_slice %arg2[%add3A] : memref<1605632xi32, #tpu.memory_space<hbm>> -> memref<1024xi32, #tpu.memory_space<hbm>>
          %dma_wait3A_76 = tpu.memref_slice %arg2[%add3A] : memref<1605632xi32, #tpu.memory_space<hbm>> -> memref<1024xi32, #tpu.memory_space<hbm>>
          tpu.wait_dma2 semaphore(%run_scoped3A : memref<!tpu.dma_semaphore, #tpu.memory_space<semaphore_mem>>) src(%dma_wait3A_76 : memref<1024xi32, #tpu.memory_space<hbm>>) dst(%arg13 : memref<1024xi32, #tpu.memory_space<vmem>>)
          tpu.yield
        }) : () -> ()
        "tpu.region"() ({
          %run_scoped3A = tpu.sem_alloc : memref<!tpu.dma_semaphore, #tpu.memory_space<semaphore_mem>>
          %dma_start3A_73 = tpu.memref_slice %arg3[%add3A] : memref<1605632xi32, #tpu.memory_space<hbm>> -> memref<1024xi32, #tpu.memory_space<hbm>>
          %dma_start3A_74 = tpu.memref_slice %arg3[%add3A] : memref<1605632xi32, #tpu.memory_space<hbm>> -> memref<1024xi32, #tpu.memory_space<hbm>>
          tpu.enqueue_dma source(%dma_start3A_74 : memref<1024xi32, #tpu.memory_space<hbm>>) target(%arg14 : memref<1024xi32, #tpu.memory_space<vmem>>) target_semaphore(%run_scoped3A : memref<!tpu.dma_semaphore, #tpu.memory_space<semaphore_mem>>)
          %dma_wait3A_75 = tpu.memref_slice %arg3[%add3A] : memref<1605632xi32, #tpu.memory_space<hbm>> -> memref<1024xi32, #tpu.memory_space<hbm>>
          %dma_wait3A_76 = tpu.memref_slice %arg3[%add3A] : memref<1605632xi32, #tpu.memory_space<hbm>> -> memref<1024xi32, #tpu.memory_space<hbm>>
          tpu.wait_dma2 semaphore(%run_scoped3A : memref<!tpu.dma_semaphore, #tpu.memory_space<semaphore_mem>>) src(%dma_wait3A_76 : memref<1024xi32, #tpu.memory_space<hbm>>) dst(%arg14 : memref<1024xi32, #tpu.memory_space<vmem>>)
          tpu.yield
        }) : () -> ()
        %dma_start3A = arith.constant 0 : i32
        %dma_start3A_69 = arith.constant 0 : i32
        %dma_start3A_70 = tpu.memref_slice %arg5[%dma_start3A, %dma_start3A_69] : memref<100000x16xf32, #tpu.memory_space<hbm>> -> memref<100000x16xf32, #tpu.memory_space<hbm>>
        tpu.enqueue_indirect_dma source(%dma_start3A_70 : memref<100000x16xf32, #tpu.memory_space<hbm>>) target(%arg15 : memref<1024x16xf32, #tpu.memory_space<vmem>>) offsets(%arg13 : memref<1024xi32, #tpu.memory_space<vmem>>) semaphore(%arg17 : memref<!tpu.dma_semaphore, #tpu.memory_space<semaphore_mem>>)
        %dma_wait3A = arith.constant 0 : i32
        %dma_wait3A_71 = arith.constant 0 : i32
        %dma_wait3A_72 = tpu.memref_slice %arg5[%dma_wait3A, %dma_wait3A_71] : memref<100000x16xf32, #tpu.memory_space<hbm>> -> memref<100000x16xf32, #tpu.memory_space<hbm>>
        tpu.wait_indirect_dma semaphore(%arg17 : memref<!tpu.dma_semaphore, #tpu.memory_space<semaphore_mem>>) src(%dma_wait3A_72 : memref<100000x16xf32, #tpu.memory_space<hbm>>) dst(%arg15 : memref<1024x16xf32, #tpu.memory_space<vmem>>)
        "tpu.region"() ({
          %run_scoped3A = tpu.sem_alloc : memref<!tpu.dma_semaphore, #tpu.memory_space<semaphore_mem>>
          %dma_start3A_73 = arith.constant 0 : i32
          %dma_start3A_74 = arith.constant 0 : i32
          %dma_start3A_75 = tpu.memref_slice %arg16[%dma_start3A_73, %dma_start3A_74] : memref<100008x16xf32, #tpu.memory_space<vmem_shared>> -> memref<100008x16xf32, #tpu.memory_space<vmem_shared>>
          tpu.enqueue_indirect_dma source(%arg15 : memref<1024x16xf32, #tpu.memory_space<vmem>>) target(%dma_start3A_75 : memref<100008x16xf32, #tpu.memory_space<vmem_shared>>) offsets(%arg14 : memref<1024xi32, #tpu.memory_space<vmem>>) semaphore(%run_scoped3A : memref<!tpu.dma_semaphore, #tpu.memory_space<semaphore_mem>>) {add = true}
          %dma_wait3A_76 = arith.constant 0 : i32
          %dma_wait3A_77 = arith.constant 0 : i32
          %dma_wait3A_78 = tpu.memref_slice %arg16[%dma_wait3A_76, %dma_wait3A_77] : memref<100008x16xf32, #tpu.memory_space<vmem_shared>> -> memref<100008x16xf32, #tpu.memory_space<vmem_shared>>
          tpu.wait_indirect_dma semaphore(%run_scoped3A : memref<!tpu.dma_semaphore, #tpu.memory_space<semaphore_mem>>) src(%arg15 : memref<1024x16xf32, #tpu.memory_space<vmem>>) dst(%dma_wait3A_78 : memref<100008x16xf32, #tpu.memory_space<vmem_shared>>)
          tpu.yield
        }) : () -> ()
      }
      %scan3A_51 = arith.constant 98 : i32
      %barrier3A_52 = arith.constant 0 : index
      tpu.barrier barrier_id(%barrier3A_52)
      %lt3A_53 = arith.constant 15 : i32
      %lt3A_54 = arith.cmpi slt, %arg1, %lt3A_53 : i32
      %convert_element_type3A_55 = arith.extui %lt3A_54 : i1 to i32
      %cond3A_56 = arith.constant 0 : i32
      %cond3A_57 = arith.cmpi ne, %convert_element_type3A_55, %cond3A_56 : i32
      scf.if %cond3A_57 {
        %run_scoped3A = arith.constant 1 : i32
        "tpu.region"() ({
          %run_scoped3A_64 = tpu.sem_alloc : memref<!tpu.dma_semaphore, #tpu.memory_space<semaphore_mem>>
          %dma_start3A = arith.constant 0 : i32
          %dma_start3A_65 = tpu.memref_slice %arg12[%run_scoped3A, %mul3A_37, %dma_start3A] : memref<8x100000x16xf32, #tpu.memory_space<hbm>> -> memref<1x6256x16xf32, #tpu.memory_space<hbm>>
          %dma_start3A_66 = tpu.memref_squeeze %dma_start3A_65 : memref<1x6256x16xf32, #tpu.memory_space<hbm>> -> memref<6256x16xf32, #tpu.memory_space<hbm>>
          %dma_start3A_67 = arith.constant 0 : i32
          %dma_start3A_68 = tpu.memref_slice %arg16[%mul3A_37, %dma_start3A_67] : memref<100008x16xf32, #tpu.memory_space<vmem_shared>> -> memref<6256x16xf32, #tpu.memory_space<vmem_shared>>
          tpu.enqueue_dma source(%dma_start3A_68 : memref<6256x16xf32, #tpu.memory_space<vmem_shared>>) target(%dma_start3A_66 : memref<6256x16xf32, #tpu.memory_space<hbm>>) target_semaphore(%run_scoped3A_64 : memref<!tpu.dma_semaphore, #tpu.memory_space<semaphore_mem>>)
          %dma_wait3A = arith.constant 0 : i32
          %dma_wait3A_69 = tpu.memref_slice %arg12[%run_scoped3A, %mul3A_37, %dma_wait3A] : memref<8x100000x16xf32, #tpu.memory_space<hbm>> -> memref<1x6256x16xf32, #tpu.memory_space<hbm>>
          %dma_wait3A_70 = tpu.memref_squeeze %dma_wait3A_69 : memref<1x6256x16xf32, #tpu.memory_space<hbm>> -> memref<6256x16xf32, #tpu.memory_space<hbm>>
          %dma_wait3A_71 = arith.constant 0 : i32
          %dma_wait3A_72 = tpu.memref_slice %arg16[%mul3A_37, %dma_wait3A_71] : memref<100008x16xf32, #tpu.memory_space<vmem_shared>> -> memref<6256x16xf32, #tpu.memory_space<vmem_shared>>
          tpu.wait_dma2 semaphore(%run_scoped3A_64 : memref<!tpu.dma_semaphore, #tpu.memory_space<semaphore_mem>>) src(%dma_wait3A_72 : memref<6256x16xf32, #tpu.memory_space<vmem_shared>>) dst(%dma_wait3A_70 : memref<6256x16xf32, #tpu.memory_space<hbm>>)
          tpu.yield
        }) : () -> ()
      } else {
      }
      %eq3A_58 = arith.constant 15 : i32
      %eq3A_59 = arith.cmpi eq, %arg1, %eq3A_58 : i32
      %convert_element_type3A_60 = arith.extui %eq3A_59 : i1 to i32
      %cond3A_61 = arith.constant 0 : i32
      %cond3A_62 = arith.cmpi ne, %convert_element_type3A_60, %cond3A_61 : i32
      scf.if %cond3A_62 {
        %run_scoped3A = arith.constant 1 : i32
        "tpu.region"() ({
          %run_scoped3A_64 = tpu.sem_alloc : memref<!tpu.dma_semaphore, #tpu.memory_space<semaphore_mem>>
          %dma_start3A = arith.constant 93840 : i32
          %dma_start3A_65 = arith.constant 0 : i32
          %dma_start3A_66 = tpu.memref_slice %arg12[%run_scoped3A, %dma_start3A, %dma_start3A_65] : memref<8x100000x16xf32, #tpu.memory_space<hbm>> -> memref<1x6160x16xf32, #tpu.memory_space<hbm>>
          %dma_start3A_67 = tpu.memref_squeeze %dma_start3A_66 : memref<1x6160x16xf32, #tpu.memory_space<hbm>> -> memref<6160x16xf32, #tpu.memory_space<hbm>>
          %dma_start3A_68 = arith.constant 93840 : i32
          %dma_start3A_69 = arith.constant 0 : i32
          %dma_start3A_70 = tpu.memref_slice %arg16[%dma_start3A_68, %dma_start3A_69] : memref<100008x16xf32, #tpu.memory_space<vmem_shared>> -> memref<6160x16xf32, #tpu.memory_space<vmem_shared>>
          tpu.enqueue_dma source(%dma_start3A_70 : memref<6160x16xf32, #tpu.memory_space<vmem_shared>>) target(%dma_start3A_67 : memref<6160x16xf32, #tpu.memory_space<hbm>>) target_semaphore(%run_scoped3A_64 : memref<!tpu.dma_semaphore, #tpu.memory_space<semaphore_mem>>)
          %dma_wait3A = arith.constant 93840 : i32
          %dma_wait3A_71 = arith.constant 0 : i32
          %dma_wait3A_72 = tpu.memref_slice %arg12[%run_scoped3A, %dma_wait3A, %dma_wait3A_71] : memref<8x100000x16xf32, #tpu.memory_space<hbm>> -> memref<1x6160x16xf32, #tpu.memory_space<hbm>>
          %dma_wait3A_73 = tpu.memref_squeeze %dma_wait3A_72 : memref<1x6160x16xf32, #tpu.memory_space<hbm>> -> memref<6160x16xf32, #tpu.memory_space<hbm>>
          %dma_wait3A_74 = arith.constant 93840 : i32
          %dma_wait3A_75 = arith.constant 0 : i32
          %dma_wait3A_76 = tpu.memref_slice %arg16[%dma_wait3A_74, %dma_wait3A_75] : memref<100008x16xf32, #tpu.memory_space<vmem_shared>> -> memref<6160x16xf32, #tpu.memory_space<vmem_shared>>
          tpu.wait_dma2 semaphore(%run_scoped3A_64 : memref<!tpu.dma_semaphore, #tpu.memory_space<semaphore_mem>>) src(%dma_wait3A_76 : memref<6160x16xf32, #tpu.memory_space<vmem_shared>>) dst(%dma_wait3A_73 : memref<6160x16xf32, #tpu.memory_space<hbm>>)
          tpu.yield
        }) : () -> ()
      } else {
      }
      %barrier3A_63 = arith.constant 0 : index
      tpu.barrier barrier_id(%barrier3A_63)
    } else {
    }
    %eq3A_7 = arith.constant 0 : i32
    %eq3A_8 = arith.cmpi eq, %arg0, %eq3A_7 : i32
    %convert_element_type3A_9 = arith.extui %eq3A_8 : i1 to i32
    %cond3A_10 = arith.constant 0 : i32
    %cond3A_11 = arith.cmpi ne, %convert_element_type3A_9, %cond3A_10 : i32
    scf.if %cond3A_11 {
      %mul3A = arith.constant 6256 : i32
      %mul3A_37 = arith.muli %arg1, %mul3A : i32
      %lt3A = arith.constant 15 : i32
      %lt3A_38 = arith.cmpi slt, %arg1, %lt3A : i32
      %convert_element_type3A_39 = arith.extui %lt3A_38 : i1 to i32
      %cond3A_40 = arith.constant 0 : i32
      %cond3A_41 = arith.cmpi ne, %convert_element_type3A_39, %cond3A_40 : i32
      scf.if %cond3A_41 {
        "tpu.region"() ({
          %run_scoped3A = tpu.sem_alloc : memref<!tpu.dma_semaphore, #tpu.memory_space<semaphore_mem>>
          %dma_start3A = arith.constant 0 : i32
          %dma_start3A_64 = tpu.memref_slice %arg16[%mul3A_37, %dma_start3A] : memref<100008x16xf32, #tpu.memory_space<vmem_shared>> -> memref<6256x16xf32, #tpu.memory_space<vmem_shared>>
          %dma_start3A_65 = arith.constant 0 : i32
          %dma_start3A_66 = tpu.memref_slice %arg6[%mul3A_37, %dma_start3A_65] : memref<100000x16xf32, #tpu.memory_space<hbm>> -> memref<6256x16xf32, #tpu.memory_space<hbm>>
          tpu.enqueue_dma source(%dma_start3A_66 : memref<6256x16xf32, #tpu.memory_space<hbm>>) target(%dma_start3A_64 : memref<6256x16xf32, #tpu.memory_space<vmem_shared>>) target_semaphore(%run_scoped3A : memref<!tpu.dma_semaphore, #tpu.memory_space<semaphore_mem>>)
          %dma_wait3A = arith.constant 0 : i32
          %dma_wait3A_67 = tpu.memref_slice %arg16[%mul3A_37, %dma_wait3A] : memref<100008x16xf32, #tpu.memory_space<vmem_shared>> -> memref<6256x16xf32, #tpu.memory_space<vmem_shared>>
          %dma_wait3A_68 = arith.constant 0 : i32
          %dma_wait3A_69 = tpu.memref_slice %arg6[%mul3A_37, %dma_wait3A_68] : memref<100000x16xf32, #tpu.memory_space<hbm>> -> memref<6256x16xf32, #tpu.memory_space<hbm>>
          tpu.wait_dma2 semaphore(%run_scoped3A : memref<!tpu.dma_semaphore, #tpu.memory_space<semaphore_mem>>) src(%dma_wait3A_69 : memref<6256x16xf32, #tpu.memory_space<hbm>>) dst(%dma_wait3A_67 : memref<6256x16xf32, #tpu.memory_space<vmem_shared>>)
          tpu.yield
        }) : () -> ()
      } else {
      }
      %eq3A_42 = arith.constant 15 : i32
      %eq3A_43 = arith.cmpi eq, %arg1, %eq3A_42 : i32
      %convert_element_type3A_44 = arith.extui %eq3A_43 : i1 to i32
      %cond3A_45 = arith.constant 0 : i32
      %cond3A_46 = arith.cmpi ne, %convert_element_type3A_44, %cond3A_45 : i32
      scf.if %cond3A_46 {
        "tpu.region"() ({
          %run_scoped3A = tpu.sem_alloc : memref<!tpu.dma_semaphore, #tpu.memory_space<semaphore_mem>>
          %dma_start3A = arith.constant 93840 : i32
          %dma_start3A_64 = arith.constant 0 : i32
          %dma_start3A_65 = tpu.memref_slice %arg16[%dma_start3A, %dma_start3A_64] : memref<100008x16xf32, #tpu.memory_space<vmem_shared>> -> memref<6160x16xf32, #tpu.memory_space<vmem_shared>>
          %dma_start3A_66 = arith.constant 93840 : i32
          %dma_start3A_67 = arith.constant 0 : i32
          %dma_start3A_68 = tpu.memref_slice %arg6[%dma_start3A_66, %dma_start3A_67] : memref<100000x16xf32, #tpu.memory_space<hbm>> -> memref<6160x16xf32, #tpu.memory_space<hbm>>
          tpu.enqueue_dma source(%dma_start3A_68 : memref<6160x16xf32, #tpu.memory_space<hbm>>) target(%dma_start3A_65 : memref<6160x16xf32, #tpu.memory_space<vmem_shared>>) target_semaphore(%run_scoped3A : memref<!tpu.dma_semaphore, #tpu.memory_space<semaphore_mem>>)
          %dma_wait3A = arith.constant 93840 : i32
          %dma_wait3A_69 = arith.constant 0 : i32
          %dma_wait3A_70 = tpu.memref_slice %arg16[%dma_wait3A, %dma_wait3A_69] : memref<100008x16xf32, #tpu.memory_space<vmem_shared>> -> memref<6160x16xf32, #tpu.memory_space<vmem_shared>>
          %dma_wait3A_71 = arith.constant 93840 : i32
          %dma_wait3A_72 = arith.constant 0 : i32
          %dma_wait3A_73 = tpu.memref_slice %arg6[%dma_wait3A_71, %dma_wait3A_72] : memref<100000x16xf32, #tpu.memory_space<hbm>> -> memref<6160x16xf32, #tpu.memory_space<hbm>>
          tpu.wait_dma2 semaphore(%run_scoped3A : memref<!tpu.dma_semaphore, #tpu.memory_space<semaphore_mem>>) src(%dma_wait3A_73 : memref<6160x16xf32, #tpu.memory_space<hbm>>) dst(%dma_wait3A_70 : memref<6160x16xf32, #tpu.memory_space<vmem_shared>>)
          tpu.yield
        }) : () -> ()
      } else {
      }
      %barrier3A = arith.constant 0 : index
      tpu.barrier barrier_id(%barrier3A)
      %scan3A = arith.constant 0 : i32
      %scan3A_47 = arith.constant 0 : i32
      %scan3A_48 = arith.constant 98 : i32
      %scan3A_49 = arith.addi %scan3A_47, %scan3A_48 : i32
      %scan3A_50 = arith.constant 1 : i32
      scf.for %scan3A_64 = %scan3A_47 to %scan3A_49 step %scan3A_50  : i32 {
        %mul3A_65 = arith.constant 100352 : i32
        %mul3A_66 = arith.muli %arg1, %mul3A_65 : i32
        %mul3A_67 = arith.constant 1024 : i32
        %mul3A_68 = arith.muli %scan3A_64, %mul3A_67 : i32
        %add3A = arith.addi %mul3A_66, %mul3A_68 : i32
        "tpu.region"() ({
          %run_scoped3A = tpu.sem_alloc : memref<!tpu.dma_semaphore, #tpu.memory_space<semaphore_mem>>
          %dma_start3A_73 = tpu.memref_slice %arg2[%add3A] : memref<1605632xi32, #tpu.memory_space<hbm>> -> memref<1024xi32, #tpu.memory_space<hbm>>
          %dma_start3A_74 = tpu.memref_slice %arg2[%add3A] : memref<1605632xi32, #tpu.memory_space<hbm>> -> memref<1024xi32, #tpu.memory_space<hbm>>
          tpu.enqueue_dma source(%dma_start3A_74 : memref<1024xi32, #tpu.memory_space<hbm>>) target(%arg13 : memref<1024xi32, #tpu.memory_space<vmem>>) target_semaphore(%run_scoped3A : memref<!tpu.dma_semaphore, #tpu.memory_space<semaphore_mem>>)
          %dma_wait3A_75 = tpu.memref_slice %arg2[%add3A] : memref<1605632xi32, #tpu.memory_space<hbm>> -> memref<1024xi32, #tpu.memory_space<hbm>>
          %dma_wait3A_76 = tpu.memref_slice %arg2[%add3A] : memref<1605632xi32, #tpu.memory_space<hbm>> -> memref<1024xi32, #tpu.memory_space<hbm>>
          tpu.wait_dma2 semaphore(%run_scoped3A : memref<!tpu.dma_semaphore, #tpu.memory_space<semaphore_mem>>) src(%dma_wait3A_76 : memref<1024xi32, #tpu.memory_space<hbm>>) dst(%arg13 : memref<1024xi32, #tpu.memory_space<vmem>>)
          tpu.yield
        }) : () -> ()
        "tpu.region"() ({
          %run_scoped3A = tpu.sem_alloc : memref<!tpu.dma_semaphore, #tpu.memory_space<semaphore_mem>>
          %dma_start3A_73 = tpu.memref_slice %arg3[%add3A] : memref<1605632xi32, #tpu.memory_space<hbm>> -> memref<1024xi32, #tpu.memory_space<hbm>>
          %dma_start3A_74 = tpu.memref_slice %arg3[%add3A] : memref<1605632xi32, #tpu.memory_space<hbm>> -> memref<1024xi32, #tpu.memory_space<hbm>>
          tpu.enqueue_dma source(%dma_start3A_74 : memref<1024xi32, #tpu.memory_space<hbm>>) target(%arg14 : memref<1024xi32, #tpu.memory_space<vmem>>) target_semaphore(%run_scoped3A : memref<!tpu.dma_semaphore, #tpu.memory_space<semaphore_mem>>)
          %dma_wait3A_75 = tpu.memref_slice %arg3[%add3A] : memref<1605632xi32, #tpu.memory_space<hbm>> -> memref<1024xi32, #tpu.memory_space<hbm>>
          %dma_wait3A_76 = tpu.memref_slice %arg3[%add3A] : memref<1605632xi32, #tpu.memory_space<hbm>> -> memref<1024xi32, #tpu.memory_space<hbm>>
          tpu.wait_dma2 semaphore(%run_scoped3A : memref<!tpu.dma_semaphore, #tpu.memory_space<semaphore_mem>>) src(%dma_wait3A_76 : memref<1024xi32, #tpu.memory_space<hbm>>) dst(%arg14 : memref<1024xi32, #tpu.memory_space<vmem>>)
          tpu.yield
        }) : () -> ()
        %dma_start3A = arith.constant 0 : i32
        %dma_start3A_69 = arith.constant 0 : i32
        %dma_start3A_70 = tpu.memref_slice %arg6[%dma_start3A, %dma_start3A_69] : memref<100000x16xf32, #tpu.memory_space<hbm>> -> memref<100000x16xf32, #tpu.memory_space<hbm>>
        tpu.enqueue_indirect_dma source(%dma_start3A_70 : memref<100000x16xf32, #tpu.memory_space<hbm>>) target(%arg15 : memref<1024x16xf32, #tpu.memory_space<vmem>>) offsets(%arg13 : memref<1024xi32, #tpu.memory_space<vmem>>) semaphore(%arg17 : memref<!tpu.dma_semaphore, #tpu.memory_space<semaphore_mem>>)
        %dma_wait3A = arith.constant 0 : i32
        %dma_wait3A_71 = arith.constant 0 : i32
        %dma_wait3A_72 = tpu.memref_slice %arg6[%dma_wait3A, %dma_wait3A_71] : memref<100000x16xf32, #tpu.memory_space<hbm>> -> memref<100000x16xf32, #tpu.memory_space<hbm>>
        tpu.wait_indirect_dma semaphore(%arg17 : memref<!tpu.dma_semaphore, #tpu.memory_space<semaphore_mem>>) src(%dma_wait3A_72 : memref<100000x16xf32, #tpu.memory_space<hbm>>) dst(%arg15 : memref<1024x16xf32, #tpu.memory_space<vmem>>)
        "tpu.region"() ({
          %run_scoped3A = tpu.sem_alloc : memref<!tpu.dma_semaphore, #tpu.memory_space<semaphore_mem>>
          %dma_start3A_73 = arith.constant 0 : i32
          %dma_start3A_74 = arith.constant 0 : i32
          %dma_start3A_75 = tpu.memref_slice %arg16[%dma_start3A_73, %dma_start3A_74] : memref<100008x16xf32, #tpu.memory_space<vmem_shared>> -> memref<100008x16xf32, #tpu.memory_space<vmem_shared>>
          tpu.enqueue_indirect_dma source(%arg15 : memref<1024x16xf32, #tpu.memory_space<vmem>>) target(%dma_start3A_75 : memref<100008x16xf32, #tpu.memory_space<vmem_shared>>) offsets(%arg14 : memref<1024xi32, #tpu.memory_space<vmem>>) semaphore(%run_scoped3A : memref<!tpu.dma_semaphore, #tpu.memory_space<semaphore_mem>>) {add = true}
          %dma_wait3A_76 = arith.constant 0 : i32
          %dma_wait3A_77 = arith.constant 0 : i32
          %dma_wait3A_78 = tpu.memref_slice %arg16[%dma_wait3A_76, %dma_wait3A_77] : memref<100008x16xf32, #tpu.memory_space<vmem_shared>> -> memref<100008x16xf32, #tpu.memory_space<vmem_shared>>
          tpu.wait_indirect_dma semaphore(%run_scoped3A : memref<!tpu.dma_semaphore, #tpu.memory_space<semaphore_mem>>) src(%arg15 : memref<1024x16xf32, #tpu.memory_space<vmem>>) dst(%dma_wait3A_78 : memref<100008x16xf32, #tpu.memory_space<vmem_shared>>)
          tpu.yield
        }) : () -> ()
      }
      %scan3A_51 = arith.constant 98 : i32
      %barrier3A_52 = arith.constant 0 : index
      tpu.barrier barrier_id(%barrier3A_52)
      %lt3A_53 = arith.constant 15 : i32
      %lt3A_54 = arith.cmpi slt, %arg1, %lt3A_53 : i32
      %convert_element_type3A_55 = arith.extui %lt3A_54 : i1 to i32
      %cond3A_56 = arith.constant 0 : i32
      %cond3A_57 = arith.cmpi ne, %convert_element_type3A_55, %cond3A_56 : i32
      scf.if %cond3A_57 {
        %run_scoped3A = arith.constant 2 : i32
        "tpu.region"() ({
          %run_scoped3A_64 = tpu.sem_alloc : memref<!tpu.dma_semaphore, #tpu.memory_space<semaphore_mem>>
          %dma_start3A = arith.constant 0 : i32
          %dma_start3A_65 = tpu.memref_slice %arg12[%run_scoped3A, %mul3A_37, %dma_start3A] : memref<8x100000x16xf32, #tpu.memory_space<hbm>> -> memref<1x6256x16xf32, #tpu.memory_space<hbm>>
          %dma_start3A_66 = tpu.memref_squeeze %dma_start3A_65 : memref<1x6256x16xf32, #tpu.memory_space<hbm>> -> memref<6256x16xf32, #tpu.memory_space<hbm>>
          %dma_start3A_67 = arith.constant 0 : i32
          %dma_start3A_68 = tpu.memref_slice %arg16[%mul3A_37, %dma_start3A_67] : memref<100008x16xf32, #tpu.memory_space<vmem_shared>> -> memref<6256x16xf32, #tpu.memory_space<vmem_shared>>
          tpu.enqueue_dma source(%dma_start3A_68 : memref<6256x16xf32, #tpu.memory_space<vmem_shared>>) target(%dma_start3A_66 : memref<6256x16xf32, #tpu.memory_space<hbm>>) target_semaphore(%run_scoped3A_64 : memref<!tpu.dma_semaphore, #tpu.memory_space<semaphore_mem>>)
          %dma_wait3A = arith.constant 0 : i32
          %dma_wait3A_69 = tpu.memref_slice %arg12[%run_scoped3A, %mul3A_37, %dma_wait3A] : memref<8x100000x16xf32, #tpu.memory_space<hbm>> -> memref<1x6256x16xf32, #tpu.memory_space<hbm>>
          %dma_wait3A_70 = tpu.memref_squeeze %dma_wait3A_69 : memref<1x6256x16xf32, #tpu.memory_space<hbm>> -> memref<6256x16xf32, #tpu.memory_space<hbm>>
          %dma_wait3A_71 = arith.constant 0 : i32
          %dma_wait3A_72 = tpu.memref_slice %arg16[%mul3A_37, %dma_wait3A_71] : memref<100008x16xf32, #tpu.memory_space<vmem_shared>> -> memref<6256x16xf32, #tpu.memory_space<vmem_shared>>
          tpu.wait_dma2 semaphore(%run_scoped3A_64 : memref<!tpu.dma_semaphore, #tpu.memory_space<semaphore_mem>>) src(%dma_wait3A_72 : memref<6256x16xf32, #tpu.memory_space<vmem_shared>>) dst(%dma_wait3A_70 : memref<6256x16xf32, #tpu.memory_space<hbm>>)
          tpu.yield
        }) : () -> ()
      } else {
      }
      %eq3A_58 = arith.constant 15 : i32
      %eq3A_59 = arith.cmpi eq, %arg1, %eq3A_58 : i32
      %convert_element_type3A_60 = arith.extui %eq3A_59 : i1 to i32
      %cond3A_61 = arith.constant 0 : i32
      %cond3A_62 = arith.cmpi ne, %convert_element_type3A_60, %cond3A_61 : i32
      scf.if %cond3A_62 {
        %run_scoped3A = arith.constant 2 : i32
        "tpu.region"() ({
          %run_scoped3A_64 = tpu.sem_alloc : memref<!tpu.dma_semaphore, #tpu.memory_space<semaphore_mem>>
          %dma_start3A = arith.constant 93840 : i32
          %dma_start3A_65 = arith.constant 0 : i32
          %dma_start3A_66 = tpu.memref_slice %arg12[%run_scoped3A, %dma_start3A, %dma_start3A_65] : memref<8x100000x16xf32, #tpu.memory_space<hbm>> -> memref<1x6160x16xf32, #tpu.memory_space<hbm>>
          %dma_start3A_67 = tpu.memref_squeeze %dma_start3A_66 : memref<1x6160x16xf32, #tpu.memory_space<hbm>> -> memref<6160x16xf32, #tpu.memory_space<hbm>>
          %dma_start3A_68 = arith.constant 93840 : i32
          %dma_start3A_69 = arith.constant 0 : i32
          %dma_start3A_70 = tpu.memref_slice %arg16[%dma_start3A_68, %dma_start3A_69] : memref<100008x16xf32, #tpu.memory_space<vmem_shared>> -> memref<6160x16xf32, #tpu.memory_space<vmem_shared>>
          tpu.enqueue_dma source(%dma_start3A_70 : memref<6160x16xf32, #tpu.memory_space<vmem_shared>>) target(%dma_start3A_67 : memref<6160x16xf32, #tpu.memory_space<hbm>>) target_semaphore(%run_scoped3A_64 : memref<!tpu.dma_semaphore, #tpu.memory_space<semaphore_mem>>)
          %dma_wait3A = arith.constant 93840 : i32
          %dma_wait3A_71 = arith.constant 0 : i32
          %dma_wait3A_72 = tpu.memref_slice %arg12[%run_scoped3A, %dma_wait3A, %dma_wait3A_71] : memref<8x100000x16xf32, #tpu.memory_space<hbm>> -> memref<1x6160x16xf32, #tpu.memory_space<hbm>>
          %dma_wait3A_73 = tpu.memref_squeeze %dma_wait3A_72 : memref<1x6160x16xf32, #tpu.memory_space<hbm>> -> memref<6160x16xf32, #tpu.memory_space<hbm>>
          %dma_wait3A_74 = arith.constant 93840 : i32
          %dma_wait3A_75 = arith.constant 0 : i32
          %dma_wait3A_76 = tpu.memref_slice %arg16[%dma_wait3A_74, %dma_wait3A_75] : memref<100008x16xf32, #tpu.memory_space<vmem_shared>> -> memref<6160x16xf32, #tpu.memory_space<vmem_shared>>
          tpu.wait_dma2 semaphore(%run_scoped3A_64 : memref<!tpu.dma_semaphore, #tpu.memory_space<semaphore_mem>>) src(%dma_wait3A_76 : memref<6160x16xf32, #tpu.memory_space<vmem_shared>>) dst(%dma_wait3A_73 : memref<6160x16xf32, #tpu.memory_space<hbm>>)
          tpu.yield
        }) : () -> ()
      } else {
      }
      %barrier3A_63 = arith.constant 0 : index
      tpu.barrier barrier_id(%barrier3A_63)
    } else {
    }
    %eq3A_12 = arith.constant 1 : i32
    %eq3A_13 = arith.cmpi eq, %arg0, %eq3A_12 : i32
    %convert_element_type3A_14 = arith.extui %eq3A_13 : i1 to i32
    %cond3A_15 = arith.constant 0 : i32
    %cond3A_16 = arith.cmpi ne, %convert_element_type3A_14, %cond3A_15 : i32
    scf.if %cond3A_16 {
      %mul3A = arith.constant 6256 : i32
      %mul3A_37 = arith.muli %arg1, %mul3A : i32
      %lt3A = arith.constant 15 : i32
      %lt3A_38 = arith.cmpi slt, %arg1, %lt3A : i32
      %convert_element_type3A_39 = arith.extui %lt3A_38 : i1 to i32
      %cond3A_40 = arith.constant 0 : i32
      %cond3A_41 = arith.cmpi ne, %convert_element_type3A_39, %cond3A_40 : i32
      scf.if %cond3A_41 {
        "tpu.region"() ({
          %run_scoped3A = tpu.sem_alloc : memref<!tpu.dma_semaphore, #tpu.memory_space<semaphore_mem>>
          %dma_start3A = arith.constant 0 : i32
          %dma_start3A_64 = tpu.memref_slice %arg16[%mul3A_37, %dma_start3A] : memref<100008x16xf32, #tpu.memory_space<vmem_shared>> -> memref<6256x16xf32, #tpu.memory_space<vmem_shared>>
          %dma_start3A_65 = arith.constant 0 : i32
          %dma_start3A_66 = tpu.memref_slice %arg7[%mul3A_37, %dma_start3A_65] : memref<100000x16xf32, #tpu.memory_space<hbm>> -> memref<6256x16xf32, #tpu.memory_space<hbm>>
          tpu.enqueue_dma source(%dma_start3A_66 : memref<6256x16xf32, #tpu.memory_space<hbm>>) target(%dma_start3A_64 : memref<6256x16xf32, #tpu.memory_space<vmem_shared>>) target_semaphore(%run_scoped3A : memref<!tpu.dma_semaphore, #tpu.memory_space<semaphore_mem>>)
          %dma_wait3A = arith.constant 0 : i32
          %dma_wait3A_67 = tpu.memref_slice %arg16[%mul3A_37, %dma_wait3A] : memref<100008x16xf32, #tpu.memory_space<vmem_shared>> -> memref<6256x16xf32, #tpu.memory_space<vmem_shared>>
          %dma_wait3A_68 = arith.constant 0 : i32
          %dma_wait3A_69 = tpu.memref_slice %arg7[%mul3A_37, %dma_wait3A_68] : memref<100000x16xf32, #tpu.memory_space<hbm>> -> memref<6256x16xf32, #tpu.memory_space<hbm>>
          tpu.wait_dma2 semaphore(%run_scoped3A : memref<!tpu.dma_semaphore, #tpu.memory_space<semaphore_mem>>) src(%dma_wait3A_69 : memref<6256x16xf32, #tpu.memory_space<hbm>>) dst(%dma_wait3A_67 : memref<6256x16xf32, #tpu.memory_space<vmem_shared>>)
          tpu.yield
        }) : () -> ()
      } else {
      }
      %eq3A_42 = arith.constant 15 : i32
      %eq3A_43 = arith.cmpi eq, %arg1, %eq3A_42 : i32
      %convert_element_type3A_44 = arith.extui %eq3A_43 : i1 to i32
      %cond3A_45 = arith.constant 0 : i32
      %cond3A_46 = arith.cmpi ne, %convert_element_type3A_44, %cond3A_45 : i32
      scf.if %cond3A_46 {
        "tpu.region"() ({
          %run_scoped3A = tpu.sem_alloc : memref<!tpu.dma_semaphore, #tpu.memory_space<semaphore_mem>>
          %dma_start3A = arith.constant 93840 : i32
          %dma_start3A_64 = arith.constant 0 : i32
          %dma_start3A_65 = tpu.memref_slice %arg16[%dma_start3A, %dma_start3A_64] : memref<100008x16xf32, #tpu.memory_space<vmem_shared>> -> memref<6160x16xf32, #tpu.memory_space<vmem_shared>>
          %dma_start3A_66 = arith.constant 93840 : i32
          %dma_start3A_67 = arith.constant 0 : i32
          %dma_start3A_68 = tpu.memref_slice %arg7[%dma_start3A_66, %dma_start3A_67] : memref<100000x16xf32, #tpu.memory_space<hbm>> -> memref<6160x16xf32, #tpu.memory_space<hbm>>
          tpu.enqueue_dma source(%dma_start3A_68 : memref<6160x16xf32, #tpu.memory_space<hbm>>) target(%dma_start3A_65 : memref<6160x16xf32, #tpu.memory_space<vmem_shared>>) target_semaphore(%run_scoped3A : memref<!tpu.dma_semaphore, #tpu.memory_space<semaphore_mem>>)
          %dma_wait3A = arith.constant 93840 : i32
          %dma_wait3A_69 = arith.constant 0 : i32
          %dma_wait3A_70 = tpu.memref_slice %arg16[%dma_wait3A, %dma_wait3A_69] : memref<100008x16xf32, #tpu.memory_space<vmem_shared>> -> memref<6160x16xf32, #tpu.memory_space<vmem_shared>>
          %dma_wait3A_71 = arith.constant 93840 : i32
          %dma_wait3A_72 = arith.constant 0 : i32
          %dma_wait3A_73 = tpu.memref_slice %arg7[%dma_wait3A_71, %dma_wait3A_72] : memref<100000x16xf32, #tpu.memory_space<hbm>> -> memref<6160x16xf32, #tpu.memory_space<hbm>>
          tpu.wait_dma2 semaphore(%run_scoped3A : memref<!tpu.dma_semaphore, #tpu.memory_space<semaphore_mem>>) src(%dma_wait3A_73 : memref<6160x16xf32, #tpu.memory_space<hbm>>) dst(%dma_wait3A_70 : memref<6160x16xf32, #tpu.memory_space<vmem_shared>>)
          tpu.yield
        }) : () -> ()
      } else {
      }
      %barrier3A = arith.constant 0 : index
      tpu.barrier barrier_id(%barrier3A)
      %scan3A = arith.constant 0 : i32
      %scan3A_47 = arith.constant 0 : i32
      %scan3A_48 = arith.constant 98 : i32
      %scan3A_49 = arith.addi %scan3A_47, %scan3A_48 : i32
      %scan3A_50 = arith.constant 1 : i32
      scf.for %scan3A_64 = %scan3A_47 to %scan3A_49 step %scan3A_50  : i32 {
        %mul3A_65 = arith.constant 100352 : i32
        %mul3A_66 = arith.muli %arg1, %mul3A_65 : i32
        %mul3A_67 = arith.constant 1024 : i32
        %mul3A_68 = arith.muli %scan3A_64, %mul3A_67 : i32
        %add3A = arith.addi %mul3A_66, %mul3A_68 : i32
        "tpu.region"() ({
          %run_scoped3A = tpu.sem_alloc : memref<!tpu.dma_semaphore, #tpu.memory_space<semaphore_mem>>
          %dma_start3A_73 = tpu.memref_slice %arg2[%add3A] : memref<1605632xi32, #tpu.memory_space<hbm>> -> memref<1024xi32, #tpu.memory_space<hbm>>
          %dma_start3A_74 = tpu.memref_slice %arg2[%add3A] : memref<1605632xi32, #tpu.memory_space<hbm>> -> memref<1024xi32, #tpu.memory_space<hbm>>
          tpu.enqueue_dma source(%dma_start3A_74 : memref<1024xi32, #tpu.memory_space<hbm>>) target(%arg13 : memref<1024xi32, #tpu.memory_space<vmem>>) target_semaphore(%run_scoped3A : memref<!tpu.dma_semaphore, #tpu.memory_space<semaphore_mem>>)
          %dma_wait3A_75 = tpu.memref_slice %arg2[%add3A] : memref<1605632xi32, #tpu.memory_space<hbm>> -> memref<1024xi32, #tpu.memory_space<hbm>>
          %dma_wait3A_76 = tpu.memref_slice %arg2[%add3A] : memref<1605632xi32, #tpu.memory_space<hbm>> -> memref<1024xi32, #tpu.memory_space<hbm>>
          tpu.wait_dma2 semaphore(%run_scoped3A : memref<!tpu.dma_semaphore, #tpu.memory_space<semaphore_mem>>) src(%dma_wait3A_76 : memref<1024xi32, #tpu.memory_space<hbm>>) dst(%arg13 : memref<1024xi32, #tpu.memory_space<vmem>>)
          tpu.yield
        }) : () -> ()
        "tpu.region"() ({
          %run_scoped3A = tpu.sem_alloc : memref<!tpu.dma_semaphore, #tpu.memory_space<semaphore_mem>>
          %dma_start3A_73 = tpu.memref_slice %arg3[%add3A] : memref<1605632xi32, #tpu.memory_space<hbm>> -> memref<1024xi32, #tpu.memory_space<hbm>>
          %dma_start3A_74 = tpu.memref_slice %arg3[%add3A] : memref<1605632xi32, #tpu.memory_space<hbm>> -> memref<1024xi32, #tpu.memory_space<hbm>>
          tpu.enqueue_dma source(%dma_start3A_74 : memref<1024xi32, #tpu.memory_space<hbm>>) target(%arg14 : memref<1024xi32, #tpu.memory_space<vmem>>) target_semaphore(%run_scoped3A : memref<!tpu.dma_semaphore, #tpu.memory_space<semaphore_mem>>)
          %dma_wait3A_75 = tpu.memref_slice %arg3[%add3A] : memref<1605632xi32, #tpu.memory_space<hbm>> -> memref<1024xi32, #tpu.memory_space<hbm>>
          %dma_wait3A_76 = tpu.memref_slice %arg3[%add3A] : memref<1605632xi32, #tpu.memory_space<hbm>> -> memref<1024xi32, #tpu.memory_space<hbm>>
          tpu.wait_dma2 semaphore(%run_scoped3A : memref<!tpu.dma_semaphore, #tpu.memory_space<semaphore_mem>>) src(%dma_wait3A_76 : memref<1024xi32, #tpu.memory_space<hbm>>) dst(%arg14 : memref<1024xi32, #tpu.memory_space<vmem>>)
          tpu.yield
        }) : () -> ()
        %dma_start3A = arith.constant 0 : i32
        %dma_start3A_69 = arith.constant 0 : i32
        %dma_start3A_70 = tpu.memref_slice %arg7[%dma_start3A, %dma_start3A_69] : memref<100000x16xf32, #tpu.memory_space<hbm>> -> memref<100000x16xf32, #tpu.memory_space<hbm>>
        tpu.enqueue_indirect_dma source(%dma_start3A_70 : memref<100000x16xf32, #tpu.memory_space<hbm>>) target(%arg15 : memref<1024x16xf32, #tpu.memory_space<vmem>>) offsets(%arg13 : memref<1024xi32, #tpu.memory_space<vmem>>) semaphore(%arg17 : memref<!tpu.dma_semaphore, #tpu.memory_space<semaphore_mem>>)
        %dma_wait3A = arith.constant 0 : i32
        %dma_wait3A_71 = arith.constant 0 : i32
        %dma_wait3A_72 = tpu.memref_slice %arg7[%dma_wait3A, %dma_wait3A_71] : memref<100000x16xf32, #tpu.memory_space<hbm>> -> memref<100000x16xf32, #tpu.memory_space<hbm>>
        tpu.wait_indirect_dma semaphore(%arg17 : memref<!tpu.dma_semaphore, #tpu.memory_space<semaphore_mem>>) src(%dma_wait3A_72 : memref<100000x16xf32, #tpu.memory_space<hbm>>) dst(%arg15 : memref<1024x16xf32, #tpu.memory_space<vmem>>)
        "tpu.region"() ({
          %run_scoped3A = tpu.sem_alloc : memref<!tpu.dma_semaphore, #tpu.memory_space<semaphore_mem>>
          %dma_start3A_73 = arith.constant 0 : i32
          %dma_start3A_74 = arith.constant 0 : i32
          %dma_start3A_75 = tpu.memref_slice %arg16[%dma_start3A_73, %dma_start3A_74] : memref<100008x16xf32, #tpu.memory_space<vmem_shared>> -> memref<100008x16xf32, #tpu.memory_space<vmem_shared>>
          tpu.enqueue_indirect_dma source(%arg15 : memref<1024x16xf32, #tpu.memory_space<vmem>>) target(%dma_start3A_75 : memref<100008x16xf32, #tpu.memory_space<vmem_shared>>) offsets(%arg14 : memref<1024xi32, #tpu.memory_space<vmem>>) semaphore(%run_scoped3A : memref<!tpu.dma_semaphore, #tpu.memory_space<semaphore_mem>>) {add = true}
          %dma_wait3A_76 = arith.constant 0 : i32
          %dma_wait3A_77 = arith.constant 0 : i32
          %dma_wait3A_78 = tpu.memref_slice %arg16[%dma_wait3A_76, %dma_wait3A_77] : memref<100008x16xf32, #tpu.memory_space<vmem_shared>> -> memref<100008x16xf32, #tpu.memory_space<vmem_shared>>
          tpu.wait_indirect_dma semaphore(%run_scoped3A : memref<!tpu.dma_semaphore, #tpu.memory_space<semaphore_mem>>) src(%arg15 : memref<1024x16xf32, #tpu.memory_space<vmem>>) dst(%dma_wait3A_78 : memref<100008x16xf32, #tpu.memory_space<vmem_shared>>)
          tpu.yield
        }) : () -> ()
      }
      %scan3A_51 = arith.constant 98 : i32
      %barrier3A_52 = arith.constant 0 : index
      tpu.barrier barrier_id(%barrier3A_52)
      %lt3A_53 = arith.constant 15 : i32
      %lt3A_54 = arith.cmpi slt, %arg1, %lt3A_53 : i32
      %convert_element_type3A_55 = arith.extui %lt3A_54 : i1 to i32
      %cond3A_56 = arith.constant 0 : i32
      %cond3A_57 = arith.cmpi ne, %convert_element_type3A_55, %cond3A_56 : i32
      scf.if %cond3A_57 {
        %run_scoped3A = arith.constant 3 : i32
        "tpu.region"() ({
          %run_scoped3A_64 = tpu.sem_alloc : memref<!tpu.dma_semaphore, #tpu.memory_space<semaphore_mem>>
          %dma_start3A = arith.constant 0 : i32
          %dma_start3A_65 = tpu.memref_slice %arg12[%run_scoped3A, %mul3A_37, %dma_start3A] : memref<8x100000x16xf32, #tpu.memory_space<hbm>> -> memref<1x6256x16xf32, #tpu.memory_space<hbm>>
          %dma_start3A_66 = tpu.memref_squeeze %dma_start3A_65 : memref<1x6256x16xf32, #tpu.memory_space<hbm>> -> memref<6256x16xf32, #tpu.memory_space<hbm>>
          %dma_start3A_67 = arith.constant 0 : i32
          %dma_start3A_68 = tpu.memref_slice %arg16[%mul3A_37, %dma_start3A_67] : memref<100008x16xf32, #tpu.memory_space<vmem_shared>> -> memref<6256x16xf32, #tpu.memory_space<vmem_shared>>
          tpu.enqueue_dma source(%dma_start3A_68 : memref<6256x16xf32, #tpu.memory_space<vmem_shared>>) target(%dma_start3A_66 : memref<6256x16xf32, #tpu.memory_space<hbm>>) target_semaphore(%run_scoped3A_64 : memref<!tpu.dma_semaphore, #tpu.memory_space<semaphore_mem>>)
          %dma_wait3A = arith.constant 0 : i32
          %dma_wait3A_69 = tpu.memref_slice %arg12[%run_scoped3A, %mul3A_37, %dma_wait3A] : memref<8x100000x16xf32, #tpu.memory_space<hbm>> -> memref<1x6256x16xf32, #tpu.memory_space<hbm>>
          %dma_wait3A_70 = tpu.memref_squeeze %dma_wait3A_69 : memref<1x6256x16xf32, #tpu.memory_space<hbm>> -> memref<6256x16xf32, #tpu.memory_space<hbm>>
          %dma_wait3A_71 = arith.constant 0 : i32
          %dma_wait3A_72 = tpu.memref_slice %arg16[%mul3A_37, %dma_wait3A_71] : memref<100008x16xf32, #tpu.memory_space<vmem_shared>> -> memref<6256x16xf32, #tpu.memory_space<vmem_shared>>
          tpu.wait_dma2 semaphore(%run_scoped3A_64 : memref<!tpu.dma_semaphore, #tpu.memory_space<semaphore_mem>>) src(%dma_wait3A_72 : memref<6256x16xf32, #tpu.memory_space<vmem_shared>>) dst(%dma_wait3A_70 : memref<6256x16xf32, #tpu.memory_space<hbm>>)
          tpu.yield
        }) : () -> ()
      } else {
      }
      %eq3A_58 = arith.constant 15 : i32
      %eq3A_59 = arith.cmpi eq, %arg1, %eq3A_58 : i32
      %convert_element_type3A_60 = arith.extui %eq3A_59 : i1 to i32
      %cond3A_61 = arith.constant 0 : i32
      %cond3A_62 = arith.cmpi ne, %convert_element_type3A_60, %cond3A_61 : i32
      scf.if %cond3A_62 {
        %run_scoped3A = arith.constant 3 : i32
        "tpu.region"() ({
          %run_scoped3A_64 = tpu.sem_alloc : memref<!tpu.dma_semaphore, #tpu.memory_space<semaphore_mem>>
          %dma_start3A = arith.constant 93840 : i32
          %dma_start3A_65 = arith.constant 0 : i32
          %dma_start3A_66 = tpu.memref_slice %arg12[%run_scoped3A, %dma_start3A, %dma_start3A_65] : memref<8x100000x16xf32, #tpu.memory_space<hbm>> -> memref<1x6160x16xf32, #tpu.memory_space<hbm>>
          %dma_start3A_67 = tpu.memref_squeeze %dma_start3A_66 : memref<1x6160x16xf32, #tpu.memory_space<hbm>> -> memref<6160x16xf32, #tpu.memory_space<hbm>>
          %dma_start3A_68 = arith.constant 93840 : i32
          %dma_start3A_69 = arith.constant 0 : i32
          %dma_start3A_70 = tpu.memref_slice %arg16[%dma_start3A_68, %dma_start3A_69] : memref<100008x16xf32, #tpu.memory_space<vmem_shared>> -> memref<6160x16xf32, #tpu.memory_space<vmem_shared>>
          tpu.enqueue_dma source(%dma_start3A_70 : memref<6160x16xf32, #tpu.memory_space<vmem_shared>>) target(%dma_start3A_67 : memref<6160x16xf32, #tpu.memory_space<hbm>>) target_semaphore(%run_scoped3A_64 : memref<!tpu.dma_semaphore, #tpu.memory_space<semaphore_mem>>)
          %dma_wait3A = arith.constant 93840 : i32
          %dma_wait3A_71 = arith.constant 0 : i32
          %dma_wait3A_72 = tpu.memref_slice %arg12[%run_scoped3A, %dma_wait3A, %dma_wait3A_71] : memref<8x100000x16xf32, #tpu.memory_space<hbm>> -> memref<1x6160x16xf32, #tpu.memory_space<hbm>>
          %dma_wait3A_73 = tpu.memref_squeeze %dma_wait3A_72 : memref<1x6160x16xf32, #tpu.memory_space<hbm>> -> memref<6160x16xf32, #tpu.memory_space<hbm>>
          %dma_wait3A_74 = arith.constant 93840 : i32
          %dma_wait3A_75 = arith.constant 0 : i32
          %dma_wait3A_76 = tpu.memref_slice %arg16[%dma_wait3A_74, %dma_wait3A_75] : memref<100008x16xf32, #tpu.memory_space<vmem_shared>> -> memref<6160x16xf32, #tpu.memory_space<vmem_shared>>
          tpu.wait_dma2 semaphore(%run_scoped3A_64 : memref<!tpu.dma_semaphore, #tpu.memory_space<semaphore_mem>>) src(%dma_wait3A_76 : memref<6160x16xf32, #tpu.memory_space<vmem_shared>>) dst(%dma_wait3A_73 : memref<6160x16xf32, #tpu.memory_space<hbm>>)
          tpu.yield
        }) : () -> ()
      } else {
      }
      %barrier3A_63 = arith.constant 0 : index
      tpu.barrier barrier_id(%barrier3A_63)
    } else {
    }
    %eq3A_17 = arith.constant 0 : i32
    %eq3A_18 = arith.cmpi eq, %arg0, %eq3A_17 : i32
    %convert_element_type3A_19 = arith.extui %eq3A_18 : i1 to i32
    %cond3A_20 = arith.constant 0 : i32
    %cond3A_21 = arith.cmpi ne, %convert_element_type3A_19, %cond3A_20 : i32
    scf.if %cond3A_21 {
      %mul3A = arith.constant 6256 : i32
      %mul3A_37 = arith.muli %arg1, %mul3A : i32
      %lt3A = arith.constant 15 : i32
      %lt3A_38 = arith.cmpi slt, %arg1, %lt3A : i32
      %convert_element_type3A_39 = arith.extui %lt3A_38 : i1 to i32
      %cond3A_40 = arith.constant 0 : i32
      %cond3A_41 = arith.cmpi ne, %convert_element_type3A_39, %cond3A_40 : i32
      scf.if %cond3A_41 {
        "tpu.region"() ({
          %run_scoped3A = tpu.sem_alloc : memref<!tpu.dma_semaphore, #tpu.memory_space<semaphore_mem>>
          %dma_start3A = arith.constant 0 : i32
          %dma_start3A_64 = tpu.memref_slice %arg16[%mul3A_37, %dma_start3A] : memref<100008x16xf32, #tpu.memory_space<vmem_shared>> -> memref<6256x16xf32, #tpu.memory_space<vmem_shared>>
          %dma_start3A_65 = arith.constant 0 : i32
          %dma_start3A_66 = tpu.memref_slice %arg8[%mul3A_37, %dma_start3A_65] : memref<100000x16xf32, #tpu.memory_space<hbm>> -> memref<6256x16xf32, #tpu.memory_space<hbm>>
          tpu.enqueue_dma source(%dma_start3A_66 : memref<6256x16xf32, #tpu.memory_space<hbm>>) target(%dma_start3A_64 : memref<6256x16xf32, #tpu.memory_space<vmem_shared>>) target_semaphore(%run_scoped3A : memref<!tpu.dma_semaphore, #tpu.memory_space<semaphore_mem>>)
          %dma_wait3A = arith.constant 0 : i32
          %dma_wait3A_67 = tpu.memref_slice %arg16[%mul3A_37, %dma_wait3A] : memref<100008x16xf32, #tpu.memory_space<vmem_shared>> -> memref<6256x16xf32, #tpu.memory_space<vmem_shared>>
          %dma_wait3A_68 = arith.constant 0 : i32
          %dma_wait3A_69 = tpu.memref_slice %arg8[%mul3A_37, %dma_wait3A_68] : memref<100000x16xf32, #tpu.memory_space<hbm>> -> memref<6256x16xf32, #tpu.memory_space<hbm>>
          tpu.wait_dma2 semaphore(%run_scoped3A : memref<!tpu.dma_semaphore, #tpu.memory_space<semaphore_mem>>) src(%dma_wait3A_69 : memref<6256x16xf32, #tpu.memory_space<hbm>>) dst(%dma_wait3A_67 : memref<6256x16xf32, #tpu.memory_space<vmem_shared>>)
          tpu.yield
        }) : () -> ()
      } else {
      }
      %eq3A_42 = arith.constant 15 : i32
      %eq3A_43 = arith.cmpi eq, %arg1, %eq3A_42 : i32
      %convert_element_type3A_44 = arith.extui %eq3A_43 : i1 to i32
      %cond3A_45 = arith.constant 0 : i32
      %cond3A_46 = arith.cmpi ne, %convert_element_type3A_44, %cond3A_45 : i32
      scf.if %cond3A_46 {
        "tpu.region"() ({
          %run_scoped3A = tpu.sem_alloc : memref<!tpu.dma_semaphore, #tpu.memory_space<semaphore_mem>>
          %dma_start3A = arith.constant 93840 : i32
          %dma_start3A_64 = arith.constant 0 : i32
          %dma_start3A_65 = tpu.memref_slice %arg16[%dma_start3A, %dma_start3A_64] : memref<100008x16xf32, #tpu.memory_space<vmem_shared>> -> memref<6160x16xf32, #tpu.memory_space<vmem_shared>>
          %dma_start3A_66 = arith.constant 93840 : i32
          %dma_start3A_67 = arith.constant 0 : i32
          %dma_start3A_68 = tpu.memref_slice %arg8[%dma_start3A_66, %dma_start3A_67] : memref<100000x16xf32, #tpu.memory_space<hbm>> -> memref<6160x16xf32, #tpu.memory_space<hbm>>
          tpu.enqueue_dma source(%dma_start3A_68 : memref<6160x16xf32, #tpu.memory_space<hbm>>) target(%dma_start3A_65 : memref<6160x16xf32, #tpu.memory_space<vmem_shared>>) target_semaphore(%run_scoped3A : memref<!tpu.dma_semaphore, #tpu.memory_space<semaphore_mem>>)
          %dma_wait3A = arith.constant 93840 : i32
          %dma_wait3A_69 = arith.constant 0 : i32
          %dma_wait3A_70 = tpu.memref_slice %arg16[%dma_wait3A, %dma_wait3A_69] : memref<100008x16xf32, #tpu.memory_space<vmem_shared>> -> memref<6160x16xf32, #tpu.memory_space<vmem_shared>>
          %dma_wait3A_71 = arith.constant 93840 : i32
          %dma_wait3A_72 = arith.constant 0 : i32
          %dma_wait3A_73 = tpu.memref_slice %arg8[%dma_wait3A_71, %dma_wait3A_72] : memref<100000x16xf32, #tpu.memory_space<hbm>> -> memref<6160x16xf32, #tpu.memory_space<hbm>>
          tpu.wait_dma2 semaphore(%run_scoped3A : memref<!tpu.dma_semaphore, #tpu.memory_space<semaphore_mem>>) src(%dma_wait3A_73 : memref<6160x16xf32, #tpu.memory_space<hbm>>) dst(%dma_wait3A_70 : memref<6160x16xf32, #tpu.memory_space<vmem_shared>>)
          tpu.yield
        }) : () -> ()
      } else {
      }
      %barrier3A = arith.constant 0 : index
      tpu.barrier barrier_id(%barrier3A)
      %scan3A = arith.constant 0 : i32
      %scan3A_47 = arith.constant 0 : i32
      %scan3A_48 = arith.constant 98 : i32
      %scan3A_49 = arith.addi %scan3A_47, %scan3A_48 : i32
      %scan3A_50 = arith.constant 1 : i32
      scf.for %scan3A_64 = %scan3A_47 to %scan3A_49 step %scan3A_50  : i32 {
        %mul3A_65 = arith.constant 100352 : i32
        %mul3A_66 = arith.muli %arg1, %mul3A_65 : i32
        %mul3A_67 = arith.constant 1024 : i32
        %mul3A_68 = arith.muli %scan3A_64, %mul3A_67 : i32
        %add3A = arith.addi %mul3A_66, %mul3A_68 : i32
        "tpu.region"() ({
          %run_scoped3A = tpu.sem_alloc : memref<!tpu.dma_semaphore, #tpu.memory_space<semaphore_mem>>
          %dma_start3A_73 = tpu.memref_slice %arg2[%add3A] : memref<1605632xi32, #tpu.memory_space<hbm>> -> memref<1024xi32, #tpu.memory_space<hbm>>
          %dma_start3A_74 = tpu.memref_slice %arg2[%add3A] : memref<1605632xi32, #tpu.memory_space<hbm>> -> memref<1024xi32, #tpu.memory_space<hbm>>
          tpu.enqueue_dma source(%dma_start3A_74 : memref<1024xi32, #tpu.memory_space<hbm>>) target(%arg13 : memref<1024xi32, #tpu.memory_space<vmem>>) target_semaphore(%run_scoped3A : memref<!tpu.dma_semaphore, #tpu.memory_space<semaphore_mem>>)
          %dma_wait3A_75 = tpu.memref_slice %arg2[%add3A] : memref<1605632xi32, #tpu.memory_space<hbm>> -> memref<1024xi32, #tpu.memory_space<hbm>>
          %dma_wait3A_76 = tpu.memref_slice %arg2[%add3A] : memref<1605632xi32, #tpu.memory_space<hbm>> -> memref<1024xi32, #tpu.memory_space<hbm>>
          tpu.wait_dma2 semaphore(%run_scoped3A : memref<!tpu.dma_semaphore, #tpu.memory_space<semaphore_mem>>) src(%dma_wait3A_76 : memref<1024xi32, #tpu.memory_space<hbm>>) dst(%arg13 : memref<1024xi32, #tpu.memory_space<vmem>>)
          tpu.yield
        }) : () -> ()
        "tpu.region"() ({
          %run_scoped3A = tpu.sem_alloc : memref<!tpu.dma_semaphore, #tpu.memory_space<semaphore_mem>>
          %dma_start3A_73 = tpu.memref_slice %arg3[%add3A] : memref<1605632xi32, #tpu.memory_space<hbm>> -> memref<1024xi32, #tpu.memory_space<hbm>>
          %dma_start3A_74 = tpu.memref_slice %arg3[%add3A] : memref<1605632xi32, #tpu.memory_space<hbm>> -> memref<1024xi32, #tpu.memory_space<hbm>>
          tpu.enqueue_dma source(%dma_start3A_74 : memref<1024xi32, #tpu.memory_space<hbm>>) target(%arg14 : memref<1024xi32, #tpu.memory_space<vmem>>) target_semaphore(%run_scoped3A : memref<!tpu.dma_semaphore, #tpu.memory_space<semaphore_mem>>)
          %dma_wait3A_75 = tpu.memref_slice %arg3[%add3A] : memref<1605632xi32, #tpu.memory_space<hbm>> -> memref<1024xi32, #tpu.memory_space<hbm>>
          %dma_wait3A_76 = tpu.memref_slice %arg3[%add3A] : memref<1605632xi32, #tpu.memory_space<hbm>> -> memref<1024xi32, #tpu.memory_space<hbm>>
          tpu.wait_dma2 semaphore(%run_scoped3A : memref<!tpu.dma_semaphore, #tpu.memory_space<semaphore_mem>>) src(%dma_wait3A_76 : memref<1024xi32, #tpu.memory_space<hbm>>) dst(%arg14 : memref<1024xi32, #tpu.memory_space<vmem>>)
          tpu.yield
        }) : () -> ()
        %dma_start3A = arith.constant 0 : i32
        %dma_start3A_69 = arith.constant 0 : i32
        %dma_start3A_70 = tpu.memref_slice %arg8[%dma_start3A, %dma_start3A_69] : memref<100000x16xf32, #tpu.memory_space<hbm>> -> memref<100000x16xf32, #tpu.memory_space<hbm>>
        tpu.enqueue_indirect_dma source(%dma_start3A_70 : memref<100000x16xf32, #tpu.memory_space<hbm>>) target(%arg15 : memref<1024x16xf32, #tpu.memory_space<vmem>>) offsets(%arg13 : memref<1024xi32, #tpu.memory_space<vmem>>) semaphore(%arg17 : memref<!tpu.dma_semaphore, #tpu.memory_space<semaphore_mem>>)
        %dma_wait3A = arith.constant 0 : i32
        %dma_wait3A_71 = arith.constant 0 : i32
        %dma_wait3A_72 = tpu.memref_slice %arg8[%dma_wait3A, %dma_wait3A_71] : memref<100000x16xf32, #tpu.memory_space<hbm>> -> memref<100000x16xf32, #tpu.memory_space<hbm>>
        tpu.wait_indirect_dma semaphore(%arg17 : memref<!tpu.dma_semaphore, #tpu.memory_space<semaphore_mem>>) src(%dma_wait3A_72 : memref<100000x16xf32, #tpu.memory_space<hbm>>) dst(%arg15 : memref<1024x16xf32, #tpu.memory_space<vmem>>)
        "tpu.region"() ({
          %run_scoped3A = tpu.sem_alloc : memref<!tpu.dma_semaphore, #tpu.memory_space<semaphore_mem>>
          %dma_start3A_73 = arith.constant 0 : i32
          %dma_start3A_74 = arith.constant 0 : i32
          %dma_start3A_75 = tpu.memref_slice %arg16[%dma_start3A_73, %dma_start3A_74] : memref<100008x16xf32, #tpu.memory_space<vmem_shared>> -> memref<100008x16xf32, #tpu.memory_space<vmem_shared>>
          tpu.enqueue_indirect_dma source(%arg15 : memref<1024x16xf32, #tpu.memory_space<vmem>>) target(%dma_start3A_75 : memref<100008x16xf32, #tpu.memory_space<vmem_shared>>) offsets(%arg14 : memref<1024xi32, #tpu.memory_space<vmem>>) semaphore(%run_scoped3A : memref<!tpu.dma_semaphore, #tpu.memory_space<semaphore_mem>>) {add = true}
          %dma_wait3A_76 = arith.constant 0 : i32
          %dma_wait3A_77 = arith.constant 0 : i32
          %dma_wait3A_78 = tpu.memref_slice %arg16[%dma_wait3A_76, %dma_wait3A_77] : memref<100008x16xf32, #tpu.memory_space<vmem_shared>> -> memref<100008x16xf32, #tpu.memory_space<vmem_shared>>
          tpu.wait_indirect_dma semaphore(%run_scoped3A : memref<!tpu.dma_semaphore, #tpu.memory_space<semaphore_mem>>) src(%arg15 : memref<1024x16xf32, #tpu.memory_space<vmem>>) dst(%dma_wait3A_78 : memref<100008x16xf32, #tpu.memory_space<vmem_shared>>)
          tpu.yield
        }) : () -> ()
      }
      %scan3A_51 = arith.constant 98 : i32
      %barrier3A_52 = arith.constant 0 : index
      tpu.barrier barrier_id(%barrier3A_52)
      %lt3A_53 = arith.constant 15 : i32
      %lt3A_54 = arith.cmpi slt, %arg1, %lt3A_53 : i32
      %convert_element_type3A_55 = arith.extui %lt3A_54 : i1 to i32
      %cond3A_56 = arith.constant 0 : i32
      %cond3A_57 = arith.cmpi ne, %convert_element_type3A_55, %cond3A_56 : i32
      scf.if %cond3A_57 {
        %run_scoped3A = arith.constant 4 : i32
        "tpu.region"() ({
          %run_scoped3A_64 = tpu.sem_alloc : memref<!tpu.dma_semaphore, #tpu.memory_space<semaphore_mem>>
          %dma_start3A = arith.constant 0 : i32
          %dma_start3A_65 = tpu.memref_slice %arg12[%run_scoped3A, %mul3A_37, %dma_start3A] : memref<8x100000x16xf32, #tpu.memory_space<hbm>> -> memref<1x6256x16xf32, #tpu.memory_space<hbm>>
          %dma_start3A_66 = tpu.memref_squeeze %dma_start3A_65 : memref<1x6256x16xf32, #tpu.memory_space<hbm>> -> memref<6256x16xf32, #tpu.memory_space<hbm>>
          %dma_start3A_67 = arith.constant 0 : i32
          %dma_start3A_68 = tpu.memref_slice %arg16[%mul3A_37, %dma_start3A_67] : memref<100008x16xf32, #tpu.memory_space<vmem_shared>> -> memref<6256x16xf32, #tpu.memory_space<vmem_shared>>
          tpu.enqueue_dma source(%dma_start3A_68 : memref<6256x16xf32, #tpu.memory_space<vmem_shared>>) target(%dma_start3A_66 : memref<6256x16xf32, #tpu.memory_space<hbm>>) target_semaphore(%run_scoped3A_64 : memref<!tpu.dma_semaphore, #tpu.memory_space<semaphore_mem>>)
          %dma_wait3A = arith.constant 0 : i32
          %dma_wait3A_69 = tpu.memref_slice %arg12[%run_scoped3A, %mul3A_37, %dma_wait3A] : memref<8x100000x16xf32, #tpu.memory_space<hbm>> -> memref<1x6256x16xf32, #tpu.memory_space<hbm>>
          %dma_wait3A_70 = tpu.memref_squeeze %dma_wait3A_69 : memref<1x6256x16xf32, #tpu.memory_space<hbm>> -> memref<6256x16xf32, #tpu.memory_space<hbm>>
          %dma_wait3A_71 = arith.constant 0 : i32
          %dma_wait3A_72 = tpu.memref_slice %arg16[%mul3A_37, %dma_wait3A_71] : memref<100008x16xf32, #tpu.memory_space<vmem_shared>> -> memref<6256x16xf32, #tpu.memory_space<vmem_shared>>
          tpu.wait_dma2 semaphore(%run_scoped3A_64 : memref<!tpu.dma_semaphore, #tpu.memory_space<semaphore_mem>>) src(%dma_wait3A_72 : memref<6256x16xf32, #tpu.memory_space<vmem_shared>>) dst(%dma_wait3A_70 : memref<6256x16xf32, #tpu.memory_space<hbm>>)
          tpu.yield
        }) : () -> ()
      } else {
      }
      %eq3A_58 = arith.constant 15 : i32
      %eq3A_59 = arith.cmpi eq, %arg1, %eq3A_58 : i32
      %convert_element_type3A_60 = arith.extui %eq3A_59 : i1 to i32
      %cond3A_61 = arith.constant 0 : i32
      %cond3A_62 = arith.cmpi ne, %convert_element_type3A_60, %cond3A_61 : i32
      scf.if %cond3A_62 {
        %run_scoped3A = arith.constant 4 : i32
        "tpu.region"() ({
          %run_scoped3A_64 = tpu.sem_alloc : memref<!tpu.dma_semaphore, #tpu.memory_space<semaphore_mem>>
          %dma_start3A = arith.constant 93840 : i32
          %dma_start3A_65 = arith.constant 0 : i32
          %dma_start3A_66 = tpu.memref_slice %arg12[%run_scoped3A, %dma_start3A, %dma_start3A_65] : memref<8x100000x16xf32, #tpu.memory_space<hbm>> -> memref<1x6160x16xf32, #tpu.memory_space<hbm>>
          %dma_start3A_67 = tpu.memref_squeeze %dma_start3A_66 : memref<1x6160x16xf32, #tpu.memory_space<hbm>> -> memref<6160x16xf32, #tpu.memory_space<hbm>>
          %dma_start3A_68 = arith.constant 93840 : i32
          %dma_start3A_69 = arith.constant 0 : i32
          %dma_start3A_70 = tpu.memref_slice %arg16[%dma_start3A_68, %dma_start3A_69] : memref<100008x16xf32, #tpu.memory_space<vmem_shared>> -> memref<6160x16xf32, #tpu.memory_space<vmem_shared>>
          tpu.enqueue_dma source(%dma_start3A_70 : memref<6160x16xf32, #tpu.memory_space<vmem_shared>>) target(%dma_start3A_67 : memref<6160x16xf32, #tpu.memory_space<hbm>>) target_semaphore(%run_scoped3A_64 : memref<!tpu.dma_semaphore, #tpu.memory_space<semaphore_mem>>)
          %dma_wait3A = arith.constant 93840 : i32
          %dma_wait3A_71 = arith.constant 0 : i32
          %dma_wait3A_72 = tpu.memref_slice %arg12[%run_scoped3A, %dma_wait3A, %dma_wait3A_71] : memref<8x100000x16xf32, #tpu.memory_space<hbm>> -> memref<1x6160x16xf32, #tpu.memory_space<hbm>>
          %dma_wait3A_73 = tpu.memref_squeeze %dma_wait3A_72 : memref<1x6160x16xf32, #tpu.memory_space<hbm>> -> memref<6160x16xf32, #tpu.memory_space<hbm>>
          %dma_wait3A_74 = arith.constant 93840 : i32
          %dma_wait3A_75 = arith.constant 0 : i32
          %dma_wait3A_76 = tpu.memref_slice %arg16[%dma_wait3A_74, %dma_wait3A_75] : memref<100008x16xf32, #tpu.memory_space<vmem_shared>> -> memref<6160x16xf32, #tpu.memory_space<vmem_shared>>
          tpu.wait_dma2 semaphore(%run_scoped3A_64 : memref<!tpu.dma_semaphore, #tpu.memory_space<semaphore_mem>>) src(%dma_wait3A_76 : memref<6160x16xf32, #tpu.memory_space<vmem_shared>>) dst(%dma_wait3A_73 : memref<6160x16xf32, #tpu.memory_space<hbm>>)
          tpu.yield
        }) : () -> ()
      } else {
      }
      %barrier3A_63 = arith.constant 0 : index
      tpu.barrier barrier_id(%barrier3A_63)
    } else {
    }
    %eq3A_22 = arith.constant 1 : i32
    %eq3A_23 = arith.cmpi eq, %arg0, %eq3A_22 : i32
    %convert_element_type3A_24 = arith.extui %eq3A_23 : i1 to i32
    %cond3A_25 = arith.constant 0 : i32
    %cond3A_26 = arith.cmpi ne, %convert_element_type3A_24, %cond3A_25 : i32
    scf.if %cond3A_26 {
      %mul3A = arith.constant 6256 : i32
      %mul3A_37 = arith.muli %arg1, %mul3A : i32
      %lt3A = arith.constant 15 : i32
      %lt3A_38 = arith.cmpi slt, %arg1, %lt3A : i32
      %convert_element_type3A_39 = arith.extui %lt3A_38 : i1 to i32
      %cond3A_40 = arith.constant 0 : i32
      %cond3A_41 = arith.cmpi ne, %convert_element_type3A_39, %cond3A_40 : i32
      scf.if %cond3A_41 {
        "tpu.region"() ({
          %run_scoped3A = tpu.sem_alloc : memref<!tpu.dma_semaphore, #tpu.memory_space<semaphore_mem>>
          %dma_start3A = arith.constant 0 : i32
          %dma_start3A_64 = tpu.memref_slice %arg16[%mul3A_37, %dma_start3A] : memref<100008x16xf32, #tpu.memory_space<vmem_shared>> -> memref<6256x16xf32, #tpu.memory_space<vmem_shared>>
          %dma_start3A_65 = arith.constant 0 : i32
          %dma_start3A_66 = tpu.memref_slice %arg9[%mul3A_37, %dma_start3A_65] : memref<100000x16xf32, #tpu.memory_space<hbm>> -> memref<6256x16xf32, #tpu.memory_space<hbm>>
          tpu.enqueue_dma source(%dma_start3A_66 : memref<6256x16xf32, #tpu.memory_space<hbm>>) target(%dma_start3A_64 : memref<6256x16xf32, #tpu.memory_space<vmem_shared>>) target_semaphore(%run_scoped3A : memref<!tpu.dma_semaphore, #tpu.memory_space<semaphore_mem>>)
          %dma_wait3A = arith.constant 0 : i32
          %dma_wait3A_67 = tpu.memref_slice %arg16[%mul3A_37, %dma_wait3A] : memref<100008x16xf32, #tpu.memory_space<vmem_shared>> -> memref<6256x16xf32, #tpu.memory_space<vmem_shared>>
          %dma_wait3A_68 = arith.constant 0 : i32
          %dma_wait3A_69 = tpu.memref_slice %arg9[%mul3A_37, %dma_wait3A_68] : memref<100000x16xf32, #tpu.memory_space<hbm>> -> memref<6256x16xf32, #tpu.memory_space<hbm>>
          tpu.wait_dma2 semaphore(%run_scoped3A : memref<!tpu.dma_semaphore, #tpu.memory_space<semaphore_mem>>) src(%dma_wait3A_69 : memref<6256x16xf32, #tpu.memory_space<hbm>>) dst(%dma_wait3A_67 : memref<6256x16xf32, #tpu.memory_space<vmem_shared>>)
          tpu.yield
        }) : () -> ()
      } else {
      }
      %eq3A_42 = arith.constant 15 : i32
      %eq3A_43 = arith.cmpi eq, %arg1, %eq3A_42 : i32
      %convert_element_type3A_44 = arith.extui %eq3A_43 : i1 to i32
      %cond3A_45 = arith.constant 0 : i32
      %cond3A_46 = arith.cmpi ne, %convert_element_type3A_44, %cond3A_45 : i32
      scf.if %cond3A_46 {
        "tpu.region"() ({
          %run_scoped3A = tpu.sem_alloc : memref<!tpu.dma_semaphore, #tpu.memory_space<semaphore_mem>>
          %dma_start3A = arith.constant 93840 : i32
          %dma_start3A_64 = arith.constant 0 : i32
          %dma_start3A_65 = tpu.memref_slice %arg16[%dma_start3A, %dma_start3A_64] : memref<100008x16xf32, #tpu.memory_space<vmem_shared>> -> memref<6160x16xf32, #tpu.memory_space<vmem_shared>>
          %dma_start3A_66 = arith.constant 93840 : i32
          %dma_start3A_67 = arith.constant 0 : i32
          %dma_start3A_68 = tpu.memref_slice %arg9[%dma_start3A_66, %dma_start3A_67] : memref<100000x16xf32, #tpu.memory_space<hbm>> -> memref<6160x16xf32, #tpu.memory_space<hbm>>
          tpu.enqueue_dma source(%dma_start3A_68 : memref<6160x16xf32, #tpu.memory_space<hbm>>) target(%dma_start3A_65 : memref<6160x16xf32, #tpu.memory_space<vmem_shared>>) target_semaphore(%run_scoped3A : memref<!tpu.dma_semaphore, #tpu.memory_space<semaphore_mem>>)
          %dma_wait3A = arith.constant 93840 : i32
          %dma_wait3A_69 = arith.constant 0 : i32
          %dma_wait3A_70 = tpu.memref_slice %arg16[%dma_wait3A, %dma_wait3A_69] : memref<100008x16xf32, #tpu.memory_space<vmem_shared>> -> memref<6160x16xf32, #tpu.memory_space<vmem_shared>>
          %dma_wait3A_71 = arith.constant 93840 : i32
          %dma_wait3A_72 = arith.constant 0 : i32
          %dma_wait3A_73 = tpu.memref_slice %arg9[%dma_wait3A_71, %dma_wait3A_72] : memref<100000x16xf32, #tpu.memory_space<hbm>> -> memref<6160x16xf32, #tpu.memory_space<hbm>>
          tpu.wait_dma2 semaphore(%run_scoped3A : memref<!tpu.dma_semaphore, #tpu.memory_space<semaphore_mem>>) src(%dma_wait3A_73 : memref<6160x16xf32, #tpu.memory_space<hbm>>) dst(%dma_wait3A_70 : memref<6160x16xf32, #tpu.memory_space<vmem_shared>>)
          tpu.yield
        }) : () -> ()
      } else {
      }
      %barrier3A = arith.constant 0 : index
      tpu.barrier barrier_id(%barrier3A)
      %scan3A = arith.constant 0 : i32
      %scan3A_47 = arith.constant 0 : i32
      %scan3A_48 = arith.constant 98 : i32
      %scan3A_49 = arith.addi %scan3A_47, %scan3A_48 : i32
      %scan3A_50 = arith.constant 1 : i32
      scf.for %scan3A_64 = %scan3A_47 to %scan3A_49 step %scan3A_50  : i32 {
        %mul3A_65 = arith.constant 100352 : i32
        %mul3A_66 = arith.muli %arg1, %mul3A_65 : i32
        %mul3A_67 = arith.constant 1024 : i32
        %mul3A_68 = arith.muli %scan3A_64, %mul3A_67 : i32
        %add3A = arith.addi %mul3A_66, %mul3A_68 : i32
        "tpu.region"() ({
          %run_scoped3A = tpu.sem_alloc : memref<!tpu.dma_semaphore, #tpu.memory_space<semaphore_mem>>
          %dma_start3A_73 = tpu.memref_slice %arg2[%add3A] : memref<1605632xi32, #tpu.memory_space<hbm>> -> memref<1024xi32, #tpu.memory_space<hbm>>
          %dma_start3A_74 = tpu.memref_slice %arg2[%add3A] : memref<1605632xi32, #tpu.memory_space<hbm>> -> memref<1024xi32, #tpu.memory_space<hbm>>
          tpu.enqueue_dma source(%dma_start3A_74 : memref<1024xi32, #tpu.memory_space<hbm>>) target(%arg13 : memref<1024xi32, #tpu.memory_space<vmem>>) target_semaphore(%run_scoped3A : memref<!tpu.dma_semaphore, #tpu.memory_space<semaphore_mem>>)
          %dma_wait3A_75 = tpu.memref_slice %arg2[%add3A] : memref<1605632xi32, #tpu.memory_space<hbm>> -> memref<1024xi32, #tpu.memory_space<hbm>>
          %dma_wait3A_76 = tpu.memref_slice %arg2[%add3A] : memref<1605632xi32, #tpu.memory_space<hbm>> -> memref<1024xi32, #tpu.memory_space<hbm>>
          tpu.wait_dma2 semaphore(%run_scoped3A : memref<!tpu.dma_semaphore, #tpu.memory_space<semaphore_mem>>) src(%dma_wait3A_76 : memref<1024xi32, #tpu.memory_space<hbm>>) dst(%arg13 : memref<1024xi32, #tpu.memory_space<vmem>>)
          tpu.yield
        }) : () -> ()
        "tpu.region"() ({
          %run_scoped3A = tpu.sem_alloc : memref<!tpu.dma_semaphore, #tpu.memory_space<semaphore_mem>>
          %dma_start3A_73 = tpu.memref_slice %arg3[%add3A] : memref<1605632xi32, #tpu.memory_space<hbm>> -> memref<1024xi32, #tpu.memory_space<hbm>>
          %dma_start3A_74 = tpu.memref_slice %arg3[%add3A] : memref<1605632xi32, #tpu.memory_space<hbm>> -> memref<1024xi32, #tpu.memory_space<hbm>>
          tpu.enqueue_dma source(%dma_start3A_74 : memref<1024xi32, #tpu.memory_space<hbm>>) target(%arg14 : memref<1024xi32, #tpu.memory_space<vmem>>) target_semaphore(%run_scoped3A : memref<!tpu.dma_semaphore, #tpu.memory_space<semaphore_mem>>)
          %dma_wait3A_75 = tpu.memref_slice %arg3[%add3A] : memref<1605632xi32, #tpu.memory_space<hbm>> -> memref<1024xi32, #tpu.memory_space<hbm>>
          %dma_wait3A_76 = tpu.memref_slice %arg3[%add3A] : memref<1605632xi32, #tpu.memory_space<hbm>> -> memref<1024xi32, #tpu.memory_space<hbm>>
          tpu.wait_dma2 semaphore(%run_scoped3A : memref<!tpu.dma_semaphore, #tpu.memory_space<semaphore_mem>>) src(%dma_wait3A_76 : memref<1024xi32, #tpu.memory_space<hbm>>) dst(%arg14 : memref<1024xi32, #tpu.memory_space<vmem>>)
          tpu.yield
        }) : () -> ()
        %dma_start3A = arith.constant 0 : i32
        %dma_start3A_69 = arith.constant 0 : i32
        %dma_start3A_70 = tpu.memref_slice %arg9[%dma_start3A, %dma_start3A_69] : memref<100000x16xf32, #tpu.memory_space<hbm>> -> memref<100000x16xf32, #tpu.memory_space<hbm>>
        tpu.enqueue_indirect_dma source(%dma_start3A_70 : memref<100000x16xf32, #tpu.memory_space<hbm>>) target(%arg15 : memref<1024x16xf32, #tpu.memory_space<vmem>>) offsets(%arg13 : memref<1024xi32, #tpu.memory_space<vmem>>) semaphore(%arg17 : memref<!tpu.dma_semaphore, #tpu.memory_space<semaphore_mem>>)
        %dma_wait3A = arith.constant 0 : i32
        %dma_wait3A_71 = arith.constant 0 : i32
        %dma_wait3A_72 = tpu.memref_slice %arg9[%dma_wait3A, %dma_wait3A_71] : memref<100000x16xf32, #tpu.memory_space<hbm>> -> memref<100000x16xf32, #tpu.memory_space<hbm>>
        tpu.wait_indirect_dma semaphore(%arg17 : memref<!tpu.dma_semaphore, #tpu.memory_space<semaphore_mem>>) src(%dma_wait3A_72 : memref<100000x16xf32, #tpu.memory_space<hbm>>) dst(%arg15 : memref<1024x16xf32, #tpu.memory_space<vmem>>)
        "tpu.region"() ({
          %run_scoped3A = tpu.sem_alloc : memref<!tpu.dma_semaphore, #tpu.memory_space<semaphore_mem>>
          %dma_start3A_73 = arith.constant 0 : i32
          %dma_start3A_74 = arith.constant 0 : i32
          %dma_start3A_75 = tpu.memref_slice %arg16[%dma_start3A_73, %dma_start3A_74] : memref<100008x16xf32, #tpu.memory_space<vmem_shared>> -> memref<100008x16xf32, #tpu.memory_space<vmem_shared>>
          tpu.enqueue_indirect_dma source(%arg15 : memref<1024x16xf32, #tpu.memory_space<vmem>>) target(%dma_start3A_75 : memref<100008x16xf32, #tpu.memory_space<vmem_shared>>) offsets(%arg14 : memref<1024xi32, #tpu.memory_space<vmem>>) semaphore(%run_scoped3A : memref<!tpu.dma_semaphore, #tpu.memory_space<semaphore_mem>>) {add = true}
          %dma_wait3A_76 = arith.constant 0 : i32
          %dma_wait3A_77 = arith.constant 0 : i32
          %dma_wait3A_78 = tpu.memref_slice %arg16[%dma_wait3A_76, %dma_wait3A_77] : memref<100008x16xf32, #tpu.memory_space<vmem_shared>> -> memref<100008x16xf32, #tpu.memory_space<vmem_shared>>
          tpu.wait_indirect_dma semaphore(%run_scoped3A : memref<!tpu.dma_semaphore, #tpu.memory_space<semaphore_mem>>) src(%arg15 : memref<1024x16xf32, #tpu.memory_space<vmem>>) dst(%dma_wait3A_78 : memref<100008x16xf32, #tpu.memory_space<vmem_shared>>)
          tpu.yield
        }) : () -> ()
      }
      %scan3A_51 = arith.constant 98 : i32
      %barrier3A_52 = arith.constant 0 : index
      tpu.barrier barrier_id(%barrier3A_52)
      %lt3A_53 = arith.constant 15 : i32
      %lt3A_54 = arith.cmpi slt, %arg1, %lt3A_53 : i32
      %convert_element_type3A_55 = arith.extui %lt3A_54 : i1 to i32
      %cond3A_56 = arith.constant 0 : i32
      %cond3A_57 = arith.cmpi ne, %convert_element_type3A_55, %cond3A_56 : i32
      scf.if %cond3A_57 {
        %run_scoped3A = arith.constant 5 : i32
        "tpu.region"() ({
          %run_scoped3A_64 = tpu.sem_alloc : memref<!tpu.dma_semaphore, #tpu.memory_space<semaphore_mem>>
          %dma_start3A = arith.constant 0 : i32
          %dma_start3A_65 = tpu.memref_slice %arg12[%run_scoped3A, %mul3A_37, %dma_start3A] : memref<8x100000x16xf32, #tpu.memory_space<hbm>> -> memref<1x6256x16xf32, #tpu.memory_space<hbm>>
          %dma_start3A_66 = tpu.memref_squeeze %dma_start3A_65 : memref<1x6256x16xf32, #tpu.memory_space<hbm>> -> memref<6256x16xf32, #tpu.memory_space<hbm>>
          %dma_start3A_67 = arith.constant 0 : i32
          %dma_start3A_68 = tpu.memref_slice %arg16[%mul3A_37, %dma_start3A_67] : memref<100008x16xf32, #tpu.memory_space<vmem_shared>> -> memref<6256x16xf32, #tpu.memory_space<vmem_shared>>
          tpu.enqueue_dma source(%dma_start3A_68 : memref<6256x16xf32, #tpu.memory_space<vmem_shared>>) target(%dma_start3A_66 : memref<6256x16xf32, #tpu.memory_space<hbm>>) target_semaphore(%run_scoped3A_64 : memref<!tpu.dma_semaphore, #tpu.memory_space<semaphore_mem>>)
          %dma_wait3A = arith.constant 0 : i32
          %dma_wait3A_69 = tpu.memref_slice %arg12[%run_scoped3A, %mul3A_37, %dma_wait3A] : memref<8x100000x16xf32, #tpu.memory_space<hbm>> -> memref<1x6256x16xf32, #tpu.memory_space<hbm>>
          %dma_wait3A_70 = tpu.memref_squeeze %dma_wait3A_69 : memref<1x6256x16xf32, #tpu.memory_space<hbm>> -> memref<6256x16xf32, #tpu.memory_space<hbm>>
          %dma_wait3A_71 = arith.constant 0 : i32
          %dma_wait3A_72 = tpu.memref_slice %arg16[%mul3A_37, %dma_wait3A_71] : memref<100008x16xf32, #tpu.memory_space<vmem_shared>> -> memref<6256x16xf32, #tpu.memory_space<vmem_shared>>
          tpu.wait_dma2 semaphore(%run_scoped3A_64 : memref<!tpu.dma_semaphore, #tpu.memory_space<semaphore_mem>>) src(%dma_wait3A_72 : memref<6256x16xf32, #tpu.memory_space<vmem_shared>>) dst(%dma_wait3A_70 : memref<6256x16xf32, #tpu.memory_space<hbm>>)
          tpu.yield
        }) : () -> ()
      } else {
      }
      %eq3A_58 = arith.constant 15 : i32
      %eq3A_59 = arith.cmpi eq, %arg1, %eq3A_58 : i32
      %convert_element_type3A_60 = arith.extui %eq3A_59 : i1 to i32
      %cond3A_61 = arith.constant 0 : i32
      %cond3A_62 = arith.cmpi ne, %convert_element_type3A_60, %cond3A_61 : i32
      scf.if %cond3A_62 {
        %run_scoped3A = arith.constant 5 : i32
        "tpu.region"() ({
          %run_scoped3A_64 = tpu.sem_alloc : memref<!tpu.dma_semaphore, #tpu.memory_space<semaphore_mem>>
          %dma_start3A = arith.constant 93840 : i32
          %dma_start3A_65 = arith.constant 0 : i32
          %dma_start3A_66 = tpu.memref_slice %arg12[%run_scoped3A, %dma_start3A, %dma_start3A_65] : memref<8x100000x16xf32, #tpu.memory_space<hbm>> -> memref<1x6160x16xf32, #tpu.memory_space<hbm>>
          %dma_start3A_67 = tpu.memref_squeeze %dma_start3A_66 : memref<1x6160x16xf32, #tpu.memory_space<hbm>> -> memref<6160x16xf32, #tpu.memory_space<hbm>>
          %dma_start3A_68 = arith.constant 93840 : i32
          %dma_start3A_69 = arith.constant 0 : i32
          %dma_start3A_70 = tpu.memref_slice %arg16[%dma_start3A_68, %dma_start3A_69] : memref<100008x16xf32, #tpu.memory_space<vmem_shared>> -> memref<6160x16xf32, #tpu.memory_space<vmem_shared>>
          tpu.enqueue_dma source(%dma_start3A_70 : memref<6160x16xf32, #tpu.memory_space<vmem_shared>>) target(%dma_start3A_67 : memref<6160x16xf32, #tpu.memory_space<hbm>>) target_semaphore(%run_scoped3A_64 : memref<!tpu.dma_semaphore, #tpu.memory_space<semaphore_mem>>)
          %dma_wait3A = arith.constant 93840 : i32
          %dma_wait3A_71 = arith.constant 0 : i32
          %dma_wait3A_72 = tpu.memref_slice %arg12[%run_scoped3A, %dma_wait3A, %dma_wait3A_71] : memref<8x100000x16xf32, #tpu.memory_space<hbm>> -> memref<1x6160x16xf32, #tpu.memory_space<hbm>>
          %dma_wait3A_73 = tpu.memref_squeeze %dma_wait3A_72 : memref<1x6160x16xf32, #tpu.memory_space<hbm>> -> memref<6160x16xf32, #tpu.memory_space<hbm>>
          %dma_wait3A_74 = arith.constant 93840 : i32
          %dma_wait3A_75 = arith.constant 0 : i32
          %dma_wait3A_76 = tpu.memref_slice %arg16[%dma_wait3A_74, %dma_wait3A_75] : memref<100008x16xf32, #tpu.memory_space<vmem_shared>> -> memref<6160x16xf32, #tpu.memory_space<vmem_shared>>
          tpu.wait_dma2 semaphore(%run_scoped3A_64 : memref<!tpu.dma_semaphore, #tpu.memory_space<semaphore_mem>>) src(%dma_wait3A_76 : memref<6160x16xf32, #tpu.memory_space<vmem_shared>>) dst(%dma_wait3A_73 : memref<6160x16xf32, #tpu.memory_space<hbm>>)
          tpu.yield
        }) : () -> ()
      } else {
      }
      %barrier3A_63 = arith.constant 0 : index
      tpu.barrier barrier_id(%barrier3A_63)
    } else {
    }
    %eq3A_27 = arith.constant 0 : i32
    %eq3A_28 = arith.cmpi eq, %arg0, %eq3A_27 : i32
    %convert_element_type3A_29 = arith.extui %eq3A_28 : i1 to i32
    %cond3A_30 = arith.constant 0 : i32
    %cond3A_31 = arith.cmpi ne, %convert_element_type3A_29, %cond3A_30 : i32
    scf.if %cond3A_31 {
      %mul3A = arith.constant 6256 : i32
      %mul3A_37 = arith.muli %arg1, %mul3A : i32
      %lt3A = arith.constant 15 : i32
      %lt3A_38 = arith.cmpi slt, %arg1, %lt3A : i32
      %convert_element_type3A_39 = arith.extui %lt3A_38 : i1 to i32
      %cond3A_40 = arith.constant 0 : i32
      %cond3A_41 = arith.cmpi ne, %convert_element_type3A_39, %cond3A_40 : i32
      scf.if %cond3A_41 {
        "tpu.region"() ({
          %run_scoped3A = tpu.sem_alloc : memref<!tpu.dma_semaphore, #tpu.memory_space<semaphore_mem>>
          %dma_start3A = arith.constant 0 : i32
          %dma_start3A_64 = tpu.memref_slice %arg16[%mul3A_37, %dma_start3A] : memref<100008x16xf32, #tpu.memory_space<vmem_shared>> -> memref<6256x16xf32, #tpu.memory_space<vmem_shared>>
          %dma_start3A_65 = arith.constant 0 : i32
          %dma_start3A_66 = tpu.memref_slice %arg10[%mul3A_37, %dma_start3A_65] : memref<100000x16xf32, #tpu.memory_space<hbm>> -> memref<6256x16xf32, #tpu.memory_space<hbm>>
          tpu.enqueue_dma source(%dma_start3A_66 : memref<6256x16xf32, #tpu.memory_space<hbm>>) target(%dma_start3A_64 : memref<6256x16xf32, #tpu.memory_space<vmem_shared>>) target_semaphore(%run_scoped3A : memref<!tpu.dma_semaphore, #tpu.memory_space<semaphore_mem>>)
          %dma_wait3A = arith.constant 0 : i32
          %dma_wait3A_67 = tpu.memref_slice %arg16[%mul3A_37, %dma_wait3A] : memref<100008x16xf32, #tpu.memory_space<vmem_shared>> -> memref<6256x16xf32, #tpu.memory_space<vmem_shared>>
          %dma_wait3A_68 = arith.constant 0 : i32
          %dma_wait3A_69 = tpu.memref_slice %arg10[%mul3A_37, %dma_wait3A_68] : memref<100000x16xf32, #tpu.memory_space<hbm>> -> memref<6256x16xf32, #tpu.memory_space<hbm>>
          tpu.wait_dma2 semaphore(%run_scoped3A : memref<!tpu.dma_semaphore, #tpu.memory_space<semaphore_mem>>) src(%dma_wait3A_69 : memref<6256x16xf32, #tpu.memory_space<hbm>>) dst(%dma_wait3A_67 : memref<6256x16xf32, #tpu.memory_space<vmem_shared>>)
          tpu.yield
        }) : () -> ()
      } else {
      }
      %eq3A_42 = arith.constant 15 : i32
      %eq3A_43 = arith.cmpi eq, %arg1, %eq3A_42 : i32
      %convert_element_type3A_44 = arith.extui %eq3A_43 : i1 to i32
      %cond3A_45 = arith.constant 0 : i32
      %cond3A_46 = arith.cmpi ne, %convert_element_type3A_44, %cond3A_45 : i32
      scf.if %cond3A_46 {
        "tpu.region"() ({
          %run_scoped3A = tpu.sem_alloc : memref<!tpu.dma_semaphore, #tpu.memory_space<semaphore_mem>>
          %dma_start3A = arith.constant 93840 : i32
          %dma_start3A_64 = arith.constant 0 : i32
          %dma_start3A_65 = tpu.memref_slice %arg16[%dma_start3A, %dma_start3A_64] : memref<100008x16xf32, #tpu.memory_space<vmem_shared>> -> memref<6160x16xf32, #tpu.memory_space<vmem_shared>>
          %dma_start3A_66 = arith.constant 93840 : i32
          %dma_start3A_67 = arith.constant 0 : i32
          %dma_start3A_68 = tpu.memref_slice %arg10[%dma_start3A_66, %dma_start3A_67] : memref<100000x16xf32, #tpu.memory_space<hbm>> -> memref<6160x16xf32, #tpu.memory_space<hbm>>
          tpu.enqueue_dma source(%dma_start3A_68 : memref<6160x16xf32, #tpu.memory_space<hbm>>) target(%dma_start3A_65 : memref<6160x16xf32, #tpu.memory_space<vmem_shared>>) target_semaphore(%run_scoped3A : memref<!tpu.dma_semaphore, #tpu.memory_space<semaphore_mem>>)
          %dma_wait3A = arith.constant 93840 : i32
          %dma_wait3A_69 = arith.constant 0 : i32
          %dma_wait3A_70 = tpu.memref_slice %arg16[%dma_wait3A, %dma_wait3A_69] : memref<100008x16xf32, #tpu.memory_space<vmem_shared>> -> memref<6160x16xf32, #tpu.memory_space<vmem_shared>>
          %dma_wait3A_71 = arith.constant 93840 : i32
          %dma_wait3A_72 = arith.constant 0 : i32
          %dma_wait3A_73 = tpu.memref_slice %arg10[%dma_wait3A_71, %dma_wait3A_72] : memref<100000x16xf32, #tpu.memory_space<hbm>> -> memref<6160x16xf32, #tpu.memory_space<hbm>>
          tpu.wait_dma2 semaphore(%run_scoped3A : memref<!tpu.dma_semaphore, #tpu.memory_space<semaphore_mem>>) src(%dma_wait3A_73 : memref<6160x16xf32, #tpu.memory_space<hbm>>) dst(%dma_wait3A_70 : memref<6160x16xf32, #tpu.memory_space<vmem_shared>>)
          tpu.yield
        }) : () -> ()
      } else {
      }
      %barrier3A = arith.constant 0 : index
      tpu.barrier barrier_id(%barrier3A)
      %scan3A = arith.constant 0 : i32
      %scan3A_47 = arith.constant 0 : i32
      %scan3A_48 = arith.constant 98 : i32
      %scan3A_49 = arith.addi %scan3A_47, %scan3A_48 : i32
      %scan3A_50 = arith.constant 1 : i32
      scf.for %scan3A_64 = %scan3A_47 to %scan3A_49 step %scan3A_50  : i32 {
        %mul3A_65 = arith.constant 100352 : i32
        %mul3A_66 = arith.muli %arg1, %mul3A_65 : i32
        %mul3A_67 = arith.constant 1024 : i32
        %mul3A_68 = arith.muli %scan3A_64, %mul3A_67 : i32
        %add3A = arith.addi %mul3A_66, %mul3A_68 : i32
        "tpu.region"() ({
          %run_scoped3A = tpu.sem_alloc : memref<!tpu.dma_semaphore, #tpu.memory_space<semaphore_mem>>
          %dma_start3A_73 = tpu.memref_slice %arg2[%add3A] : memref<1605632xi32, #tpu.memory_space<hbm>> -> memref<1024xi32, #tpu.memory_space<hbm>>
          %dma_start3A_74 = tpu.memref_slice %arg2[%add3A] : memref<1605632xi32, #tpu.memory_space<hbm>> -> memref<1024xi32, #tpu.memory_space<hbm>>
          tpu.enqueue_dma source(%dma_start3A_74 : memref<1024xi32, #tpu.memory_space<hbm>>) target(%arg13 : memref<1024xi32, #tpu.memory_space<vmem>>) target_semaphore(%run_scoped3A : memref<!tpu.dma_semaphore, #tpu.memory_space<semaphore_mem>>)
          %dma_wait3A_75 = tpu.memref_slice %arg2[%add3A] : memref<1605632xi32, #tpu.memory_space<hbm>> -> memref<1024xi32, #tpu.memory_space<hbm>>
          %dma_wait3A_76 = tpu.memref_slice %arg2[%add3A] : memref<1605632xi32, #tpu.memory_space<hbm>> -> memref<1024xi32, #tpu.memory_space<hbm>>
          tpu.wait_dma2 semaphore(%run_scoped3A : memref<!tpu.dma_semaphore, #tpu.memory_space<semaphore_mem>>) src(%dma_wait3A_76 : memref<1024xi32, #tpu.memory_space<hbm>>) dst(%arg13 : memref<1024xi32, #tpu.memory_space<vmem>>)
          tpu.yield
        }) : () -> ()
        "tpu.region"() ({
          %run_scoped3A = tpu.sem_alloc : memref<!tpu.dma_semaphore, #tpu.memory_space<semaphore_mem>>
          %dma_start3A_73 = tpu.memref_slice %arg3[%add3A] : memref<1605632xi32, #tpu.memory_space<hbm>> -> memref<1024xi32, #tpu.memory_space<hbm>>
          %dma_start3A_74 = tpu.memref_slice %arg3[%add3A] : memref<1605632xi32, #tpu.memory_space<hbm>> -> memref<1024xi32, #tpu.memory_space<hbm>>
          tpu.enqueue_dma source(%dma_start3A_74 : memref<1024xi32, #tpu.memory_space<hbm>>) target(%arg14 : memref<1024xi32, #tpu.memory_space<vmem>>) target_semaphore(%run_scoped3A : memref<!tpu.dma_semaphore, #tpu.memory_space<semaphore_mem>>)
          %dma_wait3A_75 = tpu.memref_slice %arg3[%add3A] : memref<1605632xi32, #tpu.memory_space<hbm>> -> memref<1024xi32, #tpu.memory_space<hbm>>
          %dma_wait3A_76 = tpu.memref_slice %arg3[%add3A] : memref<1605632xi32, #tpu.memory_space<hbm>> -> memref<1024xi32, #tpu.memory_space<hbm>>
          tpu.wait_dma2 semaphore(%run_scoped3A : memref<!tpu.dma_semaphore, #tpu.memory_space<semaphore_mem>>) src(%dma_wait3A_76 : memref<1024xi32, #tpu.memory_space<hbm>>) dst(%arg14 : memref<1024xi32, #tpu.memory_space<vmem>>)
          tpu.yield
        }) : () -> ()
        %dma_start3A = arith.constant 0 : i32
        %dma_start3A_69 = arith.constant 0 : i32
        %dma_start3A_70 = tpu.memref_slice %arg10[%dma_start3A, %dma_start3A_69] : memref<100000x16xf32, #tpu.memory_space<hbm>> -> memref<100000x16xf32, #tpu.memory_space<hbm>>
        tpu.enqueue_indirect_dma source(%dma_start3A_70 : memref<100000x16xf32, #tpu.memory_space<hbm>>) target(%arg15 : memref<1024x16xf32, #tpu.memory_space<vmem>>) offsets(%arg13 : memref<1024xi32, #tpu.memory_space<vmem>>) semaphore(%arg17 : memref<!tpu.dma_semaphore, #tpu.memory_space<semaphore_mem>>)
        %dma_wait3A = arith.constant 0 : i32
        %dma_wait3A_71 = arith.constant 0 : i32
        %dma_wait3A_72 = tpu.memref_slice %arg10[%dma_wait3A, %dma_wait3A_71] : memref<100000x16xf32, #tpu.memory_space<hbm>> -> memref<100000x16xf32, #tpu.memory_space<hbm>>
        tpu.wait_indirect_dma semaphore(%arg17 : memref<!tpu.dma_semaphore, #tpu.memory_space<semaphore_mem>>) src(%dma_wait3A_72 : memref<100000x16xf32, #tpu.memory_space<hbm>>) dst(%arg15 : memref<1024x16xf32, #tpu.memory_space<vmem>>)
        "tpu.region"() ({
          %run_scoped3A = tpu.sem_alloc : memref<!tpu.dma_semaphore, #tpu.memory_space<semaphore_mem>>
          %dma_start3A_73 = arith.constant 0 : i32
          %dma_start3A_74 = arith.constant 0 : i32
          %dma_start3A_75 = tpu.memref_slice %arg16[%dma_start3A_73, %dma_start3A_74] : memref<100008x16xf32, #tpu.memory_space<vmem_shared>> -> memref<100008x16xf32, #tpu.memory_space<vmem_shared>>
          tpu.enqueue_indirect_dma source(%arg15 : memref<1024x16xf32, #tpu.memory_space<vmem>>) target(%dma_start3A_75 : memref<100008x16xf32, #tpu.memory_space<vmem_shared>>) offsets(%arg14 : memref<1024xi32, #tpu.memory_space<vmem>>) semaphore(%run_scoped3A : memref<!tpu.dma_semaphore, #tpu.memory_space<semaphore_mem>>) {add = true}
          %dma_wait3A_76 = arith.constant 0 : i32
          %dma_wait3A_77 = arith.constant 0 : i32
          %dma_wait3A_78 = tpu.memref_slice %arg16[%dma_wait3A_76, %dma_wait3A_77] : memref<100008x16xf32, #tpu.memory_space<vmem_shared>> -> memref<100008x16xf32, #tpu.memory_space<vmem_shared>>
          tpu.wait_indirect_dma semaphore(%run_scoped3A : memref<!tpu.dma_semaphore, #tpu.memory_space<semaphore_mem>>) src(%arg15 : memref<1024x16xf32, #tpu.memory_space<vmem>>) dst(%dma_wait3A_78 : memref<100008x16xf32, #tpu.memory_space<vmem_shared>>)
          tpu.yield
        }) : () -> ()
      }
      %scan3A_51 = arith.constant 98 : i32
      %barrier3A_52 = arith.constant 0 : index
      tpu.barrier barrier_id(%barrier3A_52)
      %lt3A_53 = arith.constant 15 : i32
      %lt3A_54 = arith.cmpi slt, %arg1, %lt3A_53 : i32
      %convert_element_type3A_55 = arith.extui %lt3A_54 : i1 to i32
      %cond3A_56 = arith.constant 0 : i32
      %cond3A_57 = arith.cmpi ne, %convert_element_type3A_55, %cond3A_56 : i32
      scf.if %cond3A_57 {
        %run_scoped3A = arith.constant 6 : i32
        "tpu.region"() ({
          %run_scoped3A_64 = tpu.sem_alloc : memref<!tpu.dma_semaphore, #tpu.memory_space<semaphore_mem>>
          %dma_start3A = arith.constant 0 : i32
          %dma_start3A_65 = tpu.memref_slice %arg12[%run_scoped3A, %mul3A_37, %dma_start3A] : memref<8x100000x16xf32, #tpu.memory_space<hbm>> -> memref<1x6256x16xf32, #tpu.memory_space<hbm>>
          %dma_start3A_66 = tpu.memref_squeeze %dma_start3A_65 : memref<1x6256x16xf32, #tpu.memory_space<hbm>> -> memref<6256x16xf32, #tpu.memory_space<hbm>>
          %dma_start3A_67 = arith.constant 0 : i32
          %dma_start3A_68 = tpu.memref_slice %arg16[%mul3A_37, %dma_start3A_67] : memref<100008x16xf32, #tpu.memory_space<vmem_shared>> -> memref<6256x16xf32, #tpu.memory_space<vmem_shared>>
          tpu.enqueue_dma source(%dma_start3A_68 : memref<6256x16xf32, #tpu.memory_space<vmem_shared>>) target(%dma_start3A_66 : memref<6256x16xf32, #tpu.memory_space<hbm>>) target_semaphore(%run_scoped3A_64 : memref<!tpu.dma_semaphore, #tpu.memory_space<semaphore_mem>>)
          %dma_wait3A = arith.constant 0 : i32
          %dma_wait3A_69 = tpu.memref_slice %arg12[%run_scoped3A, %mul3A_37, %dma_wait3A] : memref<8x100000x16xf32, #tpu.memory_space<hbm>> -> memref<1x6256x16xf32, #tpu.memory_space<hbm>>
          %dma_wait3A_70 = tpu.memref_squeeze %dma_wait3A_69 : memref<1x6256x16xf32, #tpu.memory_space<hbm>> -> memref<6256x16xf32, #tpu.memory_space<hbm>>
          %dma_wait3A_71 = arith.constant 0 : i32
          %dma_wait3A_72 = tpu.memref_slice %arg16[%mul3A_37, %dma_wait3A_71] : memref<100008x16xf32, #tpu.memory_space<vmem_shared>> -> memref<6256x16xf32, #tpu.memory_space<vmem_shared>>
          tpu.wait_dma2 semaphore(%run_scoped3A_64 : memref<!tpu.dma_semaphore, #tpu.memory_space<semaphore_mem>>) src(%dma_wait3A_72 : memref<6256x16xf32, #tpu.memory_space<vmem_shared>>) dst(%dma_wait3A_70 : memref<6256x16xf32, #tpu.memory_space<hbm>>)
          tpu.yield
        }) : () -> ()
      } else {
      }
      %eq3A_58 = arith.constant 15 : i32
      %eq3A_59 = arith.cmpi eq, %arg1, %eq3A_58 : i32
      %convert_element_type3A_60 = arith.extui %eq3A_59 : i1 to i32
      %cond3A_61 = arith.constant 0 : i32
      %cond3A_62 = arith.cmpi ne, %convert_element_type3A_60, %cond3A_61 : i32
      scf.if %cond3A_62 {
        %run_scoped3A = arith.constant 6 : i32
        "tpu.region"() ({
          %run_scoped3A_64 = tpu.sem_alloc : memref<!tpu.dma_semaphore, #tpu.memory_space<semaphore_mem>>
          %dma_start3A = arith.constant 93840 : i32
          %dma_start3A_65 = arith.constant 0 : i32
          %dma_start3A_66 = tpu.memref_slice %arg12[%run_scoped3A, %dma_start3A, %dma_start3A_65] : memref<8x100000x16xf32, #tpu.memory_space<hbm>> -> memref<1x6160x16xf32, #tpu.memory_space<hbm>>
          %dma_start3A_67 = tpu.memref_squeeze %dma_start3A_66 : memref<1x6160x16xf32, #tpu.memory_space<hbm>> -> memref<6160x16xf32, #tpu.memory_space<hbm>>
          %dma_start3A_68 = arith.constant 93840 : i32
          %dma_start3A_69 = arith.constant 0 : i32
          %dma_start3A_70 = tpu.memref_slice %arg16[%dma_start3A_68, %dma_start3A_69] : memref<100008x16xf32, #tpu.memory_space<vmem_shared>> -> memref<6160x16xf32, #tpu.memory_space<vmem_shared>>
          tpu.enqueue_dma source(%dma_start3A_70 : memref<6160x16xf32, #tpu.memory_space<vmem_shared>>) target(%dma_start3A_67 : memref<6160x16xf32, #tpu.memory_space<hbm>>) target_semaphore(%run_scoped3A_64 : memref<!tpu.dma_semaphore, #tpu.memory_space<semaphore_mem>>)
          %dma_wait3A = arith.constant 93840 : i32
          %dma_wait3A_71 = arith.constant 0 : i32
          %dma_wait3A_72 = tpu.memref_slice %arg12[%run_scoped3A, %dma_wait3A, %dma_wait3A_71] : memref<8x100000x16xf32, #tpu.memory_space<hbm>> -> memref<1x6160x16xf32, #tpu.memory_space<hbm>>
          %dma_wait3A_73 = tpu.memref_squeeze %dma_wait3A_72 : memref<1x6160x16xf32, #tpu.memory_space<hbm>> -> memref<6160x16xf32, #tpu.memory_space<hbm>>
          %dma_wait3A_74 = arith.constant 93840 : i32
          %dma_wait3A_75 = arith.constant 0 : i32
          %dma_wait3A_76 = tpu.memref_slice %arg16[%dma_wait3A_74, %dma_wait3A_75] : memref<100008x16xf32, #tpu.memory_space<vmem_shared>> -> memref<6160x16xf32, #tpu.memory_space<vmem_shared>>
          tpu.wait_dma2 semaphore(%run_scoped3A_64 : memref<!tpu.dma_semaphore, #tpu.memory_space<semaphore_mem>>) src(%dma_wait3A_76 : memref<6160x16xf32, #tpu.memory_space<vmem_shared>>) dst(%dma_wait3A_73 : memref<6160x16xf32, #tpu.memory_space<hbm>>)
          tpu.yield
        }) : () -> ()
      } else {
      }
      %barrier3A_63 = arith.constant 0 : index
      tpu.barrier barrier_id(%barrier3A_63)
    } else {
    }
    %eq3A_32 = arith.constant 1 : i32
    %eq3A_33 = arith.cmpi eq, %arg0, %eq3A_32 : i32
    %convert_element_type3A_34 = arith.extui %eq3A_33 : i1 to i32
    %cond3A_35 = arith.constant 0 : i32
    %cond3A_36 = arith.cmpi ne, %convert_element_type3A_34, %cond3A_35 : i32
    scf.if %cond3A_36 {
      %mul3A = arith.constant 6256 : i32
      %mul3A_37 = arith.muli %arg1, %mul3A : i32
      %lt3A = arith.constant 15 : i32
      %lt3A_38 = arith.cmpi slt, %arg1, %lt3A : i32
      %convert_element_type3A_39 = arith.extui %lt3A_38 : i1 to i32
      %cond3A_40 = arith.constant 0 : i32
      %cond3A_41 = arith.cmpi ne, %convert_element_type3A_39, %cond3A_40 : i32
      scf.if %cond3A_41 {
        "tpu.region"() ({
          %run_scoped3A = tpu.sem_alloc : memref<!tpu.dma_semaphore, #tpu.memory_space<semaphore_mem>>
          %dma_start3A = arith.constant 0 : i32
          %dma_start3A_64 = tpu.memref_slice %arg16[%mul3A_37, %dma_start3A] : memref<100008x16xf32, #tpu.memory_space<vmem_shared>> -> memref<6256x16xf32, #tpu.memory_space<vmem_shared>>
          %dma_start3A_65 = arith.constant 0 : i32
          %dma_start3A_66 = tpu.memref_slice %arg11[%mul3A_37, %dma_start3A_65] : memref<100000x16xf32, #tpu.memory_space<hbm>> -> memref<6256x16xf32, #tpu.memory_space<hbm>>
          tpu.enqueue_dma source(%dma_start3A_66 : memref<6256x16xf32, #tpu.memory_space<hbm>>) target(%dma_start3A_64 : memref<6256x16xf32, #tpu.memory_space<vmem_shared>>) target_semaphore(%run_scoped3A : memref<!tpu.dma_semaphore, #tpu.memory_space<semaphore_mem>>)
          %dma_wait3A = arith.constant 0 : i32
          %dma_wait3A_67 = tpu.memref_slice %arg16[%mul3A_37, %dma_wait3A] : memref<100008x16xf32, #tpu.memory_space<vmem_shared>> -> memref<6256x16xf32, #tpu.memory_space<vmem_shared>>
          %dma_wait3A_68 = arith.constant 0 : i32
          %dma_wait3A_69 = tpu.memref_slice %arg11[%mul3A_37, %dma_wait3A_68] : memref<100000x16xf32, #tpu.memory_space<hbm>> -> memref<6256x16xf32, #tpu.memory_space<hbm>>
          tpu.wait_dma2 semaphore(%run_scoped3A : memref<!tpu.dma_semaphore, #tpu.memory_space<semaphore_mem>>) src(%dma_wait3A_69 : memref<6256x16xf32, #tpu.memory_space<hbm>>) dst(%dma_wait3A_67 : memref<6256x16xf32, #tpu.memory_space<vmem_shared>>)
          tpu.yield
        }) : () -> ()
      } else {
      }
      %eq3A_42 = arith.constant 15 : i32
      %eq3A_43 = arith.cmpi eq, %arg1, %eq3A_42 : i32
      %convert_element_type3A_44 = arith.extui %eq3A_43 : i1 to i32
      %cond3A_45 = arith.constant 0 : i32
      %cond3A_46 = arith.cmpi ne, %convert_element_type3A_44, %cond3A_45 : i32
      scf.if %cond3A_46 {
        "tpu.region"() ({
          %run_scoped3A = tpu.sem_alloc : memref<!tpu.dma_semaphore, #tpu.memory_space<semaphore_mem>>
          %dma_start3A = arith.constant 93840 : i32
          %dma_start3A_64 = arith.constant 0 : i32
          %dma_start3A_65 = tpu.memref_slice %arg16[%dma_start3A, %dma_start3A_64] : memref<100008x16xf32, #tpu.memory_space<vmem_shared>> -> memref<6160x16xf32, #tpu.memory_space<vmem_shared>>
          %dma_start3A_66 = arith.constant 93840 : i32
          %dma_start3A_67 = arith.constant 0 : i32
          %dma_start3A_68 = tpu.memref_slice %arg11[%dma_start3A_66, %dma_start3A_67] : memref<100000x16xf32, #tpu.memory_space<hbm>> -> memref<6160x16xf32, #tpu.memory_space<hbm>>
          tpu.enqueue_dma source(%dma_start3A_68 : memref<6160x16xf32, #tpu.memory_space<hbm>>) target(%dma_start3A_65 : memref<6160x16xf32, #tpu.memory_space<vmem_shared>>) target_semaphore(%run_scoped3A : memref<!tpu.dma_semaphore, #tpu.memory_space<semaphore_mem>>)
          %dma_wait3A = arith.constant 93840 : i32
          %dma_wait3A_69 = arith.constant 0 : i32
          %dma_wait3A_70 = tpu.memref_slice %arg16[%dma_wait3A, %dma_wait3A_69] : memref<100008x16xf32, #tpu.memory_space<vmem_shared>> -> memref<6160x16xf32, #tpu.memory_space<vmem_shared>>
          %dma_wait3A_71 = arith.constant 93840 : i32
          %dma_wait3A_72 = arith.constant 0 : i32
          %dma_wait3A_73 = tpu.memref_slice %arg11[%dma_wait3A_71, %dma_wait3A_72] : memref<100000x16xf32, #tpu.memory_space<hbm>> -> memref<6160x16xf32, #tpu.memory_space<hbm>>
          tpu.wait_dma2 semaphore(%run_scoped3A : memref<!tpu.dma_semaphore, #tpu.memory_space<semaphore_mem>>) src(%dma_wait3A_73 : memref<6160x16xf32, #tpu.memory_space<hbm>>) dst(%dma_wait3A_70 : memref<6160x16xf32, #tpu.memory_space<vmem_shared>>)
          tpu.yield
        }) : () -> ()
      } else {
      }
      %barrier3A = arith.constant 0 : index
      tpu.barrier barrier_id(%barrier3A)
      %scan3A = arith.constant 0 : i32
      %scan3A_47 = arith.constant 0 : i32
      %scan3A_48 = arith.constant 98 : i32
      %scan3A_49 = arith.addi %scan3A_47, %scan3A_48 : i32
      %scan3A_50 = arith.constant 1 : i32
      scf.for %scan3A_64 = %scan3A_47 to %scan3A_49 step %scan3A_50  : i32 {
        %mul3A_65 = arith.constant 100352 : i32
        %mul3A_66 = arith.muli %arg1, %mul3A_65 : i32
        %mul3A_67 = arith.constant 1024 : i32
        %mul3A_68 = arith.muli %scan3A_64, %mul3A_67 : i32
        %add3A = arith.addi %mul3A_66, %mul3A_68 : i32
        "tpu.region"() ({
          %run_scoped3A = tpu.sem_alloc : memref<!tpu.dma_semaphore, #tpu.memory_space<semaphore_mem>>
          %dma_start3A_73 = tpu.memref_slice %arg2[%add3A] : memref<1605632xi32, #tpu.memory_space<hbm>> -> memref<1024xi32, #tpu.memory_space<hbm>>
          %dma_start3A_74 = tpu.memref_slice %arg2[%add3A] : memref<1605632xi32, #tpu.memory_space<hbm>> -> memref<1024xi32, #tpu.memory_space<hbm>>
          tpu.enqueue_dma source(%dma_start3A_74 : memref<1024xi32, #tpu.memory_space<hbm>>) target(%arg13 : memref<1024xi32, #tpu.memory_space<vmem>>) target_semaphore(%run_scoped3A : memref<!tpu.dma_semaphore, #tpu.memory_space<semaphore_mem>>)
          %dma_wait3A_75 = tpu.memref_slice %arg2[%add3A] : memref<1605632xi32, #tpu.memory_space<hbm>> -> memref<1024xi32, #tpu.memory_space<hbm>>
          %dma_wait3A_76 = tpu.memref_slice %arg2[%add3A] : memref<1605632xi32, #tpu.memory_space<hbm>> -> memref<1024xi32, #tpu.memory_space<hbm>>
          tpu.wait_dma2 semaphore(%run_scoped3A : memref<!tpu.dma_semaphore, #tpu.memory_space<semaphore_mem>>) src(%dma_wait3A_76 : memref<1024xi32, #tpu.memory_space<hbm>>) dst(%arg13 : memref<1024xi32, #tpu.memory_space<vmem>>)
          tpu.yield
        }) : () -> ()
        "tpu.region"() ({
          %run_scoped3A = tpu.sem_alloc : memref<!tpu.dma_semaphore, #tpu.memory_space<semaphore_mem>>
          %dma_start3A_73 = tpu.memref_slice %arg3[%add3A] : memref<1605632xi32, #tpu.memory_space<hbm>> -> memref<1024xi32, #tpu.memory_space<hbm>>
          %dma_start3A_74 = tpu.memref_slice %arg3[%add3A] : memref<1605632xi32, #tpu.memory_space<hbm>> -> memref<1024xi32, #tpu.memory_space<hbm>>
          tpu.enqueue_dma source(%dma_start3A_74 : memref<1024xi32, #tpu.memory_space<hbm>>) target(%arg14 : memref<1024xi32, #tpu.memory_space<vmem>>) target_semaphore(%run_scoped3A : memref<!tpu.dma_semaphore, #tpu.memory_space<semaphore_mem>>)
          %dma_wait3A_75 = tpu.memref_slice %arg3[%add3A] : memref<1605632xi32, #tpu.memory_space<hbm>> -> memref<1024xi32, #tpu.memory_space<hbm>>
          %dma_wait3A_76 = tpu.memref_slice %arg3[%add3A] : memref<1605632xi32, #tpu.memory_space<hbm>> -> memref<1024xi32, #tpu.memory_space<hbm>>
          tpu.wait_dma2 semaphore(%run_scoped3A : memref<!tpu.dma_semaphore, #tpu.memory_space<semaphore_mem>>) src(%dma_wait3A_76 : memref<1024xi32, #tpu.memory_space<hbm>>) dst(%arg14 : memref<1024xi32, #tpu.memory_space<vmem>>)
          tpu.yield
        }) : () -> ()
        %dma_start3A = arith.constant 0 : i32
        %dma_start3A_69 = arith.constant 0 : i32
        %dma_start3A_70 = tpu.memref_slice %arg11[%dma_start3A, %dma_start3A_69] : memref<100000x16xf32, #tpu.memory_space<hbm>> -> memref<100000x16xf32, #tpu.memory_space<hbm>>
        tpu.enqueue_indirect_dma source(%dma_start3A_70 : memref<100000x16xf32, #tpu.memory_space<hbm>>) target(%arg15 : memref<1024x16xf32, #tpu.memory_space<vmem>>) offsets(%arg13 : memref<1024xi32, #tpu.memory_space<vmem>>) semaphore(%arg17 : memref<!tpu.dma_semaphore, #tpu.memory_space<semaphore_mem>>)
        %dma_wait3A = arith.constant 0 : i32
        %dma_wait3A_71 = arith.constant 0 : i32
        %dma_wait3A_72 = tpu.memref_slice %arg11[%dma_wait3A, %dma_wait3A_71] : memref<100000x16xf32, #tpu.memory_space<hbm>> -> memref<100000x16xf32, #tpu.memory_space<hbm>>
        tpu.wait_indirect_dma semaphore(%arg17 : memref<!tpu.dma_semaphore, #tpu.memory_space<semaphore_mem>>) src(%dma_wait3A_72 : memref<100000x16xf32, #tpu.memory_space<hbm>>) dst(%arg15 : memref<1024x16xf32, #tpu.memory_space<vmem>>)
        "tpu.region"() ({
          %run_scoped3A = tpu.sem_alloc : memref<!tpu.dma_semaphore, #tpu.memory_space<semaphore_mem>>
          %dma_start3A_73 = arith.constant 0 : i32
          %dma_start3A_74 = arith.constant 0 : i32
          %dma_start3A_75 = tpu.memref_slice %arg16[%dma_start3A_73, %dma_start3A_74] : memref<100008x16xf32, #tpu.memory_space<vmem_shared>> -> memref<100008x16xf32, #tpu.memory_space<vmem_shared>>
          tpu.enqueue_indirect_dma source(%arg15 : memref<1024x16xf32, #tpu.memory_space<vmem>>) target(%dma_start3A_75 : memref<100008x16xf32, #tpu.memory_space<vmem_shared>>) offsets(%arg14 : memref<1024xi32, #tpu.memory_space<vmem>>) semaphore(%run_scoped3A : memref<!tpu.dma_semaphore, #tpu.memory_space<semaphore_mem>>) {add = true}
          %dma_wait3A_76 = arith.constant 0 : i32
          %dma_wait3A_77 = arith.constant 0 : i32
          %dma_wait3A_78 = tpu.memref_slice %arg16[%dma_wait3A_76, %dma_wait3A_77] : memref<100008x16xf32, #tpu.memory_space<vmem_shared>> -> memref<100008x16xf32, #tpu.memory_space<vmem_shared>>
          tpu.wait_indirect_dma semaphore(%run_scoped3A : memref<!tpu.dma_semaphore, #tpu.memory_space<semaphore_mem>>) src(%arg15 : memref<1024x16xf32, #tpu.memory_space<vmem>>) dst(%dma_wait3A_78 : memref<100008x16xf32, #tpu.memory_space<vmem_shared>>)
          tpu.yield
        }) : () -> ()
      }
      %scan3A_51 = arith.constant 98 : i32
      %barrier3A_52 = arith.constant 0 : index
      tpu.barrier barrier_id(%barrier3A_52)
      %lt3A_53 = arith.constant 15 : i32
      %lt3A_54 = arith.cmpi slt, %arg1, %lt3A_53 : i32
      %convert_element_type3A_55 = arith.extui %lt3A_54 : i1 to i32
      %cond3A_56 = arith.constant 0 : i32
      %cond3A_57 = arith.cmpi ne, %convert_element_type3A_55, %cond3A_56 : i32
      scf.if %cond3A_57 {
        %run_scoped3A = arith.constant 7 : i32
        "tpu.region"() ({
          %run_scoped3A_64 = tpu.sem_alloc : memref<!tpu.dma_semaphore, #tpu.memory_space<semaphore_mem>>
          %dma_start3A = arith.constant 0 : i32
          %dma_start3A_65 = tpu.memref_slice %arg12[%run_scoped3A, %mul3A_37, %dma_start3A] : memref<8x100000x16xf32, #tpu.memory_space<hbm>> -> memref<1x6256x16xf32, #tpu.memory_space<hbm>>
          %dma_start3A_66 = tpu.memref_squeeze %dma_start3A_65 : memref<1x6256x16xf32, #tpu.memory_space<hbm>> -> memref<6256x16xf32, #tpu.memory_space<hbm>>
          %dma_start3A_67 = arith.constant 0 : i32
          %dma_start3A_68 = tpu.memref_slice %arg16[%mul3A_37, %dma_start3A_67] : memref<100008x16xf32, #tpu.memory_space<vmem_shared>> -> memref<6256x16xf32, #tpu.memory_space<vmem_shared>>
          tpu.enqueue_dma source(%dma_start3A_68 : memref<6256x16xf32, #tpu.memory_space<vmem_shared>>) target(%dma_start3A_66 : memref<6256x16xf32, #tpu.memory_space<hbm>>) target_semaphore(%run_scoped3A_64 : memref<!tpu.dma_semaphore, #tpu.memory_space<semaphore_mem>>)
          %dma_wait3A = arith.constant 0 : i32
          %dma_wait3A_69 = tpu.memref_slice %arg12[%run_scoped3A, %mul3A_37, %dma_wait3A] : memref<8x100000x16xf32, #tpu.memory_space<hbm>> -> memref<1x6256x16xf32, #tpu.memory_space<hbm>>
          %dma_wait3A_70 = tpu.memref_squeeze %dma_wait3A_69 : memref<1x6256x16xf32, #tpu.memory_space<hbm>> -> memref<6256x16xf32, #tpu.memory_space<hbm>>
          %dma_wait3A_71 = arith.constant 0 : i32
          %dma_wait3A_72 = tpu.memref_slice %arg16[%mul3A_37, %dma_wait3A_71] : memref<100008x16xf32, #tpu.memory_space<vmem_shared>> -> memref<6256x16xf32, #tpu.memory_space<vmem_shared>>
          tpu.wait_dma2 semaphore(%run_scoped3A_64 : memref<!tpu.dma_semaphore, #tpu.memory_space<semaphore_mem>>) src(%dma_wait3A_72 : memref<6256x16xf32, #tpu.memory_space<vmem_shared>>) dst(%dma_wait3A_70 : memref<6256x16xf32, #tpu.memory_space<hbm>>)
          tpu.yield
        }) : () -> ()
      } else {
      }
      %eq3A_58 = arith.constant 15 : i32
      %eq3A_59 = arith.cmpi eq, %arg1, %eq3A_58 : i32
      %convert_element_type3A_60 = arith.extui %eq3A_59 : i1 to i32
      %cond3A_61 = arith.constant 0 : i32
      %cond3A_62 = arith.cmpi ne, %convert_element_type3A_60, %cond3A_61 : i32
      scf.if %cond3A_62 {
        %run_scoped3A = arith.constant 7 : i32
        "tpu.region"() ({
          %run_scoped3A_64 = tpu.sem_alloc : memref<!tpu.dma_semaphore, #tpu.memory_space<semaphore_mem>>
          %dma_start3A = arith.constant 93840 : i32
          %dma_start3A_65 = arith.constant 0 : i32
          %dma_start3A_66 = tpu.memref_slice %arg12[%run_scoped3A, %dma_start3A, %dma_start3A_65] : memref<8x100000x16xf32, #tpu.memory_space<hbm>> -> memref<1x6160x16xf32, #tpu.memory_space<hbm>>
          %dma_start3A_67 = tpu.memref_squeeze %dma_start3A_66 : memref<1x6160x16xf32, #tpu.memory_space<hbm>> -> memref<6160x16xf32, #tpu.memory_space<hbm>>
          %dma_start3A_68 = arith.constant 93840 : i32
          %dma_start3A_69 = arith.constant 0 : i32
          %dma_start3A_70 = tpu.memref_slice %arg16[%dma_start3A_68, %dma_start3A_69] : memref<100008x16xf32, #tpu.memory_space<vmem_shared>> -> memref<6160x16xf32, #tpu.memory_space<vmem_shared>>
          tpu.enqueue_dma source(%dma_start3A_70 : memref<6160x16xf32, #tpu.memory_space<vmem_shared>>) target(%dma_start3A_67 : memref<6160x16xf32, #tpu.memory_space<hbm>>) target_semaphore(%run_scoped3A_64 : memref<!tpu.dma_semaphore, #tpu.memory_space<semaphore_mem>>)
          %dma_wait3A = arith.constant 93840 : i32
          %dma_wait3A_71 = arith.constant 0 : i32
          %dma_wait3A_72 = tpu.memref_slice %arg12[%run_scoped3A, %dma_wait3A, %dma_wait3A_71] : memref<8x100000x16xf32, #tpu.memory_space<hbm>> -> memref<1x6160x16xf32, #tpu.memory_space<hbm>>
          %dma_wait3A_73 = tpu.memref_squeeze %dma_wait3A_72 : memref<1x6160x16xf32, #tpu.memory_space<hbm>> -> memref<6160x16xf32, #tpu.memory_space<hbm>>
          %dma_wait3A_74 = arith.constant 93840 : i32
          %dma_wait3A_75 = arith.constant 0 : i32
          %dma_wait3A_76 = tpu.memref_slice %arg16[%dma_wait3A_74, %dma_wait3A_75] : memref<100008x16xf32, #tpu.memory_space<vmem_shared>> -> memref<6160x16xf32, #tpu.memory_space<vmem_shared>>
          tpu.wait_dma2 semaphore(%run_scoped3A_64 : memref<!tpu.dma_semaphore, #tpu.memory_space<semaphore_mem>>) src(%dma_wait3A_76 : memref<6160x16xf32, #tpu.memory_space<vmem_shared>>) dst(%dma_wait3A_73 : memref<6160x16xf32, #tpu.memory_space<hbm>>)
          tpu.yield
        }) : () -> ()
      } else {
      }
      %barrier3A_63 = arith.constant 0 : index
      tpu.barrier barrier_id(%barrier3A_63)
    } else {
    }
    return
  }
}

#map = affine_map<(d0, d1) -> (0)>
#map1 = affine_map<(d0, d1) -> (0, 0)>
#map2 = affine_map<(d0, d1) -> (0, 0, 0)>
module attributes {stable_mosaic.version = 14 : i64} {
  func.func @_sc_body2(%arg0: i32, %arg1: i32, %arg2: memref<1605632xi32, #tpu.memory_space<hbm>>, %arg3: memref<1605632xi32, #tpu.memory_space<hbm>>, %arg4: memref<100000x16xf32, #tpu.memory_space<hbm>>, %arg5: memref<100000x16xf32, #tpu.memory_space<hbm>>, %arg6: memref<2x100000x16xf32, #tpu.memory_space<hbm>>, %arg7: memref<1024xi32, #tpu.memory_space<vmem>>, %arg8: memref<1024xi32, #tpu.memory_space<vmem>>, %arg9: memref<1024x16xf32, #tpu.memory_space<vmem>>, %arg10: memref<100008x16xf32, #tpu.memory_space<vmem_shared>>, %arg11: memref<!tpu.dma_semaphore, #tpu.memory_space<semaphore_mem>>) attributes {dimension_semantics = [#tpu.dimension_semantics<core_parallel>, #tpu.dimension_semantics<subcore_parallel>], iteration_bounds = array<i64: 2, 16>, scalar_prefetch = 0 : i64, scratch_operands = 5 : i64, tpu.core_type = #tpu.core_type<sc_vector_subcore>, window_params = [{transform_indices = #map}, {transform_indices = #map}, {transform_indices = #map1}, {transform_indices = #map1}, {transform_indices = #map2}]} {
    %eq3A = arith.constant 0 : i32
    %eq3A_0 = arith.cmpi eq, %arg0, %eq3A : i32
    %convert_element_type3A = arith.extui %eq3A_0 : i1 to i32
    %cond3A = arith.constant 0 : i32
    %cond3A_1 = arith.cmpi ne, %convert_element_type3A, %cond3A : i32
    scf.if %cond3A_1 {
      %mul3A = arith.constant 6256 : i32
      %mul3A_7 = arith.muli %arg1, %mul3A : i32
      %lt3A = arith.constant 15 : i32
      %lt3A_8 = arith.cmpi slt, %arg1, %lt3A : i32
      %convert_element_type3A_9 = arith.extui %lt3A_8 : i1 to i32
      %cond3A_10 = arith.constant 0 : i32
      %cond3A_11 = arith.cmpi ne, %convert_element_type3A_9, %cond3A_10 : i32
      scf.if %cond3A_11 {
        "tpu.region"() ({
          %run_scoped3A = tpu.sem_alloc : memref<!tpu.dma_semaphore, #tpu.memory_space<semaphore_mem>>
          %dma_start3A = arith.constant 0 : i32
          %dma_start3A_34 = tpu.memref_slice %arg10[%mul3A_7, %dma_start3A] : memref<100008x16xf32, #tpu.memory_space<vmem_shared>> -> memref<6256x16xf32, #tpu.memory_space<vmem_shared>>
          %dma_start3A_35 = arith.constant 0 : i32
          %dma_start3A_36 = tpu.memref_slice %arg4[%mul3A_7, %dma_start3A_35] : memref<100000x16xf32, #tpu.memory_space<hbm>> -> memref<6256x16xf32, #tpu.memory_space<hbm>>
          tpu.enqueue_dma source(%dma_start3A_36 : memref<6256x16xf32, #tpu.memory_space<hbm>>) target(%dma_start3A_34 : memref<6256x16xf32, #tpu.memory_space<vmem_shared>>) target_semaphore(%run_scoped3A : memref<!tpu.dma_semaphore, #tpu.memory_space<semaphore_mem>>)
          %dma_wait3A = arith.constant 0 : i32
          %dma_wait3A_37 = tpu.memref_slice %arg10[%mul3A_7, %dma_wait3A] : memref<100008x16xf32, #tpu.memory_space<vmem_shared>> -> memref<6256x16xf32, #tpu.memory_space<vmem_shared>>
          %dma_wait3A_38 = arith.constant 0 : i32
          %dma_wait3A_39 = tpu.memref_slice %arg4[%mul3A_7, %dma_wait3A_38] : memref<100000x16xf32, #tpu.memory_space<hbm>> -> memref<6256x16xf32, #tpu.memory_space<hbm>>
          tpu.wait_dma2 semaphore(%run_scoped3A : memref<!tpu.dma_semaphore, #tpu.memory_space<semaphore_mem>>) src(%dma_wait3A_39 : memref<6256x16xf32, #tpu.memory_space<hbm>>) dst(%dma_wait3A_37 : memref<6256x16xf32, #tpu.memory_space<vmem_shared>>)
          tpu.yield
        }) : () -> ()
      } else {
      }
      %eq3A_12 = arith.constant 15 : i32
      %eq3A_13 = arith.cmpi eq, %arg1, %eq3A_12 : i32
      %convert_element_type3A_14 = arith.extui %eq3A_13 : i1 to i32
      %cond3A_15 = arith.constant 0 : i32
      %cond3A_16 = arith.cmpi ne, %convert_element_type3A_14, %cond3A_15 : i32
      scf.if %cond3A_16 {
        "tpu.region"() ({
          %run_scoped3A = tpu.sem_alloc : memref<!tpu.dma_semaphore, #tpu.memory_space<semaphore_mem>>
          %dma_start3A = arith.constant 93840 : i32
          %dma_start3A_34 = arith.constant 0 : i32
          %dma_start3A_35 = tpu.memref_slice %arg10[%dma_start3A, %dma_start3A_34] : memref<100008x16xf32, #tpu.memory_space<vmem_shared>> -> memref<6160x16xf32, #tpu.memory_space<vmem_shared>>
          %dma_start3A_36 = arith.constant 93840 : i32
          %dma_start3A_37 = arith.constant 0 : i32
          %dma_start3A_38 = tpu.memref_slice %arg4[%dma_start3A_36, %dma_start3A_37] : memref<100000x16xf32, #tpu.memory_space<hbm>> -> memref<6160x16xf32, #tpu.memory_space<hbm>>
          tpu.enqueue_dma source(%dma_start3A_38 : memref<6160x16xf32, #tpu.memory_space<hbm>>) target(%dma_start3A_35 : memref<6160x16xf32, #tpu.memory_space<vmem_shared>>) target_semaphore(%run_scoped3A : memref<!tpu.dma_semaphore, #tpu.memory_space<semaphore_mem>>)
          %dma_wait3A = arith.constant 93840 : i32
          %dma_wait3A_39 = arith.constant 0 : i32
          %dma_wait3A_40 = tpu.memref_slice %arg10[%dma_wait3A, %dma_wait3A_39] : memref<100008x16xf32, #tpu.memory_space<vmem_shared>> -> memref<6160x16xf32, #tpu.memory_space<vmem_shared>>
          %dma_wait3A_41 = arith.constant 93840 : i32
          %dma_wait3A_42 = arith.constant 0 : i32
          %dma_wait3A_43 = tpu.memref_slice %arg4[%dma_wait3A_41, %dma_wait3A_42] : memref<100000x16xf32, #tpu.memory_space<hbm>> -> memref<6160x16xf32, #tpu.memory_space<hbm>>
          tpu.wait_dma2 semaphore(%run_scoped3A : memref<!tpu.dma_semaphore, #tpu.memory_space<semaphore_mem>>) src(%dma_wait3A_43 : memref<6160x16xf32, #tpu.memory_space<hbm>>) dst(%dma_wait3A_40 : memref<6160x16xf32, #tpu.memory_space<vmem_shared>>)
          tpu.yield
        }) : () -> ()
      } else {
      }
      %barrier3A = arith.constant 0 : index
      tpu.barrier barrier_id(%barrier3A)
      %scan3A = arith.constant 0 : i32
      %scan3A_17 = arith.constant 0 : i32
      %scan3A_18 = arith.constant 98 : i32
      %scan3A_19 = arith.addi %scan3A_17, %scan3A_18 : i32
      %scan3A_20 = arith.constant 1 : i32
      scf.for %scan3A_34 = %scan3A_17 to %scan3A_19 step %scan3A_20  : i32 {
        %mul3A_35 = arith.constant 100352 : i32
        %mul3A_36 = arith.muli %arg1, %mul3A_35 : i32
        %mul3A_37 = arith.constant 1024 : i32
        %mul3A_38 = arith.muli %scan3A_34, %mul3A_37 : i32
        %add3A = arith.addi %mul3A_36, %mul3A_38 : i32
        "tpu.region"() ({
          %run_scoped3A = tpu.sem_alloc : memref<!tpu.dma_semaphore, #tpu.memory_space<semaphore_mem>>
          %dma_start3A_43 = tpu.memref_slice %arg2[%add3A] : memref<1605632xi32, #tpu.memory_space<hbm>> -> memref<1024xi32, #tpu.memory_space<hbm>>
          %dma_start3A_44 = tpu.memref_slice %arg2[%add3A] : memref<1605632xi32, #tpu.memory_space<hbm>> -> memref<1024xi32, #tpu.memory_space<hbm>>
          tpu.enqueue_dma source(%dma_start3A_44 : memref<1024xi32, #tpu.memory_space<hbm>>) target(%arg7 : memref<1024xi32, #tpu.memory_space<vmem>>) target_semaphore(%run_scoped3A : memref<!tpu.dma_semaphore, #tpu.memory_space<semaphore_mem>>)
          %dma_wait3A_45 = tpu.memref_slice %arg2[%add3A] : memref<1605632xi32, #tpu.memory_space<hbm>> -> memref<1024xi32, #tpu.memory_space<hbm>>
          %dma_wait3A_46 = tpu.memref_slice %arg2[%add3A] : memref<1605632xi32, #tpu.memory_space<hbm>> -> memref<1024xi32, #tpu.memory_space<hbm>>
          tpu.wait_dma2 semaphore(%run_scoped3A : memref<!tpu.dma_semaphore, #tpu.memory_space<semaphore_mem>>) src(%dma_wait3A_46 : memref<1024xi32, #tpu.memory_space<hbm>>) dst(%arg7 : memref<1024xi32, #tpu.memory_space<vmem>>)
          tpu.yield
        }) : () -> ()
        "tpu.region"() ({
          %run_scoped3A = tpu.sem_alloc : memref<!tpu.dma_semaphore, #tpu.memory_space<semaphore_mem>>
          %dma_start3A_43 = tpu.memref_slice %arg3[%add3A] : memref<1605632xi32, #tpu.memory_space<hbm>> -> memref<1024xi32, #tpu.memory_space<hbm>>
          %dma_start3A_44 = tpu.memref_slice %arg3[%add3A] : memref<1605632xi32, #tpu.memory_space<hbm>> -> memref<1024xi32, #tpu.memory_space<hbm>>
          tpu.enqueue_dma source(%dma_start3A_44 : memref<1024xi32, #tpu.memory_space<hbm>>) target(%arg8 : memref<1024xi32, #tpu.memory_space<vmem>>) target_semaphore(%run_scoped3A : memref<!tpu.dma_semaphore, #tpu.memory_space<semaphore_mem>>)
          %dma_wait3A_45 = tpu.memref_slice %arg3[%add3A] : memref<1605632xi32, #tpu.memory_space<hbm>> -> memref<1024xi32, #tpu.memory_space<hbm>>
          %dma_wait3A_46 = tpu.memref_slice %arg3[%add3A] : memref<1605632xi32, #tpu.memory_space<hbm>> -> memref<1024xi32, #tpu.memory_space<hbm>>
          tpu.wait_dma2 semaphore(%run_scoped3A : memref<!tpu.dma_semaphore, #tpu.memory_space<semaphore_mem>>) src(%dma_wait3A_46 : memref<1024xi32, #tpu.memory_space<hbm>>) dst(%arg8 : memref<1024xi32, #tpu.memory_space<vmem>>)
          tpu.yield
        }) : () -> ()
        %dma_start3A = arith.constant 0 : i32
        %dma_start3A_39 = arith.constant 0 : i32
        %dma_start3A_40 = tpu.memref_slice %arg4[%dma_start3A, %dma_start3A_39] : memref<100000x16xf32, #tpu.memory_space<hbm>> -> memref<100000x16xf32, #tpu.memory_space<hbm>>
        tpu.enqueue_indirect_dma source(%dma_start3A_40 : memref<100000x16xf32, #tpu.memory_space<hbm>>) target(%arg9 : memref<1024x16xf32, #tpu.memory_space<vmem>>) offsets(%arg7 : memref<1024xi32, #tpu.memory_space<vmem>>) semaphore(%arg11 : memref<!tpu.dma_semaphore, #tpu.memory_space<semaphore_mem>>)
        %dma_wait3A = arith.constant 0 : i32
        %dma_wait3A_41 = arith.constant 0 : i32
        %dma_wait3A_42 = tpu.memref_slice %arg4[%dma_wait3A, %dma_wait3A_41] : memref<100000x16xf32, #tpu.memory_space<hbm>> -> memref<100000x16xf32, #tpu.memory_space<hbm>>
        tpu.wait_indirect_dma semaphore(%arg11 : memref<!tpu.dma_semaphore, #tpu.memory_space<semaphore_mem>>) src(%dma_wait3A_42 : memref<100000x16xf32, #tpu.memory_space<hbm>>) dst(%arg9 : memref<1024x16xf32, #tpu.memory_space<vmem>>)
        "tpu.region"() ({
          %run_scoped3A = tpu.sem_alloc : memref<!tpu.dma_semaphore, #tpu.memory_space<semaphore_mem>>
          %dma_start3A_43 = arith.constant 0 : i32
          %dma_start3A_44 = arith.constant 0 : i32
          %dma_start3A_45 = tpu.memref_slice %arg10[%dma_start3A_43, %dma_start3A_44] : memref<100008x16xf32, #tpu.memory_space<vmem_shared>> -> memref<100008x16xf32, #tpu.memory_space<vmem_shared>>
          tpu.enqueue_indirect_dma source(%arg9 : memref<1024x16xf32, #tpu.memory_space<vmem>>) target(%dma_start3A_45 : memref<100008x16xf32, #tpu.memory_space<vmem_shared>>) offsets(%arg8 : memref<1024xi32, #tpu.memory_space<vmem>>) semaphore(%run_scoped3A : memref<!tpu.dma_semaphore, #tpu.memory_space<semaphore_mem>>) {add = true}
          %dma_wait3A_46 = arith.constant 0 : i32
          %dma_wait3A_47 = arith.constant 0 : i32
          %dma_wait3A_48 = tpu.memref_slice %arg10[%dma_wait3A_46, %dma_wait3A_47] : memref<100008x16xf32, #tpu.memory_space<vmem_shared>> -> memref<100008x16xf32, #tpu.memory_space<vmem_shared>>
          tpu.wait_indirect_dma semaphore(%run_scoped3A : memref<!tpu.dma_semaphore, #tpu.memory_space<semaphore_mem>>) src(%arg9 : memref<1024x16xf32, #tpu.memory_space<vmem>>) dst(%dma_wait3A_48 : memref<100008x16xf32, #tpu.memory_space<vmem_shared>>)
          tpu.yield
        }) : () -> ()
      }
      %scan3A_21 = arith.constant 98 : i32
      %barrier3A_22 = arith.constant 0 : index
      tpu.barrier barrier_id(%barrier3A_22)
      %lt3A_23 = arith.constant 15 : i32
      %lt3A_24 = arith.cmpi slt, %arg1, %lt3A_23 : i32
      %convert_element_type3A_25 = arith.extui %lt3A_24 : i1 to i32
      %cond3A_26 = arith.constant 0 : i32
      %cond3A_27 = arith.cmpi ne, %convert_element_type3A_25, %cond3A_26 : i32
      scf.if %cond3A_27 {
        %run_scoped3A = arith.constant 0 : i32
        "tpu.region"() ({
          %run_scoped3A_34 = tpu.sem_alloc : memref<!tpu.dma_semaphore, #tpu.memory_space<semaphore_mem>>
          %dma_start3A = arith.constant 0 : i32
          %dma_start3A_35 = tpu.memref_slice %arg6[%run_scoped3A, %mul3A_7, %dma_start3A] : memref<2x100000x16xf32, #tpu.memory_space<hbm>> -> memref<1x6256x16xf32, #tpu.memory_space<hbm>>
          %dma_start3A_36 = tpu.memref_squeeze %dma_start3A_35 : memref<1x6256x16xf32, #tpu.memory_space<hbm>> -> memref<6256x16xf32, #tpu.memory_space<hbm>>
          %dma_start3A_37 = arith.constant 0 : i32
          %dma_start3A_38 = tpu.memref_slice %arg10[%mul3A_7, %dma_start3A_37] : memref<100008x16xf32, #tpu.memory_space<vmem_shared>> -> memref<6256x16xf32, #tpu.memory_space<vmem_shared>>
          tpu.enqueue_dma source(%dma_start3A_38 : memref<6256x16xf32, #tpu.memory_space<vmem_shared>>) target(%dma_start3A_36 : memref<6256x16xf32, #tpu.memory_space<hbm>>) target_semaphore(%run_scoped3A_34 : memref<!tpu.dma_semaphore, #tpu.memory_space<semaphore_mem>>)
          %dma_wait3A = arith.constant 0 : i32
          %dma_wait3A_39 = tpu.memref_slice %arg6[%run_scoped3A, %mul3A_7, %dma_wait3A] : memref<2x100000x16xf32, #tpu.memory_space<hbm>> -> memref<1x6256x16xf32, #tpu.memory_space<hbm>>
          %dma_wait3A_40 = tpu.memref_squeeze %dma_wait3A_39 : memref<1x6256x16xf32, #tpu.memory_space<hbm>> -> memref<6256x16xf32, #tpu.memory_space<hbm>>
          %dma_wait3A_41 = arith.constant 0 : i32
          %dma_wait3A_42 = tpu.memref_slice %arg10[%mul3A_7, %dma_wait3A_41] : memref<100008x16xf32, #tpu.memory_space<vmem_shared>> -> memref<6256x16xf32, #tpu.memory_space<vmem_shared>>
          tpu.wait_dma2 semaphore(%run_scoped3A_34 : memref<!tpu.dma_semaphore, #tpu.memory_space<semaphore_mem>>) src(%dma_wait3A_42 : memref<6256x16xf32, #tpu.memory_space<vmem_shared>>) dst(%dma_wait3A_40 : memref<6256x16xf32, #tpu.memory_space<hbm>>)
          tpu.yield
        }) : () -> ()
      } else {
      }
      %eq3A_28 = arith.constant 15 : i32
      %eq3A_29 = arith.cmpi eq, %arg1, %eq3A_28 : i32
      %convert_element_type3A_30 = arith.extui %eq3A_29 : i1 to i32
      %cond3A_31 = arith.constant 0 : i32
      %cond3A_32 = arith.cmpi ne, %convert_element_type3A_30, %cond3A_31 : i32
      scf.if %cond3A_32 {
        %run_scoped3A = arith.constant 0 : i32
        "tpu.region"() ({
          %run_scoped3A_34 = tpu.sem_alloc : memref<!tpu.dma_semaphore, #tpu.memory_space<semaphore_mem>>
          %dma_start3A = arith.constant 93840 : i32
          %dma_start3A_35 = arith.constant 0 : i32
          %dma_start3A_36 = tpu.memref_slice %arg6[%run_scoped3A, %dma_start3A, %dma_start3A_35] : memref<2x100000x16xf32, #tpu.memory_space<hbm>> -> memref<1x6160x16xf32, #tpu.memory_space<hbm>>
          %dma_start3A_37 = tpu.memref_squeeze %dma_start3A_36 : memref<1x6160x16xf32, #tpu.memory_space<hbm>> -> memref<6160x16xf32, #tpu.memory_space<hbm>>
          %dma_start3A_38 = arith.constant 93840 : i32
          %dma_start3A_39 = arith.constant 0 : i32
          %dma_start3A_40 = tpu.memref_slice %arg10[%dma_start3A_38, %dma_start3A_39] : memref<100008x16xf32, #tpu.memory_space<vmem_shared>> -> memref<6160x16xf32, #tpu.memory_space<vmem_shared>>
          tpu.enqueue_dma source(%dma_start3A_40 : memref<6160x16xf32, #tpu.memory_space<vmem_shared>>) target(%dma_start3A_37 : memref<6160x16xf32, #tpu.memory_space<hbm>>) target_semaphore(%run_scoped3A_34 : memref<!tpu.dma_semaphore, #tpu.memory_space<semaphore_mem>>)
          %dma_wait3A = arith.constant 93840 : i32
          %dma_wait3A_41 = arith.constant 0 : i32
          %dma_wait3A_42 = tpu.memref_slice %arg6[%run_scoped3A, %dma_wait3A, %dma_wait3A_41] : memref<2x100000x16xf32, #tpu.memory_space<hbm>> -> memref<1x6160x16xf32, #tpu.memory_space<hbm>>
          %dma_wait3A_43 = tpu.memref_squeeze %dma_wait3A_42 : memref<1x6160x16xf32, #tpu.memory_space<hbm>> -> memref<6160x16xf32, #tpu.memory_space<hbm>>
          %dma_wait3A_44 = arith.constant 93840 : i32
          %dma_wait3A_45 = arith.constant 0 : i32
          %dma_wait3A_46 = tpu.memref_slice %arg10[%dma_wait3A_44, %dma_wait3A_45] : memref<100008x16xf32, #tpu.memory_space<vmem_shared>> -> memref<6160x16xf32, #tpu.memory_space<vmem_shared>>
          tpu.wait_dma2 semaphore(%run_scoped3A_34 : memref<!tpu.dma_semaphore, #tpu.memory_space<semaphore_mem>>) src(%dma_wait3A_46 : memref<6160x16xf32, #tpu.memory_space<vmem_shared>>) dst(%dma_wait3A_43 : memref<6160x16xf32, #tpu.memory_space<hbm>>)
          tpu.yield
        }) : () -> ()
      } else {
      }
      %barrier3A_33 = arith.constant 0 : index
      tpu.barrier barrier_id(%barrier3A_33)
    } else {
    }
    %eq3A_2 = arith.constant 1 : i32
    %eq3A_3 = arith.cmpi eq, %arg0, %eq3A_2 : i32
    %convert_element_type3A_4 = arith.extui %eq3A_3 : i1 to i32
    %cond3A_5 = arith.constant 0 : i32
    %cond3A_6 = arith.cmpi ne, %convert_element_type3A_4, %cond3A_5 : i32
    scf.if %cond3A_6 {
      %mul3A = arith.constant 6256 : i32
      %mul3A_7 = arith.muli %arg1, %mul3A : i32
      %lt3A = arith.constant 15 : i32
      %lt3A_8 = arith.cmpi slt, %arg1, %lt3A : i32
      %convert_element_type3A_9 = arith.extui %lt3A_8 : i1 to i32
      %cond3A_10 = arith.constant 0 : i32
      %cond3A_11 = arith.cmpi ne, %convert_element_type3A_9, %cond3A_10 : i32
      scf.if %cond3A_11 {
        "tpu.region"() ({
          %run_scoped3A = tpu.sem_alloc : memref<!tpu.dma_semaphore, #tpu.memory_space<semaphore_mem>>
          %dma_start3A = arith.constant 0 : i32
          %dma_start3A_34 = tpu.memref_slice %arg10[%mul3A_7, %dma_start3A] : memref<100008x16xf32, #tpu.memory_space<vmem_shared>> -> memref<6256x16xf32, #tpu.memory_space<vmem_shared>>
          %dma_start3A_35 = arith.constant 0 : i32
          %dma_start3A_36 = tpu.memref_slice %arg5[%mul3A_7, %dma_start3A_35] : memref<100000x16xf32, #tpu.memory_space<hbm>> -> memref<6256x16xf32, #tpu.memory_space<hbm>>
          tpu.enqueue_dma source(%dma_start3A_36 : memref<6256x16xf32, #tpu.memory_space<hbm>>) target(%dma_start3A_34 : memref<6256x16xf32, #tpu.memory_space<vmem_shared>>) target_semaphore(%run_scoped3A : memref<!tpu.dma_semaphore, #tpu.memory_space<semaphore_mem>>)
          %dma_wait3A = arith.constant 0 : i32
          %dma_wait3A_37 = tpu.memref_slice %arg10[%mul3A_7, %dma_wait3A] : memref<100008x16xf32, #tpu.memory_space<vmem_shared>> -> memref<6256x16xf32, #tpu.memory_space<vmem_shared>>
          %dma_wait3A_38 = arith.constant 0 : i32
          %dma_wait3A_39 = tpu.memref_slice %arg5[%mul3A_7, %dma_wait3A_38] : memref<100000x16xf32, #tpu.memory_space<hbm>> -> memref<6256x16xf32, #tpu.memory_space<hbm>>
          tpu.wait_dma2 semaphore(%run_scoped3A : memref<!tpu.dma_semaphore, #tpu.memory_space<semaphore_mem>>) src(%dma_wait3A_39 : memref<6256x16xf32, #tpu.memory_space<hbm>>) dst(%dma_wait3A_37 : memref<6256x16xf32, #tpu.memory_space<vmem_shared>>)
          tpu.yield
        }) : () -> ()
      } else {
      }
      %eq3A_12 = arith.constant 15 : i32
      %eq3A_13 = arith.cmpi eq, %arg1, %eq3A_12 : i32
      %convert_element_type3A_14 = arith.extui %eq3A_13 : i1 to i32
      %cond3A_15 = arith.constant 0 : i32
      %cond3A_16 = arith.cmpi ne, %convert_element_type3A_14, %cond3A_15 : i32
      scf.if %cond3A_16 {
        "tpu.region"() ({
          %run_scoped3A = tpu.sem_alloc : memref<!tpu.dma_semaphore, #tpu.memory_space<semaphore_mem>>
          %dma_start3A = arith.constant 93840 : i32
          %dma_start3A_34 = arith.constant 0 : i32
          %dma_start3A_35 = tpu.memref_slice %arg10[%dma_start3A, %dma_start3A_34] : memref<100008x16xf32, #tpu.memory_space<vmem_shared>> -> memref<6160x16xf32, #tpu.memory_space<vmem_shared>>
          %dma_start3A_36 = arith.constant 93840 : i32
          %dma_start3A_37 = arith.constant 0 : i32
          %dma_start3A_38 = tpu.memref_slice %arg5[%dma_start3A_36, %dma_start3A_37] : memref<100000x16xf32, #tpu.memory_space<hbm>> -> memref<6160x16xf32, #tpu.memory_space<hbm>>
          tpu.enqueue_dma source(%dma_start3A_38 : memref<6160x16xf32, #tpu.memory_space<hbm>>) target(%dma_start3A_35 : memref<6160x16xf32, #tpu.memory_space<vmem_shared>>) target_semaphore(%run_scoped3A : memref<!tpu.dma_semaphore, #tpu.memory_space<semaphore_mem>>)
          %dma_wait3A = arith.constant 93840 : i32
          %dma_wait3A_39 = arith.constant 0 : i32
          %dma_wait3A_40 = tpu.memref_slice %arg10[%dma_wait3A, %dma_wait3A_39] : memref<100008x16xf32, #tpu.memory_space<vmem_shared>> -> memref<6160x16xf32, #tpu.memory_space<vmem_shared>>
          %dma_wait3A_41 = arith.constant 93840 : i32
          %dma_wait3A_42 = arith.constant 0 : i32
          %dma_wait3A_43 = tpu.memref_slice %arg5[%dma_wait3A_41, %dma_wait3A_42] : memref<100000x16xf32, #tpu.memory_space<hbm>> -> memref<6160x16xf32, #tpu.memory_space<hbm>>
          tpu.wait_dma2 semaphore(%run_scoped3A : memref<!tpu.dma_semaphore, #tpu.memory_space<semaphore_mem>>) src(%dma_wait3A_43 : memref<6160x16xf32, #tpu.memory_space<hbm>>) dst(%dma_wait3A_40 : memref<6160x16xf32, #tpu.memory_space<vmem_shared>>)
          tpu.yield
        }) : () -> ()
      } else {
      }
      %barrier3A = arith.constant 0 : index
      tpu.barrier barrier_id(%barrier3A)
      %scan3A = arith.constant 0 : i32
      %scan3A_17 = arith.constant 0 : i32
      %scan3A_18 = arith.constant 98 : i32
      %scan3A_19 = arith.addi %scan3A_17, %scan3A_18 : i32
      %scan3A_20 = arith.constant 1 : i32
      scf.for %scan3A_34 = %scan3A_17 to %scan3A_19 step %scan3A_20  : i32 {
        %mul3A_35 = arith.constant 100352 : i32
        %mul3A_36 = arith.muli %arg1, %mul3A_35 : i32
        %mul3A_37 = arith.constant 1024 : i32
        %mul3A_38 = arith.muli %scan3A_34, %mul3A_37 : i32
        %add3A = arith.addi %mul3A_36, %mul3A_38 : i32
        "tpu.region"() ({
          %run_scoped3A = tpu.sem_alloc : memref<!tpu.dma_semaphore, #tpu.memory_space<semaphore_mem>>
          %dma_start3A_43 = tpu.memref_slice %arg2[%add3A] : memref<1605632xi32, #tpu.memory_space<hbm>> -> memref<1024xi32, #tpu.memory_space<hbm>>
          %dma_start3A_44 = tpu.memref_slice %arg2[%add3A] : memref<1605632xi32, #tpu.memory_space<hbm>> -> memref<1024xi32, #tpu.memory_space<hbm>>
          tpu.enqueue_dma source(%dma_start3A_44 : memref<1024xi32, #tpu.memory_space<hbm>>) target(%arg7 : memref<1024xi32, #tpu.memory_space<vmem>>) target_semaphore(%run_scoped3A : memref<!tpu.dma_semaphore, #tpu.memory_space<semaphore_mem>>)
          %dma_wait3A_45 = tpu.memref_slice %arg2[%add3A] : memref<1605632xi32, #tpu.memory_space<hbm>> -> memref<1024xi32, #tpu.memory_space<hbm>>
          %dma_wait3A_46 = tpu.memref_slice %arg2[%add3A] : memref<1605632xi32, #tpu.memory_space<hbm>> -> memref<1024xi32, #tpu.memory_space<hbm>>
          tpu.wait_dma2 semaphore(%run_scoped3A : memref<!tpu.dma_semaphore, #tpu.memory_space<semaphore_mem>>) src(%dma_wait3A_46 : memref<1024xi32, #tpu.memory_space<hbm>>) dst(%arg7 : memref<1024xi32, #tpu.memory_space<vmem>>)
          tpu.yield
        }) : () -> ()
        "tpu.region"() ({
          %run_scoped3A = tpu.sem_alloc : memref<!tpu.dma_semaphore, #tpu.memory_space<semaphore_mem>>
          %dma_start3A_43 = tpu.memref_slice %arg3[%add3A] : memref<1605632xi32, #tpu.memory_space<hbm>> -> memref<1024xi32, #tpu.memory_space<hbm>>
          %dma_start3A_44 = tpu.memref_slice %arg3[%add3A] : memref<1605632xi32, #tpu.memory_space<hbm>> -> memref<1024xi32, #tpu.memory_space<hbm>>
          tpu.enqueue_dma source(%dma_start3A_44 : memref<1024xi32, #tpu.memory_space<hbm>>) target(%arg8 : memref<1024xi32, #tpu.memory_space<vmem>>) target_semaphore(%run_scoped3A : memref<!tpu.dma_semaphore, #tpu.memory_space<semaphore_mem>>)
          %dma_wait3A_45 = tpu.memref_slice %arg3[%add3A] : memref<1605632xi32, #tpu.memory_space<hbm>> -> memref<1024xi32, #tpu.memory_space<hbm>>
          %dma_wait3A_46 = tpu.memref_slice %arg3[%add3A] : memref<1605632xi32, #tpu.memory_space<hbm>> -> memref<1024xi32, #tpu.memory_space<hbm>>
          tpu.wait_dma2 semaphore(%run_scoped3A : memref<!tpu.dma_semaphore, #tpu.memory_space<semaphore_mem>>) src(%dma_wait3A_46 : memref<1024xi32, #tpu.memory_space<hbm>>) dst(%arg8 : memref<1024xi32, #tpu.memory_space<vmem>>)
          tpu.yield
        }) : () -> ()
        %dma_start3A = arith.constant 0 : i32
        %dma_start3A_39 = arith.constant 0 : i32
        %dma_start3A_40 = tpu.memref_slice %arg5[%dma_start3A, %dma_start3A_39] : memref<100000x16xf32, #tpu.memory_space<hbm>> -> memref<100000x16xf32, #tpu.memory_space<hbm>>
        tpu.enqueue_indirect_dma source(%dma_start3A_40 : memref<100000x16xf32, #tpu.memory_space<hbm>>) target(%arg9 : memref<1024x16xf32, #tpu.memory_space<vmem>>) offsets(%arg7 : memref<1024xi32, #tpu.memory_space<vmem>>) semaphore(%arg11 : memref<!tpu.dma_semaphore, #tpu.memory_space<semaphore_mem>>)
        %dma_wait3A = arith.constant 0 : i32
        %dma_wait3A_41 = arith.constant 0 : i32
        %dma_wait3A_42 = tpu.memref_slice %arg5[%dma_wait3A, %dma_wait3A_41] : memref<100000x16xf32, #tpu.memory_space<hbm>> -> memref<100000x16xf32, #tpu.memory_space<hbm>>
        tpu.wait_indirect_dma semaphore(%arg11 : memref<!tpu.dma_semaphore, #tpu.memory_space<semaphore_mem>>) src(%dma_wait3A_42 : memref<100000x16xf32, #tpu.memory_space<hbm>>) dst(%arg9 : memref<1024x16xf32, #tpu.memory_space<vmem>>)
        "tpu.region"() ({
          %run_scoped3A = tpu.sem_alloc : memref<!tpu.dma_semaphore, #tpu.memory_space<semaphore_mem>>
          %dma_start3A_43 = arith.constant 0 : i32
          %dma_start3A_44 = arith.constant 0 : i32
          %dma_start3A_45 = tpu.memref_slice %arg10[%dma_start3A_43, %dma_start3A_44] : memref<100008x16xf32, #tpu.memory_space<vmem_shared>> -> memref<100008x16xf32, #tpu.memory_space<vmem_shared>>
          tpu.enqueue_indirect_dma source(%arg9 : memref<1024x16xf32, #tpu.memory_space<vmem>>) target(%dma_start3A_45 : memref<100008x16xf32, #tpu.memory_space<vmem_shared>>) offsets(%arg8 : memref<1024xi32, #tpu.memory_space<vmem>>) semaphore(%run_scoped3A : memref<!tpu.dma_semaphore, #tpu.memory_space<semaphore_mem>>) {add = true}
          %dma_wait3A_46 = arith.constant 0 : i32
          %dma_wait3A_47 = arith.constant 0 : i32
          %dma_wait3A_48 = tpu.memref_slice %arg10[%dma_wait3A_46, %dma_wait3A_47] : memref<100008x16xf32, #tpu.memory_space<vmem_shared>> -> memref<100008x16xf32, #tpu.memory_space<vmem_shared>>
          tpu.wait_indirect_dma semaphore(%run_scoped3A : memref<!tpu.dma_semaphore, #tpu.memory_space<semaphore_mem>>) src(%arg9 : memref<1024x16xf32, #tpu.memory_space<vmem>>) dst(%dma_wait3A_48 : memref<100008x16xf32, #tpu.memory_space<vmem_shared>>)
          tpu.yield
        }) : () -> ()
      }
      %scan3A_21 = arith.constant 98 : i32
      %barrier3A_22 = arith.constant 0 : index
      tpu.barrier barrier_id(%barrier3A_22)
      %lt3A_23 = arith.constant 15 : i32
      %lt3A_24 = arith.cmpi slt, %arg1, %lt3A_23 : i32
      %convert_element_type3A_25 = arith.extui %lt3A_24 : i1 to i32
      %cond3A_26 = arith.constant 0 : i32
      %cond3A_27 = arith.cmpi ne, %convert_element_type3A_25, %cond3A_26 : i32
      scf.if %cond3A_27 {
        %run_scoped3A = arith.constant 1 : i32
        "tpu.region"() ({
          %run_scoped3A_34 = tpu.sem_alloc : memref<!tpu.dma_semaphore, #tpu.memory_space<semaphore_mem>>
          %dma_start3A = arith.constant 0 : i32
          %dma_start3A_35 = tpu.memref_slice %arg6[%run_scoped3A, %mul3A_7, %dma_start3A] : memref<2x100000x16xf32, #tpu.memory_space<hbm>> -> memref<1x6256x16xf32, #tpu.memory_space<hbm>>
          %dma_start3A_36 = tpu.memref_squeeze %dma_start3A_35 : memref<1x6256x16xf32, #tpu.memory_space<hbm>> -> memref<6256x16xf32, #tpu.memory_space<hbm>>
          %dma_start3A_37 = arith.constant 0 : i32
          %dma_start3A_38 = tpu.memref_slice %arg10[%mul3A_7, %dma_start3A_37] : memref<100008x16xf32, #tpu.memory_space<vmem_shared>> -> memref<6256x16xf32, #tpu.memory_space<vmem_shared>>
          tpu.enqueue_dma source(%dma_start3A_38 : memref<6256x16xf32, #tpu.memory_space<vmem_shared>>) target(%dma_start3A_36 : memref<6256x16xf32, #tpu.memory_space<hbm>>) target_semaphore(%run_scoped3A_34 : memref<!tpu.dma_semaphore, #tpu.memory_space<semaphore_mem>>)
          %dma_wait3A = arith.constant 0 : i32
          %dma_wait3A_39 = tpu.memref_slice %arg6[%run_scoped3A, %mul3A_7, %dma_wait3A] : memref<2x100000x16xf32, #tpu.memory_space<hbm>> -> memref<1x6256x16xf32, #tpu.memory_space<hbm>>
          %dma_wait3A_40 = tpu.memref_squeeze %dma_wait3A_39 : memref<1x6256x16xf32, #tpu.memory_space<hbm>> -> memref<6256x16xf32, #tpu.memory_space<hbm>>
          %dma_wait3A_41 = arith.constant 0 : i32
          %dma_wait3A_42 = tpu.memref_slice %arg10[%mul3A_7, %dma_wait3A_41] : memref<100008x16xf32, #tpu.memory_space<vmem_shared>> -> memref<6256x16xf32, #tpu.memory_space<vmem_shared>>
          tpu.wait_dma2 semaphore(%run_scoped3A_34 : memref<!tpu.dma_semaphore, #tpu.memory_space<semaphore_mem>>) src(%dma_wait3A_42 : memref<6256x16xf32, #tpu.memory_space<vmem_shared>>) dst(%dma_wait3A_40 : memref<6256x16xf32, #tpu.memory_space<hbm>>)
          tpu.yield
        }) : () -> ()
      } else {
      }
      %eq3A_28 = arith.constant 15 : i32
      %eq3A_29 = arith.cmpi eq, %arg1, %eq3A_28 : i32
      %convert_element_type3A_30 = arith.extui %eq3A_29 : i1 to i32
      %cond3A_31 = arith.constant 0 : i32
      %cond3A_32 = arith.cmpi ne, %convert_element_type3A_30, %cond3A_31 : i32
      scf.if %cond3A_32 {
        %run_scoped3A = arith.constant 1 : i32
        "tpu.region"() ({
          %run_scoped3A_34 = tpu.sem_alloc : memref<!tpu.dma_semaphore, #tpu.memory_space<semaphore_mem>>
          %dma_start3A = arith.constant 93840 : i32
          %dma_start3A_35 = arith.constant 0 : i32
          %dma_start3A_36 = tpu.memref_slice %arg6[%run_scoped3A, %dma_start3A, %dma_start3A_35] : memref<2x100000x16xf32, #tpu.memory_space<hbm>> -> memref<1x6160x16xf32, #tpu.memory_space<hbm>>
          %dma_start3A_37 = tpu.memref_squeeze %dma_start3A_36 : memref<1x6160x16xf32, #tpu.memory_space<hbm>> -> memref<6160x16xf32, #tpu.memory_space<hbm>>
          %dma_start3A_38 = arith.constant 93840 : i32
          %dma_start3A_39 = arith.constant 0 : i32
          %dma_start3A_40 = tpu.memref_slice %arg10[%dma_start3A_38, %dma_start3A_39] : memref<100008x16xf32, #tpu.memory_space<vmem_shared>> -> memref<6160x16xf32, #tpu.memory_space<vmem_shared>>
          tpu.enqueue_dma source(%dma_start3A_40 : memref<6160x16xf32, #tpu.memory_space<vmem_shared>>) target(%dma_start3A_37 : memref<6160x16xf32, #tpu.memory_space<hbm>>) target_semaphore(%run_scoped3A_34 : memref<!tpu.dma_semaphore, #tpu.memory_space<semaphore_mem>>)
          %dma_wait3A = arith.constant 93840 : i32
          %dma_wait3A_41 = arith.constant 0 : i32
          %dma_wait3A_42 = tpu.memref_slice %arg6[%run_scoped3A, %dma_wait3A, %dma_wait3A_41] : memref<2x100000x16xf32, #tpu.memory_space<hbm>> -> memref<1x6160x16xf32, #tpu.memory_space<hbm>>
          %dma_wait3A_43 = tpu.memref_squeeze %dma_wait3A_42 : memref<1x6160x16xf32, #tpu.memory_space<hbm>> -> memref<6160x16xf32, #tpu.memory_space<hbm>>
          %dma_wait3A_44 = arith.constant 93840 : i32
          %dma_wait3A_45 = arith.constant 0 : i32
          %dma_wait3A_46 = tpu.memref_slice %arg10[%dma_wait3A_44, %dma_wait3A_45] : memref<100008x16xf32, #tpu.memory_space<vmem_shared>> -> memref<6160x16xf32, #tpu.memory_space<vmem_shared>>
          tpu.wait_dma2 semaphore(%run_scoped3A_34 : memref<!tpu.dma_semaphore, #tpu.memory_space<semaphore_mem>>) src(%dma_wait3A_46 : memref<6160x16xf32, #tpu.memory_space<vmem_shared>>) dst(%dma_wait3A_43 : memref<6160x16xf32, #tpu.memory_space<hbm>>)
          tpu.yield
        }) : () -> ()
      } else {
      }
      %barrier3A_33 = arith.constant 0 : index
      tpu.barrier barrier_id(%barrier3A_33)
    } else {
    }
    return
  }
}

#map = affine_map<(d0, d1) -> (0)>
#map1 = affine_map<(d0, d1) -> (0, 0)>
#map2 = affine_map<(d0, d1) -> (0, 0, 0)>
module attributes {stable_mosaic.version = 14 : i64} {
  func.func @_sc_body2(%arg0: i32, %arg1: i32, %arg2: memref<1605632xi32, #tpu.memory_space<hbm>>, %arg3: memref<1605632xi32, #tpu.memory_space<hbm>>, %arg4: memref<100000x16xf32, #tpu.memory_space<hbm>>, %arg5: memref<100000x16xf32, #tpu.memory_space<hbm>>, %arg6: memref<2x100000x16xf32, #tpu.memory_space<hbm>>, %arg7: memref<1024xi32, #tpu.memory_space<vmem>>, %arg8: memref<1024xi32, #tpu.memory_space<vmem>>, %arg9: memref<1024x16xf32, #tpu.memory_space<vmem>>, %arg10: memref<100008x16xf32, #tpu.memory_space<vmem_shared>>, %arg11: memref<!tpu.dma_semaphore, #tpu.memory_space<semaphore_mem>>) attributes {dimension_semantics = [#tpu.dimension_semantics<core_parallel>, #tpu.dimension_semantics<subcore_parallel>], iteration_bounds = array<i64: 2, 16>, scalar_prefetch = 0 : i64, scratch_operands = 5 : i64, tpu.core_type = #tpu.core_type<sc_vector_subcore>, window_params = [{transform_indices = #map}, {transform_indices = #map}, {transform_indices = #map1}, {transform_indices = #map1}, {transform_indices = #map2}]} {
    %eq3A = arith.constant 0 : i32
    %eq3A_0 = arith.cmpi eq, %arg0, %eq3A : i32
    %convert_element_type3A = arith.extui %eq3A_0 : i1 to i32
    %cond3A = arith.constant 0 : i32
    %cond3A_1 = arith.cmpi ne, %convert_element_type3A, %cond3A : i32
    scf.if %cond3A_1 {
      %mul3A = arith.constant 6256 : i32
      %mul3A_7 = arith.muli %arg1, %mul3A : i32
      %lt3A = arith.constant 15 : i32
      %lt3A_8 = arith.cmpi slt, %arg1, %lt3A : i32
      %convert_element_type3A_9 = arith.extui %lt3A_8 : i1 to i32
      %cond3A_10 = arith.constant 0 : i32
      %cond3A_11 = arith.cmpi ne, %convert_element_type3A_9, %cond3A_10 : i32
      scf.if %cond3A_11 {
        "tpu.region"() ({
          %run_scoped3A = tpu.sem_alloc : memref<!tpu.dma_semaphore, #tpu.memory_space<semaphore_mem>>
          %dma_start3A = arith.constant 0 : i32
          %dma_start3A_34 = tpu.memref_slice %arg10[%mul3A_7, %dma_start3A] : memref<100008x16xf32, #tpu.memory_space<vmem_shared>> -> memref<6256x16xf32, #tpu.memory_space<vmem_shared>>
          %dma_start3A_35 = arith.constant 0 : i32
          %dma_start3A_36 = tpu.memref_slice %arg4[%mul3A_7, %dma_start3A_35] : memref<100000x16xf32, #tpu.memory_space<hbm>> -> memref<6256x16xf32, #tpu.memory_space<hbm>>
          tpu.enqueue_dma source(%dma_start3A_36 : memref<6256x16xf32, #tpu.memory_space<hbm>>) target(%dma_start3A_34 : memref<6256x16xf32, #tpu.memory_space<vmem_shared>>) target_semaphore(%run_scoped3A : memref<!tpu.dma_semaphore, #tpu.memory_space<semaphore_mem>>)
          %dma_wait3A = arith.constant 0 : i32
          %dma_wait3A_37 = tpu.memref_slice %arg10[%mul3A_7, %dma_wait3A] : memref<100008x16xf32, #tpu.memory_space<vmem_shared>> -> memref<6256x16xf32, #tpu.memory_space<vmem_shared>>
          %dma_wait3A_38 = arith.constant 0 : i32
          %dma_wait3A_39 = tpu.memref_slice %arg4[%mul3A_7, %dma_wait3A_38] : memref<100000x16xf32, #tpu.memory_space<hbm>> -> memref<6256x16xf32, #tpu.memory_space<hbm>>
          tpu.wait_dma2 semaphore(%run_scoped3A : memref<!tpu.dma_semaphore, #tpu.memory_space<semaphore_mem>>) src(%dma_wait3A_39 : memref<6256x16xf32, #tpu.memory_space<hbm>>) dst(%dma_wait3A_37 : memref<6256x16xf32, #tpu.memory_space<vmem_shared>>)
          tpu.yield
        }) : () -> ()
      } else {
      }
      %eq3A_12 = arith.constant 15 : i32
      %eq3A_13 = arith.cmpi eq, %arg1, %eq3A_12 : i32
      %convert_element_type3A_14 = arith.extui %eq3A_13 : i1 to i32
      %cond3A_15 = arith.constant 0 : i32
      %cond3A_16 = arith.cmpi ne, %convert_element_type3A_14, %cond3A_15 : i32
      scf.if %cond3A_16 {
        "tpu.region"() ({
          %run_scoped3A = tpu.sem_alloc : memref<!tpu.dma_semaphore, #tpu.memory_space<semaphore_mem>>
          %dma_start3A = arith.constant 93840 : i32
          %dma_start3A_34 = arith.constant 0 : i32
          %dma_start3A_35 = tpu.memref_slice %arg10[%dma_start3A, %dma_start3A_34] : memref<100008x16xf32, #tpu.memory_space<vmem_shared>> -> memref<6160x16xf32, #tpu.memory_space<vmem_shared>>
          %dma_start3A_36 = arith.constant 93840 : i32
          %dma_start3A_37 = arith.constant 0 : i32
          %dma_start3A_38 = tpu.memref_slice %arg4[%dma_start3A_36, %dma_start3A_37] : memref<100000x16xf32, #tpu.memory_space<hbm>> -> memref<6160x16xf32, #tpu.memory_space<hbm>>
          tpu.enqueue_dma source(%dma_start3A_38 : memref<6160x16xf32, #tpu.memory_space<hbm>>) target(%dma_start3A_35 : memref<6160x16xf32, #tpu.memory_space<vmem_shared>>) target_semaphore(%run_scoped3A : memref<!tpu.dma_semaphore, #tpu.memory_space<semaphore_mem>>)
          %dma_wait3A = arith.constant 93840 : i32
          %dma_wait3A_39 = arith.constant 0 : i32
          %dma_wait3A_40 = tpu.memref_slice %arg10[%dma_wait3A, %dma_wait3A_39] : memref<100008x16xf32, #tpu.memory_space<vmem_shared>> -> memref<6160x16xf32, #tpu.memory_space<vmem_shared>>
          %dma_wait3A_41 = arith.constant 93840 : i32
          %dma_wait3A_42 = arith.constant 0 : i32
          %dma_wait3A_43 = tpu.memref_slice %arg4[%dma_wait3A_41, %dma_wait3A_42] : memref<100000x16xf32, #tpu.memory_space<hbm>> -> memref<6160x16xf32, #tpu.memory_space<hbm>>
          tpu.wait_dma2 semaphore(%run_scoped3A : memref<!tpu.dma_semaphore, #tpu.memory_space<semaphore_mem>>) src(%dma_wait3A_43 : memref<6160x16xf32, #tpu.memory_space<hbm>>) dst(%dma_wait3A_40 : memref<6160x16xf32, #tpu.memory_space<vmem_shared>>)
          tpu.yield
        }) : () -> ()
      } else {
      }
      %barrier3A = arith.constant 0 : index
      tpu.barrier barrier_id(%barrier3A)
      %scan3A = arith.constant 0 : i32
      %scan3A_17 = arith.constant 0 : i32
      %scan3A_18 = arith.constant 98 : i32
      %scan3A_19 = arith.addi %scan3A_17, %scan3A_18 : i32
      %scan3A_20 = arith.constant 1 : i32
      scf.for %scan3A_34 = %scan3A_17 to %scan3A_19 step %scan3A_20  : i32 {
        %mul3A_35 = arith.constant 100352 : i32
        %mul3A_36 = arith.muli %arg1, %mul3A_35 : i32
        %mul3A_37 = arith.constant 1024 : i32
        %mul3A_38 = arith.muli %scan3A_34, %mul3A_37 : i32
        %add3A = arith.addi %mul3A_36, %mul3A_38 : i32
        "tpu.region"() ({
          %run_scoped3A = tpu.sem_alloc : memref<!tpu.dma_semaphore, #tpu.memory_space<semaphore_mem>>
          %dma_start3A_43 = tpu.memref_slice %arg2[%add3A] : memref<1605632xi32, #tpu.memory_space<hbm>> -> memref<1024xi32, #tpu.memory_space<hbm>>
          %dma_start3A_44 = tpu.memref_slice %arg2[%add3A] : memref<1605632xi32, #tpu.memory_space<hbm>> -> memref<1024xi32, #tpu.memory_space<hbm>>
          tpu.enqueue_dma source(%dma_start3A_44 : memref<1024xi32, #tpu.memory_space<hbm>>) target(%arg7 : memref<1024xi32, #tpu.memory_space<vmem>>) target_semaphore(%run_scoped3A : memref<!tpu.dma_semaphore, #tpu.memory_space<semaphore_mem>>)
          %dma_wait3A_45 = tpu.memref_slice %arg2[%add3A] : memref<1605632xi32, #tpu.memory_space<hbm>> -> memref<1024xi32, #tpu.memory_space<hbm>>
          %dma_wait3A_46 = tpu.memref_slice %arg2[%add3A] : memref<1605632xi32, #tpu.memory_space<hbm>> -> memref<1024xi32, #tpu.memory_space<hbm>>
          tpu.wait_dma2 semaphore(%run_scoped3A : memref<!tpu.dma_semaphore, #tpu.memory_space<semaphore_mem>>) src(%dma_wait3A_46 : memref<1024xi32, #tpu.memory_space<hbm>>) dst(%arg7 : memref<1024xi32, #tpu.memory_space<vmem>>)
          tpu.yield
        }) : () -> ()
        "tpu.region"() ({
          %run_scoped3A = tpu.sem_alloc : memref<!tpu.dma_semaphore, #tpu.memory_space<semaphore_mem>>
          %dma_start3A_43 = tpu.memref_slice %arg3[%add3A] : memref<1605632xi32, #tpu.memory_space<hbm>> -> memref<1024xi32, #tpu.memory_space<hbm>>
          %dma_start3A_44 = tpu.memref_slice %arg3[%add3A] : memref<1605632xi32, #tpu.memory_space<hbm>> -> memref<1024xi32, #tpu.memory_space<hbm>>
          tpu.enqueue_dma source(%dma_start3A_44 : memref<1024xi32, #tpu.memory_space<hbm>>) target(%arg8 : memref<1024xi32, #tpu.memory_space<vmem>>) target_semaphore(%run_scoped3A : memref<!tpu.dma_semaphore, #tpu.memory_space<semaphore_mem>>)
          %dma_wait3A_45 = tpu.memref_slice %arg3[%add3A] : memref<1605632xi32, #tpu.memory_space<hbm>> -> memref<1024xi32, #tpu.memory_space<hbm>>
          %dma_wait3A_46 = tpu.memref_slice %arg3[%add3A] : memref<1605632xi32, #tpu.memory_space<hbm>> -> memref<1024xi32, #tpu.memory_space<hbm>>
          tpu.wait_dma2 semaphore(%run_scoped3A : memref<!tpu.dma_semaphore, #tpu.memory_space<semaphore_mem>>) src(%dma_wait3A_46 : memref<1024xi32, #tpu.memory_space<hbm>>) dst(%arg8 : memref<1024xi32, #tpu.memory_space<vmem>>)
          tpu.yield
        }) : () -> ()
        %dma_start3A = arith.constant 0 : i32
        %dma_start3A_39 = arith.constant 0 : i32
        %dma_start3A_40 = tpu.memref_slice %arg4[%dma_start3A, %dma_start3A_39] : memref<100000x16xf32, #tpu.memory_space<hbm>> -> memref<100000x16xf32, #tpu.memory_space<hbm>>
        tpu.enqueue_indirect_dma source(%dma_start3A_40 : memref<100000x16xf32, #tpu.memory_space<hbm>>) target(%arg9 : memref<1024x16xf32, #tpu.memory_space<vmem>>) offsets(%arg7 : memref<1024xi32, #tpu.memory_space<vmem>>) semaphore(%arg11 : memref<!tpu.dma_semaphore, #tpu.memory_space<semaphore_mem>>)
        %dma_wait3A = arith.constant 0 : i32
        %dma_wait3A_41 = arith.constant 0 : i32
        %dma_wait3A_42 = tpu.memref_slice %arg4[%dma_wait3A, %dma_wait3A_41] : memref<100000x16xf32, #tpu.memory_space<hbm>> -> memref<100000x16xf32, #tpu.memory_space<hbm>>
        tpu.wait_indirect_dma semaphore(%arg11 : memref<!tpu.dma_semaphore, #tpu.memory_space<semaphore_mem>>) src(%dma_wait3A_42 : memref<100000x16xf32, #tpu.memory_space<hbm>>) dst(%arg9 : memref<1024x16xf32, #tpu.memory_space<vmem>>)
        "tpu.region"() ({
          %run_scoped3A = tpu.sem_alloc : memref<!tpu.dma_semaphore, #tpu.memory_space<semaphore_mem>>
          %dma_start3A_43 = arith.constant 0 : i32
          %dma_start3A_44 = arith.constant 0 : i32
          %dma_start3A_45 = tpu.memref_slice %arg10[%dma_start3A_43, %dma_start3A_44] : memref<100008x16xf32, #tpu.memory_space<vmem_shared>> -> memref<100008x16xf32, #tpu.memory_space<vmem_shared>>
          tpu.enqueue_indirect_dma source(%arg9 : memref<1024x16xf32, #tpu.memory_space<vmem>>) target(%dma_start3A_45 : memref<100008x16xf32, #tpu.memory_space<vmem_shared>>) offsets(%arg8 : memref<1024xi32, #tpu.memory_space<vmem>>) semaphore(%run_scoped3A : memref<!tpu.dma_semaphore, #tpu.memory_space<semaphore_mem>>) {add = true}
          %dma_wait3A_46 = arith.constant 0 : i32
          %dma_wait3A_47 = arith.constant 0 : i32
          %dma_wait3A_48 = tpu.memref_slice %arg10[%dma_wait3A_46, %dma_wait3A_47] : memref<100008x16xf32, #tpu.memory_space<vmem_shared>> -> memref<100008x16xf32, #tpu.memory_space<vmem_shared>>
          tpu.wait_indirect_dma semaphore(%run_scoped3A : memref<!tpu.dma_semaphore, #tpu.memory_space<semaphore_mem>>) src(%arg9 : memref<1024x16xf32, #tpu.memory_space<vmem>>) dst(%dma_wait3A_48 : memref<100008x16xf32, #tpu.memory_space<vmem_shared>>)
          tpu.yield
        }) : () -> ()
      }
      %scan3A_21 = arith.constant 98 : i32
      %barrier3A_22 = arith.constant 0 : index
      tpu.barrier barrier_id(%barrier3A_22)
      %lt3A_23 = arith.constant 15 : i32
      %lt3A_24 = arith.cmpi slt, %arg1, %lt3A_23 : i32
      %convert_element_type3A_25 = arith.extui %lt3A_24 : i1 to i32
      %cond3A_26 = arith.constant 0 : i32
      %cond3A_27 = arith.cmpi ne, %convert_element_type3A_25, %cond3A_26 : i32
      scf.if %cond3A_27 {
        %run_scoped3A = arith.constant 0 : i32
        "tpu.region"() ({
          %run_scoped3A_34 = tpu.sem_alloc : memref<!tpu.dma_semaphore, #tpu.memory_space<semaphore_mem>>
          %dma_start3A = arith.constant 0 : i32
          %dma_start3A_35 = tpu.memref_slice %arg6[%run_scoped3A, %mul3A_7, %dma_start3A] : memref<2x100000x16xf32, #tpu.memory_space<hbm>> -> memref<1x6256x16xf32, #tpu.memory_space<hbm>>
          %dma_start3A_36 = tpu.memref_squeeze %dma_start3A_35 : memref<1x6256x16xf32, #tpu.memory_space<hbm>> -> memref<6256x16xf32, #tpu.memory_space<hbm>>
          %dma_start3A_37 = arith.constant 0 : i32
          %dma_start3A_38 = tpu.memref_slice %arg10[%mul3A_7, %dma_start3A_37] : memref<100008x16xf32, #tpu.memory_space<vmem_shared>> -> memref<6256x16xf32, #tpu.memory_space<vmem_shared>>
          tpu.enqueue_dma source(%dma_start3A_38 : memref<6256x16xf32, #tpu.memory_space<vmem_shared>>) target(%dma_start3A_36 : memref<6256x16xf32, #tpu.memory_space<hbm>>) target_semaphore(%run_scoped3A_34 : memref<!tpu.dma_semaphore, #tpu.memory_space<semaphore_mem>>)
          %dma_wait3A = arith.constant 0 : i32
          %dma_wait3A_39 = tpu.memref_slice %arg6[%run_scoped3A, %mul3A_7, %dma_wait3A] : memref<2x100000x16xf32, #tpu.memory_space<hbm>> -> memref<1x6256x16xf32, #tpu.memory_space<hbm>>
          %dma_wait3A_40 = tpu.memref_squeeze %dma_wait3A_39 : memref<1x6256x16xf32, #tpu.memory_space<hbm>> -> memref<6256x16xf32, #tpu.memory_space<hbm>>
          %dma_wait3A_41 = arith.constant 0 : i32
          %dma_wait3A_42 = tpu.memref_slice %arg10[%mul3A_7, %dma_wait3A_41] : memref<100008x16xf32, #tpu.memory_space<vmem_shared>> -> memref<6256x16xf32, #tpu.memory_space<vmem_shared>>
          tpu.wait_dma2 semaphore(%run_scoped3A_34 : memref<!tpu.dma_semaphore, #tpu.memory_space<semaphore_mem>>) src(%dma_wait3A_42 : memref<6256x16xf32, #tpu.memory_space<vmem_shared>>) dst(%dma_wait3A_40 : memref<6256x16xf32, #tpu.memory_space<hbm>>)
          tpu.yield
        }) : () -> ()
      } else {
      }
      %eq3A_28 = arith.constant 15 : i32
      %eq3A_29 = arith.cmpi eq, %arg1, %eq3A_28 : i32
      %convert_element_type3A_30 = arith.extui %eq3A_29 : i1 to i32
      %cond3A_31 = arith.constant 0 : i32
      %cond3A_32 = arith.cmpi ne, %convert_element_type3A_30, %cond3A_31 : i32
      scf.if %cond3A_32 {
        %run_scoped3A = arith.constant 0 : i32
        "tpu.region"() ({
          %run_scoped3A_34 = tpu.sem_alloc : memref<!tpu.dma_semaphore, #tpu.memory_space<semaphore_mem>>
          %dma_start3A = arith.constant 93840 : i32
          %dma_start3A_35 = arith.constant 0 : i32
          %dma_start3A_36 = tpu.memref_slice %arg6[%run_scoped3A, %dma_start3A, %dma_start3A_35] : memref<2x100000x16xf32, #tpu.memory_space<hbm>> -> memref<1x6160x16xf32, #tpu.memory_space<hbm>>
          %dma_start3A_37 = tpu.memref_squeeze %dma_start3A_36 : memref<1x6160x16xf32, #tpu.memory_space<hbm>> -> memref<6160x16xf32, #tpu.memory_space<hbm>>
          %dma_start3A_38 = arith.constant 93840 : i32
          %dma_start3A_39 = arith.constant 0 : i32
          %dma_start3A_40 = tpu.memref_slice %arg10[%dma_start3A_38, %dma_start3A_39] : memref<100008x16xf32, #tpu.memory_space<vmem_shared>> -> memref<6160x16xf32, #tpu.memory_space<vmem_shared>>
          tpu.enqueue_dma source(%dma_start3A_40 : memref<6160x16xf32, #tpu.memory_space<vmem_shared>>) target(%dma_start3A_37 : memref<6160x16xf32, #tpu.memory_space<hbm>>) target_semaphore(%run_scoped3A_34 : memref<!tpu.dma_semaphore, #tpu.memory_space<semaphore_mem>>)
          %dma_wait3A = arith.constant 93840 : i32
          %dma_wait3A_41 = arith.constant 0 : i32
          %dma_wait3A_42 = tpu.memref_slice %arg6[%run_scoped3A, %dma_wait3A, %dma_wait3A_41] : memref<2x100000x16xf32, #tpu.memory_space<hbm>> -> memref<1x6160x16xf32, #tpu.memory_space<hbm>>
          %dma_wait3A_43 = tpu.memref_squeeze %dma_wait3A_42 : memref<1x6160x16xf32, #tpu.memory_space<hbm>> -> memref<6160x16xf32, #tpu.memory_space<hbm>>
          %dma_wait3A_44 = arith.constant 93840 : i32
          %dma_wait3A_45 = arith.constant 0 : i32
          %dma_wait3A_46 = tpu.memref_slice %arg10[%dma_wait3A_44, %dma_wait3A_45] : memref<100008x16xf32, #tpu.memory_space<vmem_shared>> -> memref<6160x16xf32, #tpu.memory_space<vmem_shared>>
          tpu.wait_dma2 semaphore(%run_scoped3A_34 : memref<!tpu.dma_semaphore, #tpu.memory_space<semaphore_mem>>) src(%dma_wait3A_46 : memref<6160x16xf32, #tpu.memory_space<vmem_shared>>) dst(%dma_wait3A_43 : memref<6160x16xf32, #tpu.memory_space<hbm>>)
          tpu.yield
        }) : () -> ()
      } else {
      }
      %barrier3A_33 = arith.constant 0 : index
      tpu.barrier barrier_id(%barrier3A_33)
    } else {
    }
    %eq3A_2 = arith.constant 1 : i32
    %eq3A_3 = arith.cmpi eq, %arg0, %eq3A_2 : i32
    %convert_element_type3A_4 = arith.extui %eq3A_3 : i1 to i32
    %cond3A_5 = arith.constant 0 : i32
    %cond3A_6 = arith.cmpi ne, %convert_element_type3A_4, %cond3A_5 : i32
    scf.if %cond3A_6 {
      %mul3A = arith.constant 6256 : i32
      %mul3A_7 = arith.muli %arg1, %mul3A : i32
      %lt3A = arith.constant 15 : i32
      %lt3A_8 = arith.cmpi slt, %arg1, %lt3A : i32
      %convert_element_type3A_9 = arith.extui %lt3A_8 : i1 to i32
      %cond3A_10 = arith.constant 0 : i32
      %cond3A_11 = arith.cmpi ne, %convert_element_type3A_9, %cond3A_10 : i32
      scf.if %cond3A_11 {
        "tpu.region"() ({
          %run_scoped3A = tpu.sem_alloc : memref<!tpu.dma_semaphore, #tpu.memory_space<semaphore_mem>>
          %dma_start3A = arith.constant 0 : i32
          %dma_start3A_34 = tpu.memref_slice %arg10[%mul3A_7, %dma_start3A] : memref<100008x16xf32, #tpu.memory_space<vmem_shared>> -> memref<6256x16xf32, #tpu.memory_space<vmem_shared>>
          %dma_start3A_35 = arith.constant 0 : i32
          %dma_start3A_36 = tpu.memref_slice %arg5[%mul3A_7, %dma_start3A_35] : memref<100000x16xf32, #tpu.memory_space<hbm>> -> memref<6256x16xf32, #tpu.memory_space<hbm>>
          tpu.enqueue_dma source(%dma_start3A_36 : memref<6256x16xf32, #tpu.memory_space<hbm>>) target(%dma_start3A_34 : memref<6256x16xf32, #tpu.memory_space<vmem_shared>>) target_semaphore(%run_scoped3A : memref<!tpu.dma_semaphore, #tpu.memory_space<semaphore_mem>>)
          %dma_wait3A = arith.constant 0 : i32
          %dma_wait3A_37 = tpu.memref_slice %arg10[%mul3A_7, %dma_wait3A] : memref<100008x16xf32, #tpu.memory_space<vmem_shared>> -> memref<6256x16xf32, #tpu.memory_space<vmem_shared>>
          %dma_wait3A_38 = arith.constant 0 : i32
          %dma_wait3A_39 = tpu.memref_slice %arg5[%mul3A_7, %dma_wait3A_38] : memref<100000x16xf32, #tpu.memory_space<hbm>> -> memref<6256x16xf32, #tpu.memory_space<hbm>>
          tpu.wait_dma2 semaphore(%run_scoped3A : memref<!tpu.dma_semaphore, #tpu.memory_space<semaphore_mem>>) src(%dma_wait3A_39 : memref<6256x16xf32, #tpu.memory_space<hbm>>) dst(%dma_wait3A_37 : memref<6256x16xf32, #tpu.memory_space<vmem_shared>>)
          tpu.yield
        }) : () -> ()
      } else {
      }
      %eq3A_12 = arith.constant 15 : i32
      %eq3A_13 = arith.cmpi eq, %arg1, %eq3A_12 : i32
      %convert_element_type3A_14 = arith.extui %eq3A_13 : i1 to i32
      %cond3A_15 = arith.constant 0 : i32
      %cond3A_16 = arith.cmpi ne, %convert_element_type3A_14, %cond3A_15 : i32
      scf.if %cond3A_16 {
        "tpu.region"() ({
          %run_scoped3A = tpu.sem_alloc : memref<!tpu.dma_semaphore, #tpu.memory_space<semaphore_mem>>
          %dma_start3A = arith.constant 93840 : i32
          %dma_start3A_34 = arith.constant 0 : i32
          %dma_start3A_35 = tpu.memref_slice %arg10[%dma_start3A, %dma_start3A_34] : memref<100008x16xf32, #tpu.memory_space<vmem_shared>> -> memref<6160x16xf32, #tpu.memory_space<vmem_shared>>
          %dma_start3A_36 = arith.constant 93840 : i32
          %dma_start3A_37 = arith.constant 0 : i32
          %dma_start3A_38 = tpu.memref_slice %arg5[%dma_start3A_36, %dma_start3A_37] : memref<100000x16xf32, #tpu.memory_space<hbm>> -> memref<6160x16xf32, #tpu.memory_space<hbm>>
          tpu.enqueue_dma source(%dma_start3A_38 : memref<6160x16xf32, #tpu.memory_space<hbm>>) target(%dma_start3A_35 : memref<6160x16xf32, #tpu.memory_space<vmem_shared>>) target_semaphore(%run_scoped3A : memref<!tpu.dma_semaphore, #tpu.memory_space<semaphore_mem>>)
          %dma_wait3A = arith.constant 93840 : i32
          %dma_wait3A_39 = arith.constant 0 : i32
          %dma_wait3A_40 = tpu.memref_slice %arg10[%dma_wait3A, %dma_wait3A_39] : memref<100008x16xf32, #tpu.memory_space<vmem_shared>> -> memref<6160x16xf32, #tpu.memory_space<vmem_shared>>
          %dma_wait3A_41 = arith.constant 93840 : i32
          %dma_wait3A_42 = arith.constant 0 : i32
          %dma_wait3A_43 = tpu.memref_slice %arg5[%dma_wait3A_41, %dma_wait3A_42] : memref<100000x16xf32, #tpu.memory_space<hbm>> -> memref<6160x16xf32, #tpu.memory_space<hbm>>
          tpu.wait_dma2 semaphore(%run_scoped3A : memref<!tpu.dma_semaphore, #tpu.memory_space<semaphore_mem>>) src(%dma_wait3A_43 : memref<6160x16xf32, #tpu.memory_space<hbm>>) dst(%dma_wait3A_40 : memref<6160x16xf32, #tpu.memory_space<vmem_shared>>)
          tpu.yield
        }) : () -> ()
      } else {
      }
      %barrier3A = arith.constant 0 : index
      tpu.barrier barrier_id(%barrier3A)
      %scan3A = arith.constant 0 : i32
      %scan3A_17 = arith.constant 0 : i32
      %scan3A_18 = arith.constant 98 : i32
      %scan3A_19 = arith.addi %scan3A_17, %scan3A_18 : i32
      %scan3A_20 = arith.constant 1 : i32
      scf.for %scan3A_34 = %scan3A_17 to %scan3A_19 step %scan3A_20  : i32 {
        %mul3A_35 = arith.constant 100352 : i32
        %mul3A_36 = arith.muli %arg1, %mul3A_35 : i32
        %mul3A_37 = arith.constant 1024 : i32
        %mul3A_38 = arith.muli %scan3A_34, %mul3A_37 : i32
        %add3A = arith.addi %mul3A_36, %mul3A_38 : i32
        "tpu.region"() ({
          %run_scoped3A = tpu.sem_alloc : memref<!tpu.dma_semaphore, #tpu.memory_space<semaphore_mem>>
          %dma_start3A_43 = tpu.memref_slice %arg2[%add3A] : memref<1605632xi32, #tpu.memory_space<hbm>> -> memref<1024xi32, #tpu.memory_space<hbm>>
          %dma_start3A_44 = tpu.memref_slice %arg2[%add3A] : memref<1605632xi32, #tpu.memory_space<hbm>> -> memref<1024xi32, #tpu.memory_space<hbm>>
          tpu.enqueue_dma source(%dma_start3A_44 : memref<1024xi32, #tpu.memory_space<hbm>>) target(%arg7 : memref<1024xi32, #tpu.memory_space<vmem>>) target_semaphore(%run_scoped3A : memref<!tpu.dma_semaphore, #tpu.memory_space<semaphore_mem>>)
          %dma_wait3A_45 = tpu.memref_slice %arg2[%add3A] : memref<1605632xi32, #tpu.memory_space<hbm>> -> memref<1024xi32, #tpu.memory_space<hbm>>
          %dma_wait3A_46 = tpu.memref_slice %arg2[%add3A] : memref<1605632xi32, #tpu.memory_space<hbm>> -> memref<1024xi32, #tpu.memory_space<hbm>>
          tpu.wait_dma2 semaphore(%run_scoped3A : memref<!tpu.dma_semaphore, #tpu.memory_space<semaphore_mem>>) src(%dma_wait3A_46 : memref<1024xi32, #tpu.memory_space<hbm>>) dst(%arg7 : memref<1024xi32, #tpu.memory_space<vmem>>)
          tpu.yield
        }) : () -> ()
        "tpu.region"() ({
          %run_scoped3A = tpu.sem_alloc : memref<!tpu.dma_semaphore, #tpu.memory_space<semaphore_mem>>
          %dma_start3A_43 = tpu.memref_slice %arg3[%add3A] : memref<1605632xi32, #tpu.memory_space<hbm>> -> memref<1024xi32, #tpu.memory_space<hbm>>
          %dma_start3A_44 = tpu.memref_slice %arg3[%add3A] : memref<1605632xi32, #tpu.memory_space<hbm>> -> memref<1024xi32, #tpu.memory_space<hbm>>
          tpu.enqueue_dma source(%dma_start3A_44 : memref<1024xi32, #tpu.memory_space<hbm>>) target(%arg8 : memref<1024xi32, #tpu.memory_space<vmem>>) target_semaphore(%run_scoped3A : memref<!tpu.dma_semaphore, #tpu.memory_space<semaphore_mem>>)
          %dma_wait3A_45 = tpu.memref_slice %arg3[%add3A] : memref<1605632xi32, #tpu.memory_space<hbm>> -> memref<1024xi32, #tpu.memory_space<hbm>>
          %dma_wait3A_46 = tpu.memref_slice %arg3[%add3A] : memref<1605632xi32, #tpu.memory_space<hbm>> -> memref<1024xi32, #tpu.memory_space<hbm>>
          tpu.wait_dma2 semaphore(%run_scoped3A : memref<!tpu.dma_semaphore, #tpu.memory_space<semaphore_mem>>) src(%dma_wait3A_46 : memref<1024xi32, #tpu.memory_space<hbm>>) dst(%arg8 : memref<1024xi32, #tpu.memory_space<vmem>>)
          tpu.yield
        }) : () -> ()
        %dma_start3A = arith.constant 0 : i32
        %dma_start3A_39 = arith.constant 0 : i32
        %dma_start3A_40 = tpu.memref_slice %arg5[%dma_start3A, %dma_start3A_39] : memref<100000x16xf32, #tpu.memory_space<hbm>> -> memref<100000x16xf32, #tpu.memory_space<hbm>>
        tpu.enqueue_indirect_dma source(%dma_start3A_40 : memref<100000x16xf32, #tpu.memory_space<hbm>>) target(%arg9 : memref<1024x16xf32, #tpu.memory_space<vmem>>) offsets(%arg7 : memref<1024xi32, #tpu.memory_space<vmem>>) semaphore(%arg11 : memref<!tpu.dma_semaphore, #tpu.memory_space<semaphore_mem>>)
        %dma_wait3A = arith.constant 0 : i32
        %dma_wait3A_41 = arith.constant 0 : i32
        %dma_wait3A_42 = tpu.memref_slice %arg5[%dma_wait3A, %dma_wait3A_41] : memref<100000x16xf32, #tpu.memory_space<hbm>> -> memref<100000x16xf32, #tpu.memory_space<hbm>>
        tpu.wait_indirect_dma semaphore(%arg11 : memref<!tpu.dma_semaphore, #tpu.memory_space<semaphore_mem>>) src(%dma_wait3A_42 : memref<100000x16xf32, #tpu.memory_space<hbm>>) dst(%arg9 : memref<1024x16xf32, #tpu.memory_space<vmem>>)
        "tpu.region"() ({
          %run_scoped3A = tpu.sem_alloc : memref<!tpu.dma_semaphore, #tpu.memory_space<semaphore_mem>>
          %dma_start3A_43 = arith.constant 0 : i32
          %dma_start3A_44 = arith.constant 0 : i32
          %dma_start3A_45 = tpu.memref_slice %arg10[%dma_start3A_43, %dma_start3A_44] : memref<100008x16xf32, #tpu.memory_space<vmem_shared>> -> memref<100008x16xf32, #tpu.memory_space<vmem_shared>>
          tpu.enqueue_indirect_dma source(%arg9 : memref<1024x16xf32, #tpu.memory_space<vmem>>) target(%dma_start3A_45 : memref<100008x16xf32, #tpu.memory_space<vmem_shared>>) offsets(%arg8 : memref<1024xi32, #tpu.memory_space<vmem>>) semaphore(%run_scoped3A : memref<!tpu.dma_semaphore, #tpu.memory_space<semaphore_mem>>) {add = true}
          %dma_wait3A_46 = arith.constant 0 : i32
          %dma_wait3A_47 = arith.constant 0 : i32
          %dma_wait3A_48 = tpu.memref_slice %arg10[%dma_wait3A_46, %dma_wait3A_47] : memref<100008x16xf32, #tpu.memory_space<vmem_shared>> -> memref<100008x16xf32, #tpu.memory_space<vmem_shared>>
          tpu.wait_indirect_dma semaphore(%run_scoped3A : memref<!tpu.dma_semaphore, #tpu.memory_space<semaphore_mem>>) src(%arg9 : memref<1024x16xf32, #tpu.memory_space<vmem>>) dst(%dma_wait3A_48 : memref<100008x16xf32, #tpu.memory_space<vmem_shared>>)
          tpu.yield
        }) : () -> ()
      }
      %scan3A_21 = arith.constant 98 : i32
      %barrier3A_22 = arith.constant 0 : index
      tpu.barrier barrier_id(%barrier3A_22)
      %lt3A_23 = arith.constant 15 : i32
      %lt3A_24 = arith.cmpi slt, %arg1, %lt3A_23 : i32
      %convert_element_type3A_25 = arith.extui %lt3A_24 : i1 to i32
      %cond3A_26 = arith.constant 0 : i32
      %cond3A_27 = arith.cmpi ne, %convert_element_type3A_25, %cond3A_26 : i32
      scf.if %cond3A_27 {
        %run_scoped3A = arith.constant 1 : i32
        "tpu.region"() ({
          %run_scoped3A_34 = tpu.sem_alloc : memref<!tpu.dma_semaphore, #tpu.memory_space<semaphore_mem>>
          %dma_start3A = arith.constant 0 : i32
          %dma_start3A_35 = tpu.memref_slice %arg6[%run_scoped3A, %mul3A_7, %dma_start3A] : memref<2x100000x16xf32, #tpu.memory_space<hbm>> -> memref<1x6256x16xf32, #tpu.memory_space<hbm>>
          %dma_start3A_36 = tpu.memref_squeeze %dma_start3A_35 : memref<1x6256x16xf32, #tpu.memory_space<hbm>> -> memref<6256x16xf32, #tpu.memory_space<hbm>>
          %dma_start3A_37 = arith.constant 0 : i32
          %dma_start3A_38 = tpu.memref_slice %arg10[%mul3A_7, %dma_start3A_37] : memref<100008x16xf32, #tpu.memory_space<vmem_shared>> -> memref<6256x16xf32, #tpu.memory_space<vmem_shared>>
          tpu.enqueue_dma source(%dma_start3A_38 : memref<6256x16xf32, #tpu.memory_space<vmem_shared>>) target(%dma_start3A_36 : memref<6256x16xf32, #tpu.memory_space<hbm>>) target_semaphore(%run_scoped3A_34 : memref<!tpu.dma_semaphore, #tpu.memory_space<semaphore_mem>>)
          %dma_wait3A = arith.constant 0 : i32
          %dma_wait3A_39 = tpu.memref_slice %arg6[%run_scoped3A, %mul3A_7, %dma_wait3A] : memref<2x100000x16xf32, #tpu.memory_space<hbm>> -> memref<1x6256x16xf32, #tpu.memory_space<hbm>>
          %dma_wait3A_40 = tpu.memref_squeeze %dma_wait3A_39 : memref<1x6256x16xf32, #tpu.memory_space<hbm>> -> memref<6256x16xf32, #tpu.memory_space<hbm>>
          %dma_wait3A_41 = arith.constant 0 : i32
          %dma_wait3A_42 = tpu.memref_slice %arg10[%mul3A_7, %dma_wait3A_41] : memref<100008x16xf32, #tpu.memory_space<vmem_shared>> -> memref<6256x16xf32, #tpu.memory_space<vmem_shared>>
          tpu.wait_dma2 semaphore(%run_scoped3A_34 : memref<!tpu.dma_semaphore, #tpu.memory_space<semaphore_mem>>) src(%dma_wait3A_42 : memref<6256x16xf32, #tpu.memory_space<vmem_shared>>) dst(%dma_wait3A_40 : memref<6256x16xf32, #tpu.memory_space<hbm>>)
          tpu.yield
        }) : () -> ()
      } else {
      }
      %eq3A_28 = arith.constant 15 : i32
      %eq3A_29 = arith.cmpi eq, %arg1, %eq3A_28 : i32
      %convert_element_type3A_30 = arith.extui %eq3A_29 : i1 to i32
      %cond3A_31 = arith.constant 0 : i32
      %cond3A_32 = arith.cmpi ne, %convert_element_type3A_30, %cond3A_31 : i32
      scf.if %cond3A_32 {
        %run_scoped3A = arith.constant 1 : i32
        "tpu.region"() ({
          %run_scoped3A_34 = tpu.sem_alloc : memref<!tpu.dma_semaphore, #tpu.memory_space<semaphore_mem>>
          %dma_start3A = arith.constant 93840 : i32
          %dma_start3A_35 = arith.constant 0 : i32
          %dma_start3A_36 = tpu.memref_slice %arg6[%run_scoped3A, %dma_start3A, %dma_start3A_35] : memref<2x100000x16xf32, #tpu.memory_space<hbm>> -> memref<1x6160x16xf32, #tpu.memory_space<hbm>>
          %dma_start3A_37 = tpu.memref_squeeze %dma_start3A_36 : memref<1x6160x16xf32, #tpu.memory_space<hbm>> -> memref<6160x16xf32, #tpu.memory_space<hbm>>
          %dma_start3A_38 = arith.constant 93840 : i32
          %dma_start3A_39 = arith.constant 0 : i32
          %dma_start3A_40 = tpu.memref_slice %arg10[%dma_start3A_38, %dma_start3A_39] : memref<100008x16xf32, #tpu.memory_space<vmem_shared>> -> memref<6160x16xf32, #tpu.memory_space<vmem_shared>>
          tpu.enqueue_dma source(%dma_start3A_40 : memref<6160x16xf32, #tpu.memory_space<vmem_shared>>) target(%dma_start3A_37 : memref<6160x16xf32, #tpu.memory_space<hbm>>) target_semaphore(%run_scoped3A_34 : memref<!tpu.dma_semaphore, #tpu.memory_space<semaphore_mem>>)
          %dma_wait3A = arith.constant 93840 : i32
          %dma_wait3A_41 = arith.constant 0 : i32
          %dma_wait3A_42 = tpu.memref_slice %arg6[%run_scoped3A, %dma_wait3A, %dma_wait3A_41] : memref<2x100000x16xf32, #tpu.memory_space<hbm>> -> memref<1x6160x16xf32, #tpu.memory_space<hbm>>
          %dma_wait3A_43 = tpu.memref_squeeze %dma_wait3A_42 : memref<1x6160x16xf32, #tpu.memory_space<hbm>> -> memref<6160x16xf32, #tpu.memory_space<hbm>>
          %dma_wait3A_44 = arith.constant 93840 : i32
          %dma_wait3A_45 = arith.constant 0 : i32
          %dma_wait3A_46 = tpu.memref_slice %arg10[%dma_wait3A_44, %dma_wait3A_45] : memref<100008x16xf32, #tpu.memory_space<vmem_shared>> -> memref<6160x16xf32, #tpu.memory_space<vmem_shared>>
          tpu.wait_dma2 semaphore(%run_scoped3A_34 : memref<!tpu.dma_semaphore, #tpu.memory_space<semaphore_mem>>) src(%dma_wait3A_46 : memref<6160x16xf32, #tpu.memory_space<vmem_shared>>) dst(%dma_wait3A_43 : memref<6160x16xf32, #tpu.memory_space<hbm>>)
          tpu.yield
        }) : () -> ()
      } else {
      }
      %barrier3A_33 = arith.constant 0 : index
      tpu.barrier barrier_id(%barrier3A_33)
    } else {
    }
    return
  }
}

#map = affine_map<(d0, d1) -> (0)>
#map1 = affine_map<(d0, d1) -> (0, 0)>
#map2 = affine_map<(d0, d1) -> (0, 0, 0)>
module attributes {stable_mosaic.version = 14 : i64} {
  func.func @_sc_body2(%arg0: i32, %arg1: i32, %arg2: memref<1605632xi32, #tpu.memory_space<hbm>>, %arg3: memref<1605632xi32, #tpu.memory_space<hbm>>, %arg4: memref<100000x16xf32, #tpu.memory_space<hbm>>, %arg5: memref<100000x16xf32, #tpu.memory_space<hbm>>, %arg6: memref<2x100000x16xf32, #tpu.memory_space<hbm>>, %arg7: memref<1024xi32, #tpu.memory_space<vmem>>, %arg8: memref<1024xi32, #tpu.memory_space<vmem>>, %arg9: memref<1024x16xf32, #tpu.memory_space<vmem>>, %arg10: memref<100008x16xf32, #tpu.memory_space<vmem_shared>>, %arg11: memref<!tpu.dma_semaphore, #tpu.memory_space<semaphore_mem>>) attributes {dimension_semantics = [#tpu.dimension_semantics<core_parallel>, #tpu.dimension_semantics<subcore_parallel>], iteration_bounds = array<i64: 2, 16>, scalar_prefetch = 0 : i64, scratch_operands = 5 : i64, tpu.core_type = #tpu.core_type<sc_vector_subcore>, window_params = [{transform_indices = #map}, {transform_indices = #map}, {transform_indices = #map1}, {transform_indices = #map1}, {transform_indices = #map2}]} {
    %eq3A = arith.constant 0 : i32
    %eq3A_0 = arith.cmpi eq, %arg0, %eq3A : i32
    %convert_element_type3A = arith.extui %eq3A_0 : i1 to i32
    %cond3A = arith.constant 0 : i32
    %cond3A_1 = arith.cmpi ne, %convert_element_type3A, %cond3A : i32
    scf.if %cond3A_1 {
      %mul3A = arith.constant 6256 : i32
      %mul3A_7 = arith.muli %arg1, %mul3A : i32
      %lt3A = arith.constant 15 : i32
      %lt3A_8 = arith.cmpi slt, %arg1, %lt3A : i32
      %convert_element_type3A_9 = arith.extui %lt3A_8 : i1 to i32
      %cond3A_10 = arith.constant 0 : i32
      %cond3A_11 = arith.cmpi ne, %convert_element_type3A_9, %cond3A_10 : i32
      scf.if %cond3A_11 {
        "tpu.region"() ({
          %run_scoped3A = tpu.sem_alloc : memref<!tpu.dma_semaphore, #tpu.memory_space<semaphore_mem>>
          %dma_start3A = arith.constant 0 : i32
          %dma_start3A_34 = tpu.memref_slice %arg10[%mul3A_7, %dma_start3A] : memref<100008x16xf32, #tpu.memory_space<vmem_shared>> -> memref<6256x16xf32, #tpu.memory_space<vmem_shared>>
          %dma_start3A_35 = arith.constant 0 : i32
          %dma_start3A_36 = tpu.memref_slice %arg4[%mul3A_7, %dma_start3A_35] : memref<100000x16xf32, #tpu.memory_space<hbm>> -> memref<6256x16xf32, #tpu.memory_space<hbm>>
          tpu.enqueue_dma source(%dma_start3A_36 : memref<6256x16xf32, #tpu.memory_space<hbm>>) target(%dma_start3A_34 : memref<6256x16xf32, #tpu.memory_space<vmem_shared>>) target_semaphore(%run_scoped3A : memref<!tpu.dma_semaphore, #tpu.memory_space<semaphore_mem>>)
          %dma_wait3A = arith.constant 0 : i32
          %dma_wait3A_37 = tpu.memref_slice %arg10[%mul3A_7, %dma_wait3A] : memref<100008x16xf32, #tpu.memory_space<vmem_shared>> -> memref<6256x16xf32, #tpu.memory_space<vmem_shared>>
          %dma_wait3A_38 = arith.constant 0 : i32
          %dma_wait3A_39 = tpu.memref_slice %arg4[%mul3A_7, %dma_wait3A_38] : memref<100000x16xf32, #tpu.memory_space<hbm>> -> memref<6256x16xf32, #tpu.memory_space<hbm>>
          tpu.wait_dma2 semaphore(%run_scoped3A : memref<!tpu.dma_semaphore, #tpu.memory_space<semaphore_mem>>) src(%dma_wait3A_39 : memref<6256x16xf32, #tpu.memory_space<hbm>>) dst(%dma_wait3A_37 : memref<6256x16xf32, #tpu.memory_space<vmem_shared>>)
          tpu.yield
        }) : () -> ()
      } else {
      }
      %eq3A_12 = arith.constant 15 : i32
      %eq3A_13 = arith.cmpi eq, %arg1, %eq3A_12 : i32
      %convert_element_type3A_14 = arith.extui %eq3A_13 : i1 to i32
      %cond3A_15 = arith.constant 0 : i32
      %cond3A_16 = arith.cmpi ne, %convert_element_type3A_14, %cond3A_15 : i32
      scf.if %cond3A_16 {
        "tpu.region"() ({
          %run_scoped3A = tpu.sem_alloc : memref<!tpu.dma_semaphore, #tpu.memory_space<semaphore_mem>>
          %dma_start3A = arith.constant 93840 : i32
          %dma_start3A_34 = arith.constant 0 : i32
          %dma_start3A_35 = tpu.memref_slice %arg10[%dma_start3A, %dma_start3A_34] : memref<100008x16xf32, #tpu.memory_space<vmem_shared>> -> memref<6160x16xf32, #tpu.memory_space<vmem_shared>>
          %dma_start3A_36 = arith.constant 93840 : i32
          %dma_start3A_37 = arith.constant 0 : i32
          %dma_start3A_38 = tpu.memref_slice %arg4[%dma_start3A_36, %dma_start3A_37] : memref<100000x16xf32, #tpu.memory_space<hbm>> -> memref<6160x16xf32, #tpu.memory_space<hbm>>
          tpu.enqueue_dma source(%dma_start3A_38 : memref<6160x16xf32, #tpu.memory_space<hbm>>) target(%dma_start3A_35 : memref<6160x16xf32, #tpu.memory_space<vmem_shared>>) target_semaphore(%run_scoped3A : memref<!tpu.dma_semaphore, #tpu.memory_space<semaphore_mem>>)
          %dma_wait3A = arith.constant 93840 : i32
          %dma_wait3A_39 = arith.constant 0 : i32
          %dma_wait3A_40 = tpu.memref_slice %arg10[%dma_wait3A, %dma_wait3A_39] : memref<100008x16xf32, #tpu.memory_space<vmem_shared>> -> memref<6160x16xf32, #tpu.memory_space<vmem_shared>>
          %dma_wait3A_41 = arith.constant 93840 : i32
          %dma_wait3A_42 = arith.constant 0 : i32
          %dma_wait3A_43 = tpu.memref_slice %arg4[%dma_wait3A_41, %dma_wait3A_42] : memref<100000x16xf32, #tpu.memory_space<hbm>> -> memref<6160x16xf32, #tpu.memory_space<hbm>>
          tpu.wait_dma2 semaphore(%run_scoped3A : memref<!tpu.dma_semaphore, #tpu.memory_space<semaphore_mem>>) src(%dma_wait3A_43 : memref<6160x16xf32, #tpu.memory_space<hbm>>) dst(%dma_wait3A_40 : memref<6160x16xf32, #tpu.memory_space<vmem_shared>>)
          tpu.yield
        }) : () -> ()
      } else {
      }
      %barrier3A = arith.constant 0 : index
      tpu.barrier barrier_id(%barrier3A)
      %scan3A = arith.constant 0 : i32
      %scan3A_17 = arith.constant 0 : i32
      %scan3A_18 = arith.constant 98 : i32
      %scan3A_19 = arith.addi %scan3A_17, %scan3A_18 : i32
      %scan3A_20 = arith.constant 1 : i32
      scf.for %scan3A_34 = %scan3A_17 to %scan3A_19 step %scan3A_20  : i32 {
        %mul3A_35 = arith.constant 100352 : i32
        %mul3A_36 = arith.muli %arg1, %mul3A_35 : i32
        %mul3A_37 = arith.constant 1024 : i32
        %mul3A_38 = arith.muli %scan3A_34, %mul3A_37 : i32
        %add3A = arith.addi %mul3A_36, %mul3A_38 : i32
        "tpu.region"() ({
          %run_scoped3A = tpu.sem_alloc : memref<!tpu.dma_semaphore, #tpu.memory_space<semaphore_mem>>
          %dma_start3A_43 = tpu.memref_slice %arg2[%add3A] : memref<1605632xi32, #tpu.memory_space<hbm>> -> memref<1024xi32, #tpu.memory_space<hbm>>
          %dma_start3A_44 = tpu.memref_slice %arg2[%add3A] : memref<1605632xi32, #tpu.memory_space<hbm>> -> memref<1024xi32, #tpu.memory_space<hbm>>
          tpu.enqueue_dma source(%dma_start3A_44 : memref<1024xi32, #tpu.memory_space<hbm>>) target(%arg7 : memref<1024xi32, #tpu.memory_space<vmem>>) target_semaphore(%run_scoped3A : memref<!tpu.dma_semaphore, #tpu.memory_space<semaphore_mem>>)
          %dma_wait3A_45 = tpu.memref_slice %arg2[%add3A] : memref<1605632xi32, #tpu.memory_space<hbm>> -> memref<1024xi32, #tpu.memory_space<hbm>>
          %dma_wait3A_46 = tpu.memref_slice %arg2[%add3A] : memref<1605632xi32, #tpu.memory_space<hbm>> -> memref<1024xi32, #tpu.memory_space<hbm>>
          tpu.wait_dma2 semaphore(%run_scoped3A : memref<!tpu.dma_semaphore, #tpu.memory_space<semaphore_mem>>) src(%dma_wait3A_46 : memref<1024xi32, #tpu.memory_space<hbm>>) dst(%arg7 : memref<1024xi32, #tpu.memory_space<vmem>>)
          tpu.yield
        }) : () -> ()
        "tpu.region"() ({
          %run_scoped3A = tpu.sem_alloc : memref<!tpu.dma_semaphore, #tpu.memory_space<semaphore_mem>>
          %dma_start3A_43 = tpu.memref_slice %arg3[%add3A] : memref<1605632xi32, #tpu.memory_space<hbm>> -> memref<1024xi32, #tpu.memory_space<hbm>>
          %dma_start3A_44 = tpu.memref_slice %arg3[%add3A] : memref<1605632xi32, #tpu.memory_space<hbm>> -> memref<1024xi32, #tpu.memory_space<hbm>>
          tpu.enqueue_dma source(%dma_start3A_44 : memref<1024xi32, #tpu.memory_space<hbm>>) target(%arg8 : memref<1024xi32, #tpu.memory_space<vmem>>) target_semaphore(%run_scoped3A : memref<!tpu.dma_semaphore, #tpu.memory_space<semaphore_mem>>)
          %dma_wait3A_45 = tpu.memref_slice %arg3[%add3A] : memref<1605632xi32, #tpu.memory_space<hbm>> -> memref<1024xi32, #tpu.memory_space<hbm>>
          %dma_wait3A_46 = tpu.memref_slice %arg3[%add3A] : memref<1605632xi32, #tpu.memory_space<hbm>> -> memref<1024xi32, #tpu.memory_space<hbm>>
          tpu.wait_dma2 semaphore(%run_scoped3A : memref<!tpu.dma_semaphore, #tpu.memory_space<semaphore_mem>>) src(%dma_wait3A_46 : memref<1024xi32, #tpu.memory_space<hbm>>) dst(%arg8 : memref<1024xi32, #tpu.memory_space<vmem>>)
          tpu.yield
        }) : () -> ()
        %dma_start3A = arith.constant 0 : i32
        %dma_start3A_39 = arith.constant 0 : i32
        %dma_start3A_40 = tpu.memref_slice %arg4[%dma_start3A, %dma_start3A_39] : memref<100000x16xf32, #tpu.memory_space<hbm>> -> memref<100000x16xf32, #tpu.memory_space<hbm>>
        tpu.enqueue_indirect_dma source(%dma_start3A_40 : memref<100000x16xf32, #tpu.memory_space<hbm>>) target(%arg9 : memref<1024x16xf32, #tpu.memory_space<vmem>>) offsets(%arg7 : memref<1024xi32, #tpu.memory_space<vmem>>) semaphore(%arg11 : memref<!tpu.dma_semaphore, #tpu.memory_space<semaphore_mem>>)
        %dma_wait3A = arith.constant 0 : i32
        %dma_wait3A_41 = arith.constant 0 : i32
        %dma_wait3A_42 = tpu.memref_slice %arg4[%dma_wait3A, %dma_wait3A_41] : memref<100000x16xf32, #tpu.memory_space<hbm>> -> memref<100000x16xf32, #tpu.memory_space<hbm>>
        tpu.wait_indirect_dma semaphore(%arg11 : memref<!tpu.dma_semaphore, #tpu.memory_space<semaphore_mem>>) src(%dma_wait3A_42 : memref<100000x16xf32, #tpu.memory_space<hbm>>) dst(%arg9 : memref<1024x16xf32, #tpu.memory_space<vmem>>)
        "tpu.region"() ({
          %run_scoped3A = tpu.sem_alloc : memref<!tpu.dma_semaphore, #tpu.memory_space<semaphore_mem>>
          %dma_start3A_43 = arith.constant 0 : i32
          %dma_start3A_44 = arith.constant 0 : i32
          %dma_start3A_45 = tpu.memref_slice %arg10[%dma_start3A_43, %dma_start3A_44] : memref<100008x16xf32, #tpu.memory_space<vmem_shared>> -> memref<100008x16xf32, #tpu.memory_space<vmem_shared>>
          tpu.enqueue_indirect_dma source(%arg9 : memref<1024x16xf32, #tpu.memory_space<vmem>>) target(%dma_start3A_45 : memref<100008x16xf32, #tpu.memory_space<vmem_shared>>) offsets(%arg8 : memref<1024xi32, #tpu.memory_space<vmem>>) semaphore(%run_scoped3A : memref<!tpu.dma_semaphore, #tpu.memory_space<semaphore_mem>>) {add = true}
          %dma_wait3A_46 = arith.constant 0 : i32
          %dma_wait3A_47 = arith.constant 0 : i32
          %dma_wait3A_48 = tpu.memref_slice %arg10[%dma_wait3A_46, %dma_wait3A_47] : memref<100008x16xf32, #tpu.memory_space<vmem_shared>> -> memref<100008x16xf32, #tpu.memory_space<vmem_shared>>
          tpu.wait_indirect_dma semaphore(%run_scoped3A : memref<!tpu.dma_semaphore, #tpu.memory_space<semaphore_mem>>) src(%arg9 : memref<1024x16xf32, #tpu.memory_space<vmem>>) dst(%dma_wait3A_48 : memref<100008x16xf32, #tpu.memory_space<vmem_shared>>)
          tpu.yield
        }) : () -> ()
      }
      %scan3A_21 = arith.constant 98 : i32
      %barrier3A_22 = arith.constant 0 : index
      tpu.barrier barrier_id(%barrier3A_22)
      %lt3A_23 = arith.constant 15 : i32
      %lt3A_24 = arith.cmpi slt, %arg1, %lt3A_23 : i32
      %convert_element_type3A_25 = arith.extui %lt3A_24 : i1 to i32
      %cond3A_26 = arith.constant 0 : i32
      %cond3A_27 = arith.cmpi ne, %convert_element_type3A_25, %cond3A_26 : i32
      scf.if %cond3A_27 {
        %run_scoped3A = arith.constant 0 : i32
        "tpu.region"() ({
          %run_scoped3A_34 = tpu.sem_alloc : memref<!tpu.dma_semaphore, #tpu.memory_space<semaphore_mem>>
          %dma_start3A = arith.constant 0 : i32
          %dma_start3A_35 = tpu.memref_slice %arg6[%run_scoped3A, %mul3A_7, %dma_start3A] : memref<2x100000x16xf32, #tpu.memory_space<hbm>> -> memref<1x6256x16xf32, #tpu.memory_space<hbm>>
          %dma_start3A_36 = tpu.memref_squeeze %dma_start3A_35 : memref<1x6256x16xf32, #tpu.memory_space<hbm>> -> memref<6256x16xf32, #tpu.memory_space<hbm>>
          %dma_start3A_37 = arith.constant 0 : i32
          %dma_start3A_38 = tpu.memref_slice %arg10[%mul3A_7, %dma_start3A_37] : memref<100008x16xf32, #tpu.memory_space<vmem_shared>> -> memref<6256x16xf32, #tpu.memory_space<vmem_shared>>
          tpu.enqueue_dma source(%dma_start3A_38 : memref<6256x16xf32, #tpu.memory_space<vmem_shared>>) target(%dma_start3A_36 : memref<6256x16xf32, #tpu.memory_space<hbm>>) target_semaphore(%run_scoped3A_34 : memref<!tpu.dma_semaphore, #tpu.memory_space<semaphore_mem>>)
          %dma_wait3A = arith.constant 0 : i32
          %dma_wait3A_39 = tpu.memref_slice %arg6[%run_scoped3A, %mul3A_7, %dma_wait3A] : memref<2x100000x16xf32, #tpu.memory_space<hbm>> -> memref<1x6256x16xf32, #tpu.memory_space<hbm>>
          %dma_wait3A_40 = tpu.memref_squeeze %dma_wait3A_39 : memref<1x6256x16xf32, #tpu.memory_space<hbm>> -> memref<6256x16xf32, #tpu.memory_space<hbm>>
          %dma_wait3A_41 = arith.constant 0 : i32
          %dma_wait3A_42 = tpu.memref_slice %arg10[%mul3A_7, %dma_wait3A_41] : memref<100008x16xf32, #tpu.memory_space<vmem_shared>> -> memref<6256x16xf32, #tpu.memory_space<vmem_shared>>
          tpu.wait_dma2 semaphore(%run_scoped3A_34 : memref<!tpu.dma_semaphore, #tpu.memory_space<semaphore_mem>>) src(%dma_wait3A_42 : memref<6256x16xf32, #tpu.memory_space<vmem_shared>>) dst(%dma_wait3A_40 : memref<6256x16xf32, #tpu.memory_space<hbm>>)
          tpu.yield
        }) : () -> ()
      } else {
      }
      %eq3A_28 = arith.constant 15 : i32
      %eq3A_29 = arith.cmpi eq, %arg1, %eq3A_28 : i32
      %convert_element_type3A_30 = arith.extui %eq3A_29 : i1 to i32
      %cond3A_31 = arith.constant 0 : i32
      %cond3A_32 = arith.cmpi ne, %convert_element_type3A_30, %cond3A_31 : i32
      scf.if %cond3A_32 {
        %run_scoped3A = arith.constant 0 : i32
        "tpu.region"() ({
          %run_scoped3A_34 = tpu.sem_alloc : memref<!tpu.dma_semaphore, #tpu.memory_space<semaphore_mem>>
          %dma_start3A = arith.constant 93840 : i32
          %dma_start3A_35 = arith.constant 0 : i32
          %dma_start3A_36 = tpu.memref_slice %arg6[%run_scoped3A, %dma_start3A, %dma_start3A_35] : memref<2x100000x16xf32, #tpu.memory_space<hbm>> -> memref<1x6160x16xf32, #tpu.memory_space<hbm>>
          %dma_start3A_37 = tpu.memref_squeeze %dma_start3A_36 : memref<1x6160x16xf32, #tpu.memory_space<hbm>> -> memref<6160x16xf32, #tpu.memory_space<hbm>>
          %dma_start3A_38 = arith.constant 93840 : i32
          %dma_start3A_39 = arith.constant 0 : i32
          %dma_start3A_40 = tpu.memref_slice %arg10[%dma_start3A_38, %dma_start3A_39] : memref<100008x16xf32, #tpu.memory_space<vmem_shared>> -> memref<6160x16xf32, #tpu.memory_space<vmem_shared>>
          tpu.enqueue_dma source(%dma_start3A_40 : memref<6160x16xf32, #tpu.memory_space<vmem_shared>>) target(%dma_start3A_37 : memref<6160x16xf32, #tpu.memory_space<hbm>>) target_semaphore(%run_scoped3A_34 : memref<!tpu.dma_semaphore, #tpu.memory_space<semaphore_mem>>)
          %dma_wait3A = arith.constant 93840 : i32
          %dma_wait3A_41 = arith.constant 0 : i32
          %dma_wait3A_42 = tpu.memref_slice %arg6[%run_scoped3A, %dma_wait3A, %dma_wait3A_41] : memref<2x100000x16xf32, #tpu.memory_space<hbm>> -> memref<1x6160x16xf32, #tpu.memory_space<hbm>>
          %dma_wait3A_43 = tpu.memref_squeeze %dma_wait3A_42 : memref<1x6160x16xf32, #tpu.memory_space<hbm>> -> memref<6160x16xf32, #tpu.memory_space<hbm>>
          %dma_wait3A_44 = arith.constant 93840 : i32
          %dma_wait3A_45 = arith.constant 0 : i32
          %dma_wait3A_46 = tpu.memref_slice %arg10[%dma_wait3A_44, %dma_wait3A_45] : memref<100008x16xf32, #tpu.memory_space<vmem_shared>> -> memref<6160x16xf32, #tpu.memory_space<vmem_shared>>
          tpu.wait_dma2 semaphore(%run_scoped3A_34 : memref<!tpu.dma_semaphore, #tpu.memory_space<semaphore_mem>>) src(%dma_wait3A_46 : memref<6160x16xf32, #tpu.memory_space<vmem_shared>>) dst(%dma_wait3A_43 : memref<6160x16xf32, #tpu.memory_space<hbm>>)
          tpu.yield
        }) : () -> ()
      } else {
      }
      %barrier3A_33 = arith.constant 0 : index
      tpu.barrier barrier_id(%barrier3A_33)
    } else {
    }
    %eq3A_2 = arith.constant 1 : i32
    %eq3A_3 = arith.cmpi eq, %arg0, %eq3A_2 : i32
    %convert_element_type3A_4 = arith.extui %eq3A_3 : i1 to i32
    %cond3A_5 = arith.constant 0 : i32
    %cond3A_6 = arith.cmpi ne, %convert_element_type3A_4, %cond3A_5 : i32
    scf.if %cond3A_6 {
      %mul3A = arith.constant 6256 : i32
      %mul3A_7 = arith.muli %arg1, %mul3A : i32
      %lt3A = arith.constant 15 : i32
      %lt3A_8 = arith.cmpi slt, %arg1, %lt3A : i32
      %convert_element_type3A_9 = arith.extui %lt3A_8 : i1 to i32
      %cond3A_10 = arith.constant 0 : i32
      %cond3A_11 = arith.cmpi ne, %convert_element_type3A_9, %cond3A_10 : i32
      scf.if %cond3A_11 {
        "tpu.region"() ({
          %run_scoped3A = tpu.sem_alloc : memref<!tpu.dma_semaphore, #tpu.memory_space<semaphore_mem>>
          %dma_start3A = arith.constant 0 : i32
          %dma_start3A_34 = tpu.memref_slice %arg10[%mul3A_7, %dma_start3A] : memref<100008x16xf32, #tpu.memory_space<vmem_shared>> -> memref<6256x16xf32, #tpu.memory_space<vmem_shared>>
          %dma_start3A_35 = arith.constant 0 : i32
          %dma_start3A_36 = tpu.memref_slice %arg5[%mul3A_7, %dma_start3A_35] : memref<100000x16xf32, #tpu.memory_space<hbm>> -> memref<6256x16xf32, #tpu.memory_space<hbm>>
          tpu.enqueue_dma source(%dma_start3A_36 : memref<6256x16xf32, #tpu.memory_space<hbm>>) target(%dma_start3A_34 : memref<6256x16xf32, #tpu.memory_space<vmem_shared>>) target_semaphore(%run_scoped3A : memref<!tpu.dma_semaphore, #tpu.memory_space<semaphore_mem>>)
          %dma_wait3A = arith.constant 0 : i32
          %dma_wait3A_37 = tpu.memref_slice %arg10[%mul3A_7, %dma_wait3A] : memref<100008x16xf32, #tpu.memory_space<vmem_shared>> -> memref<6256x16xf32, #tpu.memory_space<vmem_shared>>
          %dma_wait3A_38 = arith.constant 0 : i32
          %dma_wait3A_39 = tpu.memref_slice %arg5[%mul3A_7, %dma_wait3A_38] : memref<100000x16xf32, #tpu.memory_space<hbm>> -> memref<6256x16xf32, #tpu.memory_space<hbm>>
          tpu.wait_dma2 semaphore(%run_scoped3A : memref<!tpu.dma_semaphore, #tpu.memory_space<semaphore_mem>>) src(%dma_wait3A_39 : memref<6256x16xf32, #tpu.memory_space<hbm>>) dst(%dma_wait3A_37 : memref<6256x16xf32, #tpu.memory_space<vmem_shared>>)
          tpu.yield
        }) : () -> ()
      } else {
      }
      %eq3A_12 = arith.constant 15 : i32
      %eq3A_13 = arith.cmpi eq, %arg1, %eq3A_12 : i32
      %convert_element_type3A_14 = arith.extui %eq3A_13 : i1 to i32
      %cond3A_15 = arith.constant 0 : i32
      %cond3A_16 = arith.cmpi ne, %convert_element_type3A_14, %cond3A_15 : i32
      scf.if %cond3A_16 {
        "tpu.region"() ({
          %run_scoped3A = tpu.sem_alloc : memref<!tpu.dma_semaphore, #tpu.memory_space<semaphore_mem>>
          %dma_start3A = arith.constant 93840 : i32
          %dma_start3A_34 = arith.constant 0 : i32
          %dma_start3A_35 = tpu.memref_slice %arg10[%dma_start3A, %dma_start3A_34] : memref<100008x16xf32, #tpu.memory_space<vmem_shared>> -> memref<6160x16xf32, #tpu.memory_space<vmem_shared>>
          %dma_start3A_36 = arith.constant 93840 : i32
          %dma_start3A_37 = arith.constant 0 : i32
          %dma_start3A_38 = tpu.memref_slice %arg5[%dma_start3A_36, %dma_start3A_37] : memref<100000x16xf32, #tpu.memory_space<hbm>> -> memref<6160x16xf32, #tpu.memory_space<hbm>>
          tpu.enqueue_dma source(%dma_start3A_38 : memref<6160x16xf32, #tpu.memory_space<hbm>>) target(%dma_start3A_35 : memref<6160x16xf32, #tpu.memory_space<vmem_shared>>) target_semaphore(%run_scoped3A : memref<!tpu.dma_semaphore, #tpu.memory_space<semaphore_mem>>)
          %dma_wait3A = arith.constant 93840 : i32
          %dma_wait3A_39 = arith.constant 0 : i32
          %dma_wait3A_40 = tpu.memref_slice %arg10[%dma_wait3A, %dma_wait3A_39] : memref<100008x16xf32, #tpu.memory_space<vmem_shared>> -> memref<6160x16xf32, #tpu.memory_space<vmem_shared>>
          %dma_wait3A_41 = arith.constant 93840 : i32
          %dma_wait3A_42 = arith.constant 0 : i32
          %dma_wait3A_43 = tpu.memref_slice %arg5[%dma_wait3A_41, %dma_wait3A_42] : memref<100000x16xf32, #tpu.memory_space<hbm>> -> memref<6160x16xf32, #tpu.memory_space<hbm>>
          tpu.wait_dma2 semaphore(%run_scoped3A : memref<!tpu.dma_semaphore, #tpu.memory_space<semaphore_mem>>) src(%dma_wait3A_43 : memref<6160x16xf32, #tpu.memory_space<hbm>>) dst(%dma_wait3A_40 : memref<6160x16xf32, #tpu.memory_space<vmem_shared>>)
          tpu.yield
        }) : () -> ()
      } else {
      }
      %barrier3A = arith.constant 0 : index
      tpu.barrier barrier_id(%barrier3A)
      %scan3A = arith.constant 0 : i32
      %scan3A_17 = arith.constant 0 : i32
      %scan3A_18 = arith.constant 98 : i32
      %scan3A_19 = arith.addi %scan3A_17, %scan3A_18 : i32
      %scan3A_20 = arith.constant 1 : i32
      scf.for %scan3A_34 = %scan3A_17 to %scan3A_19 step %scan3A_20  : i32 {
        %mul3A_35 = arith.constant 100352 : i32
        %mul3A_36 = arith.muli %arg1, %mul3A_35 : i32
        %mul3A_37 = arith.constant 1024 : i32
        %mul3A_38 = arith.muli %scan3A_34, %mul3A_37 : i32
        %add3A = arith.addi %mul3A_36, %mul3A_38 : i32
        "tpu.region"() ({
          %run_scoped3A = tpu.sem_alloc : memref<!tpu.dma_semaphore, #tpu.memory_space<semaphore_mem>>
          %dma_start3A_43 = tpu.memref_slice %arg2[%add3A] : memref<1605632xi32, #tpu.memory_space<hbm>> -> memref<1024xi32, #tpu.memory_space<hbm>>
          %dma_start3A_44 = tpu.memref_slice %arg2[%add3A] : memref<1605632xi32, #tpu.memory_space<hbm>> -> memref<1024xi32, #tpu.memory_space<hbm>>
          tpu.enqueue_dma source(%dma_start3A_44 : memref<1024xi32, #tpu.memory_space<hbm>>) target(%arg7 : memref<1024xi32, #tpu.memory_space<vmem>>) target_semaphore(%run_scoped3A : memref<!tpu.dma_semaphore, #tpu.memory_space<semaphore_mem>>)
          %dma_wait3A_45 = tpu.memref_slice %arg2[%add3A] : memref<1605632xi32, #tpu.memory_space<hbm>> -> memref<1024xi32, #tpu.memory_space<hbm>>
          %dma_wait3A_46 = tpu.memref_slice %arg2[%add3A] : memref<1605632xi32, #tpu.memory_space<hbm>> -> memref<1024xi32, #tpu.memory_space<hbm>>
          tpu.wait_dma2 semaphore(%run_scoped3A : memref<!tpu.dma_semaphore, #tpu.memory_space<semaphore_mem>>) src(%dma_wait3A_46 : memref<1024xi32, #tpu.memory_space<hbm>>) dst(%arg7 : memref<1024xi32, #tpu.memory_space<vmem>>)
          tpu.yield
        }) : () -> ()
        "tpu.region"() ({
          %run_scoped3A = tpu.sem_alloc : memref<!tpu.dma_semaphore, #tpu.memory_space<semaphore_mem>>
          %dma_start3A_43 = tpu.memref_slice %arg3[%add3A] : memref<1605632xi32, #tpu.memory_space<hbm>> -> memref<1024xi32, #tpu.memory_space<hbm>>
          %dma_start3A_44 = tpu.memref_slice %arg3[%add3A] : memref<1605632xi32, #tpu.memory_space<hbm>> -> memref<1024xi32, #tpu.memory_space<hbm>>
          tpu.enqueue_dma source(%dma_start3A_44 : memref<1024xi32, #tpu.memory_space<hbm>>) target(%arg8 : memref<1024xi32, #tpu.memory_space<vmem>>) target_semaphore(%run_scoped3A : memref<!tpu.dma_semaphore, #tpu.memory_space<semaphore_mem>>)
          %dma_wait3A_45 = tpu.memref_slice %arg3[%add3A] : memref<1605632xi32, #tpu.memory_space<hbm>> -> memref<1024xi32, #tpu.memory_space<hbm>>
          %dma_wait3A_46 = tpu.memref_slice %arg3[%add3A] : memref<1605632xi32, #tpu.memory_space<hbm>> -> memref<1024xi32, #tpu.memory_space<hbm>>
          tpu.wait_dma2 semaphore(%run_scoped3A : memref<!tpu.dma_semaphore, #tpu.memory_space<semaphore_mem>>) src(%dma_wait3A_46 : memref<1024xi32, #tpu.memory_space<hbm>>) dst(%arg8 : memref<1024xi32, #tpu.memory_space<vmem>>)
          tpu.yield
        }) : () -> ()
        %dma_start3A = arith.constant 0 : i32
        %dma_start3A_39 = arith.constant 0 : i32
        %dma_start3A_40 = tpu.memref_slice %arg5[%dma_start3A, %dma_start3A_39] : memref<100000x16xf32, #tpu.memory_space<hbm>> -> memref<100000x16xf32, #tpu.memory_space<hbm>>
        tpu.enqueue_indirect_dma source(%dma_start3A_40 : memref<100000x16xf32, #tpu.memory_space<hbm>>) target(%arg9 : memref<1024x16xf32, #tpu.memory_space<vmem>>) offsets(%arg7 : memref<1024xi32, #tpu.memory_space<vmem>>) semaphore(%arg11 : memref<!tpu.dma_semaphore, #tpu.memory_space<semaphore_mem>>)
        %dma_wait3A = arith.constant 0 : i32
        %dma_wait3A_41 = arith.constant 0 : i32
        %dma_wait3A_42 = tpu.memref_slice %arg5[%dma_wait3A, %dma_wait3A_41] : memref<100000x16xf32, #tpu.memory_space<hbm>> -> memref<100000x16xf32, #tpu.memory_space<hbm>>
        tpu.wait_indirect_dma semaphore(%arg11 : memref<!tpu.dma_semaphore, #tpu.memory_space<semaphore_mem>>) src(%dma_wait3A_42 : memref<100000x16xf32, #tpu.memory_space<hbm>>) dst(%arg9 : memref<1024x16xf32, #tpu.memory_space<vmem>>)
        "tpu.region"() ({
          %run_scoped3A = tpu.sem_alloc : memref<!tpu.dma_semaphore, #tpu.memory_space<semaphore_mem>>
          %dma_start3A_43 = arith.constant 0 : i32
          %dma_start3A_44 = arith.constant 0 : i32
          %dma_start3A_45 = tpu.memref_slice %arg10[%dma_start3A_43, %dma_start3A_44] : memref<100008x16xf32, #tpu.memory_space<vmem_shared>> -> memref<100008x16xf32, #tpu.memory_space<vmem_shared>>
          tpu.enqueue_indirect_dma source(%arg9 : memref<1024x16xf32, #tpu.memory_space<vmem>>) target(%dma_start3A_45 : memref<100008x16xf32, #tpu.memory_space<vmem_shared>>) offsets(%arg8 : memref<1024xi32, #tpu.memory_space<vmem>>) semaphore(%run_scoped3A : memref<!tpu.dma_semaphore, #tpu.memory_space<semaphore_mem>>) {add = true}
          %dma_wait3A_46 = arith.constant 0 : i32
          %dma_wait3A_47 = arith.constant 0 : i32
          %dma_wait3A_48 = tpu.memref_slice %arg10[%dma_wait3A_46, %dma_wait3A_47] : memref<100008x16xf32, #tpu.memory_space<vmem_shared>> -> memref<100008x16xf32, #tpu.memory_space<vmem_shared>>
          tpu.wait_indirect_dma semaphore(%run_scoped3A : memref<!tpu.dma_semaphore, #tpu.memory_space<semaphore_mem>>) src(%arg9 : memref<1024x16xf32, #tpu.memory_space<vmem>>) dst(%dma_wait3A_48 : memref<100008x16xf32, #tpu.memory_space<vmem_shared>>)
          tpu.yield
        }) : () -> ()
      }
      %scan3A_21 = arith.constant 98 : i32
      %barrier3A_22 = arith.constant 0 : index
      tpu.barrier barrier_id(%barrier3A_22)
      %lt3A_23 = arith.constant 15 : i32
      %lt3A_24 = arith.cmpi slt, %arg1, %lt3A_23 : i32
      %convert_element_type3A_25 = arith.extui %lt3A_24 : i1 to i32
      %cond3A_26 = arith.constant 0 : i32
      %cond3A_27 = arith.cmpi ne, %convert_element_type3A_25, %cond3A_26 : i32
      scf.if %cond3A_27 {
        %run_scoped3A = arith.constant 1 : i32
        "tpu.region"() ({
          %run_scoped3A_34 = tpu.sem_alloc : memref<!tpu.dma_semaphore, #tpu.memory_space<semaphore_mem>>
          %dma_start3A = arith.constant 0 : i32
          %dma_start3A_35 = tpu.memref_slice %arg6[%run_scoped3A, %mul3A_7, %dma_start3A] : memref<2x100000x16xf32, #tpu.memory_space<hbm>> -> memref<1x6256x16xf32, #tpu.memory_space<hbm>>
          %dma_start3A_36 = tpu.memref_squeeze %dma_start3A_35 : memref<1x6256x16xf32, #tpu.memory_space<hbm>> -> memref<6256x16xf32, #tpu.memory_space<hbm>>
          %dma_start3A_37 = arith.constant 0 : i32
          %dma_start3A_38 = tpu.memref_slice %arg10[%mul3A_7, %dma_start3A_37] : memref<100008x16xf32, #tpu.memory_space<vmem_shared>> -> memref<6256x16xf32, #tpu.memory_space<vmem_shared>>
          tpu.enqueue_dma source(%dma_start3A_38 : memref<6256x16xf32, #tpu.memory_space<vmem_shared>>) target(%dma_start3A_36 : memref<6256x16xf32, #tpu.memory_space<hbm>>) target_semaphore(%run_scoped3A_34 : memref<!tpu.dma_semaphore, #tpu.memory_space<semaphore_mem>>)
          %dma_wait3A = arith.constant 0 : i32
          %dma_wait3A_39 = tpu.memref_slice %arg6[%run_scoped3A, %mul3A_7, %dma_wait3A] : memref<2x100000x16xf32, #tpu.memory_space<hbm>> -> memref<1x6256x16xf32, #tpu.memory_space<hbm>>
          %dma_wait3A_40 = tpu.memref_squeeze %dma_wait3A_39 : memref<1x6256x16xf32, #tpu.memory_space<hbm>> -> memref<6256x16xf32, #tpu.memory_space<hbm>>
          %dma_wait3A_41 = arith.constant 0 : i32
          %dma_wait3A_42 = tpu.memref_slice %arg10[%mul3A_7, %dma_wait3A_41] : memref<100008x16xf32, #tpu.memory_space<vmem_shared>> -> memref<6256x16xf32, #tpu.memory_space<vmem_shared>>
          tpu.wait_dma2 semaphore(%run_scoped3A_34 : memref<!tpu.dma_semaphore, #tpu.memory_space<semaphore_mem>>) src(%dma_wait3A_42 : memref<6256x16xf32, #tpu.memory_space<vmem_shared>>) dst(%dma_wait3A_40 : memref<6256x16xf32, #tpu.memory_space<hbm>>)
          tpu.yield
        }) : () -> ()
      } else {
      }
      %eq3A_28 = arith.constant 15 : i32
      %eq3A_29 = arith.cmpi eq, %arg1, %eq3A_28 : i32
      %convert_element_type3A_30 = arith.extui %eq3A_29 : i1 to i32
      %cond3A_31 = arith.constant 0 : i32
      %cond3A_32 = arith.cmpi ne, %convert_element_type3A_30, %cond3A_31 : i32
      scf.if %cond3A_32 {
        %run_scoped3A = arith.constant 1 : i32
        "tpu.region"() ({
          %run_scoped3A_34 = tpu.sem_alloc : memref<!tpu.dma_semaphore, #tpu.memory_space<semaphore_mem>>
          %dma_start3A = arith.constant 93840 : i32
          %dma_start3A_35 = arith.constant 0 : i32
          %dma_start3A_36 = tpu.memref_slice %arg6[%run_scoped3A, %dma_start3A, %dma_start3A_35] : memref<2x100000x16xf32, #tpu.memory_space<hbm>> -> memref<1x6160x16xf32, #tpu.memory_space<hbm>>
          %dma_start3A_37 = tpu.memref_squeeze %dma_start3A_36 : memref<1x6160x16xf32, #tpu.memory_space<hbm>> -> memref<6160x16xf32, #tpu.memory_space<hbm>>
          %dma_start3A_38 = arith.constant 93840 : i32
          %dma_start3A_39 = arith.constant 0 : i32
          %dma_start3A_40 = tpu.memref_slice %arg10[%dma_start3A_38, %dma_start3A_39] : memref<100008x16xf32, #tpu.memory_space<vmem_shared>> -> memref<6160x16xf32, #tpu.memory_space<vmem_shared>>
          tpu.enqueue_dma source(%dma_start3A_40 : memref<6160x16xf32, #tpu.memory_space<vmem_shared>>) target(%dma_start3A_37 : memref<6160x16xf32, #tpu.memory_space<hbm>>) target_semaphore(%run_scoped3A_34 : memref<!tpu.dma_semaphore, #tpu.memory_space<semaphore_mem>>)
          %dma_wait3A = arith.constant 93840 : i32
          %dma_wait3A_41 = arith.constant 0 : i32
          %dma_wait3A_42 = tpu.memref_slice %arg6[%run_scoped3A, %dma_wait3A, %dma_wait3A_41] : memref<2x100000x16xf32, #tpu.memory_space<hbm>> -> memref<1x6160x16xf32, #tpu.memory_space<hbm>>
          %dma_wait3A_43 = tpu.memref_squeeze %dma_wait3A_42 : memref<1x6160x16xf32, #tpu.memory_space<hbm>> -> memref<6160x16xf32, #tpu.memory_space<hbm>>
          %dma_wait3A_44 = arith.constant 93840 : i32
          %dma_wait3A_45 = arith.constant 0 : i32
          %dma_wait3A_46 = tpu.memref_slice %arg10[%dma_wait3A_44, %dma_wait3A_45] : memref<100008x16xf32, #tpu.memory_space<vmem_shared>> -> memref<6160x16xf32, #tpu.memory_space<vmem_shared>>
          tpu.wait_dma2 semaphore(%run_scoped3A_34 : memref<!tpu.dma_semaphore, #tpu.memory_space<semaphore_mem>>) src(%dma_wait3A_46 : memref<6160x16xf32, #tpu.memory_space<vmem_shared>>) dst(%dma_wait3A_43 : memref<6160x16xf32, #tpu.memory_space<hbm>>)
          tpu.yield
        }) : () -> ()
      } else {
      }
      %barrier3A_33 = arith.constant 0 : index
      tpu.barrier barrier_id(%barrier3A_33)
    } else {
    }
    return
  }
}

#map = affine_map<(d0, d1) -> (0)>
#map1 = affine_map<(d0, d1) -> (0, 0)>
#map2 = affine_map<(d0, d1) -> (0, 0, 0)>
module attributes {stable_mosaic.version = 14 : i64} {
  func.func @_sc_body2(%arg0: i32, %arg1: i32, %arg2: memref<1605632xi32, #tpu.memory_space<hbm>>, %arg3: memref<1605632xi32, #tpu.memory_space<hbm>>, %arg4: memref<100000x16xf32, #tpu.memory_space<hbm>>, %arg5: memref<100000x16xf32, #tpu.memory_space<hbm>>, %arg6: memref<2x100000x16xf32, #tpu.memory_space<hbm>>, %arg7: memref<1024xi32, #tpu.memory_space<vmem>>, %arg8: memref<1024xi32, #tpu.memory_space<vmem>>, %arg9: memref<1024x16xf32, #tpu.memory_space<vmem>>, %arg10: memref<100008x16xf32, #tpu.memory_space<vmem_shared>>, %arg11: memref<!tpu.dma_semaphore, #tpu.memory_space<semaphore_mem>>) attributes {dimension_semantics = [#tpu.dimension_semantics<core_parallel>, #tpu.dimension_semantics<subcore_parallel>], iteration_bounds = array<i64: 2, 16>, scalar_prefetch = 0 : i64, scratch_operands = 5 : i64, tpu.core_type = #tpu.core_type<sc_vector_subcore>, window_params = [{transform_indices = #map}, {transform_indices = #map}, {transform_indices = #map1}, {transform_indices = #map1}, {transform_indices = #map2}]} {
    %eq3A = arith.constant 0 : i32
    %eq3A_0 = arith.cmpi eq, %arg0, %eq3A : i32
    %convert_element_type3A = arith.extui %eq3A_0 : i1 to i32
    %cond3A = arith.constant 0 : i32
    %cond3A_1 = arith.cmpi ne, %convert_element_type3A, %cond3A : i32
    scf.if %cond3A_1 {
      %mul3A = arith.constant 6256 : i32
      %mul3A_7 = arith.muli %arg1, %mul3A : i32
      %lt3A = arith.constant 15 : i32
      %lt3A_8 = arith.cmpi slt, %arg1, %lt3A : i32
      %convert_element_type3A_9 = arith.extui %lt3A_8 : i1 to i32
      %cond3A_10 = arith.constant 0 : i32
      %cond3A_11 = arith.cmpi ne, %convert_element_type3A_9, %cond3A_10 : i32
      scf.if %cond3A_11 {
        "tpu.region"() ({
          %run_scoped3A = tpu.sem_alloc : memref<!tpu.dma_semaphore, #tpu.memory_space<semaphore_mem>>
          %dma_start3A = arith.constant 0 : i32
          %dma_start3A_34 = tpu.memref_slice %arg10[%mul3A_7, %dma_start3A] : memref<100008x16xf32, #tpu.memory_space<vmem_shared>> -> memref<6256x16xf32, #tpu.memory_space<vmem_shared>>
          %dma_start3A_35 = arith.constant 0 : i32
          %dma_start3A_36 = tpu.memref_slice %arg4[%mul3A_7, %dma_start3A_35] : memref<100000x16xf32, #tpu.memory_space<hbm>> -> memref<6256x16xf32, #tpu.memory_space<hbm>>
          tpu.enqueue_dma source(%dma_start3A_36 : memref<6256x16xf32, #tpu.memory_space<hbm>>) target(%dma_start3A_34 : memref<6256x16xf32, #tpu.memory_space<vmem_shared>>) target_semaphore(%run_scoped3A : memref<!tpu.dma_semaphore, #tpu.memory_space<semaphore_mem>>)
          %dma_wait3A = arith.constant 0 : i32
          %dma_wait3A_37 = tpu.memref_slice %arg10[%mul3A_7, %dma_wait3A] : memref<100008x16xf32, #tpu.memory_space<vmem_shared>> -> memref<6256x16xf32, #tpu.memory_space<vmem_shared>>
          %dma_wait3A_38 = arith.constant 0 : i32
          %dma_wait3A_39 = tpu.memref_slice %arg4[%mul3A_7, %dma_wait3A_38] : memref<100000x16xf32, #tpu.memory_space<hbm>> -> memref<6256x16xf32, #tpu.memory_space<hbm>>
          tpu.wait_dma2 semaphore(%run_scoped3A : memref<!tpu.dma_semaphore, #tpu.memory_space<semaphore_mem>>) src(%dma_wait3A_39 : memref<6256x16xf32, #tpu.memory_space<hbm>>) dst(%dma_wait3A_37 : memref<6256x16xf32, #tpu.memory_space<vmem_shared>>)
          tpu.yield
        }) : () -> ()
      } else {
      }
      %eq3A_12 = arith.constant 15 : i32
      %eq3A_13 = arith.cmpi eq, %arg1, %eq3A_12 : i32
      %convert_element_type3A_14 = arith.extui %eq3A_13 : i1 to i32
      %cond3A_15 = arith.constant 0 : i32
      %cond3A_16 = arith.cmpi ne, %convert_element_type3A_14, %cond3A_15 : i32
      scf.if %cond3A_16 {
        "tpu.region"() ({
          %run_scoped3A = tpu.sem_alloc : memref<!tpu.dma_semaphore, #tpu.memory_space<semaphore_mem>>
          %dma_start3A = arith.constant 93840 : i32
          %dma_start3A_34 = arith.constant 0 : i32
          %dma_start3A_35 = tpu.memref_slice %arg10[%dma_start3A, %dma_start3A_34] : memref<100008x16xf32, #tpu.memory_space<vmem_shared>> -> memref<6160x16xf32, #tpu.memory_space<vmem_shared>>
          %dma_start3A_36 = arith.constant 93840 : i32
          %dma_start3A_37 = arith.constant 0 : i32
          %dma_start3A_38 = tpu.memref_slice %arg4[%dma_start3A_36, %dma_start3A_37] : memref<100000x16xf32, #tpu.memory_space<hbm>> -> memref<6160x16xf32, #tpu.memory_space<hbm>>
          tpu.enqueue_dma source(%dma_start3A_38 : memref<6160x16xf32, #tpu.memory_space<hbm>>) target(%dma_start3A_35 : memref<6160x16xf32, #tpu.memory_space<vmem_shared>>) target_semaphore(%run_scoped3A : memref<!tpu.dma_semaphore, #tpu.memory_space<semaphore_mem>>)
          %dma_wait3A = arith.constant 93840 : i32
          %dma_wait3A_39 = arith.constant 0 : i32
          %dma_wait3A_40 = tpu.memref_slice %arg10[%dma_wait3A, %dma_wait3A_39] : memref<100008x16xf32, #tpu.memory_space<vmem_shared>> -> memref<6160x16xf32, #tpu.memory_space<vmem_shared>>
          %dma_wait3A_41 = arith.constant 93840 : i32
          %dma_wait3A_42 = arith.constant 0 : i32
          %dma_wait3A_43 = tpu.memref_slice %arg4[%dma_wait3A_41, %dma_wait3A_42] : memref<100000x16xf32, #tpu.memory_space<hbm>> -> memref<6160x16xf32, #tpu.memory_space<hbm>>
          tpu.wait_dma2 semaphore(%run_scoped3A : memref<!tpu.dma_semaphore, #tpu.memory_space<semaphore_mem>>) src(%dma_wait3A_43 : memref<6160x16xf32, #tpu.memory_space<hbm>>) dst(%dma_wait3A_40 : memref<6160x16xf32, #tpu.memory_space<vmem_shared>>)
          tpu.yield
        }) : () -> ()
      } else {
      }
      %barrier3A = arith.constant 0 : index
      tpu.barrier barrier_id(%barrier3A)
      %scan3A = arith.constant 0 : i32
      %scan3A_17 = arith.constant 0 : i32
      %scan3A_18 = arith.constant 98 : i32
      %scan3A_19 = arith.addi %scan3A_17, %scan3A_18 : i32
      %scan3A_20 = arith.constant 1 : i32
      scf.for %scan3A_34 = %scan3A_17 to %scan3A_19 step %scan3A_20  : i32 {
        %mul3A_35 = arith.constant 100352 : i32
        %mul3A_36 = arith.muli %arg1, %mul3A_35 : i32
        %mul3A_37 = arith.constant 1024 : i32
        %mul3A_38 = arith.muli %scan3A_34, %mul3A_37 : i32
        %add3A = arith.addi %mul3A_36, %mul3A_38 : i32
        "tpu.region"() ({
          %run_scoped3A = tpu.sem_alloc : memref<!tpu.dma_semaphore, #tpu.memory_space<semaphore_mem>>
          %dma_start3A_43 = tpu.memref_slice %arg2[%add3A] : memref<1605632xi32, #tpu.memory_space<hbm>> -> memref<1024xi32, #tpu.memory_space<hbm>>
          %dma_start3A_44 = tpu.memref_slice %arg2[%add3A] : memref<1605632xi32, #tpu.memory_space<hbm>> -> memref<1024xi32, #tpu.memory_space<hbm>>
          tpu.enqueue_dma source(%dma_start3A_44 : memref<1024xi32, #tpu.memory_space<hbm>>) target(%arg7 : memref<1024xi32, #tpu.memory_space<vmem>>) target_semaphore(%run_scoped3A : memref<!tpu.dma_semaphore, #tpu.memory_space<semaphore_mem>>)
          %dma_wait3A_45 = tpu.memref_slice %arg2[%add3A] : memref<1605632xi32, #tpu.memory_space<hbm>> -> memref<1024xi32, #tpu.memory_space<hbm>>
          %dma_wait3A_46 = tpu.memref_slice %arg2[%add3A] : memref<1605632xi32, #tpu.memory_space<hbm>> -> memref<1024xi32, #tpu.memory_space<hbm>>
          tpu.wait_dma2 semaphore(%run_scoped3A : memref<!tpu.dma_semaphore, #tpu.memory_space<semaphore_mem>>) src(%dma_wait3A_46 : memref<1024xi32, #tpu.memory_space<hbm>>) dst(%arg7 : memref<1024xi32, #tpu.memory_space<vmem>>)
          tpu.yield
        }) : () -> ()
        "tpu.region"() ({
          %run_scoped3A = tpu.sem_alloc : memref<!tpu.dma_semaphore, #tpu.memory_space<semaphore_mem>>
          %dma_start3A_43 = tpu.memref_slice %arg3[%add3A] : memref<1605632xi32, #tpu.memory_space<hbm>> -> memref<1024xi32, #tpu.memory_space<hbm>>
          %dma_start3A_44 = tpu.memref_slice %arg3[%add3A] : memref<1605632xi32, #tpu.memory_space<hbm>> -> memref<1024xi32, #tpu.memory_space<hbm>>
          tpu.enqueue_dma source(%dma_start3A_44 : memref<1024xi32, #tpu.memory_space<hbm>>) target(%arg8 : memref<1024xi32, #tpu.memory_space<vmem>>) target_semaphore(%run_scoped3A : memref<!tpu.dma_semaphore, #tpu.memory_space<semaphore_mem>>)
          %dma_wait3A_45 = tpu.memref_slice %arg3[%add3A] : memref<1605632xi32, #tpu.memory_space<hbm>> -> memref<1024xi32, #tpu.memory_space<hbm>>
          %dma_wait3A_46 = tpu.memref_slice %arg3[%add3A] : memref<1605632xi32, #tpu.memory_space<hbm>> -> memref<1024xi32, #tpu.memory_space<hbm>>
          tpu.wait_dma2 semaphore(%run_scoped3A : memref<!tpu.dma_semaphore, #tpu.memory_space<semaphore_mem>>) src(%dma_wait3A_46 : memref<1024xi32, #tpu.memory_space<hbm>>) dst(%arg8 : memref<1024xi32, #tpu.memory_space<vmem>>)
          tpu.yield
        }) : () -> ()
        %dma_start3A = arith.constant 0 : i32
        %dma_start3A_39 = arith.constant 0 : i32
        %dma_start3A_40 = tpu.memref_slice %arg4[%dma_start3A, %dma_start3A_39] : memref<100000x16xf32, #tpu.memory_space<hbm>> -> memref<100000x16xf32, #tpu.memory_space<hbm>>
        tpu.enqueue_indirect_dma source(%dma_start3A_40 : memref<100000x16xf32, #tpu.memory_space<hbm>>) target(%arg9 : memref<1024x16xf32, #tpu.memory_space<vmem>>) offsets(%arg7 : memref<1024xi32, #tpu.memory_space<vmem>>) semaphore(%arg11 : memref<!tpu.dma_semaphore, #tpu.memory_space<semaphore_mem>>)
        %dma_wait3A = arith.constant 0 : i32
        %dma_wait3A_41 = arith.constant 0 : i32
        %dma_wait3A_42 = tpu.memref_slice %arg4[%dma_wait3A, %dma_wait3A_41] : memref<100000x16xf32, #tpu.memory_space<hbm>> -> memref<100000x16xf32, #tpu.memory_space<hbm>>
        tpu.wait_indirect_dma semaphore(%arg11 : memref<!tpu.dma_semaphore, #tpu.memory_space<semaphore_mem>>) src(%dma_wait3A_42 : memref<100000x16xf32, #tpu.memory_space<hbm>>) dst(%arg9 : memref<1024x16xf32, #tpu.memory_space<vmem>>)
        "tpu.region"() ({
          %run_scoped3A = tpu.sem_alloc : memref<!tpu.dma_semaphore, #tpu.memory_space<semaphore_mem>>
          %dma_start3A_43 = arith.constant 0 : i32
          %dma_start3A_44 = arith.constant 0 : i32
          %dma_start3A_45 = tpu.memref_slice %arg10[%dma_start3A_43, %dma_start3A_44] : memref<100008x16xf32, #tpu.memory_space<vmem_shared>> -> memref<100008x16xf32, #tpu.memory_space<vmem_shared>>
          tpu.enqueue_indirect_dma source(%arg9 : memref<1024x16xf32, #tpu.memory_space<vmem>>) target(%dma_start3A_45 : memref<100008x16xf32, #tpu.memory_space<vmem_shared>>) offsets(%arg8 : memref<1024xi32, #tpu.memory_space<vmem>>) semaphore(%run_scoped3A : memref<!tpu.dma_semaphore, #tpu.memory_space<semaphore_mem>>) {add = true}
          %dma_wait3A_46 = arith.constant 0 : i32
          %dma_wait3A_47 = arith.constant 0 : i32
          %dma_wait3A_48 = tpu.memref_slice %arg10[%dma_wait3A_46, %dma_wait3A_47] : memref<100008x16xf32, #tpu.memory_space<vmem_shared>> -> memref<100008x16xf32, #tpu.memory_space<vmem_shared>>
          tpu.wait_indirect_dma semaphore(%run_scoped3A : memref<!tpu.dma_semaphore, #tpu.memory_space<semaphore_mem>>) src(%arg9 : memref<1024x16xf32, #tpu.memory_space<vmem>>) dst(%dma_wait3A_48 : memref<100008x16xf32, #tpu.memory_space<vmem_shared>>)
          tpu.yield
        }) : () -> ()
      }
      %scan3A_21 = arith.constant 98 : i32
      %barrier3A_22 = arith.constant 0 : index
      tpu.barrier barrier_id(%barrier3A_22)
      %lt3A_23 = arith.constant 15 : i32
      %lt3A_24 = arith.cmpi slt, %arg1, %lt3A_23 : i32
      %convert_element_type3A_25 = arith.extui %lt3A_24 : i1 to i32
      %cond3A_26 = arith.constant 0 : i32
      %cond3A_27 = arith.cmpi ne, %convert_element_type3A_25, %cond3A_26 : i32
      scf.if %cond3A_27 {
        %run_scoped3A = arith.constant 0 : i32
        "tpu.region"() ({
          %run_scoped3A_34 = tpu.sem_alloc : memref<!tpu.dma_semaphore, #tpu.memory_space<semaphore_mem>>
          %dma_start3A = arith.constant 0 : i32
          %dma_start3A_35 = tpu.memref_slice %arg6[%run_scoped3A, %mul3A_7, %dma_start3A] : memref<2x100000x16xf32, #tpu.memory_space<hbm>> -> memref<1x6256x16xf32, #tpu.memory_space<hbm>>
          %dma_start3A_36 = tpu.memref_squeeze %dma_start3A_35 : memref<1x6256x16xf32, #tpu.memory_space<hbm>> -> memref<6256x16xf32, #tpu.memory_space<hbm>>
          %dma_start3A_37 = arith.constant 0 : i32
          %dma_start3A_38 = tpu.memref_slice %arg10[%mul3A_7, %dma_start3A_37] : memref<100008x16xf32, #tpu.memory_space<vmem_shared>> -> memref<6256x16xf32, #tpu.memory_space<vmem_shared>>
          tpu.enqueue_dma source(%dma_start3A_38 : memref<6256x16xf32, #tpu.memory_space<vmem_shared>>) target(%dma_start3A_36 : memref<6256x16xf32, #tpu.memory_space<hbm>>) target_semaphore(%run_scoped3A_34 : memref<!tpu.dma_semaphore, #tpu.memory_space<semaphore_mem>>)
          %dma_wait3A = arith.constant 0 : i32
          %dma_wait3A_39 = tpu.memref_slice %arg6[%run_scoped3A, %mul3A_7, %dma_wait3A] : memref<2x100000x16xf32, #tpu.memory_space<hbm>> -> memref<1x6256x16xf32, #tpu.memory_space<hbm>>
          %dma_wait3A_40 = tpu.memref_squeeze %dma_wait3A_39 : memref<1x6256x16xf32, #tpu.memory_space<hbm>> -> memref<6256x16xf32, #tpu.memory_space<hbm>>
          %dma_wait3A_41 = arith.constant 0 : i32
          %dma_wait3A_42 = tpu.memref_slice %arg10[%mul3A_7, %dma_wait3A_41] : memref<100008x16xf32, #tpu.memory_space<vmem_shared>> -> memref<6256x16xf32, #tpu.memory_space<vmem_shared>>
          tpu.wait_dma2 semaphore(%run_scoped3A_34 : memref<!tpu.dma_semaphore, #tpu.memory_space<semaphore_mem>>) src(%dma_wait3A_42 : memref<6256x16xf32, #tpu.memory_space<vmem_shared>>) dst(%dma_wait3A_40 : memref<6256x16xf32, #tpu.memory_space<hbm>>)
          tpu.yield
        }) : () -> ()
      } else {
      }
      %eq3A_28 = arith.constant 15 : i32
      %eq3A_29 = arith.cmpi eq, %arg1, %eq3A_28 : i32
      %convert_element_type3A_30 = arith.extui %eq3A_29 : i1 to i32
      %cond3A_31 = arith.constant 0 : i32
      %cond3A_32 = arith.cmpi ne, %convert_element_type3A_30, %cond3A_31 : i32
      scf.if %cond3A_32 {
        %run_scoped3A = arith.constant 0 : i32
        "tpu.region"() ({
          %run_scoped3A_34 = tpu.sem_alloc : memref<!tpu.dma_semaphore, #tpu.memory_space<semaphore_mem>>
          %dma_start3A = arith.constant 93840 : i32
          %dma_start3A_35 = arith.constant 0 : i32
          %dma_start3A_36 = tpu.memref_slice %arg6[%run_scoped3A, %dma_start3A, %dma_start3A_35] : memref<2x100000x16xf32, #tpu.memory_space<hbm>> -> memref<1x6160x16xf32, #tpu.memory_space<hbm>>
          %dma_start3A_37 = tpu.memref_squeeze %dma_start3A_36 : memref<1x6160x16xf32, #tpu.memory_space<hbm>> -> memref<6160x16xf32, #tpu.memory_space<hbm>>
          %dma_start3A_38 = arith.constant 93840 : i32
          %dma_start3A_39 = arith.constant 0 : i32
          %dma_start3A_40 = tpu.memref_slice %arg10[%dma_start3A_38, %dma_start3A_39] : memref<100008x16xf32, #tpu.memory_space<vmem_shared>> -> memref<6160x16xf32, #tpu.memory_space<vmem_shared>>
          tpu.enqueue_dma source(%dma_start3A_40 : memref<6160x16xf32, #tpu.memory_space<vmem_shared>>) target(%dma_start3A_37 : memref<6160x16xf32, #tpu.memory_space<hbm>>) target_semaphore(%run_scoped3A_34 : memref<!tpu.dma_semaphore, #tpu.memory_space<semaphore_mem>>)
          %dma_wait3A = arith.constant 93840 : i32
          %dma_wait3A_41 = arith.constant 0 : i32
          %dma_wait3A_42 = tpu.memref_slice %arg6[%run_scoped3A, %dma_wait3A, %dma_wait3A_41] : memref<2x100000x16xf32, #tpu.memory_space<hbm>> -> memref<1x6160x16xf32, #tpu.memory_space<hbm>>
          %dma_wait3A_43 = tpu.memref_squeeze %dma_wait3A_42 : memref<1x6160x16xf32, #tpu.memory_space<hbm>> -> memref<6160x16xf32, #tpu.memory_space<hbm>>
          %dma_wait3A_44 = arith.constant 93840 : i32
          %dma_wait3A_45 = arith.constant 0 : i32
          %dma_wait3A_46 = tpu.memref_slice %arg10[%dma_wait3A_44, %dma_wait3A_45] : memref<100008x16xf32, #tpu.memory_space<vmem_shared>> -> memref<6160x16xf32, #tpu.memory_space<vmem_shared>>
          tpu.wait_dma2 semaphore(%run_scoped3A_34 : memref<!tpu.dma_semaphore, #tpu.memory_space<semaphore_mem>>) src(%dma_wait3A_46 : memref<6160x16xf32, #tpu.memory_space<vmem_shared>>) dst(%dma_wait3A_43 : memref<6160x16xf32, #tpu.memory_space<hbm>>)
          tpu.yield
        }) : () -> ()
      } else {
      }
      %barrier3A_33 = arith.constant 0 : index
      tpu.barrier barrier_id(%barrier3A_33)
    } else {
    }
    %eq3A_2 = arith.constant 1 : i32
    %eq3A_3 = arith.cmpi eq, %arg0, %eq3A_2 : i32
    %convert_element_type3A_4 = arith.extui %eq3A_3 : i1 to i32
    %cond3A_5 = arith.constant 0 : i32
    %cond3A_6 = arith.cmpi ne, %convert_element_type3A_4, %cond3A_5 : i32
    scf.if %cond3A_6 {
      %mul3A = arith.constant 6256 : i32
      %mul3A_7 = arith.muli %arg1, %mul3A : i32
      %lt3A = arith.constant 15 : i32
      %lt3A_8 = arith.cmpi slt, %arg1, %lt3A : i32
      %convert_element_type3A_9 = arith.extui %lt3A_8 : i1 to i32
      %cond3A_10 = arith.constant 0 : i32
      %cond3A_11 = arith.cmpi ne, %convert_element_type3A_9, %cond3A_10 : i32
      scf.if %cond3A_11 {
        "tpu.region"() ({
          %run_scoped3A = tpu.sem_alloc : memref<!tpu.dma_semaphore, #tpu.memory_space<semaphore_mem>>
          %dma_start3A = arith.constant 0 : i32
          %dma_start3A_34 = tpu.memref_slice %arg10[%mul3A_7, %dma_start3A] : memref<100008x16xf32, #tpu.memory_space<vmem_shared>> -> memref<6256x16xf32, #tpu.memory_space<vmem_shared>>
          %dma_start3A_35 = arith.constant 0 : i32
          %dma_start3A_36 = tpu.memref_slice %arg5[%mul3A_7, %dma_start3A_35] : memref<100000x16xf32, #tpu.memory_space<hbm>> -> memref<6256x16xf32, #tpu.memory_space<hbm>>
          tpu.enqueue_dma source(%dma_start3A_36 : memref<6256x16xf32, #tpu.memory_space<hbm>>) target(%dma_start3A_34 : memref<6256x16xf32, #tpu.memory_space<vmem_shared>>) target_semaphore(%run_scoped3A : memref<!tpu.dma_semaphore, #tpu.memory_space<semaphore_mem>>)
          %dma_wait3A = arith.constant 0 : i32
          %dma_wait3A_37 = tpu.memref_slice %arg10[%mul3A_7, %dma_wait3A] : memref<100008x16xf32, #tpu.memory_space<vmem_shared>> -> memref<6256x16xf32, #tpu.memory_space<vmem_shared>>
          %dma_wait3A_38 = arith.constant 0 : i32
          %dma_wait3A_39 = tpu.memref_slice %arg5[%mul3A_7, %dma_wait3A_38] : memref<100000x16xf32, #tpu.memory_space<hbm>> -> memref<6256x16xf32, #tpu.memory_space<hbm>>
          tpu.wait_dma2 semaphore(%run_scoped3A : memref<!tpu.dma_semaphore, #tpu.memory_space<semaphore_mem>>) src(%dma_wait3A_39 : memref<6256x16xf32, #tpu.memory_space<hbm>>) dst(%dma_wait3A_37 : memref<6256x16xf32, #tpu.memory_space<vmem_shared>>)
          tpu.yield
        }) : () -> ()
      } else {
      }
      %eq3A_12 = arith.constant 15 : i32
      %eq3A_13 = arith.cmpi eq, %arg1, %eq3A_12 : i32
      %convert_element_type3A_14 = arith.extui %eq3A_13 : i1 to i32
      %cond3A_15 = arith.constant 0 : i32
      %cond3A_16 = arith.cmpi ne, %convert_element_type3A_14, %cond3A_15 : i32
      scf.if %cond3A_16 {
        "tpu.region"() ({
          %run_scoped3A = tpu.sem_alloc : memref<!tpu.dma_semaphore, #tpu.memory_space<semaphore_mem>>
          %dma_start3A = arith.constant 93840 : i32
          %dma_start3A_34 = arith.constant 0 : i32
          %dma_start3A_35 = tpu.memref_slice %arg10[%dma_start3A, %dma_start3A_34] : memref<100008x16xf32, #tpu.memory_space<vmem_shared>> -> memref<6160x16xf32, #tpu.memory_space<vmem_shared>>
          %dma_start3A_36 = arith.constant 93840 : i32
          %dma_start3A_37 = arith.constant 0 : i32
          %dma_start3A_38 = tpu.memref_slice %arg5[%dma_start3A_36, %dma_start3A_37] : memref<100000x16xf32, #tpu.memory_space<hbm>> -> memref<6160x16xf32, #tpu.memory_space<hbm>>
          tpu.enqueue_dma source(%dma_start3A_38 : memref<6160x16xf32, #tpu.memory_space<hbm>>) target(%dma_start3A_35 : memref<6160x16xf32, #tpu.memory_space<vmem_shared>>) target_semaphore(%run_scoped3A : memref<!tpu.dma_semaphore, #tpu.memory_space<semaphore_mem>>)
          %dma_wait3A = arith.constant 93840 : i32
          %dma_wait3A_39 = arith.constant 0 : i32
          %dma_wait3A_40 = tpu.memref_slice %arg10[%dma_wait3A, %dma_wait3A_39] : memref<100008x16xf32, #tpu.memory_space<vmem_shared>> -> memref<6160x16xf32, #tpu.memory_space<vmem_shared>>
          %dma_wait3A_41 = arith.constant 93840 : i32
          %dma_wait3A_42 = arith.constant 0 : i32
          %dma_wait3A_43 = tpu.memref_slice %arg5[%dma_wait3A_41, %dma_wait3A_42] : memref<100000x16xf32, #tpu.memory_space<hbm>> -> memref<6160x16xf32, #tpu.memory_space<hbm>>
          tpu.wait_dma2 semaphore(%run_scoped3A : memref<!tpu.dma_semaphore, #tpu.memory_space<semaphore_mem>>) src(%dma_wait3A_43 : memref<6160x16xf32, #tpu.memory_space<hbm>>) dst(%dma_wait3A_40 : memref<6160x16xf32, #tpu.memory_space<vmem_shared>>)
          tpu.yield
        }) : () -> ()
      } else {
      }
      %barrier3A = arith.constant 0 : index
      tpu.barrier barrier_id(%barrier3A)
      %scan3A = arith.constant 0 : i32
      %scan3A_17 = arith.constant 0 : i32
      %scan3A_18 = arith.constant 98 : i32
      %scan3A_19 = arith.addi %scan3A_17, %scan3A_18 : i32
      %scan3A_20 = arith.constant 1 : i32
      scf.for %scan3A_34 = %scan3A_17 to %scan3A_19 step %scan3A_20  : i32 {
        %mul3A_35 = arith.constant 100352 : i32
        %mul3A_36 = arith.muli %arg1, %mul3A_35 : i32
        %mul3A_37 = arith.constant 1024 : i32
        %mul3A_38 = arith.muli %scan3A_34, %mul3A_37 : i32
        %add3A = arith.addi %mul3A_36, %mul3A_38 : i32
        "tpu.region"() ({
          %run_scoped3A = tpu.sem_alloc : memref<!tpu.dma_semaphore, #tpu.memory_space<semaphore_mem>>
          %dma_start3A_43 = tpu.memref_slice %arg2[%add3A] : memref<1605632xi32, #tpu.memory_space<hbm>> -> memref<1024xi32, #tpu.memory_space<hbm>>
          %dma_start3A_44 = tpu.memref_slice %arg2[%add3A] : memref<1605632xi32, #tpu.memory_space<hbm>> -> memref<1024xi32, #tpu.memory_space<hbm>>
          tpu.enqueue_dma source(%dma_start3A_44 : memref<1024xi32, #tpu.memory_space<hbm>>) target(%arg7 : memref<1024xi32, #tpu.memory_space<vmem>>) target_semaphore(%run_scoped3A : memref<!tpu.dma_semaphore, #tpu.memory_space<semaphore_mem>>)
          %dma_wait3A_45 = tpu.memref_slice %arg2[%add3A] : memref<1605632xi32, #tpu.memory_space<hbm>> -> memref<1024xi32, #tpu.memory_space<hbm>>
          %dma_wait3A_46 = tpu.memref_slice %arg2[%add3A] : memref<1605632xi32, #tpu.memory_space<hbm>> -> memref<1024xi32, #tpu.memory_space<hbm>>
          tpu.wait_dma2 semaphore(%run_scoped3A : memref<!tpu.dma_semaphore, #tpu.memory_space<semaphore_mem>>) src(%dma_wait3A_46 : memref<1024xi32, #tpu.memory_space<hbm>>) dst(%arg7 : memref<1024xi32, #tpu.memory_space<vmem>>)
          tpu.yield
        }) : () -> ()
        "tpu.region"() ({
          %run_scoped3A = tpu.sem_alloc : memref<!tpu.dma_semaphore, #tpu.memory_space<semaphore_mem>>
          %dma_start3A_43 = tpu.memref_slice %arg3[%add3A] : memref<1605632xi32, #tpu.memory_space<hbm>> -> memref<1024xi32, #tpu.memory_space<hbm>>
          %dma_start3A_44 = tpu.memref_slice %arg3[%add3A] : memref<1605632xi32, #tpu.memory_space<hbm>> -> memref<1024xi32, #tpu.memory_space<hbm>>
          tpu.enqueue_dma source(%dma_start3A_44 : memref<1024xi32, #tpu.memory_space<hbm>>) target(%arg8 : memref<1024xi32, #tpu.memory_space<vmem>>) target_semaphore(%run_scoped3A : memref<!tpu.dma_semaphore, #tpu.memory_space<semaphore_mem>>)
          %dma_wait3A_45 = tpu.memref_slice %arg3[%add3A] : memref<1605632xi32, #tpu.memory_space<hbm>> -> memref<1024xi32, #tpu.memory_space<hbm>>
          %dma_wait3A_46 = tpu.memref_slice %arg3[%add3A] : memref<1605632xi32, #tpu.memory_space<hbm>> -> memref<1024xi32, #tpu.memory_space<hbm>>
          tpu.wait_dma2 semaphore(%run_scoped3A : memref<!tpu.dma_semaphore, #tpu.memory_space<semaphore_mem>>) src(%dma_wait3A_46 : memref<1024xi32, #tpu.memory_space<hbm>>) dst(%arg8 : memref<1024xi32, #tpu.memory_space<vmem>>)
          tpu.yield
        }) : () -> ()
        %dma_start3A = arith.constant 0 : i32
        %dma_start3A_39 = arith.constant 0 : i32
        %dma_start3A_40 = tpu.memref_slice %arg5[%dma_start3A, %dma_start3A_39] : memref<100000x16xf32, #tpu.memory_space<hbm>> -> memref<100000x16xf32, #tpu.memory_space<hbm>>
        tpu.enqueue_indirect_dma source(%dma_start3A_40 : memref<100000x16xf32, #tpu.memory_space<hbm>>) target(%arg9 : memref<1024x16xf32, #tpu.memory_space<vmem>>) offsets(%arg7 : memref<1024xi32, #tpu.memory_space<vmem>>) semaphore(%arg11 : memref<!tpu.dma_semaphore, #tpu.memory_space<semaphore_mem>>)
        %dma_wait3A = arith.constant 0 : i32
        %dma_wait3A_41 = arith.constant 0 : i32
        %dma_wait3A_42 = tpu.memref_slice %arg5[%dma_wait3A, %dma_wait3A_41] : memref<100000x16xf32, #tpu.memory_space<hbm>> -> memref<100000x16xf32, #tpu.memory_space<hbm>>
        tpu.wait_indirect_dma semaphore(%arg11 : memref<!tpu.dma_semaphore, #tpu.memory_space<semaphore_mem>>) src(%dma_wait3A_42 : memref<100000x16xf32, #tpu.memory_space<hbm>>) dst(%arg9 : memref<1024x16xf32, #tpu.memory_space<vmem>>)
        "tpu.region"() ({
          %run_scoped3A = tpu.sem_alloc : memref<!tpu.dma_semaphore, #tpu.memory_space<semaphore_mem>>
          %dma_start3A_43 = arith.constant 0 : i32
          %dma_start3A_44 = arith.constant 0 : i32
          %dma_start3A_45 = tpu.memref_slice %arg10[%dma_start3A_43, %dma_start3A_44] : memref<100008x16xf32, #tpu.memory_space<vmem_shared>> -> memref<100008x16xf32, #tpu.memory_space<vmem_shared>>
          tpu.enqueue_indirect_dma source(%arg9 : memref<1024x16xf32, #tpu.memory_space<vmem>>) target(%dma_start3A_45 : memref<100008x16xf32, #tpu.memory_space<vmem_shared>>) offsets(%arg8 : memref<1024xi32, #tpu.memory_space<vmem>>) semaphore(%run_scoped3A : memref<!tpu.dma_semaphore, #tpu.memory_space<semaphore_mem>>) {add = true}
          %dma_wait3A_46 = arith.constant 0 : i32
          %dma_wait3A_47 = arith.constant 0 : i32
          %dma_wait3A_48 = tpu.memref_slice %arg10[%dma_wait3A_46, %dma_wait3A_47] : memref<100008x16xf32, #tpu.memory_space<vmem_shared>> -> memref<100008x16xf32, #tpu.memory_space<vmem_shared>>
          tpu.wait_indirect_dma semaphore(%run_scoped3A : memref<!tpu.dma_semaphore, #tpu.memory_space<semaphore_mem>>) src(%arg9 : memref<1024x16xf32, #tpu.memory_space<vmem>>) dst(%dma_wait3A_48 : memref<100008x16xf32, #tpu.memory_space<vmem_shared>>)
          tpu.yield
        }) : () -> ()
      }
      %scan3A_21 = arith.constant 98 : i32
      %barrier3A_22 = arith.constant 0 : index
      tpu.barrier barrier_id(%barrier3A_22)
      %lt3A_23 = arith.constant 15 : i32
      %lt3A_24 = arith.cmpi slt, %arg1, %lt3A_23 : i32
      %convert_element_type3A_25 = arith.extui %lt3A_24 : i1 to i32
      %cond3A_26 = arith.constant 0 : i32
      %cond3A_27 = arith.cmpi ne, %convert_element_type3A_25, %cond3A_26 : i32
      scf.if %cond3A_27 {
        %run_scoped3A = arith.constant 1 : i32
        "tpu.region"() ({
          %run_scoped3A_34 = tpu.sem_alloc : memref<!tpu.dma_semaphore, #tpu.memory_space<semaphore_mem>>
          %dma_start3A = arith.constant 0 : i32
          %dma_start3A_35 = tpu.memref_slice %arg6[%run_scoped3A, %mul3A_7, %dma_start3A] : memref<2x100000x16xf32, #tpu.memory_space<hbm>> -> memref<1x6256x16xf32, #tpu.memory_space<hbm>>
          %dma_start3A_36 = tpu.memref_squeeze %dma_start3A_35 : memref<1x6256x16xf32, #tpu.memory_space<hbm>> -> memref<6256x16xf32, #tpu.memory_space<hbm>>
          %dma_start3A_37 = arith.constant 0 : i32
          %dma_start3A_38 = tpu.memref_slice %arg10[%mul3A_7, %dma_start3A_37] : memref<100008x16xf32, #tpu.memory_space<vmem_shared>> -> memref<6256x16xf32, #tpu.memory_space<vmem_shared>>
          tpu.enqueue_dma source(%dma_start3A_38 : memref<6256x16xf32, #tpu.memory_space<vmem_shared>>) target(%dma_start3A_36 : memref<6256x16xf32, #tpu.memory_space<hbm>>) target_semaphore(%run_scoped3A_34 : memref<!tpu.dma_semaphore, #tpu.memory_space<semaphore_mem>>)
          %dma_wait3A = arith.constant 0 : i32
          %dma_wait3A_39 = tpu.memref_slice %arg6[%run_scoped3A, %mul3A_7, %dma_wait3A] : memref<2x100000x16xf32, #tpu.memory_space<hbm>> -> memref<1x6256x16xf32, #tpu.memory_space<hbm>>
          %dma_wait3A_40 = tpu.memref_squeeze %dma_wait3A_39 : memref<1x6256x16xf32, #tpu.memory_space<hbm>> -> memref<6256x16xf32, #tpu.memory_space<hbm>>
          %dma_wait3A_41 = arith.constant 0 : i32
          %dma_wait3A_42 = tpu.memref_slice %arg10[%mul3A_7, %dma_wait3A_41] : memref<100008x16xf32, #tpu.memory_space<vmem_shared>> -> memref<6256x16xf32, #tpu.memory_space<vmem_shared>>
          tpu.wait_dma2 semaphore(%run_scoped3A_34 : memref<!tpu.dma_semaphore, #tpu.memory_space<semaphore_mem>>) src(%dma_wait3A_42 : memref<6256x16xf32, #tpu.memory_space<vmem_shared>>) dst(%dma_wait3A_40 : memref<6256x16xf32, #tpu.memory_space<hbm>>)
          tpu.yield
        }) : () -> ()
      } else {
      }
      %eq3A_28 = arith.constant 15 : i32
      %eq3A_29 = arith.cmpi eq, %arg1, %eq3A_28 : i32
      %convert_element_type3A_30 = arith.extui %eq3A_29 : i1 to i32
      %cond3A_31 = arith.constant 0 : i32
      %cond3A_32 = arith.cmpi ne, %convert_element_type3A_30, %cond3A_31 : i32
      scf.if %cond3A_32 {
        %run_scoped3A = arith.constant 1 : i32
        "tpu.region"() ({
          %run_scoped3A_34 = tpu.sem_alloc : memref<!tpu.dma_semaphore, #tpu.memory_space<semaphore_mem>>
          %dma_start3A = arith.constant 93840 : i32
          %dma_start3A_35 = arith.constant 0 : i32
          %dma_start3A_36 = tpu.memref_slice %arg6[%run_scoped3A, %dma_start3A, %dma_start3A_35] : memref<2x100000x16xf32, #tpu.memory_space<hbm>> -> memref<1x6160x16xf32, #tpu.memory_space<hbm>>
          %dma_start3A_37 = tpu.memref_squeeze %dma_start3A_36 : memref<1x6160x16xf32, #tpu.memory_space<hbm>> -> memref<6160x16xf32, #tpu.memory_space<hbm>>
          %dma_start3A_38 = arith.constant 93840 : i32
          %dma_start3A_39 = arith.constant 0 : i32
          %dma_start3A_40 = tpu.memref_slice %arg10[%dma_start3A_38, %dma_start3A_39] : memref<100008x16xf32, #tpu.memory_space<vmem_shared>> -> memref<6160x16xf32, #tpu.memory_space<vmem_shared>>
          tpu.enqueue_dma source(%dma_start3A_40 : memref<6160x16xf32, #tpu.memory_space<vmem_shared>>) target(%dma_start3A_37 : memref<6160x16xf32, #tpu.memory_space<hbm>>) target_semaphore(%run_scoped3A_34 : memref<!tpu.dma_semaphore, #tpu.memory_space<semaphore_mem>>)
          %dma_wait3A = arith.constant 93840 : i32
          %dma_wait3A_41 = arith.constant 0 : i32
          %dma_wait3A_42 = tpu.memref_slice %arg6[%run_scoped3A, %dma_wait3A, %dma_wait3A_41] : memref<2x100000x16xf32, #tpu.memory_space<hbm>> -> memref<1x6160x16xf32, #tpu.memory_space<hbm>>
          %dma_wait3A_43 = tpu.memref_squeeze %dma_wait3A_42 : memref<1x6160x16xf32, #tpu.memory_space<hbm>> -> memref<6160x16xf32, #tpu.memory_space<hbm>>
          %dma_wait3A_44 = arith.constant 93840 : i32
          %dma_wait3A_45 = arith.constant 0 : i32
          %dma_wait3A_46 = tpu.memref_slice %arg10[%dma_wait3A_44, %dma_wait3A_45] : memref<100008x16xf32, #tpu.memory_space<vmem_shared>> -> memref<6160x16xf32, #tpu.memory_space<vmem_shared>>
          tpu.wait_dma2 semaphore(%run_scoped3A_34 : memref<!tpu.dma_semaphore, #tpu.memory_space<semaphore_mem>>) src(%dma_wait3A_46 : memref<6160x16xf32, #tpu.memory_space<vmem_shared>>) dst(%dma_wait3A_43 : memref<6160x16xf32, #tpu.memory_space<hbm>>)
          tpu.yield
        }) : () -> ()
      } else {
      }
      %barrier3A_33 = arith.constant 0 : index
      tpu.barrier barrier_id(%barrier3A_33)
    } else {
    }
    return
  }
}

module attributes {stable_mosaic.version = 14 : i64} {
  func.func @_b0_body(%arg0: i32, %arg1: memref<1x2000x16xf32, #tpu.memory_space<vmem>>, %arg2: memref<1x2000x16xf32, #tpu.memory_space<vmem>>, %arg3: memref<1x2000x16xf32, #tpu.memory_space<vmem>>, %arg4: memref<1x2000x16xf32, #tpu.memory_space<vmem>>, %arg5: memref<1x2000x16xf32, #tpu.memory_space<vmem>>, %arg6: memref<1x2000x16xf32, #tpu.memory_space<vmem>>, %arg7: memref<1x2000x16xf32, #tpu.memory_space<vmem>>, %arg8: memref<1x2000x16xf32, #tpu.memory_space<vmem>>, %arg9: memref<128x32xf32, #tpu.memory_space<vmem>>, %arg10: memref<1x32xf32, #tpu.memory_space<vmem>>, %arg11: memref<32x32xf32, #tpu.memory_space<vmem>>, %arg12: memref<1x32xf32, #tpu.memory_space<vmem>>, %arg13: memref<2000x32xf32, #tpu.memory_space<vmem>>, %arg14: memref<2x32xf32, #tpu.memory_space<vmem>>) attributes {dimension_semantics = [#tpu.dimension_semantics<arbitrary>], iteration_bounds = array<i64: 50>, scalar_prefetch = 0 : i64, scratch_operands = 0 : i64, tpu.core_type = #tpu.core_type<tc>, window_params = [{transform_indices = @transform_0, window_bounds = array<i64: 1, 2000, 16>}, {transform_indices = @transform_1, window_bounds = array<i64: 1, 2000, 16>}, {transform_indices = @transform_2, window_bounds = array<i64: 1, 2000, 16>}, {transform_indices = @transform_3, window_bounds = array<i64: 1, 2000, 16>}, {transform_indices = @transform_4, window_bounds = array<i64: 1, 2000, 16>}, {transform_indices = @transform_5, window_bounds = array<i64: 1, 2000, 16>}, {transform_indices = @transform_6, window_bounds = array<i64: 1, 2000, 16>}, {transform_indices = @transform_7, window_bounds = array<i64: 1, 2000, 16>}, {pipeline_mode = #tpu.pipeline_mode<synchronous>, transform_indices = @transform_8, window_bounds = array<i64: 128, 32>}, {pipeline_mode = #tpu.pipeline_mode<synchronous>, transform_indices = @transform_9, window_bounds = array<i64: 1, 32>}, {pipeline_mode = #tpu.pipeline_mode<synchronous>, transform_indices = @transform_10, window_bounds = array<i64: 32, 32>}, {pipeline_mode = #tpu.pipeline_mode<synchronous>, transform_indices = @transform_11, window_bounds = array<i64: 1, 32>}, {transform_indices = @transform_12, window_bounds = array<i64: 2000, 32>}, {pipeline_mode = #tpu.pipeline_mode<synchronous>, transform_indices = @transform_13, window_bounds = array<i64: 2, 32>}]} {
    %get3A = arith.constant 0 : index
    %get3A_0 = arith.constant 0 : index
    %get3A_1 = arith.constant 0 : index
    %get3A_2 = vector.load %arg1[%get3A, %get3A_0, %get3A_1] : memref<1x2000x16xf32, #tpu.memory_space<vmem>>, vector<1x2000x16xf32>
    %reshape3A = vector.shape_cast %get3A_2 : vector<1x2000x16xf32> to vector<2000x16xf32>
    %get3A_3 = arith.constant 0 : index
    %get3A_4 = arith.constant 0 : index
    %get3A_5 = arith.constant 0 : index
    %get3A_6 = vector.load %arg2[%get3A_3, %get3A_4, %get3A_5] : memref<1x2000x16xf32, #tpu.memory_space<vmem>>, vector<1x2000x16xf32>
    %reshape3A_7 = vector.shape_cast %get3A_6 : vector<1x2000x16xf32> to vector<2000x16xf32>
    %get3A_8 = arith.constant 0 : index
    %get3A_9 = arith.constant 0 : index
    %get3A_10 = arith.constant 0 : index
    %get3A_11 = vector.load %arg3[%get3A_8, %get3A_9, %get3A_10] : memref<1x2000x16xf32, #tpu.memory_space<vmem>>, vector<1x2000x16xf32>
    %reshape3A_12 = vector.shape_cast %get3A_11 : vector<1x2000x16xf32> to vector<2000x16xf32>
    %get3A_13 = arith.constant 0 : index
    %get3A_14 = arith.constant 0 : index
    %get3A_15 = arith.constant 0 : index
    %get3A_16 = vector.load %arg4[%get3A_13, %get3A_14, %get3A_15] : memref<1x2000x16xf32, #tpu.memory_space<vmem>>, vector<1x2000x16xf32>
    %reshape3A_17 = vector.shape_cast %get3A_16 : vector<1x2000x16xf32> to vector<2000x16xf32>
    %get3A_18 = arith.constant 0 : index
    %get3A_19 = arith.constant 0 : index
    %get3A_20 = arith.constant 0 : index
    %get3A_21 = vector.load %arg5[%get3A_18, %get3A_19, %get3A_20] : memref<1x2000x16xf32, #tpu.memory_space<vmem>>, vector<1x2000x16xf32>
    %reshape3A_22 = vector.shape_cast %get3A_21 : vector<1x2000x16xf32> to vector<2000x16xf32>
    %get3A_23 = arith.constant 0 : index
    %get3A_24 = arith.constant 0 : index
    %get3A_25 = arith.constant 0 : index
    %get3A_26 = vector.load %arg6[%get3A_23, %get3A_24, %get3A_25] : memref<1x2000x16xf32, #tpu.memory_space<vmem>>, vector<1x2000x16xf32>
    %reshape3A_27 = vector.shape_cast %get3A_26 : vector<1x2000x16xf32> to vector<2000x16xf32>
    %get3A_28 = arith.constant 0 : index
    %get3A_29 = arith.constant 0 : index
    %get3A_30 = arith.constant 0 : index
    %get3A_31 = vector.load %arg7[%get3A_28, %get3A_29, %get3A_30] : memref<1x2000x16xf32, #tpu.memory_space<vmem>>, vector<1x2000x16xf32>
    %reshape3A_32 = vector.shape_cast %get3A_31 : vector<1x2000x16xf32> to vector<2000x16xf32>
    %get3A_33 = arith.constant 0 : index
    %get3A_34 = arith.constant 0 : index
    %get3A_35 = arith.constant 0 : index
    %get3A_36 = vector.load %arg8[%get3A_33, %get3A_34, %get3A_35] : memref<1x2000x16xf32, #tpu.memory_space<vmem>>, vector<1x2000x16xf32>
    %reshape3A_37 = vector.shape_cast %get3A_36 : vector<1x2000x16xf32> to vector<2000x16xf32>
    %concatenate3A = tpu.concatenate %reshape3A, %reshape3A_7, %reshape3A_12, %reshape3A_17, %reshape3A_22, %reshape3A_27, %reshape3A_32, %reshape3A_37 in 1 : vector<2000x16xf32>, vector<2000x16xf32>, vector<2000x16xf32>, vector<2000x16xf32>, vector<2000x16xf32>, vector<2000x16xf32>, vector<2000x16xf32>, vector<2000x16xf32> -> vector<2000x128xf32>
    %get3A_38 = arith.constant 0 : index
    %get3A_39 = arith.constant 0 : index
    %get3A_40 = vector.load %arg9[%get3A_38, %get3A_39] : memref<128x32xf32, #tpu.memory_space<vmem>>, vector<128x32xf32>
    %dot_general3A = arith.constant dense<0.000000e+00> : vector<2000x32xf32>
    %dot_general3A_41 = tpu.matmul %concatenate3A, %get3A_40, %dot_general3A {dimension_numbers = #tpu.dot_dimension_numbers<[1], [0], [0], [1], [0, 0, 1, 1], [], []>, transpose_lhs_hint = false} : vector<2000x128xf32>, vector<128x32xf32>, vector<2000x32xf32> -> vector<2000x32xf32>
    %get3A_42 = arith.constant 0 : index
    %get3A_43 = arith.constant 0 : index
    %get3A_44 = vector.load %arg10[%get3A_42, %get3A_43] : memref<1x32xf32, #tpu.memory_space<vmem>>, vector<1x32xf32>
    %add3A = vector.broadcast %get3A_44 : vector<1x32xf32> to vector<2000x32xf32>
    %add3A_45 = arith.addf %dot_general3A_41, %add3A : vector<2000x32xf32>
    %max3A = arith.constant 0.000000e+00 : f32
    %max3A_46 = vector.broadcast %max3A : f32 to vector<2000x32xf32>
    %max3A_47 = arith.maximumf %add3A_45, %max3A_46 : vector<2000x32xf32>
    %get3A_48 = arith.constant 0 : index
    %get3A_49 = arith.constant 0 : index
    %get3A_50 = vector.load %arg11[%get3A_48, %get3A_49] : memref<32x32xf32, #tpu.memory_space<vmem>>, vector<32x32xf32>
    %dot_general3A_51 = arith.constant dense<0.000000e+00> : vector<2000x32xf32>
    %dot_general3A_52 = tpu.matmul %max3A_47, %get3A_50, %dot_general3A_51 {dimension_numbers = #tpu.dot_dimension_numbers<[1], [0], [0], [1], [0, 0, 1, 1], [], []>, transpose_lhs_hint = false} : vector<2000x32xf32>, vector<32x32xf32>, vector<2000x32xf32> -> vector<2000x32xf32>
    %get3A_53 = arith.constant 0 : index
    %get3A_54 = arith.constant 0 : index
    %get3A_55 = vector.load %arg12[%get3A_53, %get3A_54] : memref<1x32xf32, #tpu.memory_space<vmem>>, vector<1x32xf32>
    %add3A_56 = vector.broadcast %get3A_55 : vector<1x32xf32> to vector<2000x32xf32>
    %add3A_57 = arith.addf %dot_general3A_52, %add3A_56 : vector<2000x32xf32>
    %max3A_58 = arith.constant 0.000000e+00 : f32
    %max3A_59 = vector.broadcast %max3A_58 : f32 to vector<2000x32xf32>
    %max3A_60 = arith.maximumf %add3A_57, %max3A_59 : vector<2000x32xf32>
    %swap3A = arith.constant 0 : index
    %swap3A_61 = arith.constant 0 : index
    %swap3A_62 = vector.load %arg13[%swap3A, %swap3A_61] : memref<2000x32xf32, #tpu.memory_space<vmem>>, vector<2000x32xf32>
    tpu.vector_store %arg13[%swap3A, %swap3A_61], %max3A_60 {strides = array<i32>} : memref<2000x32xf32, #tpu.memory_space<vmem>>, vector<2000x32xf32>,
    %eq3A = arith.constant 0 : i32
    %eq3A_63 = arith.cmpi eq, %arg0, %eq3A : i32
    %convert_element_type3A = arith.extui %eq3A_63 : i1 to i32
    %cond3A = arith.constant 0 : i32
    %cond3A_64 = arith.cmpi ne, %convert_element_type3A, %cond3A : i32
    scf.if %cond3A_64 {
      %broadcast_in_dim3A_77 = arith.constant 0.000000e+00 : f32
      %broadcast_in_dim3A_78 = vector.broadcast %broadcast_in_dim3A_77 : f32 to vector<2x32xf32>
      %swap3A_79 = arith.constant 0 : index
      %swap3A_80 = arith.constant 0 : index
      %swap3A_81 = vector.load %arg14[%swap3A_79, %swap3A_80] : memref<2x32xf32, #tpu.memory_space<vmem>>, vector<2x32xf32>
      tpu.vector_store %arg14[%swap3A_79, %swap3A_80], %broadcast_in_dim3A_78 {strides = array<i32>} : memref<2x32xf32, #tpu.memory_space<vmem>>, vector<2x32xf32>,
    } else {
    }
    %reduce_sum3A = arith.constant dense<0.000000e+00> : vector<32xf32>
    %reduce_sum3A_65 = vector.multi_reduction <add>, %max3A_60, %reduce_sum3A [0] : vector<2000x32xf32> to vector<32xf32>
    %broadcast_in_dim3A = vector.shape_cast %reduce_sum3A_65 : vector<32xf32> to vector<1x32xf32>
    %mul3A = arith.mulf %max3A_60, %max3A_60 : vector<2000x32xf32>
    %reduce_sum3A_66 = arith.constant dense<0.000000e+00> : vector<32xf32>
    %reduce_sum3A_67 = vector.multi_reduction <add>, %mul3A, %reduce_sum3A_66 [0] : vector<2000x32xf32> to vector<32xf32>
    %broadcast_in_dim3A_68 = vector.shape_cast %reduce_sum3A_67 : vector<32xf32> to vector<1x32xf32>
    %get3A_69 = arith.constant 0 : index
    %get3A_70 = arith.constant 0 : index
    %get3A_71 = vector.load %arg14[%get3A_69, %get3A_70] : memref<2x32xf32, #tpu.memory_space<vmem>>, vector<2x32xf32>
    %concatenate3A_72 = tpu.concatenate %broadcast_in_dim3A, %broadcast_in_dim3A_68 in 0 : vector<1x32xf32>, vector<1x32xf32> -> vector<2x32xf32>
    %add3A_73 = arith.addf %get3A_71, %concatenate3A_72 : vector<2x32xf32>
    %swap3A_74 = arith.constant 0 : index
    %swap3A_75 = arith.constant 0 : index
    %swap3A_76 = vector.load %arg14[%swap3A_74, %swap3A_75] : memref<2x32xf32, #tpu.memory_space<vmem>>, vector<2x32xf32>
    tpu.vector_store %arg14[%swap3A_74, %swap3A_75], %add3A_73 {strides = array<i32>} : memref<2x32xf32, #tpu.memory_space<vmem>>, vector<2x32xf32>,
    return
  }
  func.func @transform_0(%arg0: i32) -> (i32, i32, i32) {
    %c0_i32 = arith.constant 0 : i32
    %c0_i32_0 = arith.constant 0 : i32
    %c0_i32_1 = arith.constant 0 : i32
    return %c0_i32, %arg0, %c0_i32_0 : i32, i32, i32
  }
  func.func @transform_1(%arg0: i32) -> (i32, i32, i32) {
    %c1_i32 = arith.constant 1 : i32
    %c0_i32 = arith.constant 0 : i32
    %c0_i32_0 = arith.constant 0 : i32
    return %c1_i32, %arg0, %c0_i32 : i32, i32, i32
  }
  func.func @transform_2(%arg0: i32) -> (i32, i32, i32) {
    %c2_i32 = arith.constant 2 : i32
    %c0_i32 = arith.constant 0 : i32
    %c0_i32_0 = arith.constant 0 : i32
    return %c2_i32, %arg0, %c0_i32 : i32, i32, i32
  }
  func.func @transform_3(%arg0: i32) -> (i32, i32, i32) {
    %c3_i32 = arith.constant 3 : i32
    %c0_i32 = arith.constant 0 : i32
    %c0_i32_0 = arith.constant 0 : i32
    return %c3_i32, %arg0, %c0_i32 : i32, i32, i32
  }
  func.func @transform_4(%arg0: i32) -> (i32, i32, i32) {
    %c4_i32 = arith.constant 4 : i32
    %c0_i32 = arith.constant 0 : i32
    %c0_i32_0 = arith.constant 0 : i32
    return %c4_i32, %arg0, %c0_i32 : i32, i32, i32
  }
  func.func @transform_5(%arg0: i32) -> (i32, i32, i32) {
    %c5_i32 = arith.constant 5 : i32
    %c0_i32 = arith.constant 0 : i32
    %c0_i32_0 = arith.constant 0 : i32
    return %c5_i32, %arg0, %c0_i32 : i32, i32, i32
  }
  func.func @transform_6(%arg0: i32) -> (i32, i32, i32) {
    %c6_i32 = arith.constant 6 : i32
    %c0_i32 = arith.constant 0 : i32
    %c0_i32_0 = arith.constant 0 : i32
    return %c6_i32, %arg0, %c0_i32 : i32, i32, i32
  }
  func.func @transform_7(%arg0: i32) -> (i32, i32, i32) {
    %c7_i32 = arith.constant 7 : i32
    %c0_i32 = arith.constant 0 : i32
    %c0_i32_0 = arith.constant 0 : i32
    return %c7_i32, %arg0, %c0_i32 : i32, i32, i32
  }
  func.func @transform_8(%arg0: i32) -> (i32, i32) {
    %c0_i32 = arith.constant 0 : i32
    %c0_i32_0 = arith.constant 0 : i32
    %c0_i32_1 = arith.constant 0 : i32
    return %c0_i32, %c0_i32_0 : i32, i32
  }
  func.func @transform_9(%arg0: i32) -> (i32, i32) {
    %c0_i32 = arith.constant 0 : i32
    %c0_i32_0 = arith.constant 0 : i32
    %c0_i32_1 = arith.constant 0 : i32
    return %c0_i32, %c0_i32_0 : i32, i32
  }
  func.func @transform_10(%arg0: i32) -> (i32, i32) {
    %c0_i32 = arith.constant 0 : i32
    %c0_i32_0 = arith.constant 0 : i32
    %c0_i32_1 = arith.constant 0 : i32
    return %c0_i32, %c0_i32_0 : i32, i32
  }
  func.func @transform_11(%arg0: i32) -> (i32, i32) {
    %c0_i32 = arith.constant 0 : i32
    %c0_i32_0 = arith.constant 0 : i32
    %c0_i32_1 = arith.constant 0 : i32
    return %c0_i32, %c0_i32_0 : i32, i32
  }
  func.func @transform_12(%arg0: i32) -> (i32, i32) {
    %c0_i32 = arith.constant 0 : i32
    %c0_i32_0 = arith.constant 0 : i32
    return %arg0, %c0_i32 : i32, i32
  }
  func.func @transform_13(%arg0: i32) -> (i32, i32) {
    %c0_i32 = arith.constant 0 : i32
    %c0_i32_0 = arith.constant 0 : i32
    %c0_i32_1 = arith.constant 0 : i32
    return %c0_i32, %c0_i32_0 : i32, i32
  }
}

module attributes {stable_mosaic.version = 14 : i64} {
  func.func @_bn_body(%arg0: i32, %arg1: memref<2000x32xf32, #tpu.memory_space<vmem>>, %arg2: memref<2x32xf32, #tpu.memory_space<vmem>>, %arg3: memref<1x32xf32, #tpu.memory_space<vmem>>, %arg4: memref<1x32xf32, #tpu.memory_space<vmem>>, %arg5: memref<2000x16xf32, #tpu.memory_space<vmem>>, %arg6: memref<2000x16xf32, #tpu.memory_space<vmem>>) attributes {dimension_semantics = [#tpu.dimension_semantics<arbitrary>], iteration_bounds = array<i64: 50>, scalar_prefetch = 0 : i64, scratch_operands = 0 : i64, tpu.core_type = #tpu.core_type<tc>, window_params = [{transform_indices = @transform_0, window_bounds = array<i64: 2000, 32>}, {pipeline_mode = #tpu.pipeline_mode<synchronous>, transform_indices = @transform_1, window_bounds = array<i64: 2, 32>}, {pipeline_mode = #tpu.pipeline_mode<synchronous>, transform_indices = @transform_2, window_bounds = array<i64: 1, 32>}, {pipeline_mode = #tpu.pipeline_mode<synchronous>, transform_indices = @transform_3, window_bounds = array<i64: 1, 32>}, {transform_indices = @transform_4, window_bounds = array<i64: 2000, 16>}, {transform_indices = @transform_5, window_bounds = array<i64: 2000, 16>}]} {
    %get3A = arith.constant 0 : index
    %get3A_0 = arith.constant 0 : index
    %get3A_1 = vector.load %arg2[%get3A, %get3A_0] : memref<2x32xf32, #tpu.memory_space<vmem>>, vector<2x32xf32>
    %slice3A = vector.extract_strided_slice %get3A_1 {offsets = [0, 0], sizes = [1, 32], strides = [1, 1]} : vector<2x32xf32> to vector<1x32xf32>
    %mul3A = arith.constant 9.99999974E-6 : f32
    %mul3A_2 = vector.broadcast %mul3A : f32 to vector<1x32xf32>
    %mul3A_3 = arith.mulf %slice3A, %mul3A_2 : vector<1x32xf32>
    %slice3A_4 = vector.extract_strided_slice %get3A_1 {offsets = [1, 0], sizes = [1, 32], strides = [1, 1]} : vector<2x32xf32> to vector<1x32xf32>
    %mul3A_5 = arith.constant 9.99999974E-6 : f32
    %mul3A_6 = vector.broadcast %mul3A_5 : f32 to vector<1x32xf32>
    %mul3A_7 = arith.mulf %slice3A_4, %mul3A_6 : vector<1x32xf32>
    %mul3A_8 = arith.mulf %mul3A_3, %mul3A_3 : vector<1x32xf32>
    %sub3A = arith.subf %mul3A_7, %mul3A_8 : vector<1x32xf32>
    %add3A = arith.constant 9.99999974E-6 : f32
    %add3A_9 = vector.broadcast %add3A : f32 to vector<1x32xf32>
    %add3A_10 = arith.addf %sub3A, %add3A_9 : vector<1x32xf32>
    %rsqrt3A = math.rsqrt %add3A_10 : vector<1x32xf32>
    %get3A_11 = arith.constant 0 : index
    %get3A_12 = arith.constant 0 : index
    %get3A_13 = vector.load %arg3[%get3A_11, %get3A_12] : memref<1x32xf32, #tpu.memory_space<vmem>>, vector<1x32xf32>
    %mul3A_14 = arith.mulf %rsqrt3A, %get3A_13 : vector<1x32xf32>
    %get3A_15 = arith.constant 0 : index
    %get3A_16 = arith.constant 0 : index
    %get3A_17 = vector.load %arg1[%get3A_15, %get3A_16] : memref<2000x32xf32, #tpu.memory_space<vmem>>, vector<2000x32xf32>
    %sub3A_18 = vector.broadcast %mul3A_3 : vector<1x32xf32> to vector<2000x32xf32>
    %sub3A_19 = arith.subf %get3A_17, %sub3A_18 : vector<2000x32xf32>
    %mul3A_20 = vector.broadcast %mul3A_14 : vector<1x32xf32> to vector<2000x32xf32>
    %mul3A_21 = arith.mulf %sub3A_19, %mul3A_20 : vector<2000x32xf32>
    %get3A_22 = arith.constant 0 : index
    %get3A_23 = arith.constant 0 : index
    %get3A_24 = vector.load %arg4[%get3A_22, %get3A_23] : memref<1x32xf32, #tpu.memory_space<vmem>>, vector<1x32xf32>
    %add3A_25 = vector.broadcast %get3A_24 : vector<1x32xf32> to vector<2000x32xf32>
    %add3A_26 = arith.addf %mul3A_21, %add3A_25 : vector<2000x32xf32>
    %slice3A_27 = vector.extract_strided_slice %add3A_26 {offsets = [0, 0], sizes = [2000, 16], strides = [1, 1]} : vector<2000x32xf32> to vector<2000x16xf32>
    %swap3A = arith.constant 0 : index
    %swap3A_28 = arith.constant 0 : index
    %swap3A_29 = vector.load %arg5[%swap3A, %swap3A_28] : memref<2000x16xf32, #tpu.memory_space<vmem>>, vector<2000x16xf32>
    tpu.vector_store %arg5[%swap3A, %swap3A_28], %slice3A_27 {strides = array<i32>} : memref<2000x16xf32, #tpu.memory_space<vmem>>, vector<2000x16xf32>,
    %slice3A_30 = vector.extract_strided_slice %add3A_26 {offsets = [0, 16], sizes = [2000, 16], strides = [1, 1]} : vector<2000x32xf32> to vector<2000x16xf32>
    %swap3A_31 = arith.constant 0 : index
    %swap3A_32 = arith.constant 0 : index
    %swap3A_33 = vector.load %arg6[%swap3A_31, %swap3A_32] : memref<2000x16xf32, #tpu.memory_space<vmem>>, vector<2000x16xf32>
    tpu.vector_store %arg6[%swap3A_31, %swap3A_32], %slice3A_30 {strides = array<i32>} : memref<2000x16xf32, #tpu.memory_space<vmem>>, vector<2000x16xf32>,
    return
  }
  func.func @transform_0(%arg0: i32) -> (i32, i32) {
    %c0_i32 = arith.constant 0 : i32
    %c0_i32_0 = arith.constant 0 : i32
    return %arg0, %c0_i32 : i32, i32
  }
  func.func @transform_1(%arg0: i32) -> (i32, i32) {
    %c0_i32 = arith.constant 0 : i32
    %c0_i32_0 = arith.constant 0 : i32
    %c0_i32_1 = arith.constant 0 : i32
    return %c0_i32, %c0_i32_0 : i32, i32
  }
  func.func @transform_2(%arg0: i32) -> (i32, i32) {
    %c0_i32 = arith.constant 0 : i32
    %c0_i32_0 = arith.constant 0 : i32
    %c0_i32_1 = arith.constant 0 : i32
    return %c0_i32, %c0_i32_0 : i32, i32
  }
  func.func @transform_3(%arg0: i32) -> (i32, i32) {
    %c0_i32 = arith.constant 0 : i32
    %c0_i32_0 = arith.constant 0 : i32
    %c0_i32_1 = arith.constant 0 : i32
    return %c0_i32, %c0_i32_0 : i32, i32
  }
  func.func @transform_4(%arg0: i32) -> (i32, i32) {
    %c0_i32 = arith.constant 0 : i32
    %c0_i32_0 = arith.constant 0 : i32
    return %arg0, %c0_i32 : i32, i32
  }
  func.func @transform_5(%arg0: i32) -> (i32, i32) {
    %c0_i32 = arith.constant 0 : i32
    %c0_i32_0 = arith.constant 0 : i32
    return %arg0, %c0_i32 : i32, i32
  }
}

module attributes {stable_mosaic.version = 14 : i64} {
  func.func @_b_body(%arg0: i32, %arg1: memref<1x2000x16xf32, #tpu.memory_space<vmem>>, %arg2: memref<1x2000x16xf32, #tpu.memory_space<vmem>>, %arg3: memref<32x32xf32, #tpu.memory_space<vmem>>, %arg4: memref<1x32xf32, #tpu.memory_space<vmem>>, %arg5: memref<32x32xf32, #tpu.memory_space<vmem>>, %arg6: memref<1x32xf32, #tpu.memory_space<vmem>>, %arg7: memref<2000x32xf32, #tpu.memory_space<vmem>>, %arg8: memref<2x32xf32, #tpu.memory_space<vmem>>) attributes {dimension_semantics = [#tpu.dimension_semantics<arbitrary>], iteration_bounds = array<i64: 50>, scalar_prefetch = 0 : i64, scratch_operands = 0 : i64, tpu.core_type = #tpu.core_type<tc>, window_params = [{transform_indices = @transform_0, window_bounds = array<i64: 1, 2000, 16>}, {transform_indices = @transform_1, window_bounds = array<i64: 1, 2000, 16>}, {pipeline_mode = #tpu.pipeline_mode<synchronous>, transform_indices = @transform_2, window_bounds = array<i64: 32, 32>}, {pipeline_mode = #tpu.pipeline_mode<synchronous>, transform_indices = @transform_3, window_bounds = array<i64: 1, 32>}, {pipeline_mode = #tpu.pipeline_mode<synchronous>, transform_indices = @transform_4, window_bounds = array<i64: 32, 32>}, {pipeline_mode = #tpu.pipeline_mode<synchronous>, transform_indices = @transform_5, window_bounds = array<i64: 1, 32>}, {transform_indices = @transform_6, window_bounds = array<i64: 2000, 32>}, {pipeline_mode = #tpu.pipeline_mode<synchronous>, transform_indices = @transform_7, window_bounds = array<i64: 2, 32>}]} {
    %get3A = arith.constant 0 : index
    %get3A_0 = arith.constant 0 : index
    %get3A_1 = arith.constant 0 : index
    %get3A_2 = vector.load %arg1[%get3A, %get3A_0, %get3A_1] : memref<1x2000x16xf32, #tpu.memory_space<vmem>>, vector<1x2000x16xf32>
    %reshape3A = vector.shape_cast %get3A_2 : vector<1x2000x16xf32> to vector<2000x16xf32>
    %get3A_3 = arith.constant 0 : index
    %get3A_4 = arith.constant 0 : index
    %get3A_5 = arith.constant 0 : index
    %get3A_6 = vector.load %arg2[%get3A_3, %get3A_4, %get3A_5] : memref<1x2000x16xf32, #tpu.memory_space<vmem>>, vector<1x2000x16xf32>
    %reshape3A_7 = vector.shape_cast %get3A_6 : vector<1x2000x16xf32> to vector<2000x16xf32>
    %concatenate3A = tpu.concatenate %reshape3A, %reshape3A_7 in 1 : vector<2000x16xf32>, vector<2000x16xf32> -> vector<2000x32xf32>
    %get3A_8 = arith.constant 0 : index
    %get3A_9 = arith.constant 0 : index
    %get3A_10 = vector.load %arg3[%get3A_8, %get3A_9] : memref<32x32xf32, #tpu.memory_space<vmem>>, vector<32x32xf32>
    %dot_general3A = arith.constant dense<0.000000e+00> : vector<2000x32xf32>
    %dot_general3A_11 = tpu.matmul %concatenate3A, %get3A_10, %dot_general3A {dimension_numbers = #tpu.dot_dimension_numbers<[1], [0], [0], [1], [0, 0, 1, 1], [], []>, transpose_lhs_hint = false} : vector<2000x32xf32>, vector<32x32xf32>, vector<2000x32xf32> -> vector<2000x32xf32>
    %get3A_12 = arith.constant 0 : index
    %get3A_13 = arith.constant 0 : index
    %get3A_14 = vector.load %arg4[%get3A_12, %get3A_13] : memref<1x32xf32, #tpu.memory_space<vmem>>, vector<1x32xf32>
    %add3A = vector.broadcast %get3A_14 : vector<1x32xf32> to vector<2000x32xf32>
    %add3A_15 = arith.addf %dot_general3A_11, %add3A : vector<2000x32xf32>
    %max3A = arith.constant 0.000000e+00 : f32
    %max3A_16 = vector.broadcast %max3A : f32 to vector<2000x32xf32>
    %max3A_17 = arith.maximumf %add3A_15, %max3A_16 : vector<2000x32xf32>
    %get3A_18 = arith.constant 0 : index
    %get3A_19 = arith.constant 0 : index
    %get3A_20 = vector.load %arg5[%get3A_18, %get3A_19] : memref<32x32xf32, #tpu.memory_space<vmem>>, vector<32x32xf32>
    %dot_general3A_21 = arith.constant dense<0.000000e+00> : vector<2000x32xf32>
    %dot_general3A_22 = tpu.matmul %max3A_17, %get3A_20, %dot_general3A_21 {dimension_numbers = #tpu.dot_dimension_numbers<[1], [0], [0], [1], [0, 0, 1, 1], [], []>, transpose_lhs_hint = false} : vector<2000x32xf32>, vector<32x32xf32>, vector<2000x32xf32> -> vector<2000x32xf32>
    %get3A_23 = arith.constant 0 : index
    %get3A_24 = arith.constant 0 : index
    %get3A_25 = vector.load %arg6[%get3A_23, %get3A_24] : memref<1x32xf32, #tpu.memory_space<vmem>>, vector<1x32xf32>
    %add3A_26 = vector.broadcast %get3A_25 : vector<1x32xf32> to vector<2000x32xf32>
    %add3A_27 = arith.addf %dot_general3A_22, %add3A_26 : vector<2000x32xf32>
    %max3A_28 = arith.constant 0.000000e+00 : f32
    %max3A_29 = vector.broadcast %max3A_28 : f32 to vector<2000x32xf32>
    %max3A_30 = arith.maximumf %add3A_27, %max3A_29 : vector<2000x32xf32>
    %swap3A = arith.constant 0 : index
    %swap3A_31 = arith.constant 0 : index
    %swap3A_32 = vector.load %arg7[%swap3A, %swap3A_31] : memref<2000x32xf32, #tpu.memory_space<vmem>>, vector<2000x32xf32>
    tpu.vector_store %arg7[%swap3A, %swap3A_31], %max3A_30 {strides = array<i32>} : memref<2000x32xf32, #tpu.memory_space<vmem>>, vector<2000x32xf32>,
    %eq3A = arith.constant 0 : i32
    %eq3A_33 = arith.cmpi eq, %arg0, %eq3A : i32
    %convert_element_type3A = arith.extui %eq3A_33 : i1 to i32
    %cond3A = arith.constant 0 : i32
    %cond3A_34 = arith.cmpi ne, %convert_element_type3A, %cond3A : i32
    scf.if %cond3A_34 {
      %broadcast_in_dim3A_47 = arith.constant 0.000000e+00 : f32
      %broadcast_in_dim3A_48 = vector.broadcast %broadcast_in_dim3A_47 : f32 to vector<2x32xf32>
      %swap3A_49 = arith.constant 0 : index
      %swap3A_50 = arith.constant 0 : index
      %swap3A_51 = vector.load %arg8[%swap3A_49, %swap3A_50] : memref<2x32xf32, #tpu.memory_space<vmem>>, vector<2x32xf32>
      tpu.vector_store %arg8[%swap3A_49, %swap3A_50], %broadcast_in_dim3A_48 {strides = array<i32>} : memref<2x32xf32, #tpu.memory_space<vmem>>, vector<2x32xf32>,
    } else {
    }
    %reduce_sum3A = arith.constant dense<0.000000e+00> : vector<32xf32>
    %reduce_sum3A_35 = vector.multi_reduction <add>, %max3A_30, %reduce_sum3A [0] : vector<2000x32xf32> to vector<32xf32>
    %broadcast_in_dim3A = vector.shape_cast %reduce_sum3A_35 : vector<32xf32> to vector<1x32xf32>
    %mul3A = arith.mulf %max3A_30, %max3A_30 : vector<2000x32xf32>
    %reduce_sum3A_36 = arith.constant dense<0.000000e+00> : vector<32xf32>
    %reduce_sum3A_37 = vector.multi_reduction <add>, %mul3A, %reduce_sum3A_36 [0] : vector<2000x32xf32> to vector<32xf32>
    %broadcast_in_dim3A_38 = vector.shape_cast %reduce_sum3A_37 : vector<32xf32> to vector<1x32xf32>
    %get3A_39 = arith.constant 0 : index
    %get3A_40 = arith.constant 0 : index
    %get3A_41 = vector.load %arg8[%get3A_39, %get3A_40] : memref<2x32xf32, #tpu.memory_space<vmem>>, vector<2x32xf32>
    %concatenate3A_42 = tpu.concatenate %broadcast_in_dim3A, %broadcast_in_dim3A_38 in 0 : vector<1x32xf32>, vector<1x32xf32> -> vector<2x32xf32>
    %add3A_43 = arith.addf %get3A_41, %concatenate3A_42 : vector<2x32xf32>
    %swap3A_44 = arith.constant 0 : index
    %swap3A_45 = arith.constant 0 : index
    %swap3A_46 = vector.load %arg8[%swap3A_44, %swap3A_45] : memref<2x32xf32, #tpu.memory_space<vmem>>, vector<2x32xf32>
    tpu.vector_store %arg8[%swap3A_44, %swap3A_45], %add3A_43 {strides = array<i32>} : memref<2x32xf32, #tpu.memory_space<vmem>>, vector<2x32xf32>,
    return
  }
  func.func @transform_0(%arg0: i32) -> (i32, i32, i32) {
    %c0_i32 = arith.constant 0 : i32
    %c0_i32_0 = arith.constant 0 : i32
    %c0_i32_1 = arith.constant 0 : i32
    return %c0_i32, %arg0, %c0_i32_0 : i32, i32, i32
  }
  func.func @transform_1(%arg0: i32) -> (i32, i32, i32) {
    %c1_i32 = arith.constant 1 : i32
    %c0_i32 = arith.constant 0 : i32
    %c0_i32_0 = arith.constant 0 : i32
    return %c1_i32, %arg0, %c0_i32 : i32, i32, i32
  }
  func.func @transform_2(%arg0: i32) -> (i32, i32) {
    %c0_i32 = arith.constant 0 : i32
    %c0_i32_0 = arith.constant 0 : i32
    %c0_i32_1 = arith.constant 0 : i32
    return %c0_i32, %c0_i32_0 : i32, i32
  }
  func.func @transform_3(%arg0: i32) -> (i32, i32) {
    %c0_i32 = arith.constant 0 : i32
    %c0_i32_0 = arith.constant 0 : i32
    %c0_i32_1 = arith.constant 0 : i32
    return %c0_i32, %c0_i32_0 : i32, i32
  }
  func.func @transform_4(%arg0: i32) -> (i32, i32) {
    %c0_i32 = arith.constant 0 : i32
    %c0_i32_0 = arith.constant 0 : i32
    %c0_i32_1 = arith.constant 0 : i32
    return %c0_i32, %c0_i32_0 : i32, i32
  }
  func.func @transform_5(%arg0: i32) -> (i32, i32) {
    %c0_i32 = arith.constant 0 : i32
    %c0_i32_0 = arith.constant 0 : i32
    %c0_i32_1 = arith.constant 0 : i32
    return %c0_i32, %c0_i32_0 : i32, i32
  }
  func.func @transform_6(%arg0: i32) -> (i32, i32) {
    %c0_i32 = arith.constant 0 : i32
    %c0_i32_0 = arith.constant 0 : i32
    return %arg0, %c0_i32 : i32, i32
  }
  func.func @transform_7(%arg0: i32) -> (i32, i32) {
    %c0_i32 = arith.constant 0 : i32
    %c0_i32_0 = arith.constant 0 : i32
    %c0_i32_1 = arith.constant 0 : i32
    return %c0_i32, %c0_i32_0 : i32, i32
  }
}

module attributes {stable_mosaic.version = 14 : i64} {
  func.func @_f_body(%arg0: i32, %arg1: memref<2000x32xf32, #tpu.memory_space<vmem>>, %arg2: memref<2x32xf32, #tpu.memory_space<vmem>>, %arg3: memref<1x32xf32, #tpu.memory_space<vmem>>, %arg4: memref<1x32xf32, #tpu.memory_space<vmem>>, %arg5: memref<1x1x2000xi32, #tpu.memory_space<vmem>>, %arg6: memref<32x32xf32, #tpu.memory_space<vmem>>, %arg7: memref<1x32xf32, #tpu.memory_space<vmem>>, %arg8: memref<32x10xf32, #tpu.memory_space<vmem>>, %arg9: memref<1x10xf32, #tpu.memory_space<vmem>>, %arg10: memref<128x10xf32, #tpu.memory_space<vmem>>, %arg11: memref<128x32xf32, #tpu.memory_space<vmem>>) attributes {dimension_semantics = [#tpu.dimension_semantics<arbitrary>], iteration_bounds = array<i64: 50>, scalar_prefetch = 0 : i64, scratch_operands = 1 : i64, tpu.core_type = #tpu.core_type<tc>, window_params = [{transform_indices = @transform_0, window_bounds = array<i64: 2000, 32>}, {pipeline_mode = #tpu.pipeline_mode<synchronous>, transform_indices = @transform_1, window_bounds = array<i64: 2, 32>}, {pipeline_mode = #tpu.pipeline_mode<synchronous>, transform_indices = @transform_2, window_bounds = array<i64: 1, 32>}, {pipeline_mode = #tpu.pipeline_mode<synchronous>, transform_indices = @transform_3, window_bounds = array<i64: 1, 32>}, {transform_indices = @transform_4, window_bounds = array<i64: 1, 1, 2000>}, {pipeline_mode = #tpu.pipeline_mode<synchronous>, transform_indices = @transform_5, window_bounds = array<i64: 32, 32>}, {pipeline_mode = #tpu.pipeline_mode<synchronous>, transform_indices = @transform_6, window_bounds = array<i64: 1, 32>}, {pipeline_mode = #tpu.pipeline_mode<synchronous>, transform_indices = @transform_7, window_bounds = array<i64: 32, 10>}, {pipeline_mode = #tpu.pipeline_mode<synchronous>, transform_indices = @transform_8, window_bounds = array<i64: 1, 10>}, {pipeline_mode = #tpu.pipeline_mode<synchronous>, transform_indices = @transform_9, window_bounds = array<i64: 128, 10>}]} {
    %get3A = arith.constant 0 : index
    %get3A_0 = arith.constant 0 : index
    %get3A_1 = vector.load %arg2[%get3A, %get3A_0] : memref<2x32xf32, #tpu.memory_space<vmem>>, vector<2x32xf32>
    %slice3A = vector.extract_strided_slice %get3A_1 {offsets = [0, 0], sizes = [1, 32], strides = [1, 1]} : vector<2x32xf32> to vector<1x32xf32>
    %mul3A = arith.constant 9.99999974E-6 : f32
    %mul3A_2 = vector.broadcast %mul3A : f32 to vector<1x32xf32>
    %mul3A_3 = arith.mulf %slice3A, %mul3A_2 : vector<1x32xf32>
    %slice3A_4 = vector.extract_strided_slice %get3A_1 {offsets = [1, 0], sizes = [1, 32], strides = [1, 1]} : vector<2x32xf32> to vector<1x32xf32>
    %mul3A_5 = arith.constant 9.99999974E-6 : f32
    %mul3A_6 = vector.broadcast %mul3A_5 : f32 to vector<1x32xf32>
    %mul3A_7 = arith.mulf %slice3A_4, %mul3A_6 : vector<1x32xf32>
    %mul3A_8 = arith.mulf %mul3A_3, %mul3A_3 : vector<1x32xf32>
    %sub3A = arith.subf %mul3A_7, %mul3A_8 : vector<1x32xf32>
    %add3A = arith.constant 9.99999974E-6 : f32
    %add3A_9 = vector.broadcast %add3A : f32 to vector<1x32xf32>
    %add3A_10 = arith.addf %sub3A, %add3A_9 : vector<1x32xf32>
    %rsqrt3A = math.rsqrt %add3A_10 : vector<1x32xf32>
    %get3A_11 = arith.constant 0 : index
    %get3A_12 = arith.constant 0 : index
    %get3A_13 = vector.load %arg3[%get3A_11, %get3A_12] : memref<1x32xf32, #tpu.memory_space<vmem>>, vector<1x32xf32>
    %mul3A_14 = arith.mulf %rsqrt3A, %get3A_13 : vector<1x32xf32>
    %get3A_15 = arith.constant 0 : index
    %get3A_16 = arith.constant 0 : index
    %get3A_17 = vector.load %arg1[%get3A_15, %get3A_16] : memref<2000x32xf32, #tpu.memory_space<vmem>>, vector<2000x32xf32>
    %sub3A_18 = vector.broadcast %mul3A_3 : vector<1x32xf32> to vector<2000x32xf32>
    %sub3A_19 = arith.subf %get3A_17, %sub3A_18 : vector<2000x32xf32>
    %mul3A_20 = vector.broadcast %mul3A_14 : vector<1x32xf32> to vector<2000x32xf32>
    %mul3A_21 = arith.mulf %sub3A_19, %mul3A_20 : vector<2000x32xf32>
    %get3A_22 = arith.constant 0 : index
    %get3A_23 = arith.constant 0 : index
    %get3A_24 = vector.load %arg4[%get3A_22, %get3A_23] : memref<1x32xf32, #tpu.memory_space<vmem>>, vector<1x32xf32>
    %add3A_25 = vector.broadcast %get3A_24 : vector<1x32xf32> to vector<2000x32xf32>
    %add3A_26 = arith.addf %mul3A_21, %add3A_25 : vector<2000x32xf32>
    %eq3A = arith.constant 0 : i32
    %eq3A_27 = arith.cmpi eq, %arg0, %eq3A : i32
    %convert_element_type3A = arith.extui %eq3A_27 : i1 to i32
    %cond3A = arith.constant 0 : i32
    %cond3A_28 = arith.cmpi ne, %convert_element_type3A, %cond3A : i32
    scf.if %cond3A_28 {
      %broadcast_in_dim3A = arith.constant 0.000000e+00 : f32
      %broadcast_in_dim3A_49 = vector.broadcast %broadcast_in_dim3A : f32 to vector<128x32xf32>
      %swap3A_50 = arith.constant 0 : index
      %swap3A_51 = arith.constant 0 : index
      %swap3A_52 = vector.load %arg11[%swap3A_50, %swap3A_51] : memref<128x32xf32, #tpu.memory_space<vmem>>, vector<128x32xf32>
      tpu.vector_store %arg11[%swap3A_50, %swap3A_51], %broadcast_in_dim3A_49 {strides = array<i32>} : memref<128x32xf32, #tpu.memory_space<vmem>>, vector<128x32xf32>,
    } else {
    }
    %get3A_29 = arith.constant 0 : index
    %get3A_30 = arith.constant 0 : index
    %get3A_31 = arith.constant 0 : index
    %get3A_32 = vector.load %arg5[%get3A_29, %get3A_30, %get3A_31] : memref<1x1x2000xi32, #tpu.memory_space<vmem>>, vector<1x1x2000xi32>
    %reshape3A = vector.shape_cast %get3A_32 : vector<1x1x2000xi32> to vector<1x2000xi32>
    %iota3A = tpu.iota {dimensions = array<i32: 0>} : vector<128x2000xi32>
    %eq3A_33 = vector.broadcast %reshape3A : vector<1x2000xi32> to vector<128x2000xi32>
    %eq3A_34 = arith.cmpi eq, %iota3A, %eq3A_33 : vector<128x2000xi32>
    %convert_element_type3A_35 = arith.extui %eq3A_34 : vector<128x2000xi1> to vector<128x2000xi32>
    %convert_element_type3A_36 = arith.sitofp %convert_element_type3A_35 : vector<128x2000xi32> to vector<128x2000xf32>
    %get3A_37 = arith.constant 0 : index
    %get3A_38 = arith.constant 0 : index
    %get3A_39 = vector.load %arg11[%get3A_37, %get3A_38] : memref<128x32xf32, #tpu.memory_space<vmem>>, vector<128x32xf32>
    %dot_general3A = arith.constant dense<0.000000e+00> : vector<128x32xf32>
    %dot_general3A_40 = tpu.matmul %convert_element_type3A_36, %add3A_26, %dot_general3A {dimension_numbers = #tpu.dot_dimension_numbers<[1], [0], [0], [1], [0, 0, 1, 1], [], []>, precision = #tpu.contract_precision<fp32>, transpose_lhs_hint = false} : vector<128x2000xf32>, vector<2000x32xf32>, vector<128x32xf32> -> vector<128x32xf32>
    %add3A_41 = arith.addf %get3A_39, %dot_general3A_40 : vector<128x32xf32>
    %swap3A = arith.constant 0 : index
    %swap3A_42 = arith.constant 0 : index
    %swap3A_43 = vector.load %arg11[%swap3A, %swap3A_42] : memref<128x32xf32, #tpu.memory_space<vmem>>, vector<128x32xf32>
    tpu.vector_store %arg11[%swap3A, %swap3A_42], %add3A_41 {strides = array<i32>} : memref<128x32xf32, #tpu.memory_space<vmem>>, vector<128x32xf32>,
    %eq3A_44 = arith.constant 49 : i32
    %eq3A_45 = arith.cmpi eq, %arg0, %eq3A_44 : i32
    %convert_element_type3A_46 = arith.extui %eq3A_45 : i1 to i32
    %cond3A_47 = arith.constant 0 : i32
    %cond3A_48 = arith.cmpi ne, %convert_element_type3A_46, %cond3A_47 : i32
    scf.if %cond3A_48 {
      %get3A_49 = arith.constant 0 : index
      %get3A_50 = arith.constant 0 : index
      %get3A_51 = vector.load %arg11[%get3A_49, %get3A_50] : memref<128x32xf32, #tpu.memory_space<vmem>>, vector<128x32xf32>
      %get3A_52 = arith.constant 0 : index
      %get3A_53 = arith.constant 0 : index
      %get3A_54 = vector.load %arg6[%get3A_52, %get3A_53] : memref<32x32xf32, #tpu.memory_space<vmem>>, vector<32x32xf32>
      %dot_general3A_55 = arith.constant dense<0.000000e+00> : vector<128x32xf32>
      %dot_general3A_56 = tpu.matmul %get3A_51, %get3A_54, %dot_general3A_55 {dimension_numbers = #tpu.dot_dimension_numbers<[1], [0], [0], [1], [0, 0, 1, 1], [], []>, transpose_lhs_hint = false} : vector<128x32xf32>, vector<32x32xf32>, vector<128x32xf32> -> vector<128x32xf32>
      %get3A_57 = arith.constant 0 : index
      %get3A_58 = arith.constant 0 : index
      %get3A_59 = vector.load %arg7[%get3A_57, %get3A_58] : memref<1x32xf32, #tpu.memory_space<vmem>>, vector<1x32xf32>
      %add3A_60 = vector.broadcast %get3A_59 : vector<1x32xf32> to vector<128x32xf32>
      %add3A_61 = arith.addf %dot_general3A_56, %add3A_60 : vector<128x32xf32>
      %max3A = arith.constant 0.000000e+00 : f32
      %max3A_62 = vector.broadcast %max3A : f32 to vector<128x32xf32>
      %max3A_63 = arith.maximumf %add3A_61, %max3A_62 : vector<128x32xf32>
      %get3A_64 = arith.constant 0 : index
      %get3A_65 = arith.constant 0 : index
      %get3A_66 = vector.load %arg8[%get3A_64, %get3A_65] : memref<32x10xf32, #tpu.memory_space<vmem>>, vector<32x10xf32>
      %dot_general3A_67 = arith.constant dense<0.000000e+00> : vector<128x10xf32>
      %dot_general3A_68 = tpu.matmul %max3A_63, %get3A_66, %dot_general3A_67 {dimension_numbers = #tpu.dot_dimension_numbers<[1], [0], [0], [1], [0, 0, 1, 1], [], []>, transpose_lhs_hint = false} : vector<128x32xf32>, vector<32x10xf32>, vector<128x10xf32> -> vector<128x10xf32>
      %get3A_69 = arith.constant 0 : index
      %get3A_70 = arith.constant 0 : index
      %get3A_71 = vector.load %arg9[%get3A_69, %get3A_70] : memref<1x10xf32, #tpu.memory_space<vmem>>, vector<1x10xf32>
      %add3A_72 = vector.broadcast %get3A_71 : vector<1x10xf32> to vector<128x10xf32>
      %add3A_73 = arith.addf %dot_general3A_68, %add3A_72 : vector<128x10xf32>
      %reduce_max3A = arith.constant dense<0xFF800000> : vector<128xf32>
      %reduce_max3A_74 = vector.multi_reduction <maximumf>, %add3A_73, %reduce_max3A [1] : vector<128x10xf32> to vector<128xf32>
      %broadcast_in_dim3A = vector.shape_cast %reduce_max3A_74 : vector<128xf32> to vector<128x1xf32>
      %sub3A_75 = vector.broadcast %broadcast_in_dim3A : vector<128x1xf32> to vector<128x10xf32>
      %sub3A_76 = arith.subf %add3A_73, %sub3A_75 : vector<128x10xf32>
      %exp3A = math.exp %sub3A_76 : vector<128x10xf32>
      %reduce_sum3A = arith.constant dense<0.000000e+00> : vector<128xf32>
      %reduce_sum3A_77 = vector.multi_reduction <add>, %exp3A, %reduce_sum3A [1] : vector<128x10xf32> to vector<128xf32>
      %broadcast_in_dim3A_78 = vector.shape_cast %reduce_sum3A_77 : vector<128xf32> to vector<128x1xf32>
      %log3A = math.log %broadcast_in_dim3A_78 : vector<128x1xf32>
      %add3A_79 = arith.addf %log3A, %broadcast_in_dim3A : vector<128x1xf32>
      %sub3A_80 = vector.broadcast %add3A_79 : vector<128x1xf32> to vector<128x10xf32>
      %sub3A_81 = arith.subf %add3A_73, %sub3A_80 : vector<128x10xf32>
      %swap3A_82 = arith.constant 0 : index
      %swap3A_83 = arith.constant 0 : index
      %swap3A_84 = vector.load %arg10[%swap3A_82, %swap3A_83] : memref<128x10xf32, #tpu.memory_space<vmem>>, vector<128x10xf32>
      tpu.vector_store %arg10[%swap3A_82, %swap3A_83], %sub3A_81 {strides = array<i32>} : memref<128x10xf32, #tpu.memory_space<vmem>>, vector<128x10xf32>,
    } else {
    }
    return
  }
  func.func @transform_0(%arg0: i32) -> (i32, i32) {
    %c0_i32 = arith.constant 0 : i32
    %c0_i32_0 = arith.constant 0 : i32
    return %arg0, %c0_i32 : i32, i32
  }
  func.func @transform_1(%arg0: i32) -> (i32, i32) {
    %c0_i32 = arith.constant 0 : i32
    %c0_i32_0 = arith.constant 0 : i32
    %c0_i32_1 = arith.constant 0 : i32
    return %c0_i32, %c0_i32_0 : i32, i32
  }
  func.func @transform_2(%arg0: i32) -> (i32, i32) {
    %c0_i32 = arith.constant 0 : i32
    %c0_i32_0 = arith.constant 0 : i32
    %c0_i32_1 = arith.constant 0 : i32
    return %c0_i32, %c0_i32_0 : i32, i32
  }
  func.func @transform_3(%arg0: i32) -> (i32, i32) {
    %c0_i32 = arith.constant 0 : i32
    %c0_i32_0 = arith.constant 0 : i32
    %c0_i32_1 = arith.constant 0 : i32
    return %c0_i32, %c0_i32_0 : i32, i32
  }
  func.func @transform_4(%arg0: i32) -> (i32, i32, i32) {
    %c0_i32 = arith.constant 0 : i32
    %c0_i32_0 = arith.constant 0 : i32
    %c0_i32_1 = arith.constant 0 : i32
    return %arg0, %c0_i32, %c0_i32_0 : i32, i32, i32
  }
  func.func @transform_5(%arg0: i32) -> (i32, i32) {
    %c0_i32 = arith.constant 0 : i32
    %c0_i32_0 = arith.constant 0 : i32
    %c0_i32_1 = arith.constant 0 : i32
    return %c0_i32, %c0_i32_0 : i32, i32
  }
  func.func @transform_6(%arg0: i32) -> (i32, i32) {
    %c0_i32 = arith.constant 0 : i32
    %c0_i32_0 = arith.constant 0 : i32
    %c0_i32_1 = arith.constant 0 : i32
    return %c0_i32, %c0_i32_0 : i32, i32
  }
  func.func @transform_7(%arg0: i32) -> (i32, i32) {
    %c0_i32 = arith.constant 0 : i32
    %c0_i32_0 = arith.constant 0 : i32
    %c0_i32_1 = arith.constant 0 : i32
    return %c0_i32, %c0_i32_0 : i32, i32
  }
  func.func @transform_8(%arg0: i32) -> (i32, i32) {
    %c0_i32 = arith.constant 0 : i32
    %c0_i32_0 = arith.constant 0 : i32
    %c0_i32_1 = arith.constant 0 : i32
    return %c0_i32, %c0_i32_0 : i32, i32
  }
  func.func @transform_9(%arg0: i32) -> (i32, i32) {
    %c0_i32 = arith.constant 0 : i32
    %c0_i32_0 = arith.constant 0 : i32
    %c0_i32_1 = arith.constant 0 : i32
    return %c0_i32, %c0_i32_0 : i32, i32
  }
}

</mosaic_0001>

<sc_bundles>
// kernel: kernel.17.cloned.1.call-start
scs
__scs_entry_jumppad:
0x0: {  	(pc) =	sbr.rel $0x88, $3  }
0x1: {  	(tag) =	ssettag $0x0;
	lr =	simm.s32 $0x1  }
0x2: {  	[smem:$0x3F7C] =	sst lr;
	_ =	strace $0xD0000000  }
0x3: {  	_ = 	snop  }
0x4: {  	_ = 	snop  }
0x5: {  	_ = 	snop  }
0x6: {  	_ = 	snop  }
0x7: {  	_ = 	snop  }
__scs_overlays_trampoline_lowered:
0x8: {  	[smem:$0x3F8B] =	sst s0  }
0x9: {  	[smem:$0x3F8C] =	sst s1  }
0xa: {  	[smem:$0x3F8D] =	sst s2  }
0xb: {  	[smem:$0x3F8E] =	sst s3  }
0xc: {  	[smem:$0x3F8F] =	sst s4  }
0xd: {  	[smem:$0x3F90] =	sst s5  }
0xe: {  	[smem:$0x3F91] =	sst s6  }
0xf: {  	[smem:$0x3F92] =	sst s7  }
0x10: {  	[smem:$0x3F93] =	sst s8  }
0x11: {  	[smem:$0x3F94] =	sst s9;
	s0 =	simm.s32 @!p0 $0x0  }
0x12: {  	s1 =	sld [smem:$0x3F7A];
	s0 =	simm.s32 @p0 $0x1  }
0x13: {  	[smem:$0x3F95] =	sst s0;
	s0 =	simm.s32 @!p1 $0x0  }
0x14: {  	s2 =	sld [smem:$0x3F79];
	s0 =	simm.s32 @p1 $0x1  }
0x15: {  	[smem:$0x3F96] =	sst s0;
	s0 =	simm.s32 @!p2 $0x0  }
0x16: {  	s3 =	sld [smem:$0x3FDB];
	s0 =	simm.s32 @p2 $0x1  }
0x17: {  	s4 =	simm.s32 $0x1BF5;
	[smem:$0x3F98] =	sst s0  }
0x18: {  	s0 =	sld [smem:$0x3F7B];
	_ =	swait.ge [sflag:s4], $0x0  }
0x19: {  	s7 =	sld [smem:$0x3F7C]  }
0x1a: {  	s8 =	sadd.s32 $0xFFFFE003, lr  }
0x1b: {  	s9 =	sadd.s32 $0xFFFFFEF7, lr;
	s5 =	simm.s32 $0xFFFFFFFF;
	p2 =	slt.u32 s8, $0xFFFFF086  }
0x1c: {  	p1 =	slt.u32 s9, $0xF7A;
	s5 =	simm.s32 @!p2 $0x0  }
0x1d: {  	s5 =	simm.s32 @p1 $0x1;
	p0 =	seq.s32 s7, s2  }
0x1e: {  	s7 =	smul.u32 @!p0 $0xF7A, s2;
	p2 =	seq.s32 @!p0 s5, $0x0  }
0x1f: {  	s9 =	smul.u32 $0xF7A, s1;
	s8 =	simm.s32 @!p0 $0x1BF5;
	p2 =	por !p2, p0  }
0x20: {  	[sflag:s8] =	ssyncset.s32 @!p0 $0xFFFFF086;
	s6 =	sadd.s32 @!p0 s3, s7;
	s7 =	simm.s32 @!p0 $0x108  }
0x21: {  	s3 =	sadd.s32 s3, s9;
	s6 =	sadd.s32 @!p0 $0x88, s6;
	s7 =	simm.s32 @p2 $0x1082  }
0x22: {  	[simem:s7], [sflag:s8] =	dma.local @!p0 [hbm:s6], $0xF7A  }
0x23: {  	s9 =	sor.u32 $0xD0000000, s2;
	s6 =	simm.s32 $0x108;
	_ =	swait.ge @!p0 [sflag:s8], $0x0  }
0x24: {  	s3 =	sadd.s32 $0x88, s3;
	s6 =	simm.s32 @!p1 $0x1082;
	[sflag:s4] =	ssyncset.s32 $0xFFFFF086  }
0x25: {  	[simem:s6], [sflag:s4] =	dma.local [hbm:s3], $0xF7A  }
0x26: {  	[smem:$0x3F7C] =	sst s1;
	(tag) =	ssettag s2;
	_ =	strace s9  }
0x27: {  	s1 =	sld [smem:$0x3F8C]  }
0x28: {  	s2 =	sld [smem:$0x3F8D]  }
0x29: {  	s4 =	sld [smem:$0x3F8F]  }
0x2a: {  	p0 =	seq.s32 s5, $0x0;
	s5 =	sld [smem:$0x3F90]  }
0x2b: {  	s6 =	sld [smem:$0x3F91]  }
0x2c: {  	s7 =	sld [smem:$0x3F92]  }
0x2d: {  	s3 =	simm.s32 $0x108;
	s8 =	sld [smem:$0x3F93]  }
0x2e: {  	s3 =	simm.s32 @!p0 $0x1082;
	s9 =	sld [smem:$0x3F94]  }
0x2f: {  	lr =	sadd.s32 s0, s3;
	s0 =	sld [smem:$0x3F8B]  }
0x30: {  	s3 =	sld [smem:$0x3F8E]  }
0x31: {  	[smem:$0x3F97] =	sst s10  }
0x32: {  	s10 =	sld [smem:$0x3F95];
	_ =	sdelay $0x3  }
0x33: {  	p0 =	seq.s32 s10, $0x1;
	s10 =	sld [smem:$0x3F97];
	_ =	sdelay $0x3  }
0x34: {  	[smem:$0x3F97] =	sst s10  }
0x35: {  	s10 =	sld [smem:$0x3F96];
	_ =	sdelay $0x3  }
0x36: {  	p1 =	seq.s32 s10, $0x1;
	s10 =	sld [smem:$0x3F97];
	_ =	sdelay $0x3  }
0x37: {  	[smem:$0x3F97] =	sst s10  }
0x38: {  	s10 =	sld [smem:$0x3F98]  }
0x39: {  	_ = 	snop;
	(pc) =	sbr.ind lr, $3  }
0x3a: {  	_ = 	snop  }
0x3b: {  	_ = 	snop  }
0x3c: {  	p2 =	seq.s32 s10, $0x1;
	s10 =	sld [smem:$0x3F97]  }
0x3d: {  	_ =	shalt  }
0x3e: {  	_ =	shalt  }
0x3f: {  	_ =	shalt  }
0x40: {  	_ =	shalt  }
0x41: {  	_ =	shalt  }
0x42: {  	_ =	shalt  }
0x43: {  	_ =	shalt  }
0x44: {  	_ =	shalt  }
0x45: {  	_ =	shalt  }
0x46: {  	_ =	shalt  }
0x47: {  	_ =	shalt  }
0x48: {  	_ =	shalt  }
0x49: {  	_ =	shalt  }
0x4a: {  	_ =	shalt  }
0x4b: {  	_ =	shalt  }
0x4c: {  	_ =	shalt  }
0x4d: {  	_ =	shalt  }
0x4e: {  	_ =	shalt  }
0x4f: {  	_ =	shalt  }
0x50: {  	_ =	shalt  }
0x51: {  	_ =	shalt  }
0x52: {  	_ =	shalt  }
0x53: {  	_ =	shalt  }
0x54: {  	_ =	shalt  }
0x55: {  	_ =	shalt  }
0x56: {  	_ =	shalt  }
0x57: {  	_ =	shalt  }
0x58: {  	_ =	shalt  }
0x59: {  	_ =	shalt  }
0x5a: {  	_ =	shalt  }
0x5b: {  	_ =	shalt  }
0x5c: {  	_ =	shalt  }
0x5d: {  	_ =	shalt  }
0x5e: {  	_ =	shalt  }
0x5f: {  	_ =	shalt  }
0x60: {  	_ =	shalt  }
0x61: {  	_ =	shalt  }
0x62: {  	_ =	shalt  }
0x63: {  	_ =	shalt  }
0x64: {  	_ =	shalt  }
0x65: {  	_ =	shalt  }
0x66: {  	_ =	shalt  }
0x67: {  	_ =	shalt  }
0x68: {  	_ =	shalt  }
0x69: {  	_ =	shalt  }
0x6a: {  	_ =	shalt  }
0x6b: {  	_ =	shalt  }
0x6c: {  	_ =	shalt  }
0x6d: {  	_ =	shalt  }
0x6e: {  	_ =	shalt  }
0x6f: {  	_ =	shalt  }
0x70: {  	_ =	shalt  }
0x71: {  	_ =	shalt  }
0x72: {  	_ =	shalt  }
0x73: {  	_ =	shalt  }
0x74: {  	_ =	shalt  }
0x75: {  	_ =	shalt  }
0x76: {  	_ =	shalt  }
0x77: {  	_ =	shalt  }
0x78: {  	_ =	shalt  }
0x79: {  	_ =	shalt  }
0x7a: {  	_ =	shalt  }
0x7b: {  	_ =	shalt  }
0x7c: {  	_ =	shalt  }
0x7d: {  	_ =	shalt  }
0x7e: {  	_ =	shalt  }
0x7f: {  	_ =	shalt  }
0x80: {  	_ =	shalt  }
0x81: {  	_ =	shalt  }
0x82: {  	_ =	shalt  }
0x83: {  	_ =	shalt  }
0x84: {  	_ =	shalt  }
0x85: {  	_ =	shalt  }
0x86: {  	_ =	shalt  }
0x87: {  	_ =	shalt  }
.Lfunc_end0:
.L_simem_size_0:
called_computation_lowered:
.L_overlay_start_0:
0x88: {  	s2 =	sld [smem:$0x3FD9]  }
0x89: {  	s3 =	sld [smem:$0x3FFE];
	_ =	sdelay $0x1  }
0x8a: {  	s1 =	srdreg.scid  }
0x8b: {  	s0 =	sand.u32 $0x1, s1  }
0x8c: {  	s16 =	sshll.u32 s0, $0xA;
	s2 =	sadd.s32 s3, s2  }
0x8d: {  	s2 =	sadd.s32 s2, s16  }
0x8e: {  	[smem:$0x3FA3] =	sst s2  }
0x8f: {  	_ = 	snop  }
0x90: {  	(tm) =	ssettm $0x1  }
0x91: {  	s17 =	sld [smem:$0x3FFB];
	_ =	sdelay $0x3  }
0x92: {  	_ =	strace s17  }
0x93: {  	s2 =	sld [smem:$0x3FFC];
	_ =	sdelay $0x3  }
0x94: {  	_ =	strace s2  }
0x95: {  	s2 =	sld [smem:$0x3FFD];
	_ =	sdelay $0x3  }
0x96: {  	_ =	strace s2  }
0x97: {  	_ =	strace $0x8FFFFFFF  }
0x98: {  	s18 =	sld [smem:$0x3FDB];
	_ =	sdelay $0x1  }
0x99: {  	s19 =	simm.s32 $_scs_section_size  }
0x9a: {  	s4 =	simm.s32 $_size__tile_overlayer_lowered;
	s5 =	simm.s32 $_tile_overlayer_lowered  }
0x9b: {  	s22 =	simm.s32 $0x1BFF;
	s21 =	sshll.u32 s5, $0x1;
	s2 =	sadd.s32 s19, s18  }
0x9c: {  	s6 =	simm.s32 $0x0;
	s20 =	sshll.u32 s4, $0x1;
	s4 =	sadd.s32 s21, s2  }
0x9d: {  	[timem:s6], [sflag:s22] =	dma.local [hbm:s4], s20  }
0x9e: {  	_ =	swait.ge [sflag:s22], s20  }
0x9f: {  	s3 =	ssub.s32 $0x0, s20;
	[sflag:s22] =	ssyncset.done $0x0  }
0xa0: {  	[sflag:s22] =	ssyncadd.s32 s3;
	_ =	sdelay $0x1  }
0xa1: {  	s23 =	simm.s32 $0x1B8B  }
0xa2: {  	_ =	swait.ge [sflag:s23], $0x1  }
0xa3: {  	[sflag:s23] =	ssyncset.done $0x0  }
0xa4: {  	s25 =	simm.s32 $0x1B8E;
	s24 =	sld [smem:$0x3FFE];
	[sflag:s23] =	ssyncadd.s32 $0xFFFFFFFF  }
0xa5: {  	s26 =	simm.s32 $execute0_lowered;
	[smem:$0x3FD2] =	sst s25  }
0xa6: {  	s4 =	sshll.u32 s26, $0x1;
	_ =	strace $0x80000046;
	[dreg:$0x1] =	wrdreg $0xFFFFFFFF  }
0xa7: {  	s28 =	simm.s32 $_size_execute0_lowered;
	s2 =	sadd.s32 s2, s4;
	[dreg:$0x0] =	wrdreg $0x0  }
0xa8: {  	s4 =	sshll.u32 s28, $0x1;
	[dreg:$0x2] =	wrdreg s2  }
0xa9: {  	[dreg:$0x3] =	wrdreg s4  }
0xaa: {  	[dreg:$0x4] =	wrdreg $0xC0  }
0xab: {  	_ =	task [dreg:s6], $0x5FFFF  }
0xac: {  	[dreg:$0x1] =	wrdreg $0xFFFFFFFF  }
0xad: {  	[dreg:$0x0] =	wrdreg $0x60  }
0xae: {  	[dreg:$0x2] =	wrdreg s24  }
0xaf: {  	[dreg:$0x3] =	wrdreg $0x48000  }
0xb0: {  	[dreg:$0x4] =	wrdreg $0x9  }
0xb1: {  	_ =	task.clear_ibuf [dreg:s6], $0x5FFFF;
	_ =	strace $0x90000046  }
0xb2: {  	s29 =	simm.s32 $0x9;
	_ =	strace $0x80000048  }
0xb3: {  	_ =	swait.ge [sflag:s29], $0x1  }
0xb4: {  	[sflag:s29] =	ssyncadd.s32 $0xFFFFFFFF  }
0xb5: {  	_ =	strace $0x90000048  }
0xb6: {  	_ =	sfence  }
0xb7: {  	s30 =	sld [smem:$0x0];
	_ =	sdelay $0x2  }
0xb8: {  	s31 =	sshll.u32 s1, $0xD;
	s1 =	sshrl.u32 s1, $0x2  }
0xb9: {  	s3 =	sand.u32 $0x4000, s31;
	s1 =	sadd.s32 s1, s30  }
0xba: {  	s0 =	sor.u32 s3, s0;
	s1 =	sshll.u32 s1, $0x11  }
0xbb: {  	s0 =	sor.u32 s1, s0  }
0xbc: {  	s0 =	sadd.s32 $0x8F2B, s0  }
0xbd: {  	[sflag:s0] =	ssyncadd.remote.s32 $0x1  }
0xbe: {  	_ =	sfence.sel $0xFFFF  }
0xbf: {  	[dreg:$0x0] =	wrdreg $0xFFFFFFFF;
	(pc) =	sbr.abs _section_cstart, $3  }
0xc0: {  	[dreg:$0x1] =	wrdreg $0xFFFFFFFF  }
0xc1: {  	_ =	task.clear_ibuf [dreg:s6], $0x2FFFF;
	_ =	strace $0x9FFFFFFF  }
0xc2: {  	(tm) =	ssettm $0x7FFFFFFF  }
0xc3: {  	_ =	shalt  }
tec
execute0_lowered:
.L_overlay_start_1:
0x0: {  	(tag) =	ssettag $0x1  }
0x1: {  	s0 =	rddreg [dreg:$0x0]  }
0x2: {  	s2 =	rddreg [dreg:$0x1]  }
0x3: {  	s1 =	stileid.u32;
	s3 =	simm.s32 $0x0;
	s10 =	srdreg.scid  }
0x4: {  	[smem:$0x7FF] =	sst s3;
	s13 =	smul.u32 $0x18700, s1;
	s15 =	sand.u32 $0x1, s10  }
0x5: {  	s5 =	sadd.s32 $0xFCA00, s0;
	s8 =	sadd.s32 $0x6A000, s0;
	s14 =	ssub.s32 $0x2, s15  }
0x6: {  	p0 =	sne.s32 s15, $0x0;
	s15 =	sadd.s32 $0x21F060, s0;
	s16 =	sshrl.u32 s13, $0x3  }
0x7: {  	_ =	strace $0x80000047;
	[dreg:$0xd] =	wrdreg s15;
	s21 =	sadd.s32 s5, s16  }
0x8: {  	s17 =	sadd.s32 s16, s0;
	s15 =	sadd.s32 s8, s16;
	[dreg:$0x7] =	wrdreg s21  }
0x9: {  	s25 =	sadd.s32 $0x1F1340, s17;
	[dreg:$0x17] =	wrdreg s15  }
0xa: {  	s26 =	sadd.s32 $0x1C0600, s17;
	[dreg:$0x3] =	wrdreg s25  }
0xb: {  	s19 =	sadd.s32 $0x222080, s17;
	[dreg:$0x4] =	wrdreg s26  }
0xc: {  	s20 =	sadd.s32 $0x252DC0, s17;
	[dreg:$0x5] =	wrdreg s19  }
0xd: {  	s22 =	sadd.s32 $0x283B00, s17;
	[dreg:$0x6] =	wrdreg s20  }
0xe: {  	s4 =	smul.u32 $0x3100, s1;
	s23 =	sadd.s32 $0x2B4840, s17;
	[dreg:$0x8] =	wrdreg s22  }
0xf: {  	s6 =	sadd.s32 $0xCBC00, s0;
	s24 =	sadd.s32 $0x2E5580, s17;
	[dreg:$0x9] =	wrdreg s23  }
0x10: {  	s21 =	sadd.s32 s6, s16;
	[dreg:$0xa] =	wrdreg s24  }
0x11: {  	s12 =	sadd.s32 s4, s0;
	s25 =	sadd.s32 $0x3162C0, s17;
	[dreg:$0x11] =	wrdreg s21  }
0x12: {  	s4 =	sadd.s32 $0x12D800, s0;
	s26 =	sadd.s32 $0x12A720, s0;
	[dreg:$0xb] =	wrdreg s25  }
0x13: {  	s17 =	sadd.s32 s4, s16;
	[dreg:$0xc] =	wrdreg s26  }
0x14: {  	s19 =	sadd.s32 $0x15B520, s0;
	[dreg:$0xe] =	wrdreg s17  }
0x15: {  	s31 =	simm.s32 $0x2;
	s20 =	sadd.s32 $0x1EE320, s0;
	[dreg:$0xf] =	wrdreg s19  }
0x16: {  	s7 =	sadd.s32 $0x9AE00, s0;
	s22 =	sadd.s32 $0xF9920, s0;
	[dreg:$0x10] =	wrdreg s20  }
0x17: {  	s9 =	sadd.s32 $0x39200, s0;
	s23 =	sadd.s32 $0x24FDA0, s0;
	[dreg:$0x12] =	wrdreg s22  }
0x18: {  	s10 =	sadd.s32 $0x8400, s0;
	s24 =	sadd.s32 s7, s16;
	[dreg:$0x13] =	wrdreg s23  }
0x19: {  	s11 =	sadd.s32 $0xC3D400, s0;
	s21 =	sadd.s32 $0x66F20, s0;
	[dreg:$0x14] =	wrdreg s24  }
0x1a: {  	p1 =	seq.s32 s1, $0xF;
	s25 =	sadd.s32 $0xC8B20, s0;
	[dreg:$0x1b] =	wrdreg s21  }
0x1b: {  	s30 =	sadd.s32 $0x16E900, s2;
	s26 =	sadd.s32 $0x280AE0, s0;
	[dreg:$0x15] =	wrdreg s25  }
0x1c: {  	s18 =	sshrl.u32 s14, $0x1;
	s17 =	sadd.s32 $0x97D20, s0;
	[dreg:$0x16] =	wrdreg s26  }
0x1d: {  	s18 =	ssub.s32 s14, s18;
	s19 =	sadd.s32 $0x2B1820, s0;
	[dreg:$0x18] =	wrdreg s17  }
0x1e: {  	s14 =	sadd.s32 s13, s2;
	s20 =	sadd.s32 s9, s16;
	[dreg:$0x19] =	wrdreg s19  }
0x1f: {  	s29 =	sadd.s32 $0x15E600, s12;
	s22 =	sadd.s32 $0x2E2560, s0;
	[dreg:$0x1a] =	wrdreg s20  }
0x20: {  	s13 =	simm.s32 $0x1;
	s23 =	sadd.s32 $0x36120, s0;
	[dreg:$0x1c] =	wrdreg s22  }
.Ltmp0:
0x21: {  	s24 =	sadd.s32 s10, s16;
	[dreg:$0x1d] =	wrdreg s23;
	(pc) =	sbr.rel .LBB2_1-.Ltmp0, $4  }
0x22: {  	s28 =	smax.u32 s18, $0x1;
	[dreg:$0x1e] =	wrdreg s24;
	s25 =	sadd.s32 $0x3132A0, s0  }
0x23: {  	s15 =	simm.s32 $0x0;
	s26 =	sadd.s32 $0xC6B120, s0;
	[dreg:$0x1f] =	wrdreg s25  }
0x24: {  	s24 =	sadd.s32 s11, s16;
	[smem:$0x7FD] =	sst s26;
	s25 =	sadd.s32 $0x343FE0, s0  }
0x25: {  	s26 =	sadd.s32 $0x18F600, s12;
	s0 =	simm.s32 $0x400;
	s12 =	simm.s32 $0x800  }
.LBB2_19:
0x26: {  	s20 =	sadd.s32 s19, s29;
	[sflag:s31] =	ssyncadd.s32 $0xFFFFC000  }
0x27: {  	[tilespmem:s3], [sflag:$0x2] =	stream.linear.gather [hbm4b:s20+s3], $0x400, $0x38;
	[tilespmem:$0x1CEA8] =	vst v63  }
0x28: {  	_ =	swait.ge [sflag:s31], $0x400  }
0x29: {  	[sflag:s31] =	ssyncset.done $0x0  }
0x2a: {  	s23 =	sadd.s32 s19, s26;
	[sflag:s31] =	ssyncadd.s32 $0xFFFFFC00  }
0x2b: {  	[tilespmem:s0], [sflag:$0x2] =	stream.linear.gather [hbm4b:s23+s3], $0x400, $0x38;
	[tilespmem:$0x1CEA8] =	vst v63  }
0x2c: {  	_ =	swait.ge [sflag:s31], $0x400  }
0x2d: {  	[sflag:s31] =	ssyncset.done $0x0  }
0x2e: {  	[sflag:s31] =	ssyncadd.s32 $0xFFFFFC00  }
0x2f: {  	[tilespmem:s12], [sflag:$0x1] =	stream.indirect.gather [hbm4b:s11+s0], $0x10, s3, s0, $0xb8;
	[tilespmem:$0x1CEA8] =	vst v63  }
0x30: {  	_ =	swait.ge [sflag:s13], $0x4000  }
0x31: {  	[sflag:s13] =	ssyncset.done $0x0  }
0x32: {  	[sflag:s13] =	ssyncadd.s32 $0xFFFFC000  }
0x33: {  	[spmem:s2] =	stream.indirect.scatter.add.f32 [tilespmem:s12], [sflag:$0x2], $0x10, s0, s0, $0xb8;
	[tilespmem:$0x1CEA8] =	vst v63  }
0x34: {  	_ =	swait.ge [sflag:s31], $0x4000  }
0x35: {  	[sflag:s31] =	ssyncset.done $0x0  }
0x36: {  	[sflag:s31] =	ssyncadd.s32 $0xFFFFC000  }
0x37: {  	s19 =	simm.s32 @p1 $0x1FC2;
	[bflag:$0x0] =	sbarrier.arrive $0xFFFF  }
0x38: {  	[hbm:s25], [sflag:s19] =	dma.local @p1 [spmem:s18], $0x3020  }
0x39: {  	s18 =	simm.s32 @p1 $0x2  }
0x3a: {  	_ =	swait.ge @p1 [sflag:s18], $0x3020  }
0x3b: {  	[sflag:s18] =	ssyncset.done @p1 $0x0  }
0x3c: {  	[sflag:s18] =	ssyncadd.s32 @p1 $0xFFFFCFE0;
	s18 =	rddreg [dreg:$0xb]  }
0x3d: {  	[hbm:s18], [sflag:s17] =	dma.local @!p1 [spmem:s16], $0x30E0  }
0x3e: {  	s16 =	simm.s32 @!p1 $0x2  }
0x3f: {  	_ =	swait.ge @!p1 [sflag:s16], $0x30E0  }
0x40: {  	[sflag:s16] =	ssyncset.done @!p1 $0x0  }
0x41: {  	[sflag:s16] =	ssyncadd.s32 @!p1 $0xFFFFCF20  }
.LBB2_20:
0x42: {  	s15 =	sadd.s32 $0x1, s15  }
0x43: {  	p2 =	sne.s32 s15, s28  }
.Ltmp1:
0x44: {  	_ = 	snop;
	(pc) =	sbr.rel @!p2 .LBB2_21-.Ltmp1, $2  }
0x45: {  	_ =	sdelay $0x1  }
0x46: {  	[bflag:$0x0] =	sbarrier.arrive $0xFFFF;
	_ =	sdelay $0x1  }
.LBB2_1:
.Ltmp2:
0x47: {  	(pc) =	sbr.rel @p0 .LBB2_11-.Ltmp2, $3  }
0x48: {  	_ =	sdelay $0x1  }
0x49: {  	s17 =	sshll.u32 @!p1 s1, $0x6  }
0x4a: {  	s18 =	sshrl.u32 @p1 s30, $0x3;
	s16 =	sshrl.u32 @!p1 s14, $0x3;
	s17 =	sor.u32 @!p1 $0x1C02, s17  }
0x4b: {  	s19 =	simm.s32 @p1 $0x1FC2;
	s20 =	rddreg [dreg:$0xf]  }
0x4c: {  	[spmem:s18], [sflag:s19] =	dma.local @p1 [hbm:s20], $0x3020  }
0x4d: {  	s19 =	simm.s32 @p1 $0x2  }
0x4e: {  	_ =	swait.ge @p1 [sflag:s19], $0x3020  }
0x4f: {  	[sflag:s19] =	ssyncset.done @p1 $0x0  }
0x50: {  	[sflag:s19] =	ssyncadd.s32 @p1 $0xFFFFCFE0;
	s19 =	rddreg [dreg:$0xe]  }
0x51: {  	[spmem:s16], [sflag:s17] =	dma.local @!p1 [hbm:s19], $0x30E0  }
0x52: {  	s19 =	simm.s32 @!p1 $0x2  }
0x53: {  	_ =	swait.ge @!p1 [sflag:s19], $0x30E0  }
0x54: {  	[sflag:s19] =	ssyncset.done @!p1 $0x0  }
0x55: {  	[sflag:s19] =	ssyncadd.s32 @!p1 $0xFFFFCF20  }
0x56: {  	s22 =	sadd.s32 $0x0, s29;
	[bflag:$0x0] =	sbarrier.arrive $0xFFFF  }
0x57: {  	[tilespmem:s3], [sflag:$0x2] =	stream.linear.gather [hbm4b:s22+s3], $0x400, $0x38;
	[tilespmem:$0x1CEA8] =	vst v63  }
0x58: {  	_ =	swait.ge [sflag:s31], $0x400  }
0x59: {  	[sflag:s31] =	ssyncset.done $0x0  }
0x5a: {  	s23 =	sadd.s32 $0x0, s26;
	[sflag:s31] =	ssyncadd.s32 $0xFFFFFC00  }
0x5b: {  	[tilespmem:s0], [sflag:$0x2] =	stream.linear.gather [hbm4b:s23+s3], $0x400, $0x38;
	[tilespmem:$0x1CEA8] =	vst v63  }
0x5c: {  	_ =	swait.ge [sflag:s31], $0x400  }
0x5d: {  	[sflag:s31] =	ssyncset.done $0x0  }
0x5e: {  	[sflag:s31] =	ssyncadd.s32 $0xFFFFFC00  }
0x5f: {  	[tilespmem:s12], [sflag:$0x1] =	stream.indirect.gather [hbm4b:s4+s0], $0x10, s3, s0, $0xb8;
	[tilespmem:$0x1CEA8] =	vst v63  }
0x60: {  	_ =	swait.ge [sflag:s13], $0x4000  }
0x61: {  	[sflag:s13] =	ssyncset.done $0x0  }
0x62: {  	[sflag:s13] =	ssyncadd.s32 $0xFFFFC000  }
0x63: {  	[spmem:s2] =	stream.indirect.scatter.add.f32 [tilespmem:s12], [sflag:$0x2], $0x10, s0, s0, $0xb8;
	[tilespmem:$0x1CEA8] =	vst v63  }
0x64: {  	_ =	swait.ge [sflag:s31], $0x4000  }
0x65: {  	s20 =	simm.s32 $0x100;
	s19 =	simm.s32 $0x80;
	[sflag:s31] =	ssyncset.done $0x0  }
.LBB2_3:
0x66: {  	s21 =	sadd.s32 s19, s29  }
0x67: {  	[sflag:s31] =	ssyncadd.s32 $0xFFFFC000;
	s22 =	smov.u32 s20;
	s23 =	sadd.s32 $0x80, s20  }
0x68: {  	[tilespmem:s3], [sflag:$0x2] =	stream.linear.gather [hbm4b:s21+s3], $0x400, $0x38;
	[tilespmem:$0x1CEA8] =	vst v63  }
0x69: {  	p2 =	sne.s32 s20, $0x3080;
	_ =	swait.ge [sflag:s31], $0x400  }
0x6a: {  	[sflag:s31] =	ssyncset.done $0x0  }
0x6b: {  	s20 =	sadd.s32 s19, s26;
	s19 =	smov.u32 s22;
	[sflag:s31] =	ssyncadd.s32 $0xFFFFFC00  }
0x6c: {  	[tilespmem:s0], [sflag:$0x2] =	stream.linear.gather [hbm4b:s20+s3], $0x400, $0x38;
	[tilespmem:$0x1CEA8] =	vst v63  }
0x6d: {  	_ =	swait.ge [sflag:s31], $0x400  }
0x6e: {  	[sflag:s31] =	ssyncset.done $0x0  }
0x6f: {  	[sflag:s31] =	ssyncadd.s32 $0xFFFFFC00  }
0x70: {  	[tilespmem:s12], [sflag:$0x1] =	stream.indirect.gather [hbm4b:s4+s0], $0x10, s3, s0, $0xb8;
	[tilespmem:$0x1CEA8] =	vst v63  }
0x71: {  	_ =	swait.ge [sflag:s13], $0x4000  }
.Ltmp3:
0x72: {  	[sflag:s13] =	ssyncset.done $0x0;
	(pc) =	sbr.rel @p2 .LBB2_3-.Ltmp3, $4  }
0x73: {  	[sflag:s13] =	ssyncadd.s32 $0xFFFFC000  }
0x74: {  	[spmem:s2] =	stream.indirect.scatter.add.f32 [tilespmem:s12], [sflag:$0x2], $0x10, s0, s0, $0xb8;
	[tilespmem:$0x1CEA8] =	vst v63  }
0x75: {  	_ =	swait.ge [sflag:s31], $0x4000  }
0x76: {  	s20 =	smov.u32 s23;
	[sflag:s31] =	ssyncset.done $0x0  }
0x77: {  	s20 =	sadd.s32 s19, s29;
	[sflag:s31] =	ssyncadd.s32 $0xFFFFC000  }
0x78: {  	[tilespmem:s3], [sflag:$0x2] =	stream.linear.gather [hbm4b:s20+s3], $0x400, $0x38;
	[tilespmem:$0x1CEA8] =	vst v63  }
0x79: {  	_ =	swait.ge [sflag:s31], $0x400  }
0x7a: {  	[sflag:s31] =	ssyncset.done $0x0  }
0x7b: {  	s21 =	sadd.s32 s19, s26;
	[sflag:s31] =	ssyncadd.s32 $0xFFFFFC00  }
0x7c: {  	[tilespmem:s0], [sflag:$0x2] =	stream.linear.gather [hbm4b:s21+s3], $0x400, $0x38;
	[tilespmem:$0x1CEA8] =	vst v63  }
0x7d: {  	_ =	swait.ge [sflag:s31], $0x400  }
0x7e: {  	[sflag:s31] =	ssyncset.done $0x0  }
0x7f: {  	[sflag:s31] =	ssyncadd.s32 $0xFFFFFC00  }
0x80: {  	[tilespmem:s12], [sflag:$0x1] =	stream.indirect.gather [hbm4b:s4+s0], $0x10, s3, s0, $0xb8;
	[tilespmem:$0x1CEA8] =	vst v63  }
0x81: {  	_ =	swait.ge [sflag:s13], $0x4000  }
0x82: {  	[sflag:s13] =	ssyncset.done $0x0  }
0x83: {  	[sflag:s13] =	ssyncadd.s32 $0xFFFFC000  }
0x84: {  	[spmem:s2] =	stream.indirect.scatter.add.f32 [tilespmem:s12], [sflag:$0x2], $0x10, s0, s0, $0xb8;
	[tilespmem:$0x1CEA8] =	vst v63  }
0x85: {  	_ =	swait.ge [sflag:s31], $0x4000  }
0x86: {  	[sflag:s31] =	ssyncset.done $0x0  }
0x87: {  	[sflag:s31] =	ssyncadd.s32 $0xFFFFC000  }
0x88: {  	[bflag:$0x0] =	sbarrier.arrive $0xFFFF  }
0x89: {  	s19 =	simm.s32 @p1 $0x1FC2;
	s20 =	rddreg [dreg:$0x10]  }
0x8a: {  	[hbm:s20], [sflag:s19] =	dma.local @p1 [spmem:s18], $0x3020  }
0x8b: {  	s20 =	simm.s32 @p1 $0x2  }
0x8c: {  	_ =	swait.ge @p1 [sflag:s20], $0x3020  }
0x8d: {  	[sflag:s20] =	ssyncset.done @p1 $0x0  }
0x8e: {  	[sflag:s20] =	ssyncadd.s32 @p1 $0xFFFFCFE0  }
0x8f: {  	[bflag:$0x0] =	sbarrier.arrive @p1 $0xFFFF  }
0x90: {  	s21 =	rddreg [dreg:$0x12]  }
0x91: {  	[spmem:s18], [sflag:s19] =	dma.local @p1 [hbm:s21], $0x3020  }
0x92: {  	_ =	swait.ge @p1 [sflag:s20], $0x3020  }
0x93: {  	[sflag:s20] =	ssyncset.done @p1 $0x0  }
0x94: {  	s19 =	rddreg [dreg:$0x4];
	[sflag:s20] =	ssyncadd.s32 @p1 $0xFFFFCFE0  }
0x95: {  	[hbm:s19], [sflag:s17] =	dma.local @!p1 [spmem:s16], $0x30E0  }
0x96: {  	s19 =	simm.s32 @!p1 $0x2  }
0x97: {  	_ =	swait.ge @!p1 [sflag:s19], $0x30E0  }
0x98: {  	[sflag:s19] =	ssyncset.done @!p1 $0x0  }
0x99: {  	[sflag:s19] =	ssyncadd.s32 @!p1 $0xFFFFCF20  }
0x9a: {  	[bflag:$0x0] =	sbarrier.arrive @!p1 $0xFFFF  }
0x9b: {  	s20 =	rddreg [dreg:$0x11]  }
0x9c: {  	[spmem:s16], [sflag:s17] =	dma.local @!p1 [hbm:s20], $0x30E0  }
0x9d: {  	_ =	swait.ge @!p1 [sflag:s19], $0x30E0  }
0x9e: {  	[sflag:s19] =	ssyncset.done @!p1 $0x0  }
0x9f: {  	[sflag:s19] =	ssyncadd.s32 @!p1 $0xFFFFCF20  }
0xa0: {  	s22 =	sadd.s32 $0x0, s29;
	[bflag:$0x0] =	sbarrier.arrive $0xFFFF  }
0xa1: {  	[tilespmem:s3], [sflag:$0x2] =	stream.linear.gather [hbm4b:s22+s3], $0x400, $0x38;
	[tilespmem:$0x1CEA8] =	vst v63  }
0xa2: {  	_ =	swait.ge [sflag:s31], $0x400  }
0xa3: {  	[sflag:s31] =	ssyncset.done $0x0  }
0xa4: {  	s23 =	sadd.s32 $0x0, s26;
	[sflag:s31] =	ssyncadd.s32 $0xFFFFFC00  }
0xa5: {  	[tilespmem:s0], [sflag:$0x2] =	stream.linear.gather [hbm4b:s23+s3], $0x400, $0x38;
	[tilespmem:$0x1CEA8] =	vst v63  }
0xa6: {  	_ =	swait.ge [sflag:s31], $0x400  }
0xa7: {  	[sflag:s31] =	ssyncset.done $0x0  }
0xa8: {  	[sflag:s31] =	ssyncadd.s32 $0xFFFFFC00  }
0xa9: {  	[tilespmem:s12], [sflag:$0x1] =	stream.indirect.gather [hbm4b:s6+s0], $0x10, s3, s0, $0xb8;
	[tilespmem:$0x1CEA8] =	vst v63  }
0xaa: {  	_ =	swait.ge [sflag:s13], $0x4000  }
0xab: {  	[sflag:s13] =	ssyncset.done $0x0  }
0xac: {  	[sflag:s13] =	ssyncadd.s32 $0xFFFFC000  }
0xad: {  	[spmem:s2] =	stream.indirect.scatter.add.f32 [tilespmem:s12], [sflag:$0x2], $0x10, s0, s0, $0xb8;
	[tilespmem:$0x1CEA8] =	vst v63  }
0xae: {  	_ =	swait.ge [sflag:s31], $0x4000  }
0xaf: {  	s20 =	simm.s32 $0x100;
	s19 =	simm.s32 $0x80;
	[sflag:s31] =	ssyncset.done $0x0  }
.LBB2_5:
0xb0: {  	s21 =	sadd.s32 s19, s29  }
0xb1: {  	[sflag:s31] =	ssyncadd.s32 $0xFFFFC000;
	s22 =	smov.u32 s20;
	s23 =	sadd.s32 $0x80, s20  }
0xb2: {  	[tilespmem:s3], [sflag:$0x2] =	stream.linear.gather [hbm4b:s21+s3], $0x400, $0x38;
	[tilespmem:$0x1CEA8] =	vst v63  }
0xb3: {  	p2 =	sne.s32 s20, $0x3080;
	_ =	swait.ge [sflag:s31], $0x400  }
0xb4: {  	[sflag:s31] =	ssyncset.done $0x0  }
0xb5: {  	s20 =	sadd.s32 s19, s26;
	s19 =	smov.u32 s22;
	[sflag:s31] =	ssyncadd.s32 $0xFFFFFC00  }
0xb6: {  	[tilespmem:s0], [sflag:$0x2] =	stream.linear.gather [hbm4b:s20+s3], $0x400, $0x38;
	[tilespmem:$0x1CEA8] =	vst v63  }
0xb7: {  	_ =	swait.ge [sflag:s31], $0x400  }
0xb8: {  	[sflag:s31] =	ssyncset.done $0x0  }
0xb9: {  	[sflag:s31] =	ssyncadd.s32 $0xFFFFFC00  }
0xba: {  	[tilespmem:s12], [sflag:$0x1] =	stream.indirect.gather [hbm4b:s6+s0], $0x10, s3, s0, $0xb8;
	[tilespmem:$0x1CEA8] =	vst v63  }
0xbb: {  	_ =	swait.ge [sflag:s13], $0x4000  }
.Ltmp4:
0xbc: {  	[sflag:s13] =	ssyncset.done $0x0;
	(pc) =	sbr.rel @p2 .LBB2_5-.Ltmp4, $4  }
0xbd: {  	[sflag:s13] =	ssyncadd.s32 $0xFFFFC000  }
0xbe: {  	[spmem:s2] =	stream.indirect.scatter.add.f32 [tilespmem:s12], [sflag:$0x2], $0x10, s0, s0, $0xb8;
	[tilespmem:$0x1CEA8] =	vst v63  }
0xbf: {  	_ =	swait.ge [sflag:s31], $0x4000  }
0xc0: {  	s20 =	smov.u32 s23;
	[sflag:s31] =	ssyncset.done $0x0  }
0xc1: {  	s20 =	sadd.s32 s19, s29;
	[sflag:s31] =	ssyncadd.s32 $0xFFFFC000  }
0xc2: {  	[tilespmem:s3], [sflag:$0x2] =	stream.linear.gather [hbm4b:s20+s3], $0x400, $0x38;
	[tilespmem:$0x1CEA8] =	vst v63  }
0xc3: {  	_ =	swait.ge [sflag:s31], $0x400  }
0xc4: {  	[sflag:s31] =	ssyncset.done $0x0  }
0xc5: {  	s21 =	sadd.s32 s19, s26;
	[sflag:s31] =	ssyncadd.s32 $0xFFFFFC00  }
0xc6: {  	[tilespmem:s0], [sflag:$0x2] =	stream.linear.gather [hbm4b:s21+s3], $0x400, $0x38;
	[tilespmem:$0x1CEA8] =	vst v63  }
0xc7: {  	_ =	swait.ge [sflag:s31], $0x400  }
0xc8: {  	[sflag:s31] =	ssyncset.done $0x0  }
0xc9: {  	[sflag:s31] =	ssyncadd.s32 $0xFFFFFC00  }
0xca: {  	[tilespmem:s12], [sflag:$0x1] =	stream.indirect.gather [hbm4b:s6+s0], $0x10, s3, s0, $0xb8;
	[tilespmem:$0x1CEA8] =	vst v63  }
0xcb: {  	_ =	swait.ge [sflag:s13], $0x4000  }
0xcc: {  	[sflag:s13] =	ssyncset.done $0x0  }
0xcd: {  	[sflag:s13] =	ssyncadd.s32 $0xFFFFC000  }
0xce: {  	[spmem:s2] =	stream.indirect.scatter.add.f32 [tilespmem:s12], [sflag:$0x2], $0x10, s0, s0, $0xb8;
	[tilespmem:$0x1CEA8] =	vst v63  }
0xcf: {  	_ =	swait.ge [sflag:s31], $0x4000  }
0xd0: {  	[sflag:s31] =	ssyncset.done $0x0  }
0xd1: {  	[sflag:s31] =	ssyncadd.s32 $0xFFFFC000  }
0xd2: {  	[bflag:$0x0] =	sbarrier.arrive $0xFFFF  }
0xd3: {  	s19 =	simm.s32 @p1 $0x1FC2;
	s20 =	rddreg [dreg:$0x13]  }
0xd4: {  	[hbm:s20], [sflag:s19] =	dma.local @p1 [spmem:s18], $0x3020  }
0xd5: {  	s20 =	simm.s32 @p1 $0x2  }
0xd6: {  	_ =	swait.ge @p1 [sflag:s20], $0x3020  }
0xd7: {  	[sflag:s20] =	ssyncset.done @p1 $0x0  }
0xd8: {  	[sflag:s20] =	ssyncadd.s32 @p1 $0xFFFFCFE0  }
0xd9: {  	[bflag:$0x0] =	sbarrier.arrive @p1 $0xFFFF  }
0xda: {  	s21 =	rddreg [dreg:$0x18]  }
0xdb: {  	[spmem:s18], [sflag:s19] =	dma.local @p1 [hbm:s21], $0x3020  }
0xdc: {  	_ =	swait.ge @p1 [sflag:s20], $0x3020  }
0xdd: {  	[sflag:s20] =	ssyncset.done @p1 $0x0  }
0xde: {  	s19 =	rddreg [dreg:$0x5];
	[sflag:s20] =	ssyncadd.s32 @p1 $0xFFFFCFE0  }
0xdf: {  	[hbm:s19], [sflag:s17] =	dma.local @!p1 [spmem:s16], $0x30E0  }
0xe0: {  	s19 =	simm.s32 @!p1 $0x2  }
0xe1: {  	_ =	swait.ge @!p1 [sflag:s19], $0x30E0  }
0xe2: {  	[sflag:s19] =	ssyncset.done @!p1 $0x0  }
0xe3: {  	[sflag:s19] =	ssyncadd.s32 @!p1 $0xFFFFCF20  }
0xe4: {  	[bflag:$0x0] =	sbarrier.arrive @!p1 $0xFFFF  }
0xe5: {  	s20 =	rddreg [dreg:$0x17]  }
0xe6: {  	[spmem:s16], [sflag:s17] =	dma.local @!p1 [hbm:s20], $0x30E0  }
0xe7: {  	_ =	swait.ge @!p1 [sflag:s19], $0x30E0  }
0xe8: {  	[sflag:s19] =	ssyncset.done @!p1 $0x0  }
0xe9: {  	[sflag:s19] =	ssyncadd.s32 @!p1 $0xFFFFCF20  }
0xea: {  	s22 =	sadd.s32 $0x0, s29;
	[bflag:$0x0] =	sbarrier.arrive $0xFFFF  }
0xeb: {  	[tilespmem:s3], [sflag:$0x2] =	stream.linear.gather [hbm4b:s22+s3], $0x400, $0x38;
	[tilespmem:$0x1CEA8] =	vst v63  }
0xec: {  	_ =	swait.ge [sflag:s31], $0x400  }
0xed: {  	[sflag:s31] =	ssyncset.done $0x0  }
0xee: {  	s23 =	sadd.s32 $0x0, s26;
	[sflag:s31] =	ssyncadd.s32 $0xFFFFFC00  }
0xef: {  	[tilespmem:s0], [sflag:$0x2] =	stream.linear.gather [hbm4b:s23+s3], $0x400, $0x38;
	[tilespmem:$0x1CEA8] =	vst v63  }
0xf0: {  	_ =	swait.ge [sflag:s31], $0x400  }
0xf1: {  	[sflag:s31] =	ssyncset.done $0x0  }
0xf2: {  	[sflag:s31] =	ssyncadd.s32 $0xFFFFFC00  }
0xf3: {  	[tilespmem:s12], [sflag:$0x1] =	stream.indirect.gather [hbm4b:s8+s0], $0x10, s3, s0, $0xb8;
	[tilespmem:$0x1CEA8] =	vst v63  }
0xf4: {  	_ =	swait.ge [sflag:s13], $0x4000  }
0xf5: {  	[sflag:s13] =	ssyncset.done $0x0  }
0xf6: {  	[sflag:s13] =	ssyncadd.s32 $0xFFFFC000  }
0xf7: {  	[spmem:s2] =	stream.indirect.scatter.add.f32 [tilespmem:s12], [sflag:$0x2], $0x10, s0, s0, $0xb8;
	[tilespmem:$0x1CEA8] =	vst v63  }
0xf8: {  	_ =	swait.ge [sflag:s31], $0x4000  }
0xf9: {  	s20 =	simm.s32 $0x100;
	s19 =	simm.s32 $0x80;
	[sflag:s31] =	ssyncset.done $0x0  }
.LBB2_7:
0xfa: {  	s21 =	sadd.s32 s19, s29  }
0xfb: {  	[sflag:s31] =	ssyncadd.s32 $0xFFFFC000;
	s22 =	smov.u32 s20;
	s23 =	sadd.s32 $0x80, s20  }
0xfc: {  	[tilespmem:s3], [sflag:$0x2] =	stream.linear.gather [hbm4b:s21+s3], $0x400, $0x38;
	[tilespmem:$0x1CEA8] =	vst v63  }
0xfd: {  	p2 =	sne.s32 s20, $0x3080;
	_ =	swait.ge [sflag:s31], $0x400  }
0xfe: {  	[sflag:s31] =	ssyncset.done $0x0  }
0xff: {  	s20 =	sadd.s32 s19, s26;
	s19 =	smov.u32 s22;
	[sflag:s31] =	ssyncadd.s32 $0xFFFFFC00  }
0x100: {  	[tilespmem:s0], [sflag:$0x2] =	stream.linear.gather [hbm4b:s20+s3], $0x400, $0x38;
	[tilespmem:$0x1CEA8] =	vst v63  }
0x101: {  	_ =	swait.ge [sflag:s31], $0x400  }
0x102: {  	[sflag:s31] =	ssyncset.done $0x0  }
0x103: {  	[sflag:s31] =	ssyncadd.s32 $0xFFFFFC00  }
0x104: {  	[tilespmem:s12], [sflag:$0x1] =	stream.indirect.gather [hbm4b:s8+s0], $0x10, s3, s0, $0xb8;
	[tilespmem:$0x1CEA8] =	vst v63  }
0x105: {  	_ =	swait.ge [sflag:s13], $0x4000  }
.Ltmp5:
0x106: {  	[sflag:s13] =	ssyncset.done $0x0;
	(pc) =	sbr.rel @p2 .LBB2_7-.Ltmp5, $4  }
0x107: {  	[sflag:s13] =	ssyncadd.s32 $0xFFFFC000  }
0x108: {  	[spmem:s2] =	stream.indirect.scatter.add.f32 [tilespmem:s12], [sflag:$0x2], $0x10, s0, s0, $0xb8;
	[tilespmem:$0x1CEA8] =	vst v63  }
0x109: {  	_ =	swait.ge [sflag:s31], $0x4000  }
0x10a: {  	s20 =	smov.u32 s23;
	[sflag:s31] =	ssyncset.done $0x0  }
0x10b: {  	s20 =	sadd.s32 s19, s29;
	[sflag:s31] =	ssyncadd.s32 $0xFFFFC000  }
0x10c: {  	[tilespmem:s3], [sflag:$0x2] =	stream.linear.gather [hbm4b:s20+s3], $0x400, $0x38;
	[tilespmem:$0x1CEA8] =	vst v63  }
0x10d: {  	_ =	swait.ge [sflag:s31], $0x400  }
0x10e: {  	[sflag:s31] =	ssyncset.done $0x0  }
0x10f: {  	s21 =	sadd.s32 s19, s26;
	[sflag:s31] =	ssyncadd.s32 $0xFFFFFC00  }
0x110: {  	[tilespmem:s0], [sflag:$0x2] =	stream.linear.gather [hbm4b:s21+s3], $0x400, $0x38;
	[tilespmem:$0x1CEA8] =	vst v63  }
0x111: {  	_ =	swait.ge [sflag:s31], $0x400  }
0x112: {  	[sflag:s31] =	ssyncset.done $0x0  }
0x113: {  	[sflag:s31] =	ssyncadd.s32 $0xFFFFFC00  }
0x114: {  	[tilespmem:s12], [sflag:$0x1] =	stream.indirect.gather [hbm4b:s8+s0], $0x10, s3, s0, $0xb8;
	[tilespmem:$0x1CEA8] =	vst v63  }
0x115: {  	_ =	swait.ge [sflag:s13], $0x4000  }
0x116: {  	[sflag:s13] =	ssyncset.done $0x0  }
0x117: {  	[sflag:s13] =	ssyncadd.s32 $0xFFFFC000  }
0x118: {  	[spmem:s2] =	stream.indirect.scatter.add.f32 [tilespmem:s12], [sflag:$0x2], $0x10, s0, s0, $0xb8;
	[tilespmem:$0x1CEA8] =	vst v63  }
0x119: {  	_ =	swait.ge [sflag:s31], $0x4000  }
0x11a: {  	[sflag:s31] =	ssyncset.done $0x0  }
0x11b: {  	[sflag:s31] =	ssyncadd.s32 $0xFFFFC000  }
0x11c: {  	[bflag:$0x0] =	sbarrier.arrive $0xFFFF  }
0x11d: {  	s19 =	simm.s32 @p1 $0x1FC2;
	s20 =	rddreg [dreg:$0x19]  }
0x11e: {  	[hbm:s20], [sflag:s19] =	dma.local @p1 [spmem:s18], $0x3020  }
0x11f: {  	s20 =	simm.s32 @p1 $0x2  }
0x120: {  	_ =	swait.ge @p1 [sflag:s20], $0x3020  }
0x121: {  	[sflag:s20] =	ssyncset.done @p1 $0x0  }
0x122: {  	[sflag:s20] =	ssyncadd.s32 @p1 $0xFFFFCFE0  }
0x123: {  	[bflag:$0x0] =	sbarrier.arrive @p1 $0xFFFF  }
0x124: {  	s21 =	rddreg [dreg:$0x1d]  }
0x125: {  	[spmem:s18], [sflag:s19] =	dma.local @p1 [hbm:s21], $0x3020  }
0x126: {  	_ =	swait.ge @p1 [sflag:s20], $0x3020  }
0x127: {  	[sflag:s20] =	ssyncset.done @p1 $0x0  }
0x128: {  	s19 =	rddreg [dreg:$0x8];
	[sflag:s20] =	ssyncadd.s32 @p1 $0xFFFFCFE0  }
0x129: {  	[hbm:s19], [sflag:s17] =	dma.local @!p1 [spmem:s16], $0x30E0  }
0x12a: {  	s19 =	simm.s32 @!p1 $0x2  }
0x12b: {  	_ =	swait.ge @!p1 [sflag:s19], $0x30E0  }
0x12c: {  	[sflag:s19] =	ssyncset.done @!p1 $0x0  }
0x12d: {  	[sflag:s19] =	ssyncadd.s32 @!p1 $0xFFFFCF20  }
0x12e: {  	[bflag:$0x0] =	sbarrier.arrive @!p1 $0xFFFF  }
0x12f: {  	s20 =	rddreg [dreg:$0x1e]  }
0x130: {  	[spmem:s16], [sflag:s17] =	dma.local @!p1 [hbm:s20], $0x30E0  }
0x131: {  	_ =	swait.ge @!p1 [sflag:s19], $0x30E0  }
0x132: {  	[sflag:s19] =	ssyncset.done @!p1 $0x0  }
0x133: {  	[sflag:s19] =	ssyncadd.s32 @!p1 $0xFFFFCF20  }
0x134: {  	s22 =	sadd.s32 $0x0, s29;
	[bflag:$0x0] =	sbarrier.arrive $0xFFFF  }
0x135: {  	[tilespmem:s3], [sflag:$0x2] =	stream.linear.gather [hbm4b:s22+s3], $0x400, $0x38;
	[tilespmem:$0x1CEA8] =	vst v63  }
0x136: {  	_ =	swait.ge [sflag:s31], $0x400  }
0x137: {  	[sflag:s31] =	ssyncset.done $0x0  }
0x138: {  	s23 =	sadd.s32 $0x0, s26;
	[sflag:s31] =	ssyncadd.s32 $0xFFFFFC00  }
0x139: {  	[tilespmem:s0], [sflag:$0x2] =	stream.linear.gather [hbm4b:s23+s3], $0x400, $0x38;
	[tilespmem:$0x1CEA8] =	vst v63  }
0x13a: {  	_ =	swait.ge [sflag:s31], $0x400  }
0x13b: {  	[sflag:s31] =	ssyncset.done $0x0  }
0x13c: {  	[sflag:s31] =	ssyncadd.s32 $0xFFFFFC00  }
0x13d: {  	[tilespmem:s12], [sflag:$0x1] =	stream.indirect.gather [hbm4b:s10+s0], $0x10, s3, s0, $0xb8;
	[tilespmem:$0x1CEA8] =	vst v63  }
0x13e: {  	_ =	swait.ge [sflag:s13], $0x4000  }
0x13f: {  	[sflag:s13] =	ssyncset.done $0x0  }
0x140: {  	[sflag:s13] =	ssyncadd.s32 $0xFFFFC000  }
0x141: {  	[spmem:s2] =	stream.indirect.scatter.add.f32 [tilespmem:s12], [sflag:$0x2], $0x10, s0, s0, $0xb8;
	[tilespmem:$0x1CEA8] =	vst v63  }
0x142: {  	_ =	swait.ge [sflag:s31], $0x4000  }
0x143: {  	s20 =	simm.s32 $0x100;
	s19 =	simm.s32 $0x80;
	[sflag:s31] =	ssyncset.done $0x0  }
.LBB2_9:
0x144: {  	s21 =	sadd.s32 s19, s29  }
0x145: {  	[sflag:s31] =	ssyncadd.s32 $0xFFFFC000;
	s22 =	smov.u32 s20;
	s23 =	sadd.s32 $0x80, s20  }
0x146: {  	[tilespmem:s3], [sflag:$0x2] =	stream.linear.gather [hbm4b:s21+s3], $0x400, $0x38;
	[tilespmem:$0x1CEA8] =	vst v63  }
0x147: {  	p2 =	sne.s32 s20, $0x3080;
	_ =	swait.ge [sflag:s31], $0x400  }
0x148: {  	[sflag:s31] =	ssyncset.done $0x0  }
0x149: {  	s20 =	sadd.s32 s19, s26;
	s19 =	smov.u32 s22;
	[sflag:s31] =	ssyncadd.s32 $0xFFFFFC00  }
0x14a: {  	[tilespmem:s0], [sflag:$0x2] =	stream.linear.gather [hbm4b:s20+s3], $0x400, $0x38;
	[tilespmem:$0x1CEA8] =	vst v63  }
0x14b: {  	_ =	swait.ge [sflag:s31], $0x400  }
0x14c: {  	[sflag:s31] =	ssyncset.done $0x0  }
0x14d: {  	[sflag:s31] =	ssyncadd.s32 $0xFFFFFC00  }
0x14e: {  	[tilespmem:s12], [sflag:$0x1] =	stream.indirect.gather [hbm4b:s10+s0], $0x10, s3, s0, $0xb8;
	[tilespmem:$0x1CEA8] =	vst v63  }
0x14f: {  	_ =	swait.ge [sflag:s13], $0x4000  }
.Ltmp6:
0x150: {  	[sflag:s13] =	ssyncset.done $0x0;
	(pc) =	sbr.rel @p2 .LBB2_9-.Ltmp6, $4  }
0x151: {  	[sflag:s13] =	ssyncadd.s32 $0xFFFFC000  }
0x152: {  	[spmem:s2] =	stream.indirect.scatter.add.f32 [tilespmem:s12], [sflag:$0x2], $0x10, s0, s0, $0xb8;
	[tilespmem:$0x1CEA8] =	vst v63  }
0x153: {  	_ =	swait.ge [sflag:s31], $0x4000  }
0x154: {  	s20 =	smov.u32 s23;
	[sflag:s31] =	ssyncset.done $0x0  }
0x155: {  	s20 =	sadd.s32 s19, s29;
	[sflag:s31] =	ssyncadd.s32 $0xFFFFC000  }
0x156: {  	[tilespmem:s3], [sflag:$0x2] =	stream.linear.gather [hbm4b:s20+s3], $0x400, $0x38;
	[tilespmem:$0x1CEA8] =	vst v63  }
0x157: {  	_ =	swait.ge [sflag:s31], $0x400  }
0x158: {  	[sflag:s31] =	ssyncset.done $0x0  }
0x159: {  	s23 =	sadd.s32 s19, s26;
	[sflag:s31] =	ssyncadd.s32 $0xFFFFFC00  }
0x15a: {  	[tilespmem:s0], [sflag:$0x2] =	stream.linear.gather [hbm4b:s23+s3], $0x400, $0x38;
	[tilespmem:$0x1CEA8] =	vst v63  }
0x15b: {  	_ =	swait.ge [sflag:s31], $0x400  }
0x15c: {  	[sflag:s31] =	ssyncset.done $0x0  }
0x15d: {  	[sflag:s31] =	ssyncadd.s32 $0xFFFFFC00  }
0x15e: {  	[tilespmem:s12], [sflag:$0x1] =	stream.indirect.gather [hbm4b:s10+s0], $0x10, s3, s0, $0xb8;
	[tilespmem:$0x1CEA8] =	vst v63  }
0x15f: {  	_ =	swait.ge [sflag:s13], $0x4000  }
0x160: {  	[sflag:s13] =	ssyncset.done $0x0  }
0x161: {  	[sflag:s13] =	ssyncadd.s32 $0xFFFFC000  }
0x162: {  	[spmem:s2] =	stream.indirect.scatter.add.f32 [tilespmem:s12], [sflag:$0x2], $0x10, s0, s0, $0xb8;
	[tilespmem:$0x1CEA8] =	vst v63  }
0x163: {  	_ =	swait.ge [sflag:s31], $0x4000  }
0x164: {  	[sflag:s31] =	ssyncset.done $0x0  }
0x165: {  	[sflag:s31] =	ssyncadd.s32 $0xFFFFC000  }
0x166: {  	[bflag:$0x0] =	sbarrier.arrive $0xFFFF  }
0x167: {  	s19 =	simm.s32 @p1 $0x1FC2;
	s20 =	rddreg [dreg:$0x1f]  }
0x168: {  	[hbm:s20], [sflag:s19] =	dma.local @p1 [spmem:s18], $0x3020  }
0x169: {  	s18 =	simm.s32 @p1 $0x2  }
0x16a: {  	_ =	swait.ge @p1 [sflag:s18], $0x3020  }
0x16b: {  	[sflag:s18] =	ssyncset.done @p1 $0x0  }
0x16c: {  	[sflag:s18] =	ssyncadd.s32 @p1 $0xFFFFCFE0;
	s18 =	rddreg [dreg:$0xa]  }
0x16d: {  	[hbm:s18], [sflag:s17] =	dma.local @!p1 [spmem:s16], $0x30E0  }
.Ltmp7:
0x16e: {  	_ = 	snop;
	(pc) =	sbr.rel .LBB2_20-.Ltmp7, $4  }
0x16f: {  	s16 =	simm.s32 @!p1 $0x2  }
0x170: {  	_ =	swait.ge @!p1 [sflag:s16], $0x30E0  }
0x171: {  	[sflag:s16] =	ssyncset.done @!p1 $0x0  }
0x172: {  	[sflag:s16] =	ssyncadd.s32 @!p1 $0xFFFFCF20  }
.LBB2_11:
0x173: {  	s19 =	simm.s32 @p1 $0x1FC2;
	s20 =	rddreg [dreg:$0xc]  }
0x174: {  	[spmem:s18], [sflag:s19] =	dma.local @p1 [hbm:s20], $0x3020  }
0x175: {  	s19 =	simm.s32 @p1 $0x2  }
0x176: {  	_ =	swait.ge @p1 [sflag:s19], $0x3020  }
0x177: {  	[sflag:s19] =	ssyncset.done @p1 $0x0  }
0x178: {  	[sflag:s19] =	ssyncadd.s32 @p1 $0xFFFFCFE0;
	s19 =	rddreg [dreg:$0x7]  }
0x179: {  	[spmem:s16], [sflag:s17] =	dma.local @!p1 [hbm:s19], $0x30E0  }
0x17a: {  	s19 =	simm.s32 @!p1 $0x2  }
0x17b: {  	_ =	swait.ge @!p1 [sflag:s19], $0x30E0  }
0x17c: {  	[sflag:s19] =	ssyncset.done @!p1 $0x0  }
0x17d: {  	[sflag:s19] =	ssyncadd.s32 @!p1 $0xFFFFCF20  }
0x17e: {  	s22 =	sadd.s32 $0x0, s29;
	[bflag:$0x0] =	sbarrier.arrive $0xFFFF  }
0x17f: {  	[tilespmem:s3], [sflag:$0x2] =	stream.linear.gather [hbm4b:s22+s3], $0x400, $0x38;
	[tilespmem:$0x1CEA8] =	vst v63  }
0x180: {  	_ =	swait.ge [sflag:s31], $0x400  }
0x181: {  	[sflag:s31] =	ssyncset.done $0x0  }
0x182: {  	s23 =	sadd.s32 $0x0, s26;
	[sflag:s31] =	ssyncadd.s32 $0xFFFFFC00  }
0x183: {  	[tilespmem:s0], [sflag:$0x2] =	stream.linear.gather [hbm4b:s23+s3], $0x400, $0x38;
	[tilespmem:$0x1CEA8] =	vst v63  }
0x184: {  	_ =	swait.ge [sflag:s31], $0x400  }
0x185: {  	[sflag:s31] =	ssyncset.done $0x0  }
0x186: {  	[sflag:s31] =	ssyncadd.s32 $0xFFFFFC00  }
0x187: {  	[tilespmem:s12], [sflag:$0x1] =	stream.indirect.gather [hbm4b:s5+s0], $0x10, s3, s0, $0xb8;
	[tilespmem:$0x1CEA8] =	vst v63  }
0x188: {  	_ =	swait.ge [sflag:s13], $0x4000  }
0x189: {  	[sflag:s13] =	ssyncset.done $0x0  }
0x18a: {  	[sflag:s13] =	ssyncadd.s32 $0xFFFFC000  }
0x18b: {  	[spmem:s2] =	stream.indirect.scatter.add.f32 [tilespmem:s12], [sflag:$0x2], $0x10, s0, s0, $0xb8;
	[tilespmem:$0x1CEA8] =	vst v63  }
0x18c: {  	_ =	swait.ge [sflag:s31], $0x4000  }
0x18d: {  	s20 =	simm.s32 $0x100;
	s19 =	simm.s32 $0x80;
	[sflag:s31] =	ssyncset.done $0x0  }
.LBB2_12:
0x18e: {  	s21 =	sadd.s32 s19, s29  }
0x18f: {  	[sflag:s31] =	ssyncadd.s32 $0xFFFFC000;
	s22 =	smov.u32 s20;
	s23 =	sadd.s32 $0x80, s20  }
0x190: {  	[tilespmem:s3], [sflag:$0x2] =	stream.linear.gather [hbm4b:s21+s3], $0x400, $0x38;
	[tilespmem:$0x1CEA8] =	vst v63  }
0x191: {  	p2 =	sne.s32 s20, $0x3080;
	_ =	swait.ge [sflag:s31], $0x400  }
0x192: {  	[sflag:s31] =	ssyncset.done $0x0  }
0x193: {  	s20 =	sadd.s32 s19, s26;
	s19 =	smov.u32 s22;
	[sflag:s31] =	ssyncadd.s32 $0xFFFFFC00  }
0x194: {  	[tilespmem:s0], [sflag:$0x2] =	stream.linear.gather [hbm4b:s20+s3], $0x400, $0x38;
	[tilespmem:$0x1CEA8] =	vst v63  }
0x195: {  	_ =	swait.ge [sflag:s31], $0x400  }
0x196: {  	[sflag:s31] =	ssyncset.done $0x0  }
0x197: {  	[sflag:s31] =	ssyncadd.s32 $0xFFFFFC00  }
0x198: {  	[tilespmem:s12], [sflag:$0x1] =	stream.indirect.gather [hbm4b:s5+s0], $0x10, s3, s0, $0xb8;
	[tilespmem:$0x1CEA8] =	vst v63  }
0x199: {  	_ =	swait.ge [sflag:s13], $0x4000  }
.Ltmp8:
0x19a: {  	[sflag:s13] =	ssyncset.done $0x0;
	(pc) =	sbr.rel @p2 .LBB2_12-.Ltmp8, $4  }
0x19b: {  	[sflag:s13] =	ssyncadd.s32 $0xFFFFC000  }
0x19c: {  	[spmem:s2] =	stream.indirect.scatter.add.f32 [tilespmem:s12], [sflag:$0x2], $0x10, s0, s0, $0xb8;
	[tilespmem:$0x1CEA8] =	vst v63  }
0x19d: {  	_ =	swait.ge [sflag:s31], $0x4000  }
0x19e: {  	s20 =	smov.u32 s23;
	[sflag:s31] =	ssyncset.done $0x0  }
0x19f: {  	s20 =	sadd.s32 s19, s29;
	[sflag:s31] =	ssyncadd.s32 $0xFFFFC000  }
0x1a0: {  	[tilespmem:s3], [sflag:$0x2] =	stream.linear.gather [hbm4b:s20+s3], $0x400, $0x38;
	[tilespmem:$0x1CEA8] =	vst v63  }
0x1a1: {  	_ =	swait.ge [sflag:s31], $0x400  }
0x1a2: {  	[sflag:s31] =	ssyncset.done $0x0  }
0x1a3: {  	s21 =	sadd.s32 s19, s26;
	[sflag:s31] =	ssyncadd.s32 $0xFFFFFC00  }
0x1a4: {  	[tilespmem:s0], [sflag:$0x2] =	stream.linear.gather [hbm4b:s21+s3], $0x400, $0x38;
	[tilespmem:$0x1CEA8] =	vst v63  }
0x1a5: {  	_ =	swait.ge [sflag:s31], $0x400  }
0x1a6: {  	[sflag:s31] =	ssyncset.done $0x0  }
0x1a7: {  	[sflag:s31] =	ssyncadd.s32 $0xFFFFFC00  }
0x1a8: {  	[tilespmem:s12], [sflag:$0x1] =	stream.indirect.gather [hbm4b:s5+s0], $0x10, s3, s0, $0xb8;
	[tilespmem:$0x1CEA8] =	vst v63  }
0x1a9: {  	_ =	swait.ge [sflag:s13], $0x4000  }
0x1aa: {  	[sflag:s13] =	ssyncset.done $0x0  }
0x1ab: {  	[sflag:s13] =	ssyncadd.s32 $0xFFFFC000  }
0x1ac: {  	[spmem:s2] =	stream.indirect.scatter.add.f32 [tilespmem:s12], [sflag:$0x2], $0x10, s0, s0, $0xb8;
	[tilespmem:$0x1CEA8] =	vst v63  }
0x1ad: {  	_ =	swait.ge [sflag:s31], $0x4000  }
0x1ae: {  	[sflag:s31] =	ssyncset.done $0x0  }
0x1af: {  	[sflag:s31] =	ssyncadd.s32 $0xFFFFC000  }
0x1b0: {  	[bflag:$0x0] =	sbarrier.arrive $0xFFFF  }
0x1b1: {  	s19 =	simm.s32 @p1 $0x1FC2;
	s20 =	rddreg [dreg:$0xd]  }
0x1b2: {  	[hbm:s20], [sflag:s19] =	dma.local @p1 [spmem:s18], $0x3020  }
0x1b3: {  	s20 =	simm.s32 @p1 $0x2  }
0x1b4: {  	_ =	swait.ge @p1 [sflag:s20], $0x3020  }
0x1b5: {  	[sflag:s20] =	ssyncset.done @p1 $0x0  }
0x1b6: {  	[sflag:s20] =	ssyncadd.s32 @p1 $0xFFFFCFE0  }
0x1b7: {  	[bflag:$0x0] =	sbarrier.arrive @p1 $0xFFFF  }
0x1b8: {  	s21 =	rddreg [dreg:$0x15]  }
0x1b9: {  	[spmem:s18], [sflag:s19] =	dma.local @p1 [hbm:s21], $0x3020  }
0x1ba: {  	_ =	swait.ge @p1 [sflag:s20], $0x3020  }
0x1bb: {  	[sflag:s20] =	ssyncset.done @p1 $0x0  }
0x1bc: {  	s19 =	rddreg [dreg:$0x3];
	[sflag:s20] =	ssyncadd.s32 @p1 $0xFFFFCFE0  }
0x1bd: {  	[hbm:s19], [sflag:s17] =	dma.local @!p1 [spmem:s16], $0x30E0  }
0x1be: {  	s19 =	simm.s32 @!p1 $0x2  }
0x1bf: {  	_ =	swait.ge @!p1 [sflag:s19], $0x30E0  }
0x1c0: {  	[sflag:s19] =	ssyncset.done @!p1 $0x0  }
0x1c1: {  	[sflag:s19] =	ssyncadd.s32 @!p1 $0xFFFFCF20  }
0x1c2: {  	[bflag:$0x0] =	sbarrier.arrive @!p1 $0xFFFF  }
0x1c3: {  	s20 =	rddreg [dreg:$0x14]  }
0x1c4: {  	[spmem:s16], [sflag:s17] =	dma.local @!p1 [hbm:s20], $0x30E0  }
0x1c5: {  	_ =	swait.ge @!p1 [sflag:s19], $0x30E0  }
0x1c6: {  	[sflag:s19] =	ssyncset.done @!p1 $0x0  }
0x1c7: {  	[sflag:s19] =	ssyncadd.s32 @!p1 $0xFFFFCF20  }
0x1c8: {  	s22 =	sadd.s32 $0x0, s29;
	[bflag:$0x0] =	sbarrier.arrive $0xFFFF  }
0x1c9: {  	[tilespmem:s3], [sflag:$0x2] =	stream.linear.gather [hbm4b:s22+s3], $0x400, $0x38;
	[tilespmem:$0x1CEA8] =	vst v63  }
0x1ca: {  	_ =	swait.ge [sflag:s31], $0x400  }
0x1cb: {  	[sflag:s31] =	ssyncset.done $0x0  }
0x1cc: {  	s23 =	sadd.s32 $0x0, s26;
	[sflag:s31] =	ssyncadd.s32 $0xFFFFFC00  }
0x1cd: {  	[tilespmem:s0], [sflag:$0x2] =	stream.linear.gather [hbm4b:s23+s3], $0x400, $0x38;
	[tilespmem:$0x1CEA8] =	vst v63  }
0x1ce: {  	_ =	swait.ge [sflag:s31], $0x400  }
0x1cf: {  	[sflag:s31] =	ssyncset.done $0x0  }
0x1d0: {  	[sflag:s31] =	ssyncadd.s32 $0xFFFFFC00  }
0x1d1: {  	[tilespmem:s12], [sflag:$0x1] =	stream.indirect.gather [hbm4b:s7+s0], $0x10, s3, s0, $0xb8;
	[tilespmem:$0x1CEA8] =	vst v63  }
0x1d2: {  	_ =	swait.ge [sflag:s13], $0x4000  }
0x1d3: {  	[sflag:s13] =	ssyncset.done $0x0  }
0x1d4: {  	[sflag:s13] =	ssyncadd.s32 $0xFFFFC000  }
0x1d5: {  	[spmem:s2] =	stream.indirect.scatter.add.f32 [tilespmem:s12], [sflag:$0x2], $0x10, s0, s0, $0xb8;
	[tilespmem:$0x1CEA8] =	vst v63  }
0x1d6: {  	_ =	swait.ge [sflag:s31], $0x4000  }
0x1d7: {  	s20 =	simm.s32 $0x100;
	s19 =	simm.s32 $0x80;
	[sflag:s31] =	ssyncset.done $0x0  }
.LBB2_14:
0x1d8: {  	s21 =	sadd.s32 s19, s29  }
0x1d9: {  	[sflag:s31] =	ssyncadd.s32 $0xFFFFC000;
	s22 =	smov.u32 s20;
	s23 =	sadd.s32 $0x80, s20  }
0x1da: {  	[tilespmem:s3], [sflag:$0x2] =	stream.linear.gather [hbm4b:s21+s3], $0x400, $0x38;
	[tilespmem:$0x1CEA8] =	vst v63  }
0x1db: {  	p2 =	sne.s32 s20, $0x3080;
	_ =	swait.ge [sflag:s31], $0x400  }
0x1dc: {  	[sflag:s31] =	ssyncset.done $0x0  }
0x1dd: {  	s20 =	sadd.s32 s19, s26;
	s19 =	smov.u32 s22;
	[sflag:s31] =	ssyncadd.s32 $0xFFFFFC00  }
0x1de: {  	[tilespmem:s0], [sflag:$0x2] =	stream.linear.gather [hbm4b:s20+s3], $0x400, $0x38;
	[tilespmem:$0x1CEA8] =	vst v63  }
0x1df: {  	_ =	swait.ge [sflag:s31], $0x400  }
0x1e0: {  	[sflag:s31] =	ssyncset.done $0x0  }
0x1e1: {  	[sflag:s31] =	ssyncadd.s32 $0xFFFFFC00  }
0x1e2: {  	[tilespmem:s12], [sflag:$0x1] =	stream.indirect.gather [hbm4b:s7+s0], $0x10, s3, s0, $0xb8;
	[tilespmem:$0x1CEA8] =	vst v63  }
0x1e3: {  	_ =	swait.ge [sflag:s13], $0x4000  }
.Ltmp9:
0x1e4: {  	[sflag:s13] =	ssyncset.done $0x0;
	(pc) =	sbr.rel @p2 .LBB2_14-.Ltmp9, $4  }
0x1e5: {  	[sflag:s13] =	ssyncadd.s32 $0xFFFFC000  }
0x1e6: {  	[spmem:s2] =	stream.indirect.scatter.add.f32 [tilespmem:s12], [sflag:$0x2], $0x10, s0, s0, $0xb8;
	[tilespmem:$0x1CEA8] =	vst v63  }
0x1e7: {  	_ =	swait.ge [sflag:s31], $0x4000  }
0x1e8: {  	s20 =	smov.u32 s23;
	[sflag:s31] =	ssyncset.done $0x0  }
0x1e9: {  	s20 =	sadd.s32 s19, s29;
	[sflag:s31] =	ssyncadd.s32 $0xFFFFC000  }
0x1ea: {  	[tilespmem:s3], [sflag:$0x2] =	stream.linear.gather [hbm4b:s20+s3], $0x400, $0x38;
	[tilespmem:$0x1CEA8] =	vst v63  }
0x1eb: {  	_ =	swait.ge [sflag:s31], $0x400  }
0x1ec: {  	[sflag:s31] =	ssyncset.done $0x0  }
0x1ed: {  	s21 =	sadd.s32 s19, s26;
	[sflag:s31] =	ssyncadd.s32 $0xFFFFFC00  }
0x1ee: {  	[tilespmem:s0], [sflag:$0x2] =	stream.linear.gather [hbm4b:s21+s3], $0x400, $0x38;
	[tilespmem:$0x1CEA8] =	vst v63  }
0x1ef: {  	_ =	swait.ge [sflag:s31], $0x400  }
0x1f0: {  	[sflag:s31] =	ssyncset.done $0x0  }
0x1f1: {  	[sflag:s31] =	ssyncadd.s32 $0xFFFFFC00  }
0x1f2: {  	[tilespmem:s12], [sflag:$0x1] =	stream.indirect.gather [hbm4b:s7+s0], $0x10, s3, s0, $0xb8;
	[tilespmem:$0x1CEA8] =	vst v63  }
0x1f3: {  	_ =	swait.ge [sflag:s13], $0x4000  }
0x1f4: {  	[sflag:s13] =	ssyncset.done $0x0  }
0x1f5: {  	[sflag:s13] =	ssyncadd.s32 $0xFFFFC000  }
0x1f6: {  	[spmem:s2] =	stream.indirect.scatter.add.f32 [tilespmem:s12], [sflag:$0x2], $0x10, s0, s0, $0xb8;
	[tilespmem:$0x1CEA8] =	vst v63  }
0x1f7: {  	_ =	swait.ge [sflag:s31], $0x4000  }
0x1f8: {  	[sflag:s31] =	ssyncset.done $0x0  }
0x1f9: {  	[sflag:s31] =	ssyncadd.s32 $0xFFFFC000  }
0x1fa: {  	[bflag:$0x0] =	sbarrier.arrive $0xFFFF  }
0x1fb: {  	s19 =	simm.s32 @p1 $0x1FC2;
	s20 =	rddreg [dreg:$0x16]  }
0x1fc: {  	[hbm:s20], [sflag:s19] =	dma.local @p1 [spmem:s18], $0x3020  }
0x1fd: {  	s20 =	simm.s32 @p1 $0x2  }
0x1fe: {  	_ =	swait.ge @p1 [sflag:s20], $0x3020  }
0x1ff: {  	[sflag:s20] =	ssyncset.done @p1 $0x0  }
0x200: {  	[sflag:s20] =	ssyncadd.s32 @p1 $0xFFFFCFE0  }
0x201: {  	[bflag:$0x0] =	sbarrier.arrive @p1 $0xFFFF  }
0x202: {  	s21 =	rddreg [dreg:$0x1b]  }
0x203: {  	[spmem:s18], [sflag:s19] =	dma.local @p1 [hbm:s21], $0x3020  }
0x204: {  	_ =	swait.ge @p1 [sflag:s20], $0x3020  }
0x205: {  	[sflag:s20] =	ssyncset.done @p1 $0x0  }
0x206: {  	s19 =	rddreg [dreg:$0x6];
	[sflag:s20] =	ssyncadd.s32 @p1 $0xFFFFCFE0  }
0x207: {  	[hbm:s19], [sflag:s17] =	dma.local @!p1 [spmem:s16], $0x30E0  }
0x208: {  	s19 =	simm.s32 @!p1 $0x2  }
0x209: {  	_ =	swait.ge @!p1 [sflag:s19], $0x30E0  }
0x20a: {  	[sflag:s19] =	ssyncset.done @!p1 $0x0  }
0x20b: {  	[sflag:s19] =	ssyncadd.s32 @!p1 $0xFFFFCF20  }
0x20c: {  	[bflag:$0x0] =	sbarrier.arrive @!p1 $0xFFFF  }
0x20d: {  	s20 =	rddreg [dreg:$0x1a]  }
0x20e: {  	[spmem:s16], [sflag:s17] =	dma.local @!p1 [hbm:s20], $0x30E0  }
0x20f: {  	_ =	swait.ge @!p1 [sflag:s19], $0x30E0  }
0x210: {  	[sflag:s19] =	ssyncset.done @!p1 $0x0  }
0x211: {  	[sflag:s19] =	ssyncadd.s32 @!p1 $0xFFFFCF20  }
0x212: {  	s22 =	sadd.s32 $0x0, s29;
	[bflag:$0x0] =	sbarrier.arrive $0xFFFF  }
0x213: {  	[tilespmem:s3], [sflag:$0x2] =	stream.linear.gather [hbm4b:s22+s3], $0x400, $0x38;
	[tilespmem:$0x1CEA8] =	vst v63  }
0x214: {  	_ =	swait.ge [sflag:s31], $0x400  }
0x215: {  	[sflag:s31] =	ssyncset.done $0x0  }
0x216: {  	s23 =	sadd.s32 $0x0, s26;
	[sflag:s31] =	ssyncadd.s32 $0xFFFFFC00  }
0x217: {  	[tilespmem:s0], [sflag:$0x2] =	stream.linear.gather [hbm4b:s23+s3], $0x400, $0x38;
	[tilespmem:$0x1CEA8] =	vst v63  }
0x218: {  	_ =	swait.ge [sflag:s31], $0x400  }
0x219: {  	[sflag:s31] =	ssyncset.done $0x0  }
0x21a: {  	[sflag:s31] =	ssyncadd.s32 $0xFFFFFC00  }
0x21b: {  	[tilespmem:s12], [sflag:$0x1] =	stream.indirect.gather [hbm4b:s9+s0], $0x10, s3, s0, $0xb8;
	[tilespmem:$0x1CEA8] =	vst v63  }
0x21c: {  	_ =	swait.ge [sflag:s13], $0x4000  }
0x21d: {  	[sflag:s13] =	ssyncset.done $0x0  }
0x21e: {  	[sflag:s13] =	ssyncadd.s32 $0xFFFFC000  }
0x21f: {  	[spmem:s2] =	stream.indirect.scatter.add.f32 [tilespmem:s12], [sflag:$0x2], $0x10, s0, s0, $0xb8;
	[tilespmem:$0x1CEA8] =	vst v63  }
0x220: {  	_ =	swait.ge [sflag:s31], $0x4000  }
0x221: {  	s20 =	simm.s32 $0x100;
	s19 =	simm.s32 $0x80;
	[sflag:s31] =	ssyncset.done $0x0  }
.LBB2_16:
0x222: {  	s21 =	sadd.s32 s19, s29  }
0x223: {  	[sflag:s31] =	ssyncadd.s32 $0xFFFFC000;
	s22 =	smov.u32 s20;
	s23 =	sadd.s32 $0x80, s20  }
0x224: {  	[tilespmem:s3], [sflag:$0x2] =	stream.linear.gather [hbm4b:s21+s3], $0x400, $0x38;
	[tilespmem:$0x1CEA8] =	vst v63  }
0x225: {  	p2 =	sne.s32 s20, $0x3080;
	_ =	swait.ge [sflag:s31], $0x400  }
0x226: {  	[sflag:s31] =	ssyncset.done $0x0  }
0x227: {  	s20 =	sadd.s32 s19, s26;
	s19 =	smov.u32 s22;
	[sflag:s31] =	ssyncadd.s32 $0xFFFFFC00  }
0x228: {  	[tilespmem:s0], [sflag:$0x2] =	stream.linear.gather [hbm4b:s20+s3], $0x400, $0x38;
	[tilespmem:$0x1CEA8] =	vst v63  }
0x229: {  	_ =	swait.ge [sflag:s31], $0x400  }
0x22a: {  	[sflag:s31] =	ssyncset.done $0x0  }
0x22b: {  	[sflag:s31] =	ssyncadd.s32 $0xFFFFFC00  }
0x22c: {  	[tilespmem:s12], [sflag:$0x1] =	stream.indirect.gather [hbm4b:s9+s0], $0x10, s3, s0, $0xb8;
	[tilespmem:$0x1CEA8] =	vst v63  }
0x22d: {  	_ =	swait.ge [sflag:s13], $0x4000  }
.Ltmp10:
0x22e: {  	[sflag:s13] =	ssyncset.done $0x0;
	(pc) =	sbr.rel @p2 .LBB2_16-.Ltmp10, $4  }
0x22f: {  	[sflag:s13] =	ssyncadd.s32 $0xFFFFC000  }
0x230: {  	[spmem:s2] =	stream.indirect.scatter.add.f32 [tilespmem:s12], [sflag:$0x2], $0x10, s0, s0, $0xb8;
	[tilespmem:$0x1CEA8] =	vst v63  }
0x231: {  	_ =	swait.ge [sflag:s31], $0x4000  }
0x232: {  	s20 =	smov.u32 s23;
	[sflag:s31] =	ssyncset.done $0x0  }
0x233: {  	s20 =	sadd.s32 s19, s29;
	[sflag:s31] =	ssyncadd.s32 $0xFFFFC000  }
0x234: {  	[tilespmem:s3], [sflag:$0x2] =	stream.linear.gather [hbm4b:s20+s3], $0x400, $0x38;
	[tilespmem:$0x1CEA8] =	vst v63  }
0x235: {  	_ =	swait.ge [sflag:s31], $0x400  }
0x236: {  	[sflag:s31] =	ssyncset.done $0x0  }
0x237: {  	s21 =	sadd.s32 s19, s26;
	[sflag:s31] =	ssyncadd.s32 $0xFFFFFC00  }
0x238: {  	[tilespmem:s0], [sflag:$0x2] =	stream.linear.gather [hbm4b:s21+s3], $0x400, $0x38;
	[tilespmem:$0x1CEA8] =	vst v63  }
0x239: {  	_ =	swait.ge [sflag:s31], $0x400  }
0x23a: {  	[sflag:s31] =	ssyncset.done $0x0  }
0x23b: {  	[sflag:s31] =	ssyncadd.s32 $0xFFFFFC00  }
0x23c: {  	[tilespmem:s12], [sflag:$0x1] =	stream.indirect.gather [hbm4b:s9+s0], $0x10, s3, s0, $0xb8;
	[tilespmem:$0x1CEA8] =	vst v63  }
0x23d: {  	_ =	swait.ge [sflag:s13], $0x4000  }
0x23e: {  	[sflag:s13] =	ssyncset.done $0x0  }
0x23f: {  	[sflag:s13] =	ssyncadd.s32 $0xFFFFC000  }
0x240: {  	[spmem:s2] =	stream.indirect.scatter.add.f32 [tilespmem:s12], [sflag:$0x2], $0x10, s0, s0, $0xb8;
	[tilespmem:$0x1CEA8] =	vst v63  }
0x241: {  	_ =	swait.ge [sflag:s31], $0x4000  }
0x242: {  	[sflag:s31] =	ssyncset.done $0x0  }
0x243: {  	[sflag:s31] =	ssyncadd.s32 $0xFFFFC000  }
0x244: {  	[bflag:$0x0] =	sbarrier.arrive $0xFFFF  }
0x245: {  	s19 =	simm.s32 @p1 $0x1FC2;
	s20 =	rddreg [dreg:$0x1c]  }
0x246: {  	[hbm:s20], [sflag:s19] =	dma.local @p1 [spmem:s18], $0x3020  }
0x247: {  	s20 =	simm.s32 @p1 $0x2  }
0x248: {  	_ =	swait.ge @p1 [sflag:s20], $0x3020  }
0x249: {  	[sflag:s20] =	ssyncset.done @p1 $0x0  }
0x24a: {  	[sflag:s20] =	ssyncadd.s32 @p1 $0xFFFFCFE0  }
0x24b: {  	[bflag:$0x0] =	sbarrier.arrive @p1 $0xFFFF  }
0x24c: {  	s21 =	sld [smem:$0x7FD];
	_ =	sdelay $0x2  }
0x24d: {  	[spmem:s18], [sflag:s19] =	dma.local @p1 [hbm:s21], $0x3020  }
0x24e: {  	_ =	swait.ge @p1 [sflag:s20], $0x3020  }
0x24f: {  	[sflag:s20] =	ssyncset.done @p1 $0x0  }
0x250: {  	s19 =	rddreg [dreg:$0x9];
	[sflag:s20] =	ssyncadd.s32 @p1 $0xFFFFCFE0  }
0x251: {  	[hbm:s19], [sflag:s17] =	dma.local @!p1 [spmem:s16], $0x30E0  }
0x252: {  	s19 =	simm.s32 @!p1 $0x2  }
0x253: {  	_ =	swait.ge @!p1 [sflag:s19], $0x30E0  }
0x254: {  	[sflag:s19] =	ssyncset.done @!p1 $0x0  }
0x255: {  	[sflag:s19] =	ssyncadd.s32 @!p1 $0xFFFFCF20  }
0x256: {  	[bflag:$0x0] =	sbarrier.arrive @!p1 $0xFFFF  }
0x257: {  	[spmem:s16], [sflag:s17] =	dma.local @!p1 [hbm:s24], $0x30E0  }
0x258: {  	_ =	swait.ge @!p1 [sflag:s19], $0x30E0  }
0x259: {  	[sflag:s19] =	ssyncset.done @!p1 $0x0  }
0x25a: {  	[sflag:s19] =	ssyncadd.s32 @!p1 $0xFFFFCF20  }
0x25b: {  	s22 =	sadd.s32 $0x0, s29;
	[bflag:$0x0] =	sbarrier.arrive $0xFFFF  }
0x25c: {  	[tilespmem:s3], [sflag:$0x2] =	stream.linear.gather [hbm4b:s22+s3], $0x400, $0x38;
	[tilespmem:$0x1CEA8] =	vst v63  }
0x25d: {  	_ =	swait.ge [sflag:s31], $0x400  }
0x25e: {  	[sflag:s31] =	ssyncset.done $0x0  }
0x25f: {  	s23 =	sadd.s32 $0x0, s26;
	[sflag:s31] =	ssyncadd.s32 $0xFFFFFC00  }
0x260: {  	[tilespmem:s0], [sflag:$0x2] =	stream.linear.gather [hbm4b:s23+s3], $0x400, $0x38;
	[tilespmem:$0x1CEA8] =	vst v63  }
0x261: {  	_ =	swait.ge [sflag:s31], $0x400  }
0x262: {  	[sflag:s31] =	ssyncset.done $0x0  }
0x263: {  	[sflag:s31] =	ssyncadd.s32 $0xFFFFFC00  }
0x264: {  	[tilespmem:s12], [sflag:$0x1] =	stream.indirect.gather [hbm4b:s11+s0], $0x10, s3, s0, $0xb8;
	[tilespmem:$0x1CEA8] =	vst v63  }
0x265: {  	_ =	swait.ge [sflag:s13], $0x4000  }
0x266: {  	[sflag:s13] =	ssyncset.done $0x0  }
0x267: {  	[sflag:s13] =	ssyncadd.s32 $0xFFFFC000  }
0x268: {  	[spmem:s2] =	stream.indirect.scatter.add.f32 [tilespmem:s12], [sflag:$0x2], $0x10, s0, s0, $0xb8;
	[tilespmem:$0x1CEA8] =	vst v63  }
0x269: {  	_ =	swait.ge [sflag:s31], $0x4000  }
0x26a: {  	s20 =	simm.s32 $0x100;
	s19 =	simm.s32 $0x80;
	[sflag:s31] =	ssyncset.done $0x0  }
.LBB2_18:
0x26b: {  	s21 =	sadd.s32 s19, s29  }
0x26c: {  	[sflag:s31] =	ssyncadd.s32 $0xFFFFC000;
	s22 =	smov.u32 s20;
	s23 =	sadd.s32 $0x80, s20  }
0x26d: {  	[tilespmem:s3], [sflag:$0x2] =	stream.linear.gather [hbm4b:s21+s3], $0x400, $0x38;
	[tilespmem:$0x1CEA8] =	vst v63  }
0x26e: {  	p2 =	sne.s32 s20, $0x3080;
	_ =	swait.ge [sflag:s31], $0x400  }
0x26f: {  	[sflag:s31] =	ssyncset.done $0x0  }
0x270: {  	s20 =	sadd.s32 s19, s26;
	s19 =	smov.u32 s22;
	[sflag:s31] =	ssyncadd.s32 $0xFFFFFC00  }
0x271: {  	[tilespmem:s0], [sflag:$0x2] =	stream.linear.gather [hbm4b:s20+s3], $0x400, $0x38;
	[tilespmem:$0x1CEA8] =	vst v63  }
0x272: {  	_ =	swait.ge [sflag:s31], $0x400  }
0x273: {  	[sflag:s31] =	ssyncset.done $0x0  }
0x274: {  	[sflag:s31] =	ssyncadd.s32 $0xFFFFFC00  }
0x275: {  	[tilespmem:s12], [sflag:$0x1] =	stream.indirect.gather [hbm4b:s11+s0], $0x10, s3, s0, $0xb8;
	[tilespmem:$0x1CEA8] =	vst v63  }
0x276: {  	_ =	swait.ge [sflag:s13], $0x4000  }
.Ltmp11:
0x277: {  	[sflag:s13] =	ssyncset.done $0x0;
	(pc) =	sbr.rel @p2 .LBB2_18-.Ltmp11, $4  }
0x278: {  	[sflag:s13] =	ssyncadd.s32 $0xFFFFC000  }
0x279: {  	[spmem:s2] =	stream.indirect.scatter.add.f32 [tilespmem:s12], [sflag:$0x2], $0x10, s0, s0, $0xb8;
	[tilespmem:$0x1CEA8] =	vst v63  }
0x27a: {  	_ =	swait.ge [sflag:s31], $0x4000  }
0x27b: {  	s20 =	smov.u32 s23;
	[sflag:s31] =	ssyncset.done $0x0  }
.Ltmp12:
0x27c: {  	_ = 	snop;
	(pc) =	sbr.rel .LBB2_19-.Ltmp12, $1  }
0x27d: {  	_ =	sdelay $0x3  }
.LBB2_21:
0x27e: {  	_ =	sfence.sel $0x180000  }
0x27f: {  	[bflag:$0x0] =	sbarrier.arrive $0xFFFF  }
0x280: {  	_ =	strace $0x90000047  }
0x281: {  	[bflag:$0x2] =	sbarrier.arrive $0xFFFF  }
0x282: {  	p0 =	sne.s32 s1, $0x0;
	s0 =	rddreg [dreg:$0x2]  }
0x283: {  	s0 =	sadd.s32 @!p0 $0x100000, s0  }
0x284: {  	[sflag:s0] =	ssyncadd.tile.s32 @!p0 $0x1;
	_ =	shalt  }
.Lfunc_end2:
_tile_overlayer_lowered:
.L_overlay_start_2:
0x285: {  	(tag) =	ssettag $0x2  }
0x286: {  	s0 =	rddreg [dreg:$0x0];
	s2 =	stileid.u32  }
0x287: {  	s1 =	rddreg [dreg:$0x1];
	p0 =	sne.s32 s2, $0x0  }
0x288: {  	s3 =	rddreg [dreg:$0x2];
	[bflag:$0x3] =	sbarrier.arrive $0xFFFF;
	s2 =	simm.s32 @!p0 $0x1C02  }
0x289: {  	[timem:s3], [sflag:s2] =	dma.local @!p0 [hbm:s0], s1  }
0x28a: {  	s0 =	simm.s32 @!p0 $0x2  }
0x28b: {  	_ =	swait.ge @!p0 [sflag:s0], s1  }
0x28c: {  	s1 =	ssub.s32 @!p0 $0x0, s1;
	[sflag:s0] =	ssyncset.done @!p0 $0x0  }
0x28d: {  	[sflag:s0] =	ssyncadd.s32 @!p0 s1  }
0x28e: {  	[bflag:$0x3] =	sbarrier.arrive $0xFFFF  }
0x28f: {  	_ =	shalt  }

// kernel: kernel.20.cloned.1.call-start
scs
__scs_entry_jumppad:
0x0: {  	(pc) =	sbr.rel $0x88, $3  }
0x1: {  	(tag) =	ssettag $0x0;
	lr =	simm.s32 $0x1  }
0x2: {  	[smem:$0x3F7C] =	sst lr;
	_ =	strace $0xD0000000  }
0x3: {  	_ = 	snop  }
0x4: {  	_ = 	snop  }
0x5: {  	_ = 	snop  }
0x6: {  	_ = 	snop  }
0x7: {  	_ = 	snop  }
__scs_overlays_trampoline_lowered:
0x8: {  	[smem:$0x3F8B] =	sst s0  }
0x9: {  	[smem:$0x3F8C] =	sst s1  }
0xa: {  	[smem:$0x3F8D] =	sst s2  }
0xb: {  	[smem:$0x3F8E] =	sst s3  }
0xc: {  	[smem:$0x3F8F] =	sst s4  }
0xd: {  	[smem:$0x3F90] =	sst s5  }
0xe: {  	[smem:$0x3F91] =	sst s6  }
0xf: {  	[smem:$0x3F92] =	sst s7  }
0x10: {  	[smem:$0x3F93] =	sst s8  }
0x11: {  	[smem:$0x3F94] =	sst s9;
	s0 =	simm.s32 @!p0 $0x0  }
0x12: {  	s1 =	sld [smem:$0x3F7A];
	s0 =	simm.s32 @p0 $0x1  }
0x13: {  	[smem:$0x3F95] =	sst s0;
	s0 =	simm.s32 @!p1 $0x0  }
0x14: {  	s2 =	sld [smem:$0x3F79];
	s0 =	simm.s32 @p1 $0x1  }
0x15: {  	[smem:$0x3F96] =	sst s0;
	s0 =	simm.s32 @!p2 $0x0  }
0x16: {  	s3 =	sld [smem:$0x3FDB];
	s0 =	simm.s32 @p2 $0x1  }
0x17: {  	s4 =	simm.s32 $0x1BF5;
	[smem:$0x3F98] =	sst s0  }
0x18: {  	s0 =	sld [smem:$0x3F7B];
	_ =	swait.ge [sflag:s4], $0x0  }
0x19: {  	s7 =	sld [smem:$0x3F7C]  }
0x1a: {  	s8 =	sadd.s32 $0xFFFFE003, lr  }
0x1b: {  	s9 =	sadd.s32 $0xFFFFFEF7, lr;
	s5 =	simm.s32 $0xFFFFFFFF;
	p2 =	slt.u32 s8, $0xFFFFF086  }
0x1c: {  	p1 =	slt.u32 s9, $0xF7A;
	s5 =	simm.s32 @!p2 $0x0  }
0x1d: {  	s5 =	simm.s32 @p1 $0x1;
	p0 =	seq.s32 s7, s2  }
0x1e: {  	s7 =	smul.u32 @!p0 $0xF7A, s2;
	p2 =	seq.s32 @!p0 s5, $0x0  }
0x1f: {  	s9 =	smul.u32 $0xF7A, s1;
	s8 =	simm.s32 @!p0 $0x1BF5;
	p2 =	por !p2, p0  }
0x20: {  	[sflag:s8] =	ssyncset.s32 @!p0 $0xFFFFF086;
	s6 =	sadd.s32 @!p0 s3, s7;
	s7 =	simm.s32 @!p0 $0x108  }
0x21: {  	s3 =	sadd.s32 s3, s9;
	s6 =	sadd.s32 @!p0 $0x88, s6;
	s7 =	simm.s32 @p2 $0x1082  }
0x22: {  	[simem:s7], [sflag:s8] =	dma.local @!p0 [hbm:s6], $0xF7A  }
0x23: {  	s9 =	sor.u32 $0xD0000000, s2;
	s6 =	simm.s32 $0x108;
	_ =	swait.ge @!p0 [sflag:s8], $0x0  }
0x24: {  	s3 =	sadd.s32 $0x88, s3;
	s6 =	simm.s32 @!p1 $0x1082;
	[sflag:s4] =	ssyncset.s32 $0xFFFFF086  }
0x25: {  	[simem:s6], [sflag:s4] =	dma.local [hbm:s3], $0xF7A  }
0x26: {  	[smem:$0x3F7C] =	sst s1;
	(tag) =	ssettag s2;
	_ =	strace s9  }
0x27: {  	s1 =	sld [smem:$0x3F8C]  }
0x28: {  	s2 =	sld [smem:$0x3F8D]  }
0x29: {  	s4 =	sld [smem:$0x3F8F]  }
0x2a: {  	p0 =	seq.s32 s5, $0x0;
	s5 =	sld [smem:$0x3F90]  }
0x2b: {  	s6 =	sld [smem:$0x3F91]  }
0x2c: {  	s7 =	sld [smem:$0x3F92]  }
0x2d: {  	s3 =	simm.s32 $0x108;
	s8 =	sld [smem:$0x3F93]  }
0x2e: {  	s3 =	simm.s32 @!p0 $0x1082;
	s9 =	sld [smem:$0x3F94]  }
0x2f: {  	lr =	sadd.s32 s0, s3;
	s0 =	sld [smem:$0x3F8B]  }
0x30: {  	s3 =	sld [smem:$0x3F8E]  }
0x31: {  	[smem:$0x3F97] =	sst s10  }
0x32: {  	s10 =	sld [smem:$0x3F95];
	_ =	sdelay $0x3  }
0x33: {  	p0 =	seq.s32 s10, $0x1;
	s10 =	sld [smem:$0x3F97];
	_ =	sdelay $0x3  }
0x34: {  	[smem:$0x3F97] =	sst s10  }
0x35: {  	s10 =	sld [smem:$0x3F96];
	_ =	sdelay $0x3  }
0x36: {  	p1 =	seq.s32 s10, $0x1;
	s10 =	sld [smem:$0x3F97];
	_ =	sdelay $0x3  }
0x37: {  	[smem:$0x3F97] =	sst s10  }
0x38: {  	s10 =	sld [smem:$0x3F98]  }
0x39: {  	_ = 	snop;
	(pc) =	sbr.ind lr, $3  }
0x3a: {  	_ = 	snop  }
0x3b: {  	_ = 	snop  }
0x3c: {  	p2 =	seq.s32 s10, $0x1;
	s10 =	sld [smem:$0x3F97]  }
0x3d: {  	_ =	shalt  }
0x3e: {  	_ =	shalt  }
0x3f: {  	_ =	shalt  }
0x40: {  	_ =	shalt  }
0x41: {  	_ =	shalt  }
0x42: {  	_ =	shalt  }
0x43: {  	_ =	shalt  }
0x44: {  	_ =	shalt  }
0x45: {  	_ =	shalt  }
0x46: {  	_ =	shalt  }
0x47: {  	_ =	shalt  }
0x48: {  	_ =	shalt  }
0x49: {  	_ =	shalt  }
0x4a: {  	_ =	shalt  }
0x4b: {  	_ =	shalt  }
0x4c: {  	_ =	shalt  }
0x4d: {  	_ =	shalt  }
0x4e: {  	_ =	shalt  }
0x4f: {  	_ =	shalt  }
0x50: {  	_ =	shalt  }
0x51: {  	_ =	shalt  }
0x52: {  	_ =	shalt  }
0x53: {  	_ =	shalt  }
0x54: {  	_ =	shalt  }
0x55: {  	_ =	shalt  }
0x56: {  	_ =	shalt  }
0x57: {  	_ =	shalt  }
0x58: {  	_ =	shalt  }
0x59: {  	_ =	shalt  }
0x5a: {  	_ =	shalt  }
0x5b: {  	_ =	shalt  }
0x5c: {  	_ =	shalt  }
0x5d: {  	_ =	shalt  }
0x5e: {  	_ =	shalt  }
0x5f: {  	_ =	shalt  }
0x60: {  	_ =	shalt  }
0x61: {  	_ =	shalt  }
0x62: {  	_ =	shalt  }
0x63: {  	_ =	shalt  }
0x64: {  	_ =	shalt  }
0x65: {  	_ =	shalt  }
0x66: {  	_ =	shalt  }
0x67: {  	_ =	shalt  }
0x68: {  	_ =	shalt  }
0x69: {  	_ =	shalt  }
0x6a: {  	_ =	shalt  }
0x6b: {  	_ =	shalt  }
0x6c: {  	_ =	shalt  }
0x6d: {  	_ =	shalt  }
0x6e: {  	_ =	shalt  }
0x6f: {  	_ =	shalt  }
0x70: {  	_ =	shalt  }
0x71: {  	_ =	shalt  }
0x72: {  	_ =	shalt  }
0x73: {  	_ =	shalt  }
0x74: {  	_ =	shalt  }
0x75: {  	_ =	shalt  }
0x76: {  	_ =	shalt  }
0x77: {  	_ =	shalt  }
0x78: {  	_ =	shalt  }
0x79: {  	_ =	shalt  }
0x7a: {  	_ =	shalt  }
0x7b: {  	_ =	shalt  }
0x7c: {  	_ =	shalt  }
0x7d: {  	_ =	shalt  }
0x7e: {  	_ =	shalt  }
0x7f: {  	_ =	shalt  }
0x80: {  	_ =	shalt  }
0x81: {  	_ =	shalt  }
0x82: {  	_ =	shalt  }
0x83: {  	_ =	shalt  }
0x84: {  	_ =	shalt  }
0x85: {  	_ =	shalt  }
0x86: {  	_ =	shalt  }
0x87: {  	_ =	shalt  }
.Lfunc_end0:
.L_simem_size_0:
called_computation.1_lowered:
.L_overlay_start_0:
0x88: {  	s2 =	sld [smem:$0x3FD9]  }
0x89: {  	s3 =	sld [smem:$0x3FFE];
	_ =	sdelay $0x1  }
0x8a: {  	s1 =	srdreg.scid  }
0x8b: {  	s0 =	sand.u32 $0x1, s1  }
0x8c: {  	s16 =	sshll.u32 s0, $0xA;
	s2 =	sadd.s32 s3, s2  }
0x8d: {  	s2 =	sadd.s32 s2, s16  }
0x8e: {  	[smem:$0x3FA3] =	sst s2  }
0x8f: {  	_ = 	snop  }
0x90: {  	(tm) =	ssettm $0x1  }
0x91: {  	s17 =	sld [smem:$0x3FFB];
	_ =	sdelay $0x3  }
0x92: {  	_ =	strace s17  }
0x93: {  	s2 =	sld [smem:$0x3FFC];
	_ =	sdelay $0x3  }
0x94: {  	_ =	strace s2  }
0x95: {  	s2 =	sld [smem:$0x3FFD];
	_ =	sdelay $0x3  }
0x96: {  	_ =	strace s2  }
0x97: {  	_ =	strace $0x8FFFFFFF  }
0x98: {  	s18 =	sld [smem:$0x3FDB];
	_ =	sdelay $0x1  }
0x99: {  	s19 =	simm.s32 $_scs_section_size  }
0x9a: {  	s4 =	simm.s32 $_size__tile_overlayer_lowered;
	s5 =	simm.s32 $_tile_overlayer_lowered  }
0x9b: {  	s22 =	simm.s32 $0x1BFF;
	s21 =	sshll.u32 s5, $0x1;
	s2 =	sadd.s32 s19, s18  }
0x9c: {  	s6 =	simm.s32 $0x0;
	s20 =	sshll.u32 s4, $0x1;
	s4 =	sadd.s32 s21, s2  }
0x9d: {  	[timem:s6], [sflag:s22] =	dma.local [hbm:s4], s20  }
0x9e: {  	_ =	swait.ge [sflag:s22], s20  }
0x9f: {  	s3 =	ssub.s32 $0x0, s20;
	[sflag:s22] =	ssyncset.done $0x0  }
0xa0: {  	[sflag:s22] =	ssyncadd.s32 s3;
	_ =	sdelay $0x1  }
0xa1: {  	s23 =	simm.s32 $0x1B8B  }
0xa2: {  	_ =	swait.ge [sflag:s23], $0x1  }
0xa3: {  	[sflag:s23] =	ssyncset.done $0x0  }
0xa4: {  	s25 =	simm.s32 $0x1B8E;
	s24 =	sld [smem:$0x3FFE];
	[sflag:s23] =	ssyncadd.s32 $0xFFFFFFFF  }
0xa5: {  	s26 =	simm.s32 $execute0_lowered;
	[smem:$0x3FD2] =	sst s25  }
0xa6: {  	s4 =	sshll.u32 s26, $0x1;
	_ =	strace $0x80000049;
	[dreg:$0x1] =	wrdreg $0xFFFFFFFF  }
0xa7: {  	s28 =	simm.s32 $_size_execute0_lowered;
	s2 =	sadd.s32 s2, s4;
	[dreg:$0x0] =	wrdreg $0x0  }
0xa8: {  	s4 =	sshll.u32 s28, $0x1;
	[dreg:$0x2] =	wrdreg s2  }
0xa9: {  	[dreg:$0x3] =	wrdreg s4  }
0xaa: {  	[dreg:$0x4] =	wrdreg $0xC0  }
0xab: {  	_ =	task [dreg:s6], $0x5FFFF  }
0xac: {  	[dreg:$0x1] =	wrdreg $0xFFFFFFFF  }
0xad: {  	[dreg:$0x0] =	wrdreg $0x60  }
0xae: {  	[dreg:$0x2] =	wrdreg s24  }
0xaf: {  	[dreg:$0x3] =	wrdreg $0x48000  }
0xb0: {  	[dreg:$0x4] =	wrdreg $0x9  }
0xb1: {  	_ =	task.clear_ibuf [dreg:s6], $0x5FFFF;
	_ =	strace $0x90000049  }
0xb2: {  	s29 =	simm.s32 $0x9;
	_ =	strace $0x8000004B  }
0xb3: {  	_ =	swait.ge [sflag:s29], $0x1  }
0xb4: {  	[sflag:s29] =	ssyncadd.s32 $0xFFFFFFFF  }
0xb5: {  	_ =	strace $0x9000004B  }
0xb6: {  	_ =	sfence  }
0xb7: {  	s30 =	sld [smem:$0x0];
	_ =	sdelay $0x2  }
0xb8: {  	s31 =	sshll.u32 s1, $0xD;
	s1 =	sshrl.u32 s1, $0x2  }
0xb9: {  	s3 =	sand.u32 $0x4000, s31;
	s1 =	sadd.s32 s1, s30  }
0xba: {  	s0 =	sor.u32 s3, s0;
	s1 =	sshll.u32 s1, $0x11  }
0xbb: {  	s0 =	sor.u32 s1, s0  }
0xbc: {  	s0 =	sadd.s32 $0x8F2B, s0  }
0xbd: {  	[sflag:s0] =	ssyncadd.remote.s32 $0x1  }
0xbe: {  	_ =	sfence.sel $0xFFFF  }
0xbf: {  	[dreg:$0x0] =	wrdreg $0xFFFFFFFF;
	(pc) =	sbr.abs _section_cstart, $3  }
0xc0: {  	[dreg:$0x1] =	wrdreg $0xFFFFFFFF  }
0xc1: {  	_ =	task.clear_ibuf [dreg:s6], $0x2FFFF;
	_ =	strace $0x9FFFFFFF  }
0xc2: {  	(tm) =	ssettm $0x7FFFFFFF  }
0xc3: {  	_ =	shalt  }
tec
execute0_lowered:
.L_overlay_start_1:
0x0: {  	(tag) =	ssettag $0x1  }
0x1: {  	s13 =	rddreg [dreg:$0x0]  }
0x2: {  	s2 =	rddreg [dreg:$0x1]  }
0x3: {  	s0 =	rddreg [dreg:$0x2];
	s1 =	stileid.u32;
	s3 =	simm.s32 $0x0  }
0x4: {  	s5 =	srdreg.scid;
	s20 =	simm.s32 $0x2;
	s21 =	simm.s32 $0x400  }
0x5: {  	s22 =	simm.s32 $0x800;
	s23 =	simm.s32 $0x1;
	s4 =	smul.u32 $0x3100, s1  }
0x6: {  	s24 =	simm.s32 $0x0;
	[smem:$0x7FF] =	sst s3;
	s6 =	smul.u32 $0x18700, s1  }
0x7: {  	s7 =	sand.u32 $0x1, s5;
	s5 =	sadd.s32 $0x7C00, s13;
	s17 =	sadd.s32 $0x16E900, s2  }
0x8: {  	s11 =	sadd.s32 $0x35920, s13;
	p1 =	seq.s32 s1, $0xF;
	_ =	strace $0x8000004A  }
0x9: {  	s8 =	ssub.s32 $0x2, s7;
	p0 =	seq.s32 s7, $0x1;
	s7 =	sadd.s32 $0x66720, s13  }
0xa: {  	s18 =	sshll.u32 @!p1 s1, $0x6;
	s17 =	sshrl.u32 @p1 s17, $0x3;
	s16 =	sadd.s32 s4, s13  }
0xb: {  	s4 =	sadd.s32 $0x38A00, s13;
	s10 =	sshrl.u32 s6, $0x3;
	s9 =	sshrl.u32 s8, $0x1  }
.Ltmp0:
0xc: {  	s19 =	sadd.s32 s6, s2;
	s18 =	sor.u32 @!p1 $0x1C02, s18;
	(pc) =	sbr.rel .LBB2_1-.Ltmp0, $4  }
0xd: {  	s12 =	sadd.s32 s10, s13;
	s14 =	ssub.s32 s8, s9;
	s6 =	sadd.s32 s4, s10  }
0xe: {  	s9 =	sadd.s32 $0x97520, s13;
	s10 =	sadd.s32 s5, s10;
	s13 =	sadd.s32 $0xC8260, s13  }
0xf: {  	s15 =	sadd.s32 $0x18F600, s16;
	s16 =	sadd.s32 $0x15E600, s16;
	s19 =	sshrl.u32 @!p1 s19, $0x3  }
0x10: {  	s8 =	sadd.s32 $0x69800, s12;
	s12 =	sadd.s32 $0x9A540, s12;
	s14 =	smax.u32 s14, $0x1  }
.LBB2_7:
0x11: {  	s26 =	sadd.s32 s25, s16;
	[sflag:s20] =	ssyncadd.s32 $0xFFFFC000  }
0x12: {  	[tilespmem:s3], [sflag:$0x2] =	stream.linear.gather [hbm4b:s26+s3], $0x400, $0x38;
	[tilespmem:$0x1CEA8] =	vst v63  }
0x13: {  	_ =	swait.ge [sflag:s20], $0x400  }
0x14: {  	[sflag:s20] =	ssyncset.done $0x0  }
0x15: {  	s31 =	sadd.s32 s25, s15;
	[sflag:s20] =	ssyncadd.s32 $0xFFFFFC00  }
0x16: {  	[tilespmem:s21], [sflag:$0x2] =	stream.linear.gather [hbm4b:s31+s3], $0x400, $0x38;
	[tilespmem:$0x1CEA8] =	vst v63  }
0x17: {  	_ =	swait.ge [sflag:s20], $0x400  }
0x18: {  	[sflag:s20] =	ssyncset.done $0x0  }
0x19: {  	[sflag:s20] =	ssyncadd.s32 $0xFFFFFC00  }
0x1a: {  	[tilespmem:s22], [sflag:$0x1] =	stream.indirect.gather [hbm4b:s5+s21], $0x10, s3, s21, $0xb8;
	[tilespmem:$0x1CEA8] =	vst v63  }
0x1b: {  	_ =	swait.ge [sflag:s23], $0x4000  }
0x1c: {  	[sflag:s23] =	ssyncset.done $0x0  }
0x1d: {  	[sflag:s23] =	ssyncadd.s32 $0xFFFFC000  }
0x1e: {  	[spmem:s2] =	stream.indirect.scatter.add.f32 [tilespmem:s22], [sflag:$0x2], $0x10, s21, s21, $0xb8;
	[tilespmem:$0x1CEA8] =	vst v63  }
0x1f: {  	_ =	swait.ge [sflag:s20], $0x4000  }
0x20: {  	[sflag:s20] =	ssyncset.done $0x0  }
0x21: {  	[sflag:s20] =	ssyncadd.s32 $0xFFFFC000  }
0x22: {  	s25 =	simm.s32 @p1 $0x1FC2;
	[bflag:$0x0] =	sbarrier.arrive $0xFFFF  }
0x23: {  	[hbm:s13], [sflag:s25] =	dma.local @p1 [spmem:s17], $0x3020  }
0x24: {  	s25 =	simm.s32 @p1 $0x2  }
0x25: {  	_ =	swait.ge @p1 [sflag:s25], $0x3020  }
0x26: {  	[sflag:s25] =	ssyncset.done @p1 $0x0  }
0x27: {  	[sflag:s25] =	ssyncadd.s32 @p1 $0xFFFFCFE0;
	s25 =	simm.s32 @!p1 $0x2  }
0x28: {  	[hbm:s12], [sflag:s18] =	dma.local @!p1 [spmem:s19], $0x30E0  }
0x29: {  	_ =	swait.ge @!p1 [sflag:s25], $0x30E0  }
0x2a: {  	[sflag:s25] =	ssyncset.done @!p1 $0x0  }
0x2b: {  	[sflag:s25] =	ssyncadd.s32 @!p1 $0xFFFFCF20  }
.LBB2_8:
0x2c: {  	s24 =	sadd.s32 $0x1, s24  }
0x2d: {  	p2 =	sne.s32 s24, s14  }
.Ltmp1:
0x2e: {  	_ = 	snop;
	(pc) =	sbr.rel @!p2 .LBB2_9-.Ltmp1, $2  }
0x2f: {  	_ =	sdelay $0x1  }
0x30: {  	[bflag:$0x0] =	sbarrier.arrive $0xFFFF;
	_ =	sdelay $0x1  }
.LBB2_1:
.Ltmp2:
0x31: {  	(pc) =	sbr.rel @!p0 .LBB2_2-.Ltmp2, $1  }
0x32: {  	_ =	sdelay $0x3  }
0x33: {  	s25 =	simm.s32 @p1 $0x1FC2  }
0x34: {  	[spmem:s17], [sflag:s25] =	dma.local @p1 [hbm:s11], $0x3020  }
0x35: {  	s25 =	simm.s32 @p1 $0x2  }
0x36: {  	_ =	swait.ge @p1 [sflag:s25], $0x3020  }
0x37: {  	[sflag:s25] =	ssyncset.done @p1 $0x0  }
0x38: {  	[sflag:s25] =	ssyncadd.s32 @p1 $0xFFFFCFE0;
	s25 =	simm.s32 @!p1 $0x2  }
0x39: {  	[spmem:s19], [sflag:s18] =	dma.local @!p1 [hbm:s10], $0x30E0  }
0x3a: {  	_ =	swait.ge @!p1 [sflag:s25], $0x30E0  }
0x3b: {  	[sflag:s25] =	ssyncset.done @!p1 $0x0  }
0x3c: {  	[sflag:s25] =	ssyncadd.s32 @!p1 $0xFFFFCF20  }
0x3d: {  	s30 =	sadd.s32 $0x0, s16;
	[bflag:$0x0] =	sbarrier.arrive $0xFFFF  }
0x3e: {  	[tilespmem:s3], [sflag:$0x2] =	stream.linear.gather [hbm4b:s30+s3], $0x400, $0x38;
	[tilespmem:$0x1CEA8] =	vst v63  }
0x3f: {  	_ =	swait.ge [sflag:s20], $0x400  }
0x40: {  	[sflag:s20] =	ssyncset.done $0x0  }
0x41: {  	s31 =	sadd.s32 $0x0, s15;
	[sflag:s20] =	ssyncadd.s32 $0xFFFFFC00  }
0x42: {  	[tilespmem:s21], [sflag:$0x2] =	stream.linear.gather [hbm4b:s31+s3], $0x400, $0x38;
	[tilespmem:$0x1CEA8] =	vst v63  }
0x43: {  	_ =	swait.ge [sflag:s20], $0x400  }
0x44: {  	[sflag:s20] =	ssyncset.done $0x0  }
0x45: {  	[sflag:s20] =	ssyncadd.s32 $0xFFFFFC00  }
0x46: {  	[tilespmem:s22], [sflag:$0x1] =	stream.indirect.gather [hbm4b:s5+s21], $0x10, s3, s21, $0xb8;
	[tilespmem:$0x1CEA8] =	vst v63  }
0x47: {  	_ =	swait.ge [sflag:s23], $0x4000  }
0x48: {  	[sflag:s23] =	ssyncset.done $0x0  }
0x49: {  	[sflag:s23] =	ssyncadd.s32 $0xFFFFC000  }
0x4a: {  	[spmem:s2] =	stream.indirect.scatter.add.f32 [tilespmem:s22], [sflag:$0x2], $0x10, s21, s21, $0xb8;
	[tilespmem:$0x1CEA8] =	vst v63  }
0x4b: {  	_ =	swait.ge [sflag:s20], $0x4000  }
0x4c: {  	s26 =	simm.s32 $0x100;
	s25 =	simm.s32 $0x80;
	[sflag:s20] =	ssyncset.done $0x0  }
.LBB2_6:
0x4d: {  	s28 =	sadd.s32 s25, s16  }
0x4e: {  	[sflag:s20] =	ssyncadd.s32 $0xFFFFC000;
	s29 =	smov.u32 s26;
	s30 =	sadd.s32 $0x80, s26  }
0x4f: {  	[tilespmem:s3], [sflag:$0x2] =	stream.linear.gather [hbm4b:s28+s3], $0x400, $0x38;
	[tilespmem:$0x1CEA8] =	vst v63  }
0x50: {  	p2 =	sne.s32 s26, $0x3080;
	_ =	swait.ge [sflag:s20], $0x400  }
0x51: {  	[sflag:s20] =	ssyncset.done $0x0  }
0x52: {  	s26 =	sadd.s32 s25, s15;
	s25 =	smov.u32 s29;
	[sflag:s20] =	ssyncadd.s32 $0xFFFFFC00  }
0x53: {  	[tilespmem:s21], [sflag:$0x2] =	stream.linear.gather [hbm4b:s26+s3], $0x400, $0x38;
	[tilespmem:$0x1CEA8] =	vst v63  }
0x54: {  	_ =	swait.ge [sflag:s20], $0x400  }
0x55: {  	[sflag:s20] =	ssyncset.done $0x0  }
0x56: {  	[sflag:s20] =	ssyncadd.s32 $0xFFFFFC00  }
0x57: {  	[tilespmem:s22], [sflag:$0x1] =	stream.indirect.gather [hbm4b:s5+s21], $0x10, s3, s21, $0xb8;
	[tilespmem:$0x1CEA8] =	vst v63  }
0x58: {  	_ =	swait.ge [sflag:s23], $0x4000  }
.Ltmp3:
0x59: {  	[sflag:s23] =	ssyncset.done $0x0;
	(pc) =	sbr.rel @p2 .LBB2_6-.Ltmp3, $4  }
0x5a: {  	[sflag:s23] =	ssyncadd.s32 $0xFFFFC000  }
0x5b: {  	[spmem:s2] =	stream.indirect.scatter.add.f32 [tilespmem:s22], [sflag:$0x2], $0x10, s21, s21, $0xb8;
	[tilespmem:$0x1CEA8] =	vst v63  }
0x5c: {  	_ =	swait.ge [sflag:s20], $0x4000  }
0x5d: {  	s26 =	smov.u32 s30;
	[sflag:s20] =	ssyncset.done $0x0  }
.Ltmp4:
0x5e: {  	_ = 	snop;
	(pc) =	sbr.rel .LBB2_7-.Ltmp4, $1  }
0x5f: {  	_ =	sdelay $0x3  }
.LBB2_2:
0x60: {  	s25 =	simm.s32 @p1 $0x1FC2  }
0x61: {  	[spmem:s17], [sflag:s25] =	dma.local @p1 [hbm:s7], $0x3020  }
0x62: {  	s25 =	simm.s32 @p1 $0x2  }
0x63: {  	_ =	swait.ge @p1 [sflag:s25], $0x3020  }
0x64: {  	[sflag:s25] =	ssyncset.done @p1 $0x0  }
0x65: {  	[sflag:s25] =	ssyncadd.s32 @p1 $0xFFFFCFE0;
	s25 =	simm.s32 @!p1 $0x2  }
0x66: {  	[spmem:s19], [sflag:s18] =	dma.local @!p1 [hbm:s6], $0x30E0  }
0x67: {  	_ =	swait.ge @!p1 [sflag:s25], $0x30E0  }
0x68: {  	[sflag:s25] =	ssyncset.done @!p1 $0x0  }
0x69: {  	[sflag:s25] =	ssyncadd.s32 @!p1 $0xFFFFCF20  }
0x6a: {  	s30 =	sadd.s32 $0x0, s16;
	[bflag:$0x0] =	sbarrier.arrive $0xFFFF  }
0x6b: {  	[tilespmem:s3], [sflag:$0x2] =	stream.linear.gather [hbm4b:s30+s3], $0x400, $0x38;
	[tilespmem:$0x1CEA8] =	vst v63  }
0x6c: {  	_ =	swait.ge [sflag:s20], $0x400  }
0x6d: {  	[sflag:s20] =	ssyncset.done $0x0  }
0x6e: {  	s31 =	sadd.s32 $0x0, s15;
	[sflag:s20] =	ssyncadd.s32 $0xFFFFFC00  }
0x6f: {  	[tilespmem:s21], [sflag:$0x2] =	stream.linear.gather [hbm4b:s31+s3], $0x400, $0x38;
	[tilespmem:$0x1CEA8] =	vst v63  }
0x70: {  	_ =	swait.ge [sflag:s20], $0x400  }
0x71: {  	[sflag:s20] =	ssyncset.done $0x0  }
0x72: {  	[sflag:s20] =	ssyncadd.s32 $0xFFFFFC00  }
0x73: {  	[tilespmem:s22], [sflag:$0x1] =	stream.indirect.gather [hbm4b:s4+s21], $0x10, s3, s21, $0xb8;
	[tilespmem:$0x1CEA8] =	vst v63  }
0x74: {  	_ =	swait.ge [sflag:s23], $0x4000  }
0x75: {  	[sflag:s23] =	ssyncset.done $0x0  }
0x76: {  	[sflag:s23] =	ssyncadd.s32 $0xFFFFC000  }
0x77: {  	[spmem:s2] =	stream.indirect.scatter.add.f32 [tilespmem:s22], [sflag:$0x2], $0x10, s21, s21, $0xb8;
	[tilespmem:$0x1CEA8] =	vst v63  }
0x78: {  	_ =	swait.ge [sflag:s20], $0x4000  }
0x79: {  	s26 =	simm.s32 $0x100;
	s25 =	simm.s32 $0x80;
	[sflag:s20] =	ssyncset.done $0x0  }
.LBB2_3:
0x7a: {  	s28 =	sadd.s32 s25, s16  }
0x7b: {  	[sflag:s20] =	ssyncadd.s32 $0xFFFFC000;
	s29 =	smov.u32 s26;
	s30 =	sadd.s32 $0x80, s26  }
0x7c: {  	[tilespmem:s3], [sflag:$0x2] =	stream.linear.gather [hbm4b:s28+s3], $0x400, $0x38;
	[tilespmem:$0x1CEA8] =	vst v63  }
0x7d: {  	p2 =	sne.s32 s26, $0x3080;
	_ =	swait.ge [sflag:s20], $0x400  }
0x7e: {  	[sflag:s20] =	ssyncset.done $0x0  }
0x7f: {  	s26 =	sadd.s32 s25, s15;
	s25 =	smov.u32 s29;
	[sflag:s20] =	ssyncadd.s32 $0xFFFFFC00  }
0x80: {  	[tilespmem:s21], [sflag:$0x2] =	stream.linear.gather [hbm4b:s26+s3], $0x400, $0x38;
	[tilespmem:$0x1CEA8] =	vst v63  }
0x81: {  	_ =	swait.ge [sflag:s20], $0x400  }
0x82: {  	[sflag:s20] =	ssyncset.done $0x0  }
0x83: {  	[sflag:s20] =	ssyncadd.s32 $0xFFFFFC00  }
0x84: {  	[tilespmem:s22], [sflag:$0x1] =	stream.indirect.gather [hbm4b:s4+s21], $0x10, s3, s21, $0xb8;
	[tilespmem:$0x1CEA8] =	vst v63  }
0x85: {  	_ =	swait.ge [sflag:s23], $0x4000  }
.Ltmp5:
0x86: {  	[sflag:s23] =	ssyncset.done $0x0;
	(pc) =	sbr.rel @p2 .LBB2_3-.Ltmp5, $4  }
0x87: {  	[sflag:s23] =	ssyncadd.s32 $0xFFFFC000  }
0x88: {  	[spmem:s2] =	stream.indirect.scatter.add.f32 [tilespmem:s22], [sflag:$0x2], $0x10, s21, s21, $0xb8;
	[tilespmem:$0x1CEA8] =	vst v63  }
0x89: {  	_ =	swait.ge [sflag:s20], $0x4000  }
0x8a: {  	s26 =	smov.u32 s30;
	[sflag:s20] =	ssyncset.done $0x0  }
0x8b: {  	s26 =	sadd.s32 s25, s16;
	[sflag:s20] =	ssyncadd.s32 $0xFFFFC000  }
0x8c: {  	[tilespmem:s3], [sflag:$0x2] =	stream.linear.gather [hbm4b:s26+s3], $0x400, $0x38;
	[tilespmem:$0x1CEA8] =	vst v63  }
0x8d: {  	_ =	swait.ge [sflag:s20], $0x400  }
0x8e: {  	[sflag:s20] =	ssyncset.done $0x0  }
0x8f: {  	s31 =	sadd.s32 s25, s15;
	[sflag:s20] =	ssyncadd.s32 $0xFFFFFC00  }
0x90: {  	[tilespmem:s21], [sflag:$0x2] =	stream.linear.gather [hbm4b:s31+s3], $0x400, $0x38;
	[tilespmem:$0x1CEA8] =	vst v63  }
0x91: {  	_ =	swait.ge [sflag:s20], $0x400  }
0x92: {  	[sflag:s20] =	ssyncset.done $0x0  }
0x93: {  	[sflag:s20] =	ssyncadd.s32 $0xFFFFFC00  }
0x94: {  	[tilespmem:s22], [sflag:$0x1] =	stream.indirect.gather [hbm4b:s4+s21], $0x10, s3, s21, $0xb8;
	[tilespmem:$0x1CEA8] =	vst v63  }
0x95: {  	_ =	swait.ge [sflag:s23], $0x4000  }
0x96: {  	[sflag:s23] =	ssyncset.done $0x0  }
0x97: {  	[sflag:s23] =	ssyncadd.s32 $0xFFFFC000  }
0x98: {  	[spmem:s2] =	stream.indirect.scatter.add.f32 [tilespmem:s22], [sflag:$0x2], $0x10, s21, s21, $0xb8;
	[tilespmem:$0x1CEA8] =	vst v63  }
0x99: {  	_ =	swait.ge [sflag:s20], $0x4000  }
0x9a: {  	[sflag:s20] =	ssyncset.done $0x0  }
0x9b: {  	[sflag:s20] =	ssyncadd.s32 $0xFFFFC000  }
0x9c: {  	s25 =	simm.s32 @p1 $0x1FC2;
	[bflag:$0x0] =	sbarrier.arrive $0xFFFF  }
0x9d: {  	[hbm:s9], [sflag:s25] =	dma.local @p1 [spmem:s17], $0x3020  }
0x9e: {  	s25 =	simm.s32 @p1 $0x2  }
0x9f: {  	_ =	swait.ge @p1 [sflag:s25], $0x3020  }
0xa0: {  	[sflag:s25] =	ssyncset.done @p1 $0x0  }
.Ltmp6:
0xa1: {  	[sflag:s25] =	ssyncadd.s32 @p1 $0xFFFFCFE0;
	s25 =	simm.s32 @!p1 $0x2;
	(pc) =	sbr.rel .LBB2_8-.Ltmp6, $4  }
0xa2: {  	[hbm:s8], [sflag:s18] =	dma.local @!p1 [spmem:s19], $0x30E0  }
0xa3: {  	_ =	swait.ge @!p1 [sflag:s25], $0x30E0  }
0xa4: {  	[sflag:s25] =	ssyncset.done @!p1 $0x0  }
0xa5: {  	[sflag:s25] =	ssyncadd.s32 @!p1 $0xFFFFCF20  }
.LBB2_9:
0xa6: {  	_ =	sfence.sel $0x180000  }
0xa7: {  	[bflag:$0x0] =	sbarrier.arrive $0xFFFF  }
0xa8: {  	p0 =	sne.s32 s1, $0x0;
	_ =	strace $0x9000004A  }
0xa9: {  	s0 =	sadd.s32 @!p0 $0x100000, s0;
	[bflag:$0x2] =	sbarrier.arrive $0xFFFF  }
0xaa: {  	[sflag:s0] =	ssyncadd.tile.s32 @!p0 $0x1;
	_ =	shalt  }
.Lfunc_end2:
_tile_overlayer_lowered:
.L_overlay_start_2:
0xab: {  	(tag) =	ssettag $0x2  }
0xac: {  	s0 =	rddreg [dreg:$0x0];
	s2 =	stileid.u32  }
0xad: {  	s1 =	rddreg [dreg:$0x1];
	p0 =	sne.s32 s2, $0x0  }
0xae: {  	s3 =	rddreg [dreg:$0x2];
	[bflag:$0x3] =	sbarrier.arrive $0xFFFF;
	s2 =	simm.s32 @!p0 $0x1C02  }
0xaf: {  	[timem:s3], [sflag:s2] =	dma.local @!p0 [hbm:s0], s1  }
0xb0: {  	s0 =	simm.s32 @!p0 $0x2  }
0xb1: {  	_ =	swait.ge @!p0 [sflag:s0], s1  }
0xb2: {  	s1 =	ssub.s32 @!p0 $0x0, s1;
	[sflag:s0] =	ssyncset.done @!p0 $0x0  }
0xb3: {  	[sflag:s0] =	ssyncadd.s32 @!p0 s1  }
0xb4: {  	[bflag:$0x3] =	sbarrier.arrive $0xFFFF  }
0xb5: {  	_ =	shalt  }

// kernel: kernel.23.cloned.1.call-start
scs
__scs_entry_jumppad:
0x0: {  	(pc) =	sbr.rel $0x88, $3  }
0x1: {  	(tag) =	ssettag $0x0;
	lr =	simm.s32 $0x1  }
0x2: {  	[smem:$0x3F7C] =	sst lr;
	_ =	strace $0xD0000000  }
0x3: {  	_ = 	snop  }
0x4: {  	_ = 	snop  }
0x5: {  	_ = 	snop  }
0x6: {  	_ = 	snop  }
0x7: {  	_ = 	snop  }
__scs_overlays_trampoline_lowered:
0x8: {  	[smem:$0x3F8B] =	sst s0  }
0x9: {  	[smem:$0x3F8C] =	sst s1  }
0xa: {  	[smem:$0x3F8D] =	sst s2  }
0xb: {  	[smem:$0x3F8E] =	sst s3  }
0xc: {  	[smem:$0x3F8F] =	sst s4  }
0xd: {  	[smem:$0x3F90] =	sst s5  }
0xe: {  	[smem:$0x3F91] =	sst s6  }
0xf: {  	[smem:$0x3F92] =	sst s7  }
0x10: {  	[smem:$0x3F93] =	sst s8  }
0x11: {  	[smem:$0x3F94] =	sst s9;
	s0 =	simm.s32 @!p0 $0x0  }
0x12: {  	s1 =	sld [smem:$0x3F7A];
	s0 =	simm.s32 @p0 $0x1  }
0x13: {  	[smem:$0x3F95] =	sst s0;
	s0 =	simm.s32 @!p1 $0x0  }
0x14: {  	s2 =	sld [smem:$0x3F79];
	s0 =	simm.s32 @p1 $0x1  }
0x15: {  	[smem:$0x3F96] =	sst s0;
	s0 =	simm.s32 @!p2 $0x0  }
0x16: {  	s3 =	sld [smem:$0x3FDB];
	s0 =	simm.s32 @p2 $0x1  }
0x17: {  	s4 =	simm.s32 $0x1BF5;
	[smem:$0x3F98] =	sst s0  }
0x18: {  	s0 =	sld [smem:$0x3F7B];
	_ =	swait.ge [sflag:s4], $0x0  }
0x19: {  	s7 =	sld [smem:$0x3F7C]  }
0x1a: {  	s8 =	sadd.s32 $0xFFFFE003, lr  }
0x1b: {  	s9 =	sadd.s32 $0xFFFFFEF7, lr;
	s5 =	simm.s32 $0xFFFFFFFF;
	p2 =	slt.u32 s8, $0xFFFFF086  }
0x1c: {  	p1 =	slt.u32 s9, $0xF7A;
	s5 =	simm.s32 @!p2 $0x0  }
0x1d: {  	s5 =	simm.s32 @p1 $0x1;
	p0 =	seq.s32 s7, s2  }
0x1e: {  	s7 =	smul.u32 @!p0 $0xF7A, s2;
	p2 =	seq.s32 @!p0 s5, $0x0  }
0x1f: {  	s9 =	smul.u32 $0xF7A, s1;
	s8 =	simm.s32 @!p0 $0x1BF5;
	p2 =	por !p2, p0  }
0x20: {  	[sflag:s8] =	ssyncset.s32 @!p0 $0xFFFFF086;
	s6 =	sadd.s32 @!p0 s3, s7;
	s7 =	simm.s32 @!p0 $0x108  }
0x21: {  	s3 =	sadd.s32 s3, s9;
	s6 =	sadd.s32 @!p0 $0x88, s6;
	s7 =	simm.s32 @p2 $0x1082  }
0x22: {  	[simem:s7], [sflag:s8] =	dma.local @!p0 [hbm:s6], $0xF7A  }
0x23: {  	s9 =	sor.u32 $0xD0000000, s2;
	s6 =	simm.s32 $0x108;
	_ =	swait.ge @!p0 [sflag:s8], $0x0  }
0x24: {  	s3 =	sadd.s32 $0x88, s3;
	s6 =	simm.s32 @!p1 $0x1082;
	[sflag:s4] =	ssyncset.s32 $0xFFFFF086  }
0x25: {  	[simem:s6], [sflag:s4] =	dma.local [hbm:s3], $0xF7A  }
0x26: {  	[smem:$0x3F7C] =	sst s1;
	(tag) =	ssettag s2;
	_ =	strace s9  }
0x27: {  	s1 =	sld [smem:$0x3F8C]  }
0x28: {  	s2 =	sld [smem:$0x3F8D]  }
0x29: {  	s4 =	sld [smem:$0x3F8F]  }
0x2a: {  	p0 =	seq.s32 s5, $0x0;
	s5 =	sld [smem:$0x3F90]  }
0x2b: {  	s6 =	sld [smem:$0x3F91]  }
0x2c: {  	s7 =	sld [smem:$0x3F92]  }
0x2d: {  	s3 =	simm.s32 $0x108;
	s8 =	sld [smem:$0x3F93]  }
0x2e: {  	s3 =	simm.s32 @!p0 $0x1082;
	s9 =	sld [smem:$0x3F94]  }
0x2f: {  	lr =	sadd.s32 s0, s3;
	s0 =	sld [smem:$0x3F8B]  }
0x30: {  	s3 =	sld [smem:$0x3F8E]  }
0x31: {  	[smem:$0x3F97] =	sst s10  }
0x32: {  	s10 =	sld [smem:$0x3F95];
	_ =	sdelay $0x3  }
0x33: {  	p0 =	seq.s32 s10, $0x1;
	s10 =	sld [smem:$0x3F97];
	_ =	sdelay $0x3  }
0x34: {  	[smem:$0x3F97] =	sst s10  }
0x35: {  	s10 =	sld [smem:$0x3F96];
	_ =	sdelay $0x3  }
0x36: {  	p1 =	seq.s32 s10, $0x1;
	s10 =	sld [smem:$0x3F97];
	_ =	sdelay $0x3  }
0x37: {  	[smem:$0x3F97] =	sst s10  }
0x38: {  	s10 =	sld [smem:$0x3F98]  }
0x39: {  	_ = 	snop;
	(pc) =	sbr.ind lr, $3  }
0x3a: {  	_ = 	snop  }
0x3b: {  	_ = 	snop  }
0x3c: {  	p2 =	seq.s32 s10, $0x1;
	s10 =	sld [smem:$0x3F97]  }
0x3d: {  	_ =	shalt  }
0x3e: {  	_ =	shalt  }
0x3f: {  	_ =	shalt  }
0x40: {  	_ =	shalt  }
0x41: {  	_ =	shalt  }
0x42: {  	_ =	shalt  }
0x43: {  	_ =	shalt  }
0x44: {  	_ =	shalt  }
0x45: {  	_ =	shalt  }
0x46: {  	_ =	shalt  }
0x47: {  	_ =	shalt  }
0x48: {  	_ =	shalt  }
0x49: {  	_ =	shalt  }
0x4a: {  	_ =	shalt  }
0x4b: {  	_ =	shalt  }
0x4c: {  	_ =	shalt  }
0x4d: {  	_ =	shalt  }
0x4e: {  	_ =	shalt  }
0x4f: {  	_ =	shalt  }
0x50: {  	_ =	shalt  }
0x51: {  	_ =	shalt  }
0x52: {  	_ =	shalt  }
0x53: {  	_ =	shalt  }
0x54: {  	_ =	shalt  }
0x55: {  	_ =	shalt  }
0x56: {  	_ =	shalt  }
0x57: {  	_ =	shalt  }
0x58: {  	_ =	shalt  }
0x59: {  	_ =	shalt  }
0x5a: {  	_ =	shalt  }
0x5b: {  	_ =	shalt  }
0x5c: {  	_ =	shalt  }
0x5d: {  	_ =	shalt  }
0x5e: {  	_ =	shalt  }
0x5f: {  	_ =	shalt  }
0x60: {  	_ =	shalt  }
0x61: {  	_ =	shalt  }
0x62: {  	_ =	shalt  }
0x63: {  	_ =	shalt  }
0x64: {  	_ =	shalt  }
0x65: {  	_ =	shalt  }
0x66: {  	_ =	shalt  }
0x67: {  	_ =	shalt  }
0x68: {  	_ =	shalt  }
0x69: {  	_ =	shalt  }
0x6a: {  	_ =	shalt  }
0x6b: {  	_ =	shalt  }
0x6c: {  	_ =	shalt  }
0x6d: {  	_ =	shalt  }
0x6e: {  	_ =	shalt  }
0x6f: {  	_ =	shalt  }
0x70: {  	_ =	shalt  }
0x71: {  	_ =	shalt  }
0x72: {  	_ =	shalt  }
0x73: {  	_ =	shalt  }
0x74: {  	_ =	shalt  }
0x75: {  	_ =	shalt  }
0x76: {  	_ =	shalt  }
0x77: {  	_ =	shalt  }
0x78: {  	_ =	shalt  }
0x79: {  	_ =	shalt  }
0x7a: {  	_ =	shalt  }
0x7b: {  	_ =	shalt  }
0x7c: {  	_ =	shalt  }
0x7d: {  	_ =	shalt  }
0x7e: {  	_ =	shalt  }
0x7f: {  	_ =	shalt  }
0x80: {  	_ =	shalt  }
0x81: {  	_ =	shalt  }
0x82: {  	_ =	shalt  }
0x83: {  	_ =	shalt  }
0x84: {  	_ =	shalt  }
0x85: {  	_ =	shalt  }
0x86: {  	_ =	shalt  }
0x87: {  	_ =	shalt  }
.Lfunc_end0:
.L_simem_size_0:
called_computation.2_lowered:
.L_overlay_start_0:
0x88: {  	s2 =	sld [smem:$0x3FD9]  }
0x89: {  	s3 =	sld [smem:$0x3FFE];
	_ =	sdelay $0x1  }
0x8a: {  	s1 =	srdreg.scid  }
0x8b: {  	s0 =	sand.u32 $0x1, s1  }
0x8c: {  	s16 =	sshll.u32 s0, $0xA;
	s2 =	sadd.s32 s3, s2  }
0x8d: {  	s2 =	sadd.s32 s2, s16  }
0x8e: {  	[smem:$0x3FA3] =	sst s2  }
0x8f: {  	_ = 	snop  }
0x90: {  	(tm) =	ssettm $0x1  }
0x91: {  	s17 =	sld [smem:$0x3FFB];
	_ =	sdelay $0x3  }
0x92: {  	_ =	strace s17  }
0x93: {  	s2 =	sld [smem:$0x3FFC];
	_ =	sdelay $0x3  }
0x94: {  	_ =	strace s2  }
0x95: {  	s2 =	sld [smem:$0x3FFD];
	_ =	sdelay $0x3  }
0x96: {  	_ =	strace s2  }
0x97: {  	_ =	strace $0x8FFFFFFF  }
0x98: {  	s18 =	sld [smem:$0x3FDB];
	_ =	sdelay $0x1  }
0x99: {  	s19 =	simm.s32 $_scs_section_size  }
0x9a: {  	s4 =	simm.s32 $_size__tile_overlayer_lowered;
	s5 =	simm.s32 $_tile_overlayer_lowered  }
0x9b: {  	s22 =	simm.s32 $0x1BFF;
	s21 =	sshll.u32 s5, $0x1;
	s2 =	sadd.s32 s19, s18  }
0x9c: {  	s6 =	simm.s32 $0x0;
	s20 =	sshll.u32 s4, $0x1;
	s4 =	sadd.s32 s21, s2  }
0x9d: {  	[timem:s6], [sflag:s22] =	dma.local [hbm:s4], s20  }
0x9e: {  	_ =	swait.ge [sflag:s22], s20  }
0x9f: {  	s3 =	ssub.s32 $0x0, s20;
	[sflag:s22] =	ssyncset.done $0x0  }
0xa0: {  	[sflag:s22] =	ssyncadd.s32 s3;
	_ =	sdelay $0x1  }
0xa1: {  	s23 =	simm.s32 $0x1B8B  }
0xa2: {  	_ =	swait.ge [sflag:s23], $0x1  }
0xa3: {  	[sflag:s23] =	ssyncset.done $0x0  }
0xa4: {  	s25 =	simm.s32 $0x1B8E;
	s24 =	sld [smem:$0x3FFE];
	[sflag:s23] =	ssyncadd.s32 $0xFFFFFFFF  }
0xa5: {  	s26 =	simm.s32 $execute0_lowered;
	[smem:$0x3FD2] =	sst s25  }
0xa6: {  	s4 =	sshll.u32 s26, $0x1;
	_ =	strace $0x8000004C;
	[dreg:$0x1] =	wrdreg $0xFFFFFFFF  }
0xa7: {  	s28 =	simm.s32 $_size_execute0_lowered;
	s2 =	sadd.s32 s2, s4;
	[dreg:$0x0] =	wrdreg $0x0  }
0xa8: {  	s4 =	sshll.u32 s28, $0x1;
	[dreg:$0x2] =	wrdreg s2  }
0xa9: {  	[dreg:$0x3] =	wrdreg s4  }
0xaa: {  	[dreg:$0x4] =	wrdreg $0xC0  }
0xab: {  	_ =	task [dreg:s6], $0x5FFFF  }
0xac: {  	[dreg:$0x1] =	wrdreg $0xFFFFFFFF  }
0xad: {  	[dreg:$0x0] =	wrdreg $0x60  }
0xae: {  	[dreg:$0x2] =	wrdreg s24  }
0xaf: {  	[dreg:$0x3] =	wrdreg $0x48000  }
0xb0: {  	[dreg:$0x4] =	wrdreg $0x9  }
0xb1: {  	_ =	task.clear_ibuf [dreg:s6], $0x5FFFF;
	_ =	strace $0x9000004C  }
0xb2: {  	s29 =	simm.s32 $0x9;
	_ =	strace $0x8000004E  }
0xb3: {  	_ =	swait.ge [sflag:s29], $0x1  }
0xb4: {  	[sflag:s29] =	ssyncadd.s32 $0xFFFFFFFF  }
0xb5: {  	_ =	strace $0x9000004E  }
0xb6: {  	_ =	sfence  }
0xb7: {  	s30 =	sld [smem:$0x0];
	_ =	sdelay $0x2  }
0xb8: {  	s31 =	sshll.u32 s1, $0xD;
	s1 =	sshrl.u32 s1, $0x2  }
0xb9: {  	s3 =	sand.u32 $0x4000, s31;
	s1 =	sadd.s32 s1, s30  }
0xba: {  	s0 =	sor.u32 s3, s0;
	s1 =	sshll.u32 s1, $0x11  }
0xbb: {  	s0 =	sor.u32 s1, s0  }
0xbc: {  	s0 =	sadd.s32 $0x8F2B, s0  }
0xbd: {  	[sflag:s0] =	ssyncadd.remote.s32 $0x1  }
0xbe: {  	_ =	sfence.sel $0xFFFF  }
0xbf: {  	[dreg:$0x0] =	wrdreg $0xFFFFFFFF;
	(pc) =	sbr.abs _section_cstart, $3  }
0xc0: {  	[dreg:$0x1] =	wrdreg $0xFFFFFFFF  }
0xc1: {  	_ =	task.clear_ibuf [dreg:s6], $0x2FFFF;
	_ =	strace $0x9FFFFFFF  }
0xc2: {  	(tm) =	ssettm $0x7FFFFFFF  }
0xc3: {  	_ =	shalt  }
tec
execute0_lowered:
.L_overlay_start_1:
0x0: {  	(tag) =	ssettag $0x1  }
0x1: {  	s13 =	rddreg [dreg:$0x0]  }
0x2: {  	s2 =	rddreg [dreg:$0x1]  }
0x3: {  	s0 =	rddreg [dreg:$0x2];
	s1 =	stileid.u32;
	s3 =	simm.s32 $0x0  }
0x4: {  	s5 =	srdreg.scid;
	s20 =	simm.s32 $0x2;
	s21 =	simm.s32 $0x400  }
0x5: {  	s22 =	simm.s32 $0x800;
	s23 =	simm.s32 $0x1;
	s4 =	smul.u32 $0x3100, s1  }
0x6: {  	s24 =	simm.s32 $0x0;
	[smem:$0x7FF] =	sst s3;
	s6 =	smul.u32 $0x18700, s1  }
0x7: {  	s7 =	sand.u32 $0x1, s5;
	s5 =	sadd.s32 $0x7C00, s13;
	s17 =	sadd.s32 $0x16E900, s2  }
0x8: {  	s11 =	sadd.s32 $0x35920, s13;
	p1 =	seq.s32 s1, $0xF;
	_ =	strace $0x8000004D  }
0x9: {  	s8 =	ssub.s32 $0x2, s7;
	p0 =	seq.s32 s7, $0x1;
	s7 =	sadd.s32 $0x66720, s13  }
0xa: {  	s18 =	sshll.u32 @!p1 s1, $0x6;
	s17 =	sshrl.u32 @p1 s17, $0x3;
	s16 =	sadd.s32 s4, s13  }
0xb: {  	s4 =	sadd.s32 $0x38A00, s13;
	s10 =	sshrl.u32 s6, $0x3;
	s9 =	sshrl.u32 s8, $0x1  }
.Ltmp0:
0xc: {  	s19 =	sadd.s32 s6, s2;
	s18 =	sor.u32 @!p1 $0x1C02, s18;
	(pc) =	sbr.rel .LBB2_1-.Ltmp0, $4  }
0xd: {  	s12 =	sadd.s32 s10, s13;
	s14 =	ssub.s32 s8, s9;
	s6 =	sadd.s32 s4, s10  }
0xe: {  	s9 =	sadd.s32 $0x97520, s13;
	s10 =	sadd.s32 s5, s10;
	s13 =	sadd.s32 $0xC8260, s13  }
0xf: {  	s15 =	sadd.s32 $0x18F600, s16;
	s16 =	sadd.s32 $0x15E600, s16;
	s19 =	sshrl.u32 @!p1 s19, $0x3  }
0x10: {  	s8 =	sadd.s32 $0x69800, s12;
	s12 =	sadd.s32 $0x9A540, s12;
	s14 =	smax.u32 s14, $0x1  }
.LBB2_7:
0x11: {  	s26 =	sadd.s32 s25, s16;
	[sflag:s20] =	ssyncadd.s32 $0xFFFFC000  }
0x12: {  	[tilespmem:s3], [sflag:$0x2] =	stream.linear.gather [hbm4b:s26+s3], $0x400, $0x38;
	[tilespmem:$0x1CEA8] =	vst v63  }
0x13: {  	_ =	swait.ge [sflag:s20], $0x400  }
0x14: {  	[sflag:s20] =	ssyncset.done $0x0  }
0x15: {  	s31 =	sadd.s32 s25, s15;
	[sflag:s20] =	ssyncadd.s32 $0xFFFFFC00  }
0x16: {  	[tilespmem:s21], [sflag:$0x2] =	stream.linear.gather [hbm4b:s31+s3], $0x400, $0x38;
	[tilespmem:$0x1CEA8] =	vst v63  }
0x17: {  	_ =	swait.ge [sflag:s20], $0x400  }
0x18: {  	[sflag:s20] =	ssyncset.done $0x0  }
0x19: {  	[sflag:s20] =	ssyncadd.s32 $0xFFFFFC00  }
0x1a: {  	[tilespmem:s22], [sflag:$0x1] =	stream.indirect.gather [hbm4b:s5+s21], $0x10, s3, s21, $0xb8;
	[tilespmem:$0x1CEA8] =	vst v63  }
0x1b: {  	_ =	swait.ge [sflag:s23], $0x4000  }
0x1c: {  	[sflag:s23] =	ssyncset.done $0x0  }
0x1d: {  	[sflag:s23] =	ssyncadd.s32 $0xFFFFC000  }
0x1e: {  	[spmem:s2] =	stream.indirect.scatter.add.f32 [tilespmem:s22], [sflag:$0x2], $0x10, s21, s21, $0xb8;
	[tilespmem:$0x1CEA8] =	vst v63  }
0x1f: {  	_ =	swait.ge [sflag:s20], $0x4000  }
0x20: {  	[sflag:s20] =	ssyncset.done $0x0  }
0x21: {  	[sflag:s20] =	ssyncadd.s32 $0xFFFFC000  }
0x22: {  	s25 =	simm.s32 @p1 $0x1FC2;
	[bflag:$0x0] =	sbarrier.arrive $0xFFFF  }
0x23: {  	[hbm:s13], [sflag:s25] =	dma.local @p1 [spmem:s17], $0x3020  }
0x24: {  	s25 =	simm.s32 @p1 $0x2  }
0x25: {  	_ =	swait.ge @p1 [sflag:s25], $0x3020  }
0x26: {  	[sflag:s25] =	ssyncset.done @p1 $0x0  }
0x27: {  	[sflag:s25] =	ssyncadd.s32 @p1 $0xFFFFCFE0;
	s25 =	simm.s32 @!p1 $0x2  }
0x28: {  	[hbm:s12], [sflag:s18] =	dma.local @!p1 [spmem:s19], $0x30E0  }
0x29: {  	_ =	swait.ge @!p1 [sflag:s25], $0x30E0  }
0x2a: {  	[sflag:s25] =	ssyncset.done @!p1 $0x0  }
0x2b: {  	[sflag:s25] =	ssyncadd.s32 @!p1 $0xFFFFCF20  }
.LBB2_8:
0x2c: {  	s24 =	sadd.s32 $0x1, s24  }
0x2d: {  	p2 =	sne.s32 s24, s14  }
.Ltmp1:
0x2e: {  	_ = 	snop;
	(pc) =	sbr.rel @!p2 .LBB2_9-.Ltmp1, $2  }
0x2f: {  	_ =	sdelay $0x1  }
0x30: {  	[bflag:$0x0] =	sbarrier.arrive $0xFFFF;
	_ =	sdelay $0x1  }
.LBB2_1:
.Ltmp2:
0x31: {  	(pc) =	sbr.rel @!p0 .LBB2_2-.Ltmp2, $1  }
0x32: {  	_ =	sdelay $0x3  }
0x33: {  	s25 =	simm.s32 @p1 $0x1FC2  }
0x34: {  	[spmem:s17], [sflag:s25] =	dma.local @p1 [hbm:s11], $0x3020  }
0x35: {  	s25 =	simm.s32 @p1 $0x2  }
0x36: {  	_ =	swait.ge @p1 [sflag:s25], $0x3020  }
0x37: {  	[sflag:s25] =	ssyncset.done @p1 $0x0  }
0x38: {  	[sflag:s25] =	ssyncadd.s32 @p1 $0xFFFFCFE0;
	s25 =	simm.s32 @!p1 $0x2  }
0x39: {  	[spmem:s19], [sflag:s18] =	dma.local @!p1 [hbm:s10], $0x30E0  }
0x3a: {  	_ =	swait.ge @!p1 [sflag:s25], $0x30E0  }
0x3b: {  	[sflag:s25] =	ssyncset.done @!p1 $0x0  }
0x3c: {  	[sflag:s25] =	ssyncadd.s32 @!p1 $0xFFFFCF20  }
0x3d: {  	s30 =	sadd.s32 $0x0, s16;
	[bflag:$0x0] =	sbarrier.arrive $0xFFFF  }
0x3e: {  	[tilespmem:s3], [sflag:$0x2] =	stream.linear.gather [hbm4b:s30+s3], $0x400, $0x38;
	[tilespmem:$0x1CEA8] =	vst v63  }
0x3f: {  	_ =	swait.ge [sflag:s20], $0x400  }
0x40: {  	[sflag:s20] =	ssyncset.done $0x0  }
0x41: {  	s31 =	sadd.s32 $0x0, s15;
	[sflag:s20] =	ssyncadd.s32 $0xFFFFFC00  }
0x42: {  	[tilespmem:s21], [sflag:$0x2] =	stream.linear.gather [hbm4b:s31+s3], $0x400, $0x38;
	[tilespmem:$0x1CEA8] =	vst v63  }
0x43: {  	_ =	swait.ge [sflag:s20], $0x400  }
0x44: {  	[sflag:s20] =	ssyncset.done $0x0  }
0x45: {  	[sflag:s20] =	ssyncadd.s32 $0xFFFFFC00  }
0x46: {  	[tilespmem:s22], [sflag:$0x1] =	stream.indirect.gather [hbm4b:s5+s21], $0x10, s3, s21, $0xb8;
	[tilespmem:$0x1CEA8] =	vst v63  }
0x47: {  	_ =	swait.ge [sflag:s23], $0x4000  }
0x48: {  	[sflag:s23] =	ssyncset.done $0x0  }
0x49: {  	[sflag:s23] =	ssyncadd.s32 $0xFFFFC000  }
0x4a: {  	[spmem:s2] =	stream.indirect.scatter.add.f32 [tilespmem:s22], [sflag:$0x2], $0x10, s21, s21, $0xb8;
	[tilespmem:$0x1CEA8] =	vst v63  }
0x4b: {  	_ =	swait.ge [sflag:s20], $0x4000  }
0x4c: {  	s26 =	simm.s32 $0x100;
	s25 =	simm.s32 $0x80;
	[sflag:s20] =	ssyncset.done $0x0  }
.LBB2_6:
0x4d: {  	s28 =	sadd.s32 s25, s16  }
0x4e: {  	[sflag:s20] =	ssyncadd.s32 $0xFFFFC000;
	s29 =	smov.u32 s26;
	s30 =	sadd.s32 $0x80, s26  }
0x4f: {  	[tilespmem:s3], [sflag:$0x2] =	stream.linear.gather [hbm4b:s28+s3], $0x400, $0x38;
	[tilespmem:$0x1CEA8] =	vst v63  }
0x50: {  	p2 =	sne.s32 s26, $0x3080;
	_ =	swait.ge [sflag:s20], $0x400  }
0x51: {  	[sflag:s20] =	ssyncset.done $0x0  }
0x52: {  	s26 =	sadd.s32 s25, s15;
	s25 =	smov.u32 s29;
	[sflag:s20] =	ssyncadd.s32 $0xFFFFFC00  }
0x53: {  	[tilespmem:s21], [sflag:$0x2] =	stream.linear.gather [hbm4b:s26+s3], $0x400, $0x38;
	[tilespmem:$0x1CEA8] =	vst v63  }
0x54: {  	_ =	swait.ge [sflag:s20], $0x400  }
0x55: {  	[sflag:s20] =	ssyncset.done $0x0  }
0x56: {  	[sflag:s20] =	ssyncadd.s32 $0xFFFFFC00  }
0x57: {  	[tilespmem:s22], [sflag:$0x1] =	stream.indirect.gather [hbm4b:s5+s21], $0x10, s3, s21, $0xb8;
	[tilespmem:$0x1CEA8] =	vst v63  }
0x58: {  	_ =	swait.ge [sflag:s23], $0x4000  }
.Ltmp3:
0x59: {  	[sflag:s23] =	ssyncset.done $0x0;
	(pc) =	sbr.rel @p2 .LBB2_6-.Ltmp3, $4  }
0x5a: {  	[sflag:s23] =	ssyncadd.s32 $0xFFFFC000  }
0x5b: {  	[spmem:s2] =	stream.indirect.scatter.add.f32 [tilespmem:s22], [sflag:$0x2], $0x10, s21, s21, $0xb8;
	[tilespmem:$0x1CEA8] =	vst v63  }
0x5c: {  	_ =	swait.ge [sflag:s20], $0x4000  }
0x5d: {  	s26 =	smov.u32 s30;
	[sflag:s20] =	ssyncset.done $0x0  }
.Ltmp4:
0x5e: {  	_ = 	snop;
	(pc) =	sbr.rel .LBB2_7-.Ltmp4, $1  }
0x5f: {  	_ =	sdelay $0x3  }
.LBB2_2:
0x60: {  	s25 =	simm.s32 @p1 $0x1FC2  }
0x61: {  	[spmem:s17], [sflag:s25] =	dma.local @p1 [hbm:s7], $0x3020  }
0x62: {  	s25 =	simm.s32 @p1 $0x2  }
0x63: {  	_ =	swait.ge @p1 [sflag:s25], $0x3020  }
0x64: {  	[sflag:s25] =	ssyncset.done @p1 $0x0  }
0x65: {  	[sflag:s25] =	ssyncadd.s32 @p1 $0xFFFFCFE0;
	s25 =	simm.s32 @!p1 $0x2  }
0x66: {  	[spmem:s19], [sflag:s18] =	dma.local @!p1 [hbm:s6], $0x30E0  }
0x67: {  	_ =	swait.ge @!p1 [sflag:s25], $0x30E0  }
0x68: {  	[sflag:s25] =	ssyncset.done @!p1 $0x0  }
0x69: {  	[sflag:s25] =	ssyncadd.s32 @!p1 $0xFFFFCF20  }
0x6a: {  	s30 =	sadd.s32 $0x0, s16;
	[bflag:$0x0] =	sbarrier.arrive $0xFFFF  }
0x6b: {  	[tilespmem:s3], [sflag:$0x2] =	stream.linear.gather [hbm4b:s30+s3], $0x400, $0x38;
	[tilespmem:$0x1CEA8] =	vst v63  }
0x6c: {  	_ =	swait.ge [sflag:s20], $0x400  }
0x6d: {  	[sflag:s20] =	ssyncset.done $0x0  }
0x6e: {  	s31 =	sadd.s32 $0x0, s15;
	[sflag:s20] =	ssyncadd.s32 $0xFFFFFC00  }
0x6f: {  	[tilespmem:s21], [sflag:$0x2] =	stream.linear.gather [hbm4b:s31+s3], $0x400, $0x38;
	[tilespmem:$0x1CEA8] =	vst v63  }
0x70: {  	_ =	swait.ge [sflag:s20], $0x400  }
0x71: {  	[sflag:s20] =	ssyncset.done $0x0  }
0x72: {  	[sflag:s20] =	ssyncadd.s32 $0xFFFFFC00  }
0x73: {  	[tilespmem:s22], [sflag:$0x1] =	stream.indirect.gather [hbm4b:s4+s21], $0x10, s3, s21, $0xb8;
	[tilespmem:$0x1CEA8] =	vst v63  }
0x74: {  	_ =	swait.ge [sflag:s23], $0x4000  }
0x75: {  	[sflag:s23] =	ssyncset.done $0x0  }
0x76: {  	[sflag:s23] =	ssyncadd.s32 $0xFFFFC000  }
0x77: {  	[spmem:s2] =	stream.indirect.scatter.add.f32 [tilespmem:s22], [sflag:$0x2], $0x10, s21, s21, $0xb8;
	[tilespmem:$0x1CEA8] =	vst v63  }
0x78: {  	_ =	swait.ge [sflag:s20], $0x4000  }
0x79: {  	s26 =	simm.s32 $0x100;
	s25 =	simm.s32 $0x80;
	[sflag:s20] =	ssyncset.done $0x0  }
.LBB2_3:
0x7a: {  	s28 =	sadd.s32 s25, s16  }
0x7b: {  	[sflag:s20] =	ssyncadd.s32 $0xFFFFC000;
	s29 =	smov.u32 s26;
	s30 =	sadd.s32 $0x80, s26  }
0x7c: {  	[tilespmem:s3], [sflag:$0x2] =	stream.linear.gather [hbm4b:s28+s3], $0x400, $0x38;
	[tilespmem:$0x1CEA8] =	vst v63  }
0x7d: {  	p2 =	sne.s32 s26, $0x3080;
	_ =	swait.ge [sflag:s20], $0x400  }
0x7e: {  	[sflag:s20] =	ssyncset.done $0x0  }
0x7f: {  	s26 =	sadd.s32 s25, s15;
	s25 =	smov.u32 s29;
	[sflag:s20] =	ssyncadd.s32 $0xFFFFFC00  }
0x80: {  	[tilespmem:s21], [sflag:$0x2] =	stream.linear.gather [hbm4b:s26+s3], $0x400, $0x38;
	[tilespmem:$0x1CEA8] =	vst v63  }
0x81: {  	_ =	swait.ge [sflag:s20], $0x400  }
0x82: {  	[sflag:s20] =	ssyncset.done $0x0  }
0x83: {  	[sflag:s20] =	ssyncadd.s32 $0xFFFFFC00  }
0x84: {  	[tilespmem:s22], [sflag:$0x1] =	stream.indirect.gather [hbm4b:s4+s21], $0x10, s3, s21, $0xb8;
	[tilespmem:$0x1CEA8] =	vst v63  }
0x85: {  	_ =	swait.ge [sflag:s23], $0x4000  }
.Ltmp5:
0x86: {  	[sflag:s23] =	ssyncset.done $0x0;
	(pc) =	sbr.rel @p2 .LBB2_3-.Ltmp5, $4  }
0x87: {  	[sflag:s23] =	ssyncadd.s32 $0xFFFFC000  }
0x88: {  	[spmem:s2] =	stream.indirect.scatter.add.f32 [tilespmem:s22], [sflag:$0x2], $0x10, s21, s21, $0xb8;
	[tilespmem:$0x1CEA8] =	vst v63  }
0x89: {  	_ =	swait.ge [sflag:s20], $0x4000  }
0x8a: {  	s26 =	smov.u32 s30;
	[sflag:s20] =	ssyncset.done $0x0  }
0x8b: {  	s26 =	sadd.s32 s25, s16;
	[sflag:s20] =	ssyncadd.s32 $0xFFFFC000  }
0x8c: {  	[tilespmem:s3], [sflag:$0x2] =	stream.linear.gather [hbm4b:s26+s3], $0x400, $0x38;
	[tilespmem:$0x1CEA8] =	vst v63  }
0x8d: {  	_ =	swait.ge [sflag:s20], $0x400  }
0x8e: {  	[sflag:s20] =	ssyncset.done $0x0  }
0x8f: {  	s31 =	sadd.s32 s25, s15;
	[sflag:s20] =	ssyncadd.s32 $0xFFFFFC00  }
0x90: {  	[tilespmem:s21], [sflag:$0x2] =	stream.linear.gather [hbm4b:s31+s3], $0x400, $0x38;
	[tilespmem:$0x1CEA8] =	vst v63  }
0x91: {  	_ =	swait.ge [sflag:s20], $0x400  }
0x92: {  	[sflag:s20] =	ssyncset.done $0x0  }
0x93: {  	[sflag:s20] =	ssyncadd.s32 $0xFFFFFC00  }
0x94: {  	[tilespmem:s22], [sflag:$0x1] =	stream.indirect.gather [hbm4b:s4+s21], $0x10, s3, s21, $0xb8;
	[tilespmem:$0x1CEA8] =	vst v63  }
0x95: {  	_ =	swait.ge [sflag:s23], $0x4000  }
0x96: {  	[sflag:s23] =	ssyncset.done $0x0  }
0x97: {  	[sflag:s23] =	ssyncadd.s32 $0xFFFFC000  }
0x98: {  	[spmem:s2] =	stream.indirect.scatter.add.f32 [tilespmem:s22], [sflag:$0x2], $0x10, s21, s21, $0xb8;
	[tilespmem:$0x1CEA8] =	vst v63  }
0x99: {  	_ =	swait.ge [sflag:s20], $0x4000  }
0x9a: {  	[sflag:s20] =	ssyncset.done $0x0  }
0x9b: {  	[sflag:s20] =	ssyncadd.s32 $0xFFFFC000  }
0x9c: {  	s25 =	simm.s32 @p1 $0x1FC2;
	[bflag:$0x0] =	sbarrier.arrive $0xFFFF  }
0x9d: {  	[hbm:s9], [sflag:s25] =	dma.local @p1 [spmem:s17], $0x3020  }
0x9e: {  	s25 =	simm.s32 @p1 $0x2  }
0x9f: {  	_ =	swait.ge @p1 [sflag:s25], $0x3020  }
0xa0: {  	[sflag:s25] =	ssyncset.done @p1 $0x0  }
.Ltmp6:
0xa1: {  	[sflag:s25] =	ssyncadd.s32 @p1 $0xFFFFCFE0;
	s25 =	simm.s32 @!p1 $0x2;
	(pc) =	sbr.rel .LBB2_8-.Ltmp6, $4  }
0xa2: {  	[hbm:s8], [sflag:s18] =	dma.local @!p1 [spmem:s19], $0x30E0  }
0xa3: {  	_ =	swait.ge @!p1 [sflag:s25], $0x30E0  }
0xa4: {  	[sflag:s25] =	ssyncset.done @!p1 $0x0  }
0xa5: {  	[sflag:s25] =	ssyncadd.s32 @!p1 $0xFFFFCF20  }
.LBB2_9:
0xa6: {  	_ =	sfence.sel $0x180000  }
0xa7: {  	[bflag:$0x0] =	sbarrier.arrive $0xFFFF  }
0xa8: {  	p0 =	sne.s32 s1, $0x0;
	_ =	strace $0x9000004D  }
0xa9: {  	s0 =	sadd.s32 @!p0 $0x100000, s0;
	[bflag:$0x2] =	sbarrier.arrive $0xFFFF  }
0xaa: {  	[sflag:s0] =	ssyncadd.tile.s32 @!p0 $0x1;
	_ =	shalt  }
.Lfunc_end2:
_tile_overlayer_lowered:
.L_overlay_start_2:
0xab: {  	(tag) =	ssettag $0x2  }
0xac: {  	s0 =	rddreg [dreg:$0x0];
	s2 =	stileid.u32  }
0xad: {  	s1 =	rddreg [dreg:$0x1];
	p0 =	sne.s32 s2, $0x0  }
0xae: {  	s3 =	rddreg [dreg:$0x2];
	[bflag:$0x3] =	sbarrier.arrive $0xFFFF;
	s2 =	simm.s32 @!p0 $0x1C02  }
0xaf: {  	[timem:s3], [sflag:s2] =	dma.local @!p0 [hbm:s0], s1  }
0xb0: {  	s0 =	simm.s32 @!p0 $0x2  }
0xb1: {  	_ =	swait.ge @!p0 [sflag:s0], s1  }
0xb2: {  	s1 =	ssub.s32 @!p0 $0x0, s1;
	[sflag:s0] =	ssyncset.done @!p0 $0x0  }
0xb3: {  	[sflag:s0] =	ssyncadd.s32 @!p0 s1  }
0xb4: {  	[bflag:$0x3] =	sbarrier.arrive $0xFFFF  }
0xb5: {  	_ =	shalt  }

// kernel: kernel.26.cloned.1.call-start
scs
__scs_entry_jumppad:
0x0: {  	(pc) =	sbr.rel $0x88, $3  }
0x1: {  	(tag) =	ssettag $0x0;
	lr =	simm.s32 $0x1  }
0x2: {  	[smem:$0x3F7C] =	sst lr;
	_ =	strace $0xD0000000  }
0x3: {  	_ = 	snop  }
0x4: {  	_ = 	snop  }
0x5: {  	_ = 	snop  }
0x6: {  	_ = 	snop  }
0x7: {  	_ = 	snop  }
__scs_overlays_trampoline_lowered:
0x8: {  	[smem:$0x3F8B] =	sst s0  }
0x9: {  	[smem:$0x3F8C] =	sst s1  }
0xa: {  	[smem:$0x3F8D] =	sst s2  }
0xb: {  	[smem:$0x3F8E] =	sst s3  }
0xc: {  	[smem:$0x3F8F] =	sst s4  }
0xd: {  	[smem:$0x3F90] =	sst s5  }
0xe: {  	[smem:$0x3F91] =	sst s6  }
0xf: {  	[smem:$0x3F92] =	sst s7  }
0x10: {  	[smem:$0x3F93] =	sst s8  }
0x11: {  	[smem:$0x3F94] =	sst s9;
	s0 =	simm.s32 @!p0 $0x0  }
0x12: {  	s1 =	sld [smem:$0x3F7A];
	s0 =	simm.s32 @p0 $0x1  }
0x13: {  	[smem:$0x3F95] =	sst s0;
	s0 =	simm.s32 @!p1 $0x0  }
0x14: {  	s2 =	sld [smem:$0x3F79];
	s0 =	simm.s32 @p1 $0x1  }
0x15: {  	[smem:$0x3F96] =	sst s0;
	s0 =	simm.s32 @!p2 $0x0  }
0x16: {  	s3 =	sld [smem:$0x3FDB];
	s0 =	simm.s32 @p2 $0x1  }
0x17: {  	s4 =	simm.s32 $0x1BF5;
	[smem:$0x3F98] =	sst s0  }
0x18: {  	s0 =	sld [smem:$0x3F7B];
	_ =	swait.ge [sflag:s4], $0x0  }
0x19: {  	s7 =	sld [smem:$0x3F7C]  }
0x1a: {  	s8 =	sadd.s32 $0xFFFFE003, lr  }
0x1b: {  	s9 =	sadd.s32 $0xFFFFFEF7, lr;
	s5 =	simm.s32 $0xFFFFFFFF;
	p2 =	slt.u32 s8, $0xFFFFF086  }
0x1c: {  	p1 =	slt.u32 s9, $0xF7A;
	s5 =	simm.s32 @!p2 $0x0  }
0x1d: {  	s5 =	simm.s32 @p1 $0x1;
	p0 =	seq.s32 s7, s2  }
0x1e: {  	s7 =	smul.u32 @!p0 $0xF7A, s2;
	p2 =	seq.s32 @!p0 s5, $0x0  }
0x1f: {  	s9 =	smul.u32 $0xF7A, s1;
	s8 =	simm.s32 @!p0 $0x1BF5;
	p2 =	por !p2, p0  }
0x20: {  	[sflag:s8] =	ssyncset.s32 @!p0 $0xFFFFF086;
	s6 =	sadd.s32 @!p0 s3, s7;
	s7 =	simm.s32 @!p0 $0x108  }
0x21: {  	s3 =	sadd.s32 s3, s9;
	s6 =	sadd.s32 @!p0 $0x88, s6;
	s7 =	simm.s32 @p2 $0x1082  }
0x22: {  	[simem:s7], [sflag:s8] =	dma.local @!p0 [hbm:s6], $0xF7A  }
0x23: {  	s9 =	sor.u32 $0xD0000000, s2;
	s6 =	simm.s32 $0x108;
	_ =	swait.ge @!p0 [sflag:s8], $0x0  }
0x24: {  	s3 =	sadd.s32 $0x88, s3;
	s6 =	simm.s32 @!p1 $0x1082;
	[sflag:s4] =	ssyncset.s32 $0xFFFFF086  }
0x25: {  	[simem:s6], [sflag:s4] =	dma.local [hbm:s3], $0xF7A  }
0x26: {  	[smem:$0x3F7C] =	sst s1;
	(tag) =	ssettag s2;
	_ =	strace s9  }
0x27: {  	s1 =	sld [smem:$0x3F8C]  }
0x28: {  	s2 =	sld [smem:$0x3F8D]  }
0x29: {  	s4 =	sld [smem:$0x3F8F]  }
0x2a: {  	p0 =	seq.s32 s5, $0x0;
	s5 =	sld [smem:$0x3F90]  }
0x2b: {  	s6 =	sld [smem:$0x3F91]  }
0x2c: {  	s7 =	sld [smem:$0x3F92]  }
0x2d: {  	s3 =	simm.s32 $0x108;
	s8 =	sld [smem:$0x3F93]  }
0x2e: {  	s3 =	simm.s32 @!p0 $0x1082;
	s9 =	sld [smem:$0x3F94]  }
0x2f: {  	lr =	sadd.s32 s0, s3;
	s0 =	sld [smem:$0x3F8B]  }
0x30: {  	s3 =	sld [smem:$0x3F8E]  }
0x31: {  	[smem:$0x3F97] =	sst s10  }
0x32: {  	s10 =	sld [smem:$0x3F95];
	_ =	sdelay $0x3  }
0x33: {  	p0 =	seq.s32 s10, $0x1;
	s10 =	sld [smem:$0x3F97];
	_ =	sdelay $0x3  }
0x34: {  	[smem:$0x3F97] =	sst s10  }
0x35: {  	s10 =	sld [smem:$0x3F96];
	_ =	sdelay $0x3  }
0x36: {  	p1 =	seq.s32 s10, $0x1;
	s10 =	sld [smem:$0x3F97];
	_ =	sdelay $0x3  }
0x37: {  	[smem:$0x3F97] =	sst s10  }
0x38: {  	s10 =	sld [smem:$0x3F98]  }
0x39: {  	_ = 	snop;
	(pc) =	sbr.ind lr, $3  }
0x3a: {  	_ = 	snop  }
0x3b: {  	_ = 	snop  }
0x3c: {  	p2 =	seq.s32 s10, $0x1;
	s10 =	sld [smem:$0x3F97]  }
0x3d: {  	_ =	shalt  }
0x3e: {  	_ =	shalt  }
0x3f: {  	_ =	shalt  }
0x40: {  	_ =	shalt  }
0x41: {  	_ =	shalt  }
0x42: {  	_ =	shalt  }
0x43: {  	_ =	shalt  }
0x44: {  	_ =	shalt  }
0x45: {  	_ =	shalt  }
0x46: {  	_ =	shalt  }
0x47: {  	_ =	shalt  }
0x48: {  	_ =	shalt  }
0x49: {  	_ =	shalt  }
0x4a: {  	_ =	shalt  }
0x4b: {  	_ =	shalt  }
0x4c: {  	_ =	shalt  }
0x4d: {  	_ =	shalt  }
0x4e: {  	_ =	shalt  }
0x4f: {  	_ =	shalt  }
0x50: {  	_ =	shalt  }
0x51: {  	_ =	shalt  }
0x52: {  	_ =	shalt  }
0x53: {  	_ =	shalt  }
0x54: {  	_ =	shalt  }
0x55: {  	_ =	shalt  }
0x56: {  	_ =	shalt  }
0x57: {  	_ =	shalt  }
0x58: {  	_ =	shalt  }
0x59: {  	_ =	shalt  }
0x5a: {  	_ =	shalt  }
0x5b: {  	_ =	shalt  }
0x5c: {  	_ =	shalt  }
0x5d: {  	_ =	shalt  }
0x5e: {  	_ =	shalt  }
0x5f: {  	_ =	shalt  }
0x60: {  	_ =	shalt  }
0x61: {  	_ =	shalt  }
0x62: {  	_ =	shalt  }
0x63: {  	_ =	shalt  }
0x64: {  	_ =	shalt  }
0x65: {  	_ =	shalt  }
0x66: {  	_ =	shalt  }
0x67: {  	_ =	shalt  }
0x68: {  	_ =	shalt  }
0x69: {  	_ =	shalt  }
0x6a: {  	_ =	shalt  }
0x6b: {  	_ =	shalt  }
0x6c: {  	_ =	shalt  }
0x6d: {  	_ =	shalt  }
0x6e: {  	_ =	shalt  }
0x6f: {  	_ =	shalt  }
0x70: {  	_ =	shalt  }
0x71: {  	_ =	shalt  }
0x72: {  	_ =	shalt  }
0x73: {  	_ =	shalt  }
0x74: {  	_ =	shalt  }
0x75: {  	_ =	shalt  }
0x76: {  	_ =	shalt  }
0x77: {  	_ =	shalt  }
0x78: {  	_ =	shalt  }
0x79: {  	_ =	shalt  }
0x7a: {  	_ =	shalt  }
0x7b: {  	_ =	shalt  }
0x7c: {  	_ =	shalt  }
0x7d: {  	_ =	shalt  }
0x7e: {  	_ =	shalt  }
0x7f: {  	_ =	shalt  }
0x80: {  	_ =	shalt  }
0x81: {  	_ =	shalt  }
0x82: {  	_ =	shalt  }
0x83: {  	_ =	shalt  }
0x84: {  	_ =	shalt  }
0x85: {  	_ =	shalt  }
0x86: {  	_ =	shalt  }
0x87: {  	_ =	shalt  }
.Lfunc_end0:
.L_simem_size_0:
called_computation.3_lowered:
.L_overlay_start_0:
0x88: {  	s2 =	sld [smem:$0x3FD9]  }
0x89: {  	s3 =	sld [smem:$0x3FFE];
	_ =	sdelay $0x1  }
0x8a: {  	s1 =	srdreg.scid  }
0x8b: {  	s0 =	sand.u32 $0x1, s1  }
0x8c: {  	s16 =	sshll.u32 s0, $0xA;
	s2 =	sadd.s32 s3, s2  }
0x8d: {  	s2 =	sadd.s32 s2, s16  }
0x8e: {  	[smem:$0x3FA3] =	sst s2  }
0x8f: {  	_ = 	snop  }
0x90: {  	(tm) =	ssettm $0x1  }
0x91: {  	s17 =	sld [smem:$0x3FFB];
	_ =	sdelay $0x3  }
0x92: {  	_ =	strace s17  }
0x93: {  	s2 =	sld [smem:$0x3FFC];
	_ =	sdelay $0x3  }
0x94: {  	_ =	strace s2  }
0x95: {  	s2 =	sld [smem:$0x3FFD];
	_ =	sdelay $0x3  }
0x96: {  	_ =	strace s2  }
0x97: {  	_ =	strace $0x8FFFFFFF  }
0x98: {  	s18 =	sld [smem:$0x3FDB];
	_ =	sdelay $0x1  }
0x99: {  	s19 =	simm.s32 $_scs_section_size  }
0x9a: {  	s4 =	simm.s32 $_size__tile_overlayer_lowered;
	s5 =	simm.s32 $_tile_overlayer_lowered  }
0x9b: {  	s22 =	simm.s32 $0x1BFF;
	s21 =	sshll.u32 s5, $0x1;
	s2 =	sadd.s32 s19, s18  }
0x9c: {  	s6 =	simm.s32 $0x0;
	s20 =	sshll.u32 s4, $0x1;
	s4 =	sadd.s32 s21, s2  }
0x9d: {  	[timem:s6], [sflag:s22] =	dma.local [hbm:s4], s20  }
0x9e: {  	_ =	swait.ge [sflag:s22], s20  }
0x9f: {  	s3 =	ssub.s32 $0x0, s20;
	[sflag:s22] =	ssyncset.done $0x0  }
0xa0: {  	[sflag:s22] =	ssyncadd.s32 s3;
	_ =	sdelay $0x1  }
0xa1: {  	s23 =	simm.s32 $0x1B8B  }
0xa2: {  	_ =	swait.ge [sflag:s23], $0x1  }
0xa3: {  	[sflag:s23] =	ssyncset.done $0x0  }
0xa4: {  	s25 =	simm.s32 $0x1B8E;
	s24 =	sld [smem:$0x3FFE];
	[sflag:s23] =	ssyncadd.s32 $0xFFFFFFFF  }
0xa5: {  	s26 =	simm.s32 $execute0_lowered;
	[smem:$0x3FD2] =	sst s25  }
0xa6: {  	s4 =	sshll.u32 s26, $0x1;
	_ =	strace $0x8000004F;
	[dreg:$0x1] =	wrdreg $0xFFFFFFFF  }
0xa7: {  	s28 =	simm.s32 $_size_execute0_lowered;
	s2 =	sadd.s32 s2, s4;
	[dreg:$0x0] =	wrdreg $0x0  }
0xa8: {  	s4 =	sshll.u32 s28, $0x1;
	[dreg:$0x2] =	wrdreg s2  }
0xa9: {  	[dreg:$0x3] =	wrdreg s4  }
0xaa: {  	[dreg:$0x4] =	wrdreg $0xC0  }
0xab: {  	_ =	task [dreg:s6], $0x5FFFF  }
0xac: {  	[dreg:$0x1] =	wrdreg $0xFFFFFFFF  }
0xad: {  	[dreg:$0x0] =	wrdreg $0x60  }
0xae: {  	[dreg:$0x2] =	wrdreg s24  }
0xaf: {  	[dreg:$0x3] =	wrdreg $0x48000  }
0xb0: {  	[dreg:$0x4] =	wrdreg $0x9  }
0xb1: {  	_ =	task.clear_ibuf [dreg:s6], $0x5FFFF;
	_ =	strace $0x9000004F  }
0xb2: {  	s29 =	simm.s32 $0x9;
	_ =	strace $0x80000051  }
0xb3: {  	_ =	swait.ge [sflag:s29], $0x1  }
0xb4: {  	[sflag:s29] =	ssyncadd.s32 $0xFFFFFFFF  }
0xb5: {  	_ =	strace $0x90000051  }
0xb6: {  	_ =	sfence  }
0xb7: {  	s30 =	sld [smem:$0x0];
	_ =	sdelay $0x2  }
0xb8: {  	s31 =	sshll.u32 s1, $0xD;
	s1 =	sshrl.u32 s1, $0x2  }
0xb9: {  	s3 =	sand.u32 $0x4000, s31;
	s1 =	sadd.s32 s1, s30  }
0xba: {  	s0 =	sor.u32 s3, s0;
	s1 =	sshll.u32 s1, $0x11  }
0xbb: {  	s0 =	sor.u32 s1, s0  }
0xbc: {  	s0 =	sadd.s32 $0x8F2B, s0  }
0xbd: {  	[sflag:s0] =	ssyncadd.remote.s32 $0x1  }
0xbe: {  	_ =	sfence.sel $0xFFFF  }
0xbf: {  	[dreg:$0x0] =	wrdreg $0xFFFFFFFF;
	(pc) =	sbr.abs _section_cstart, $3  }
0xc0: {  	[dreg:$0x1] =	wrdreg $0xFFFFFFFF  }
0xc1: {  	_ =	task.clear_ibuf [dreg:s6], $0x2FFFF;
	_ =	strace $0x9FFFFFFF  }
0xc2: {  	(tm) =	ssettm $0x7FFFFFFF  }
0xc3: {  	_ =	shalt  }
tec
execute0_lowered:
.L_overlay_start_1:
0x0: {  	(tag) =	ssettag $0x1  }
0x1: {  	s13 =	rddreg [dreg:$0x0]  }
0x2: {  	s2 =	rddreg [dreg:$0x1]  }
0x3: {  	s0 =	rddreg [dreg:$0x2];
	s1 =	stileid.u32;
	s3 =	simm.s32 $0x0  }
0x4: {  	s5 =	srdreg.scid;
	s20 =	simm.s32 $0x2;
	s21 =	simm.s32 $0x400  }
0x5: {  	s22 =	simm.s32 $0x800;
	s23 =	simm.s32 $0x1;
	s4 =	smul.u32 $0x3100, s1  }
0x6: {  	s24 =	simm.s32 $0x0;
	[smem:$0x7FF] =	sst s3;
	s6 =	smul.u32 $0x18700, s1  }
0x7: {  	s7 =	sand.u32 $0x1, s5;
	s5 =	sadd.s32 $0x7C00, s13;
	s17 =	sadd.s32 $0x16E900, s2  }
0x8: {  	s11 =	sadd.s32 $0x35920, s13;
	p1 =	seq.s32 s1, $0xF;
	_ =	strace $0x80000050  }
0x9: {  	s8 =	ssub.s32 $0x2, s7;
	p0 =	seq.s32 s7, $0x1;
	s7 =	sadd.s32 $0x66720, s13  }
0xa: {  	s18 =	sshll.u32 @!p1 s1, $0x6;
	s17 =	sshrl.u32 @p1 s17, $0x3;
	s16 =	sadd.s32 s4, s13  }
0xb: {  	s4 =	sadd.s32 $0x38A00, s13;
	s10 =	sshrl.u32 s6, $0x3;
	s9 =	sshrl.u32 s8, $0x1  }
.Ltmp0:
0xc: {  	s19 =	sadd.s32 s6, s2;
	s18 =	sor.u32 @!p1 $0x1C02, s18;
	(pc) =	sbr.rel .LBB2_1-.Ltmp0, $4  }
0xd: {  	s12 =	sadd.s32 s10, s13;
	s14 =	ssub.s32 s8, s9;
	s6 =	sadd.s32 s4, s10  }
0xe: {  	s9 =	sadd.s32 $0x97520, s13;
	s10 =	sadd.s32 s5, s10;
	s13 =	sadd.s32 $0xC8260, s13  }
0xf: {  	s15 =	sadd.s32 $0x18F600, s16;
	s16 =	sadd.s32 $0x15E600, s16;
	s19 =	sshrl.u32 @!p1 s19, $0x3  }
0x10: {  	s8 =	sadd.s32 $0x69800, s12;
	s12 =	sadd.s32 $0x9A540, s12;
	s14 =	smax.u32 s14, $0x1  }
.LBB2_7:
0x11: {  	s26 =	sadd.s32 s25, s16;
	[sflag:s20] =	ssyncadd.s32 $0xFFFFC000  }
0x12: {  	[tilespmem:s3], [sflag:$0x2] =	stream.linear.gather [hbm4b:s26+s3], $0x400, $0x38;
	[tilespmem:$0x1CEA8] =	vst v63  }
0x13: {  	_ =	swait.ge [sflag:s20], $0x400  }
0x14: {  	[sflag:s20] =	ssyncset.done $0x0  }
0x15: {  	s31 =	sadd.s32 s25, s15;
	[sflag:s20] =	ssyncadd.s32 $0xFFFFFC00  }
0x16: {  	[tilespmem:s21], [sflag:$0x2] =	stream.linear.gather [hbm4b:s31+s3], $0x400, $0x38;
	[tilespmem:$0x1CEA8] =	vst v63  }
0x17: {  	_ =	swait.ge [sflag:s20], $0x400  }
0x18: {  	[sflag:s20] =	ssyncset.done $0x0  }
0x19: {  	[sflag:s20] =	ssyncadd.s32 $0xFFFFFC00  }
0x1a: {  	[tilespmem:s22], [sflag:$0x1] =	stream.indirect.gather [hbm4b:s5+s21], $0x10, s3, s21, $0xb8;
	[tilespmem:$0x1CEA8] =	vst v63  }
0x1b: {  	_ =	swait.ge [sflag:s23], $0x4000  }
0x1c: {  	[sflag:s23] =	ssyncset.done $0x0  }
0x1d: {  	[sflag:s23] =	ssyncadd.s32 $0xFFFFC000  }
0x1e: {  	[spmem:s2] =	stream.indirect.scatter.add.f32 [tilespmem:s22], [sflag:$0x2], $0x10, s21, s21, $0xb8;
	[tilespmem:$0x1CEA8] =	vst v63  }
0x1f: {  	_ =	swait.ge [sflag:s20], $0x4000  }
0x20: {  	[sflag:s20] =	ssyncset.done $0x0  }
0x21: {  	[sflag:s20] =	ssyncadd.s32 $0xFFFFC000  }
0x22: {  	s25 =	simm.s32 @p1 $0x1FC2;
	[bflag:$0x0] =	sbarrier.arrive $0xFFFF  }
0x23: {  	[hbm:s13], [sflag:s25] =	dma.local @p1 [spmem:s17], $0x3020  }
0x24: {  	s25 =	simm.s32 @p1 $0x2  }
0x25: {  	_ =	swait.ge @p1 [sflag:s25], $0x3020  }
0x26: {  	[sflag:s25] =	ssyncset.done @p1 $0x0  }
0x27: {  	[sflag:s25] =	ssyncadd.s32 @p1 $0xFFFFCFE0;
	s25 =	simm.s32 @!p1 $0x2  }
0x28: {  	[hbm:s12], [sflag:s18] =	dma.local @!p1 [spmem:s19], $0x30E0  }
0x29: {  	_ =	swait.ge @!p1 [sflag:s25], $0x30E0  }
0x2a: {  	[sflag:s25] =	ssyncset.done @!p1 $0x0  }
0x2b: {  	[sflag:s25] =	ssyncadd.s32 @!p1 $0xFFFFCF20  }
.LBB2_8:
0x2c: {  	s24 =	sadd.s32 $0x1, s24  }
0x2d: {  	p2 =	sne.s32 s24, s14  }
.Ltmp1:
0x2e: {  	_ = 	snop;
	(pc) =	sbr.rel @!p2 .LBB2_9-.Ltmp1, $2  }
0x2f: {  	_ =	sdelay $0x1  }
0x30: {  	[bflag:$0x0] =	sbarrier.arrive $0xFFFF;
	_ =	sdelay $0x1  }
.LBB2_1:
.Ltmp2:
0x31: {  	(pc) =	sbr.rel @!p0 .LBB2_2-.Ltmp2, $1  }
0x32: {  	_ =	sdelay $0x3  }
0x33: {  	s25 =	simm.s32 @p1 $0x1FC2  }
0x34: {  	[spmem:s17], [sflag:s25] =	dma.local @p1 [hbm:s11], $0x3020  }
0x35: {  	s25 =	simm.s32 @p1 $0x2  }
0x36: {  	_ =	swait.ge @p1 [sflag:s25], $0x3020  }
0x37: {  	[sflag:s25] =	ssyncset.done @p1 $0x0  }
0x38: {  	[sflag:s25] =	ssyncadd.s32 @p1 $0xFFFFCFE0;
	s25 =	simm.s32 @!p1 $0x2  }
0x39: {  	[spmem:s19], [sflag:s18] =	dma.local @!p1 [hbm:s10], $0x30E0  }
0x3a: {  	_ =	swait.ge @!p1 [sflag:s25], $0x30E0  }
0x3b: {  	[sflag:s25] =	ssyncset.done @!p1 $0x0  }
0x3c: {  	[sflag:s25] =	ssyncadd.s32 @!p1 $0xFFFFCF20  }
0x3d: {  	s30 =	sadd.s32 $0x0, s16;
	[bflag:$0x0] =	sbarrier.arrive $0xFFFF  }
0x3e: {  	[tilespmem:s3], [sflag:$0x2] =	stream.linear.gather [hbm4b:s30+s3], $0x400, $0x38;
	[tilespmem:$0x1CEA8] =	vst v63  }
0x3f: {  	_ =	swait.ge [sflag:s20], $0x400  }
0x40: {  	[sflag:s20] =	ssyncset.done $0x0  }
0x41: {  	s31 =	sadd.s32 $0x0, s15;
	[sflag:s20] =	ssyncadd.s32 $0xFFFFFC00  }
0x42: {  	[tilespmem:s21], [sflag:$0x2] =	stream.linear.gather [hbm4b:s31+s3], $0x400, $0x38;
	[tilespmem:$0x1CEA8] =	vst v63  }
0x43: {  	_ =	swait.ge [sflag:s20], $0x400  }
0x44: {  	[sflag:s20] =	ssyncset.done $0x0  }
0x45: {  	[sflag:s20] =	ssyncadd.s32 $0xFFFFFC00  }
0x46: {  	[tilespmem:s22], [sflag:$0x1] =	stream.indirect.gather [hbm4b:s5+s21], $0x10, s3, s21, $0xb8;
	[tilespmem:$0x1CEA8] =	vst v63  }
0x47: {  	_ =	swait.ge [sflag:s23], $0x4000  }
0x48: {  	[sflag:s23] =	ssyncset.done $0x0  }
0x49: {  	[sflag:s23] =	ssyncadd.s32 $0xFFFFC000  }
0x4a: {  	[spmem:s2] =	stream.indirect.scatter.add.f32 [tilespmem:s22], [sflag:$0x2], $0x10, s21, s21, $0xb8;
	[tilespmem:$0x1CEA8] =	vst v63  }
0x4b: {  	_ =	swait.ge [sflag:s20], $0x4000  }
0x4c: {  	s26 =	simm.s32 $0x100;
	s25 =	simm.s32 $0x80;
	[sflag:s20] =	ssyncset.done $0x0  }
.LBB2_6:
0x4d: {  	s28 =	sadd.s32 s25, s16  }
0x4e: {  	[sflag:s20] =	ssyncadd.s32 $0xFFFFC000;
	s29 =	smov.u32 s26;
	s30 =	sadd.s32 $0x80, s26  }
0x4f: {  	[tilespmem:s3], [sflag:$0x2] =	stream.linear.gather [hbm4b:s28+s3], $0x400, $0x38;
	[tilespmem:$0x1CEA8] =	vst v63  }
0x50: {  	p2 =	sne.s32 s26, $0x3080;
	_ =	swait.ge [sflag:s20], $0x400  }
0x51: {  	[sflag:s20] =	ssyncset.done $0x0  }
0x52: {  	s26 =	sadd.s32 s25, s15;
	s25 =	smov.u32 s29;
	[sflag:s20] =	ssyncadd.s32 $0xFFFFFC00  }
0x53: {  	[tilespmem:s21], [sflag:$0x2] =	stream.linear.gather [hbm4b:s26+s3], $0x400, $0x38;
	[tilespmem:$0x1CEA8] =	vst v63  }
0x54: {  	_ =	swait.ge [sflag:s20], $0x400  }
0x55: {  	[sflag:s20] =	ssyncset.done $0x0  }
0x56: {  	[sflag:s20] =	ssyncadd.s32 $0xFFFFFC00  }
0x57: {  	[tilespmem:s22], [sflag:$0x1] =	stream.indirect.gather [hbm4b:s5+s21], $0x10, s3, s21, $0xb8;
	[tilespmem:$0x1CEA8] =	vst v63  }
0x58: {  	_ =	swait.ge [sflag:s23], $0x4000  }
.Ltmp3:
0x59: {  	[sflag:s23] =	ssyncset.done $0x0;
	(pc) =	sbr.rel @p2 .LBB2_6-.Ltmp3, $4  }
0x5a: {  	[sflag:s23] =	ssyncadd.s32 $0xFFFFC000  }
0x5b: {  	[spmem:s2] =	stream.indirect.scatter.add.f32 [tilespmem:s22], [sflag:$0x2], $0x10, s21, s21, $0xb8;
	[tilespmem:$0x1CEA8] =	vst v63  }
0x5c: {  	_ =	swait.ge [sflag:s20], $0x4000  }
0x5d: {  	s26 =	smov.u32 s30;
	[sflag:s20] =	ssyncset.done $0x0  }
.Ltmp4:
0x5e: {  	_ = 	snop;
	(pc) =	sbr.rel .LBB2_7-.Ltmp4, $1  }
0x5f: {  	_ =	sdelay $0x3  }
.LBB2_2:
0x60: {  	s25 =	simm.s32 @p1 $0x1FC2  }
0x61: {  	[spmem:s17], [sflag:s25] =	dma.local @p1 [hbm:s7], $0x3020  }
0x62: {  	s25 =	simm.s32 @p1 $0x2  }
0x63: {  	_ =	swait.ge @p1 [sflag:s25], $0x3020  }
0x64: {  	[sflag:s25] =	ssyncset.done @p1 $0x0  }
0x65: {  	[sflag:s25] =	ssyncadd.s32 @p1 $0xFFFFCFE0;
	s25 =	simm.s32 @!p1 $0x2  }
0x66: {  	[spmem:s19], [sflag:s18] =	dma.local @!p1 [hbm:s6], $0x30E0  }
0x67: {  	_ =	swait.ge @!p1 [sflag:s25], $0x30E0  }
0x68: {  	[sflag:s25] =	ssyncset.done @!p1 $0x0  }
0x69: {  	[sflag:s25] =	ssyncadd.s32 @!p1 $0xFFFFCF20  }
0x6a: {  	s30 =	sadd.s32 $0x0, s16;
	[bflag:$0x0] =	sbarrier.arrive $0xFFFF  }
0x6b: {  	[tilespmem:s3], [sflag:$0x2] =	stream.linear.gather [hbm4b:s30+s3], $0x400, $0x38;
	[tilespmem:$0x1CEA8] =	vst v63  }
0x6c: {  	_ =	swait.ge [sflag:s20], $0x400  }
0x6d: {  	[sflag:s20] =	ssyncset.done $0x0  }
0x6e: {  	s31 =	sadd.s32 $0x0, s15;
	[sflag:s20] =	ssyncadd.s32 $0xFFFFFC00  }
0x6f: {  	[tilespmem:s21], [sflag:$0x2] =	stream.linear.gather [hbm4b:s31+s3], $0x400, $0x38;
	[tilespmem:$0x1CEA8] =	vst v63  }
0x70: {  	_ =	swait.ge [sflag:s20], $0x400  }
0x71: {  	[sflag:s20] =	ssyncset.done $0x0  }
0x72: {  	[sflag:s20] =	ssyncadd.s32 $0xFFFFFC00  }
0x73: {  	[tilespmem:s22], [sflag:$0x1] =	stream.indirect.gather [hbm4b:s4+s21], $0x10, s3, s21, $0xb8;
	[tilespmem:$0x1CEA8] =	vst v63  }
0x74: {  	_ =	swait.ge [sflag:s23], $0x4000  }
0x75: {  	[sflag:s23] =	ssyncset.done $0x0  }
0x76: {  	[sflag:s23] =	ssyncadd.s32 $0xFFFFC000  }
0x77: {  	[spmem:s2] =	stream.indirect.scatter.add.f32 [tilespmem:s22], [sflag:$0x2], $0x10, s21, s21, $0xb8;
	[tilespmem:$0x1CEA8] =	vst v63  }
0x78: {  	_ =	swait.ge [sflag:s20], $0x4000  }
0x79: {  	s26 =	simm.s32 $0x100;
	s25 =	simm.s32 $0x80;
	[sflag:s20] =	ssyncset.done $0x0  }
.LBB2_3:
0x7a: {  	s28 =	sadd.s32 s25, s16  }
0x7b: {  	[sflag:s20] =	ssyncadd.s32 $0xFFFFC000;
	s29 =	smov.u32 s26;
	s30 =	sadd.s32 $0x80, s26  }
0x7c: {  	[tilespmem:s3], [sflag:$0x2] =	stream.linear.gather [hbm4b:s28+s3], $0x400, $0x38;
	[tilespmem:$0x1CEA8] =	vst v63  }
0x7d: {  	p2 =	sne.s32 s26, $0x3080;
	_ =	swait.ge [sflag:s20], $0x400  }
0x7e: {  	[sflag:s20] =	ssyncset.done $0x0  }
0x7f: {  	s26 =	sadd.s32 s25, s15;
	s25 =	smov.u32 s29;
	[sflag:s20] =	ssyncadd.s32 $0xFFFFFC00  }
0x80: {  	[tilespmem:s21], [sflag:$0x2] =	stream.linear.gather [hbm4b:s26+s3], $0x400, $0x38;
	[tilespmem:$0x1CEA8] =	vst v63  }
0x81: {  	_ =	swait.ge [sflag:s20], $0x400  }
0x82: {  	[sflag:s20] =	ssyncset.done $0x0  }
0x83: {  	[sflag:s20] =	ssyncadd.s32 $0xFFFFFC00  }
0x84: {  	[tilespmem:s22], [sflag:$0x1] =	stream.indirect.gather [hbm4b:s4+s21], $0x10, s3, s21, $0xb8;
	[tilespmem:$0x1CEA8] =	vst v63  }
0x85: {  	_ =	swait.ge [sflag:s23], $0x4000  }
.Ltmp5:
0x86: {  	[sflag:s23] =	ssyncset.done $0x0;
	(pc) =	sbr.rel @p2 .LBB2_3-.Ltmp5, $4  }
0x87: {  	[sflag:s23] =	ssyncadd.s32 $0xFFFFC000  }
0x88: {  	[spmem:s2] =	stream.indirect.scatter.add.f32 [tilespmem:s22], [sflag:$0x2], $0x10, s21, s21, $0xb8;
	[tilespmem:$0x1CEA8] =	vst v63  }
0x89: {  	_ =	swait.ge [sflag:s20], $0x4000  }
0x8a: {  	s26 =	smov.u32 s30;
	[sflag:s20] =	ssyncset.done $0x0  }
0x8b: {  	s26 =	sadd.s32 s25, s16;
	[sflag:s20] =	ssyncadd.s32 $0xFFFFC000  }
0x8c: {  	[tilespmem:s3], [sflag:$0x2] =	stream.linear.gather [hbm4b:s26+s3], $0x400, $0x38;
	[tilespmem:$0x1CEA8] =	vst v63  }
0x8d: {  	_ =	swait.ge [sflag:s20], $0x400  }
0x8e: {  	[sflag:s20] =	ssyncset.done $0x0  }
0x8f: {  	s31 =	sadd.s32 s25, s15;
	[sflag:s20] =	ssyncadd.s32 $0xFFFFFC00  }
0x90: {  	[tilespmem:s21], [sflag:$0x2] =	stream.linear.gather [hbm4b:s31+s3], $0x400, $0x38;
	[tilespmem:$0x1CEA8] =	vst v63  }
0x91: {  	_ =	swait.ge [sflag:s20], $0x400  }
0x92: {  	[sflag:s20] =	ssyncset.done $0x0  }
0x93: {  	[sflag:s20] =	ssyncadd.s32 $0xFFFFFC00  }
0x94: {  	[tilespmem:s22], [sflag:$0x1] =	stream.indirect.gather [hbm4b:s4+s21], $0x10, s3, s21, $0xb8;
	[tilespmem:$0x1CEA8] =	vst v63  }
0x95: {  	_ =	swait.ge [sflag:s23], $0x4000  }
0x96: {  	[sflag:s23] =	ssyncset.done $0x0  }
0x97: {  	[sflag:s23] =	ssyncadd.s32 $0xFFFFC000  }
0x98: {  	[spmem:s2] =	stream.indirect.scatter.add.f32 [tilespmem:s22], [sflag:$0x2], $0x10, s21, s21, $0xb8;
	[tilespmem:$0x1CEA8] =	vst v63  }
0x99: {  	_ =	swait.ge [sflag:s20], $0x4000  }
0x9a: {  	[sflag:s20] =	ssyncset.done $0x0  }
0x9b: {  	[sflag:s20] =	ssyncadd.s32 $0xFFFFC000  }
0x9c: {  	s25 =	simm.s32 @p1 $0x1FC2;
	[bflag:$0x0] =	sbarrier.arrive $0xFFFF  }
0x9d: {  	[hbm:s9], [sflag:s25] =	dma.local @p1 [spmem:s17], $0x3020  }
0x9e: {  	s25 =	simm.s32 @p1 $0x2  }
0x9f: {  	_ =	swait.ge @p1 [sflag:s25], $0x3020  }
0xa0: {  	[sflag:s25] =	ssyncset.done @p1 $0x0  }
.Ltmp6:
0xa1: {  	[sflag:s25] =	ssyncadd.s32 @p1 $0xFFFFCFE0;
	s25 =	simm.s32 @!p1 $0x2;
	(pc) =	sbr.rel .LBB2_8-.Ltmp6, $4  }
0xa2: {  	[hbm:s8], [sflag:s18] =	dma.local @!p1 [spmem:s19], $0x30E0  }
0xa3: {  	_ =	swait.ge @!p1 [sflag:s25], $0x30E0  }
0xa4: {  	[sflag:s25] =	ssyncset.done @!p1 $0x0  }
0xa5: {  	[sflag:s25] =	ssyncadd.s32 @!p1 $0xFFFFCF20  }
.LBB2_9:
0xa6: {  	_ =	sfence.sel $0x180000  }
0xa7: {  	[bflag:$0x0] =	sbarrier.arrive $0xFFFF  }
0xa8: {  	p0 =	sne.s32 s1, $0x0;
	_ =	strace $0x90000050  }
0xa9: {  	s0 =	sadd.s32 @!p0 $0x100000, s0;
	[bflag:$0x2] =	sbarrier.arrive $0xFFFF  }
0xaa: {  	[sflag:s0] =	ssyncadd.tile.s32 @!p0 $0x1;
	_ =	shalt  }
.Lfunc_end2:
_tile_overlayer_lowered:
.L_overlay_start_2:
0xab: {  	(tag) =	ssettag $0x2  }
0xac: {  	s0 =	rddreg [dreg:$0x0];
	s2 =	stileid.u32  }
0xad: {  	s1 =	rddreg [dreg:$0x1];
	p0 =	sne.s32 s2, $0x0  }
0xae: {  	s3 =	rddreg [dreg:$0x2];
	[bflag:$0x3] =	sbarrier.arrive $0xFFFF;
	s2 =	simm.s32 @!p0 $0x1C02  }
0xaf: {  	[timem:s3], [sflag:s2] =	dma.local @!p0 [hbm:s0], s1  }
0xb0: {  	s0 =	simm.s32 @!p0 $0x2  }
0xb1: {  	_ =	swait.ge @!p0 [sflag:s0], s1  }
0xb2: {  	s1 =	ssub.s32 @!p0 $0x0, s1;
	[sflag:s0] =	ssyncset.done @!p0 $0x0  }
0xb3: {  	[sflag:s0] =	ssyncadd.s32 @!p0 s1  }
0xb4: {  	[bflag:$0x3] =	sbarrier.arrive $0xFFFF  }
0xb5: {  	_ =	shalt  }

// kernel: kernel.29.cloned.1.call-start
scs
__scs_entry_jumppad:
0x0: {  	(pc) =	sbr.rel $0x88, $3  }
0x1: {  	(tag) =	ssettag $0x0;
	lr =	simm.s32 $0x1  }
0x2: {  	[smem:$0x3F7C] =	sst lr;
	_ =	strace $0xD0000000  }
0x3: {  	_ = 	snop  }
0x4: {  	_ = 	snop  }
0x5: {  	_ = 	snop  }
0x6: {  	_ = 	snop  }
0x7: {  	_ = 	snop  }
__scs_overlays_trampoline_lowered:
0x8: {  	[smem:$0x3F8B] =	sst s0  }
0x9: {  	[smem:$0x3F8C] =	sst s1  }
0xa: {  	[smem:$0x3F8D] =	sst s2  }
0xb: {  	[smem:$0x3F8E] =	sst s3  }
0xc: {  	[smem:$0x3F8F] =	sst s4  }
0xd: {  	[smem:$0x3F90] =	sst s5  }
0xe: {  	[smem:$0x3F91] =	sst s6  }
0xf: {  	[smem:$0x3F92] =	sst s7  }
0x10: {  	[smem:$0x3F93] =	sst s8  }
0x11: {  	[smem:$0x3F94] =	sst s9;
	s0 =	simm.s32 @!p0 $0x0  }
0x12: {  	s1 =	sld [smem:$0x3F7A];
	s0 =	simm.s32 @p0 $0x1  }
0x13: {  	[smem:$0x3F95] =	sst s0;
	s0 =	simm.s32 @!p1 $0x0  }
0x14: {  	s2 =	sld [smem:$0x3F79];
	s0 =	simm.s32 @p1 $0x1  }
0x15: {  	[smem:$0x3F96] =	sst s0;
	s0 =	simm.s32 @!p2 $0x0  }
0x16: {  	s3 =	sld [smem:$0x3FDB];
	s0 =	simm.s32 @p2 $0x1  }
0x17: {  	s4 =	simm.s32 $0x1BF5;
	[smem:$0x3F98] =	sst s0  }
0x18: {  	s0 =	sld [smem:$0x3F7B];
	_ =	swait.ge [sflag:s4], $0x0  }
0x19: {  	s7 =	sld [smem:$0x3F7C]  }
0x1a: {  	s8 =	sadd.s32 $0xFFFFE003, lr  }
0x1b: {  	s9 =	sadd.s32 $0xFFFFFEF7, lr;
	s5 =	simm.s32 $0xFFFFFFFF;
	p2 =	slt.u32 s8, $0xFFFFF086  }
0x1c: {  	p1 =	slt.u32 s9, $0xF7A;
	s5 =	simm.s32 @!p2 $0x0  }
0x1d: {  	s5 =	simm.s32 @p1 $0x1;
	p0 =	seq.s32 s7, s2  }
0x1e: {  	s7 =	smul.u32 @!p0 $0xF7A, s2;
	p2 =	seq.s32 @!p0 s5, $0x0  }
0x1f: {  	s9 =	smul.u32 $0xF7A, s1;
	s8 =	simm.s32 @!p0 $0x1BF5;
	p2 =	por !p2, p0  }
0x20: {  	[sflag:s8] =	ssyncset.s32 @!p0 $0xFFFFF086;
	s6 =	sadd.s32 @!p0 s3, s7;
	s7 =	simm.s32 @!p0 $0x108  }
0x21: {  	s3 =	sadd.s32 s3, s9;
	s6 =	sadd.s32 @!p0 $0x88, s6;
	s7 =	simm.s32 @p2 $0x1082  }
0x22: {  	[simem:s7], [sflag:s8] =	dma.local @!p0 [hbm:s6], $0xF7A  }
0x23: {  	s9 =	sor.u32 $0xD0000000, s2;
	s6 =	simm.s32 $0x108;
	_ =	swait.ge @!p0 [sflag:s8], $0x0  }
0x24: {  	s3 =	sadd.s32 $0x88, s3;
	s6 =	simm.s32 @!p1 $0x1082;
	[sflag:s4] =	ssyncset.s32 $0xFFFFF086  }
0x25: {  	[simem:s6], [sflag:s4] =	dma.local [hbm:s3], $0xF7A  }
0x26: {  	[smem:$0x3F7C] =	sst s1;
	(tag) =	ssettag s2;
	_ =	strace s9  }
0x27: {  	s1 =	sld [smem:$0x3F8C]  }
0x28: {  	s2 =	sld [smem:$0x3F8D]  }
0x29: {  	s4 =	sld [smem:$0x3F8F]  }
0x2a: {  	p0 =	seq.s32 s5, $0x0;
	s5 =	sld [smem:$0x3F90]  }
0x2b: {  	s6 =	sld [smem:$0x3F91]  }
0x2c: {  	s7 =	sld [smem:$0x3F92]  }
0x2d: {  	s3 =	simm.s32 $0x108;
	s8 =	sld [smem:$0x3F93]  }
0x2e: {  	s3 =	simm.s32 @!p0 $0x1082;
	s9 =	sld [smem:$0x3F94]  }
0x2f: {  	lr =	sadd.s32 s0, s3;
	s0 =	sld [smem:$0x3F8B]  }
0x30: {  	s3 =	sld [smem:$0x3F8E]  }
0x31: {  	[smem:$0x3F97] =	sst s10  }
0x32: {  	s10 =	sld [smem:$0x3F95];
	_ =	sdelay $0x3  }
0x33: {  	p0 =	seq.s32 s10, $0x1;
	s10 =	sld [smem:$0x3F97];
	_ =	sdelay $0x3  }
0x34: {  	[smem:$0x3F97] =	sst s10  }
0x35: {  	s10 =	sld [smem:$0x3F96];
	_ =	sdelay $0x3  }
0x36: {  	p1 =	seq.s32 s10, $0x1;
	s10 =	sld [smem:$0x3F97];
	_ =	sdelay $0x3  }
0x37: {  	[smem:$0x3F97] =	sst s10  }
0x38: {  	s10 =	sld [smem:$0x3F98]  }
0x39: {  	_ = 	snop;
	(pc) =	sbr.ind lr, $3  }
0x3a: {  	_ = 	snop  }
0x3b: {  	_ = 	snop  }
0x3c: {  	p2 =	seq.s32 s10, $0x1;
	s10 =	sld [smem:$0x3F97]  }
0x3d: {  	_ =	shalt  }
0x3e: {  	_ =	shalt  }
0x3f: {  	_ =	shalt  }
0x40: {  	_ =	shalt  }
0x41: {  	_ =	shalt  }
0x42: {  	_ =	shalt  }
0x43: {  	_ =	shalt  }
0x44: {  	_ =	shalt  }
0x45: {  	_ =	shalt  }
0x46: {  	_ =	shalt  }
0x47: {  	_ =	shalt  }
0x48: {  	_ =	shalt  }
0x49: {  	_ =	shalt  }
0x4a: {  	_ =	shalt  }
0x4b: {  	_ =	shalt  }
0x4c: {  	_ =	shalt  }
0x4d: {  	_ =	shalt  }
0x4e: {  	_ =	shalt  }
0x4f: {  	_ =	shalt  }
0x50: {  	_ =	shalt  }
0x51: {  	_ =	shalt  }
0x52: {  	_ =	shalt  }
0x53: {  	_ =	shalt  }
0x54: {  	_ =	shalt  }
0x55: {  	_ =	shalt  }
0x56: {  	_ =	shalt  }
0x57: {  	_ =	shalt  }
0x58: {  	_ =	shalt  }
0x59: {  	_ =	shalt  }
0x5a: {  	_ =	shalt  }
0x5b: {  	_ =	shalt  }
0x5c: {  	_ =	shalt  }
0x5d: {  	_ =	shalt  }
0x5e: {  	_ =	shalt  }
0x5f: {  	_ =	shalt  }
0x60: {  	_ =	shalt  }
0x61: {  	_ =	shalt  }
0x62: {  	_ =	shalt  }
0x63: {  	_ =	shalt  }
0x64: {  	_ =	shalt  }
0x65: {  	_ =	shalt  }
0x66: {  	_ =	shalt  }
0x67: {  	_ =	shalt  }
0x68: {  	_ =	shalt  }
0x69: {  	_ =	shalt  }
0x6a: {  	_ =	shalt  }
0x6b: {  	_ =	shalt  }
0x6c: {  	_ =	shalt  }
0x6d: {  	_ =	shalt  }
0x6e: {  	_ =	shalt  }
0x6f: {  	_ =	shalt  }
0x70: {  	_ =	shalt  }
0x71: {  	_ =	shalt  }
0x72: {  	_ =	shalt  }
0x73: {  	_ =	shalt  }
0x74: {  	_ =	shalt  }
0x75: {  	_ =	shalt  }
0x76: {  	_ =	shalt  }
0x77: {  	_ =	shalt  }
0x78: {  	_ =	shalt  }
0x79: {  	_ =	shalt  }
0x7a: {  	_ =	shalt  }
0x7b: {  	_ =	shalt  }
0x7c: {  	_ =	shalt  }
0x7d: {  	_ =	shalt  }
0x7e: {  	_ =	shalt  }
0x7f: {  	_ =	shalt  }
0x80: {  	_ =	shalt  }
0x81: {  	_ =	shalt  }
0x82: {  	_ =	shalt  }
0x83: {  	_ =	shalt  }
0x84: {  	_ =	shalt  }
0x85: {  	_ =	shalt  }
0x86: {  	_ =	shalt  }
0x87: {  	_ =	shalt  }
.Lfunc_end0:
.L_simem_size_0:
called_computation.4_lowered:
.L_overlay_start_0:
0x88: {  	s2 =	sld [smem:$0x3FD9]  }
0x89: {  	s3 =	sld [smem:$0x3FFE];
	_ =	sdelay $0x1  }
0x8a: {  	s1 =	srdreg.scid  }
0x8b: {  	s0 =	sand.u32 $0x1, s1  }
0x8c: {  	s16 =	sshll.u32 s0, $0xA;
	s2 =	sadd.s32 s3, s2  }
0x8d: {  	s2 =	sadd.s32 s2, s16  }
0x8e: {  	[smem:$0x3FA3] =	sst s2  }
0x8f: {  	_ = 	snop  }
0x90: {  	(tm) =	ssettm $0x1  }
0x91: {  	s17 =	sld [smem:$0x3FFB];
	_ =	sdelay $0x3  }
0x92: {  	_ =	strace s17  }
0x93: {  	s2 =	sld [smem:$0x3FFC];
	_ =	sdelay $0x3  }
0x94: {  	_ =	strace s2  }
0x95: {  	s2 =	sld [smem:$0x3FFD];
	_ =	sdelay $0x3  }
0x96: {  	_ =	strace s2  }
0x97: {  	_ =	strace $0x8FFFFFFF  }
0x98: {  	s18 =	sld [smem:$0x3FDB];
	_ =	sdelay $0x1  }
0x99: {  	s19 =	simm.s32 $_scs_section_size  }
0x9a: {  	s4 =	simm.s32 $_size__tile_overlayer_lowered;
	s5 =	simm.s32 $_tile_overlayer_lowered  }
0x9b: {  	s22 =	simm.s32 $0x1BFF;
	s21 =	sshll.u32 s5, $0x1;
	s2 =	sadd.s32 s19, s18  }
0x9c: {  	s6 =	simm.s32 $0x0;
	s20 =	sshll.u32 s4, $0x1;
	s4 =	sadd.s32 s21, s2  }
0x9d: {  	[timem:s6], [sflag:s22] =	dma.local [hbm:s4], s20  }
0x9e: {  	_ =	swait.ge [sflag:s22], s20  }
0x9f: {  	s3 =	ssub.s32 $0x0, s20;
	[sflag:s22] =	ssyncset.done $0x0  }
0xa0: {  	[sflag:s22] =	ssyncadd.s32 s3;
	_ =	sdelay $0x1  }
0xa1: {  	s23 =	simm.s32 $0x1B8B  }
0xa2: {  	_ =	swait.ge [sflag:s23], $0x1  }
0xa3: {  	[sflag:s23] =	ssyncset.done $0x0  }
0xa4: {  	s25 =	simm.s32 $0x1B8E;
	s24 =	sld [smem:$0x3FFE];
	[sflag:s23] =	ssyncadd.s32 $0xFFFFFFFF  }
0xa5: {  	s26 =	simm.s32 $execute0_lowered;
	[smem:$0x3FD2] =	sst s25  }
0xa6: {  	s4 =	sshll.u32 s26, $0x1;
	_ =	strace $0x80000052;
	[dreg:$0x1] =	wrdreg $0xFFFFFFFF  }
0xa7: {  	s28 =	simm.s32 $_size_execute0_lowered;
	s2 =	sadd.s32 s2, s4;
	[dreg:$0x0] =	wrdreg $0x0  }
0xa8: {  	s4 =	sshll.u32 s28, $0x1;
	[dreg:$0x2] =	wrdreg s2  }
0xa9: {  	[dreg:$0x3] =	wrdreg s4  }
0xaa: {  	[dreg:$0x4] =	wrdreg $0xC0  }
0xab: {  	_ =	task [dreg:s6], $0x5FFFF  }
0xac: {  	[dreg:$0x1] =	wrdreg $0xFFFFFFFF  }
0xad: {  	[dreg:$0x0] =	wrdreg $0x60  }
0xae: {  	[dreg:$0x2] =	wrdreg s24  }
0xaf: {  	[dreg:$0x3] =	wrdreg $0x48000  }
0xb0: {  	[dreg:$0x4] =	wrdreg $0x9  }
0xb1: {  	_ =	task.clear_ibuf [dreg:s6], $0x5FFFF;
	_ =	strace $0x90000052  }
0xb2: {  	s29 =	simm.s32 $0x9;
	_ =	strace $0x80000054  }
0xb3: {  	_ =	swait.ge [sflag:s29], $0x1  }
0xb4: {  	[sflag:s29] =	ssyncadd.s32 $0xFFFFFFFF  }
0xb5: {  	_ =	strace $0x90000054  }
0xb6: {  	_ =	sfence  }
0xb7: {  	s30 =	sld [smem:$0x0];
	_ =	sdelay $0x2  }
0xb8: {  	s31 =	sshll.u32 s1, $0xD;
	s1 =	sshrl.u32 s1, $0x2  }
0xb9: {  	s3 =	sand.u32 $0x4000, s31;
	s1 =	sadd.s32 s1, s30  }
0xba: {  	s0 =	sor.u32 s3, s0;
	s1 =	sshll.u32 s1, $0x11  }
0xbb: {  	s0 =	sor.u32 s1, s0  }
0xbc: {  	s0 =	sadd.s32 $0x8F2B, s0  }
0xbd: {  	[sflag:s0] =	ssyncadd.remote.s32 $0x1  }
0xbe: {  	_ =	sfence.sel $0xFFFF  }
0xbf: {  	[dreg:$0x0] =	wrdreg $0xFFFFFFFF;
	(pc) =	sbr.abs _section_cstart, $3  }
0xc0: {  	[dreg:$0x1] =	wrdreg $0xFFFFFFFF  }
0xc1: {  	_ =	task.clear_ibuf [dreg:s6], $0x2FFFF;
	_ =	strace $0x9FFFFFFF  }
0xc2: {  	(tm) =	ssettm $0x7FFFFFFF  }
0xc3: {  	_ =	shalt  }
tec
execute0_lowered:
.L_overlay_start_1:
0x0: {  	(tag) =	ssettag $0x1  }
0x1: {  	s13 =	rddreg [dreg:$0x0]  }
0x2: {  	s2 =	rddreg [dreg:$0x1]  }
0x3: {  	s0 =	rddreg [dreg:$0x2];
	s1 =	stileid.u32;
	s3 =	simm.s32 $0x0  }
0x4: {  	s5 =	srdreg.scid;
	s20 =	simm.s32 $0x2;
	s21 =	simm.s32 $0x400  }
0x5: {  	s22 =	simm.s32 $0x800;
	s23 =	simm.s32 $0x1;
	s4 =	smul.u32 $0x3100, s1  }
0x6: {  	s24 =	simm.s32 $0x0;
	[smem:$0x7FF] =	sst s3;
	s6 =	smul.u32 $0x18700, s1  }
0x7: {  	s7 =	sand.u32 $0x1, s5;
	s5 =	sadd.s32 $0x7C00, s13;
	s17 =	sadd.s32 $0x16E900, s2  }
0x8: {  	s11 =	sadd.s32 $0x35920, s13;
	p1 =	seq.s32 s1, $0xF;
	_ =	strace $0x80000053  }
0x9: {  	s8 =	ssub.s32 $0x2, s7;
	p0 =	seq.s32 s7, $0x1;
	s7 =	sadd.s32 $0x66720, s13  }
0xa: {  	s18 =	sshll.u32 @!p1 s1, $0x6;
	s17 =	sshrl.u32 @p1 s17, $0x3;
	s16 =	sadd.s32 s4, s13  }
0xb: {  	s4 =	sadd.s32 $0x38A00, s13;
	s10 =	sshrl.u32 s6, $0x3;
	s9 =	sshrl.u32 s8, $0x1  }
.Ltmp0:
0xc: {  	s19 =	sadd.s32 s6, s2;
	s18 =	sor.u32 @!p1 $0x1C02, s18;
	(pc) =	sbr.rel .LBB2_1-.Ltmp0, $4  }
0xd: {  	s12 =	sadd.s32 s10, s13;
	s14 =	ssub.s32 s8, s9;
	s6 =	sadd.s32 s4, s10  }
0xe: {  	s9 =	sadd.s32 $0x97520, s13;
	s10 =	sadd.s32 s5, s10;
	s13 =	sadd.s32 $0xC8260, s13  }
0xf: {  	s15 =	sadd.s32 $0x18F600, s16;
	s16 =	sadd.s32 $0x15E600, s16;
	s19 =	sshrl.u32 @!p1 s19, $0x3  }
0x10: {  	s8 =	sadd.s32 $0x69800, s12;
	s12 =	sadd.s32 $0x9A540, s12;
	s14 =	smax.u32 s14, $0x1  }
.LBB2_7:
0x11: {  	s26 =	sadd.s32 s25, s16;
	[sflag:s20] =	ssyncadd.s32 $0xFFFFC000  }
0x12: {  	[tilespmem:s3], [sflag:$0x2] =	stream.linear.gather [hbm4b:s26+s3], $0x400, $0x38;
	[tilespmem:$0x1CEA8] =	vst v63  }
0x13: {  	_ =	swait.ge [sflag:s20], $0x400  }
0x14: {  	[sflag:s20] =	ssyncset.done $0x0  }
0x15: {  	s31 =	sadd.s32 s25, s15;
	[sflag:s20] =	ssyncadd.s32 $0xFFFFFC00  }
0x16: {  	[tilespmem:s21], [sflag:$0x2] =	stream.linear.gather [hbm4b:s31+s3], $0x400, $0x38;
	[tilespmem:$0x1CEA8] =	vst v63  }
0x17: {  	_ =	swait.ge [sflag:s20], $0x400  }
0x18: {  	[sflag:s20] =	ssyncset.done $0x0  }
0x19: {  	[sflag:s20] =	ssyncadd.s32 $0xFFFFFC00  }
0x1a: {  	[tilespmem:s22], [sflag:$0x1] =	stream.indirect.gather [hbm4b:s5+s21], $0x10, s3, s21, $0xb8;
	[tilespmem:$0x1CEA8] =	vst v63  }
0x1b: {  	_ =	swait.ge [sflag:s23], $0x4000  }
0x1c: {  	[sflag:s23] =	ssyncset.done $0x0  }
0x1d: {  	[sflag:s23] =	ssyncadd.s32 $0xFFFFC000  }
0x1e: {  	[spmem:s2] =	stream.indirect.scatter.add.f32 [tilespmem:s22], [sflag:$0x2], $0x10, s21, s21, $0xb8;
	[tilespmem:$0x1CEA8] =	vst v63  }
0x1f: {  	_ =	swait.ge [sflag:s20], $0x4000  }
0x20: {  	[sflag:s20] =	ssyncset.done $0x0  }
0x21: {  	[sflag:s20] =	ssyncadd.s32 $0xFFFFC000  }
0x22: {  	s25 =	simm.s32 @p1 $0x1FC2;
	[bflag:$0x0] =	sbarrier.arrive $0xFFFF  }
0x23: {  	[hbm:s13], [sflag:s25] =	dma.local @p1 [spmem:s17], $0x3020  }
0x24: {  	s25 =	simm.s32 @p1 $0x2  }
0x25: {  	_ =	swait.ge @p1 [sflag:s25], $0x3020  }
0x26: {  	[sflag:s25] =	ssyncset.done @p1 $0x0  }
0x27: {  	[sflag:s25] =	ssyncadd.s32 @p1 $0xFFFFCFE0;
	s25 =	simm.s32 @!p1 $0x2  }
0x28: {  	[hbm:s12], [sflag:s18] =	dma.local @!p1 [spmem:s19], $0x30E0  }
0x29: {  	_ =	swait.ge @!p1 [sflag:s25], $0x30E0  }
0x2a: {  	[sflag:s25] =	ssyncset.done @!p1 $0x0  }
0x2b: {  	[sflag:s25] =	ssyncadd.s32 @!p1 $0xFFFFCF20  }
.LBB2_8:
0x2c: {  	s24 =	sadd.s32 $0x1, s24  }
0x2d: {  	p2 =	sne.s32 s24, s14  }
.Ltmp1:
0x2e: {  	_ = 	snop;
	(pc) =	sbr.rel @!p2 .LBB2_9-.Ltmp1, $2  }
0x2f: {  	_ =	sdelay $0x1  }
0x30: {  	[bflag:$0x0] =	sbarrier.arrive $0xFFFF;
	_ =	sdelay $0x1  }
.LBB2_1:
.Ltmp2:
0x31: {  	(pc) =	sbr.rel @!p0 .LBB2_2-.Ltmp2, $1  }
0x32: {  	_ =	sdelay $0x3  }
0x33: {  	s25 =	simm.s32 @p1 $0x1FC2  }
0x34: {  	[spmem:s17], [sflag:s25] =	dma.local @p1 [hbm:s11], $0x3020  }
0x35: {  	s25 =	simm.s32 @p1 $0x2  }
0x36: {  	_ =	swait.ge @p1 [sflag:s25], $0x3020  }
0x37: {  	[sflag:s25] =	ssyncset.done @p1 $0x0  }
0x38: {  	[sflag:s25] =	ssyncadd.s32 @p1 $0xFFFFCFE0;
	s25 =	simm.s32 @!p1 $0x2  }
0x39: {  	[spmem:s19], [sflag:s18] =	dma.local @!p1 [hbm:s10], $0x30E0  }
0x3a: {  	_ =	swait.ge @!p1 [sflag:s25], $0x30E0  }
0x3b: {  	[sflag:s25] =	ssyncset.done @!p1 $0x0  }
0x3c: {  	[sflag:s25] =	ssyncadd.s32 @!p1 $0xFFFFCF20  }
0x3d: {  	s30 =	sadd.s32 $0x0, s16;
	[bflag:$0x0] =	sbarrier.arrive $0xFFFF  }
0x3e: {  	[tilespmem:s3], [sflag:$0x2] =	stream.linear.gather [hbm4b:s30+s3], $0x400, $0x38;
	[tilespmem:$0x1CEA8] =	vst v63  }
0x3f: {  	_ =	swait.ge [sflag:s20], $0x400  }
0x40: {  	[sflag:s20] =	ssyncset.done $0x0  }
0x41: {  	s31 =	sadd.s32 $0x0, s15;
	[sflag:s20] =	ssyncadd.s32 $0xFFFFFC00  }
0x42: {  	[tilespmem:s21], [sflag:$0x2] =	stream.linear.gather [hbm4b:s31+s3], $0x400, $0x38;
	[tilespmem:$0x1CEA8] =	vst v63  }
0x43: {  	_ =	swait.ge [sflag:s20], $0x400  }
0x44: {  	[sflag:s20] =	ssyncset.done $0x0  }
0x45: {  	[sflag:s20] =	ssyncadd.s32 $0xFFFFFC00  }
0x46: {  	[tilespmem:s22], [sflag:$0x1] =	stream.indirect.gather [hbm4b:s5+s21], $0x10, s3, s21, $0xb8;
	[tilespmem:$0x1CEA8] =	vst v63  }
0x47: {  	_ =	swait.ge [sflag:s23], $0x4000  }
0x48: {  	[sflag:s23] =	ssyncset.done $0x0  }
0x49: {  	[sflag:s23] =	ssyncadd.s32 $0xFFFFC000  }
0x4a: {  	[spmem:s2] =	stream.indirect.scatter.add.f32 [tilespmem:s22], [sflag:$0x2], $0x10, s21, s21, $0xb8;
	[tilespmem:$0x1CEA8] =	vst v63  }
0x4b: {  	_ =	swait.ge [sflag:s20], $0x4000  }
0x4c: {  	s26 =	simm.s32 $0x100;
	s25 =	simm.s32 $0x80;
	[sflag:s20] =	ssyncset.done $0x0  }
.LBB2_6:
0x4d: {  	s28 =	sadd.s32 s25, s16  }
0x4e: {  	[sflag:s20] =	ssyncadd.s32 $0xFFFFC000;
	s29 =	smov.u32 s26;
	s30 =	sadd.s32 $0x80, s26  }
0x4f: {  	[tilespmem:s3], [sflag:$0x2] =	stream.linear.gather [hbm4b:s28+s3], $0x400, $0x38;
	[tilespmem:$0x1CEA8] =	vst v63  }
0x50: {  	p2 =	sne.s32 s26, $0x3080;
	_ =	swait.ge [sflag:s20], $0x400  }
0x51: {  	[sflag:s20] =	ssyncset.done $0x0  }
0x52: {  	s26 =	sadd.s32 s25, s15;
	s25 =	smov.u32 s29;
	[sflag:s20] =	ssyncadd.s32 $0xFFFFFC00  }
0x53: {  	[tilespmem:s21], [sflag:$0x2] =	stream.linear.gather [hbm4b:s26+s3], $0x400, $0x38;
	[tilespmem:$0x1CEA8] =	vst v63  }
0x54: {  	_ =	swait.ge [sflag:s20], $0x400  }
0x55: {  	[sflag:s20] =	ssyncset.done $0x0  }
0x56: {  	[sflag:s20] =	ssyncadd.s32 $0xFFFFFC00  }
0x57: {  	[tilespmem:s22], [sflag:$0x1] =	stream.indirect.gather [hbm4b:s5+s21], $0x10, s3, s21, $0xb8;
	[tilespmem:$0x1CEA8] =	vst v63  }
0x58: {  	_ =	swait.ge [sflag:s23], $0x4000  }
.Ltmp3:
0x59: {  	[sflag:s23] =	ssyncset.done $0x0;
	(pc) =	sbr.rel @p2 .LBB2_6-.Ltmp3, $4  }
0x5a: {  	[sflag:s23] =	ssyncadd.s32 $0xFFFFC000  }
0x5b: {  	[spmem:s2] =	stream.indirect.scatter.add.f32 [tilespmem:s22], [sflag:$0x2], $0x10, s21, s21, $0xb8;
	[tilespmem:$0x1CEA8] =	vst v63  }
0x5c: {  	_ =	swait.ge [sflag:s20], $0x4000  }
0x5d: {  	s26 =	smov.u32 s30;
	[sflag:s20] =	ssyncset.done $0x0  }
.Ltmp4:
0x5e: {  	_ = 	snop;
	(pc) =	sbr.rel .LBB2_7-.Ltmp4, $1  }
0x5f: {  	_ =	sdelay $0x3  }
.LBB2_2:
0x60: {  	s25 =	simm.s32 @p1 $0x1FC2  }
0x61: {  	[spmem:s17], [sflag:s25] =	dma.local @p1 [hbm:s7], $0x3020  }
0x62: {  	s25 =	simm.s32 @p1 $0x2  }
0x63: {  	_ =	swait.ge @p1 [sflag:s25], $0x3020  }
0x64: {  	[sflag:s25] =	ssyncset.done @p1 $0x0  }
0x65: {  	[sflag:s25] =	ssyncadd.s32 @p1 $0xFFFFCFE0;
	s25 =	simm.s32 @!p1 $0x2  }
0x66: {  	[spmem:s19], [sflag:s18] =	dma.local @!p1 [hbm:s6], $0x30E0  }
0x67: {  	_ =	swait.ge @!p1 [sflag:s25], $0x30E0  }
0x68: {  	[sflag:s25] =	ssyncset.done @!p1 $0x0  }
0x69: {  	[sflag:s25] =	ssyncadd.s32 @!p1 $0xFFFFCF20  }
0x6a: {  	s30 =	sadd.s32 $0x0, s16;
	[bflag:$0x0] =	sbarrier.arrive $0xFFFF  }
0x6b: {  	[tilespmem:s3], [sflag:$0x2] =	stream.linear.gather [hbm4b:s30+s3], $0x400, $0x38;
	[tilespmem:$0x1CEA8] =	vst v63  }
0x6c: {  	_ =	swait.ge [sflag:s20], $0x400  }
0x6d: {  	[sflag:s20] =	ssyncset.done $0x0  }
0x6e: {  	s31 =	sadd.s32 $0x0, s15;
	[sflag:s20] =	ssyncadd.s32 $0xFFFFFC00  }
0x6f: {  	[tilespmem:s21], [sflag:$0x2] =	stream.linear.gather [hbm4b:s31+s3], $0x400, $0x38;
	[tilespmem:$0x1CEA8] =	vst v63  }
0x70: {  	_ =	swait.ge [sflag:s20], $0x400  }
0x71: {  	[sflag:s20] =	ssyncset.done $0x0  }
0x72: {  	[sflag:s20] =	ssyncadd.s32 $0xFFFFFC00  }
0x73: {  	[tilespmem:s22], [sflag:$0x1] =	stream.indirect.gather [hbm4b:s4+s21], $0x10, s3, s21, $0xb8;
	[tilespmem:$0x1CEA8] =	vst v63  }
0x74: {  	_ =	swait.ge [sflag:s23], $0x4000  }
0x75: {  	[sflag:s23] =	ssyncset.done $0x0  }
0x76: {  	[sflag:s23] =	ssyncadd.s32 $0xFFFFC000  }
0x77: {  	[spmem:s2] =	stream.indirect.scatter.add.f32 [tilespmem:s22], [sflag:$0x2], $0x10, s21, s21, $0xb8;
	[tilespmem:$0x1CEA8] =	vst v63  }
0x78: {  	_ =	swait.ge [sflag:s20], $0x4000  }
0x79: {  	s26 =	simm.s32 $0x100;
	s25 =	simm.s32 $0x80;
	[sflag:s20] =	ssyncset.done $0x0  }
.LBB2_3:
0x7a: {  	s28 =	sadd.s32 s25, s16  }
0x7b: {  	[sflag:s20] =	ssyncadd.s32 $0xFFFFC000;
	s29 =	smov.u32 s26;
	s30 =	sadd.s32 $0x80, s26  }
0x7c: {  	[tilespmem:s3], [sflag:$0x2] =	stream.linear.gather [hbm4b:s28+s3], $0x400, $0x38;
	[tilespmem:$0x1CEA8] =	vst v63  }
0x7d: {  	p2 =	sne.s32 s26, $0x3080;
	_ =	swait.ge [sflag:s20], $0x400  }
0x7e: {  	[sflag:s20] =	ssyncset.done $0x0  }
0x7f: {  	s26 =	sadd.s32 s25, s15;
	s25 =	smov.u32 s29;
	[sflag:s20] =	ssyncadd.s32 $0xFFFFFC00  }
0x80: {  	[tilespmem:s21], [sflag:$0x2] =	stream.linear.gather [hbm4b:s26+s3], $0x400, $0x38;
	[tilespmem:$0x1CEA8] =	vst v63  }
0x81: {  	_ =	swait.ge [sflag:s20], $0x400  }
0x82: {  	[sflag:s20] =	ssyncset.done $0x0  }
0x83: {  	[sflag:s20] =	ssyncadd.s32 $0xFFFFFC00  }
0x84: {  	[tilespmem:s22], [sflag:$0x1] =	stream.indirect.gather [hbm4b:s4+s21], $0x10, s3, s21, $0xb8;
	[tilespmem:$0x1CEA8] =	vst v63  }
0x85: {  	_ =	swait.ge [sflag:s23], $0x4000  }
.Ltmp5:
0x86: {  	[sflag:s23] =	ssyncset.done $0x0;
	(pc) =	sbr.rel @p2 .LBB2_3-.Ltmp5, $4  }
0x87: {  	[sflag:s23] =	ssyncadd.s32 $0xFFFFC000  }
0x88: {  	[spmem:s2] =	stream.indirect.scatter.add.f32 [tilespmem:s22], [sflag:$0x2], $0x10, s21, s21, $0xb8;
	[tilespmem:$0x1CEA8] =	vst v63  }
0x89: {  	_ =	swait.ge [sflag:s20], $0x4000  }
0x8a: {  	s26 =	smov.u32 s30;
	[sflag:s20] =	ssyncset.done $0x0  }
0x8b: {  	s26 =	sadd.s32 s25, s16;
	[sflag:s20] =	ssyncadd.s32 $0xFFFFC000  }
0x8c: {  	[tilespmem:s3], [sflag:$0x2] =	stream.linear.gather [hbm4b:s26+s3], $0x400, $0x38;
	[tilespmem:$0x1CEA8] =	vst v63  }
0x8d: {  	_ =	swait.ge [sflag:s20], $0x400  }
0x8e: {  	[sflag:s20] =	ssyncset.done $0x0  }
0x8f: {  	s31 =	sadd.s32 s25, s15;
	[sflag:s20] =	ssyncadd.s32 $0xFFFFFC00  }
0x90: {  	[tilespmem:s21], [sflag:$0x2] =	stream.linear.gather [hbm4b:s31+s3], $0x400, $0x38;
	[tilespmem:$0x1CEA8] =	vst v63  }
0x91: {  	_ =	swait.ge [sflag:s20], $0x400  }
0x92: {  	[sflag:s20] =	ssyncset.done $0x0  }
0x93: {  	[sflag:s20] =	ssyncadd.s32 $0xFFFFFC00  }
0x94: {  	[tilespmem:s22], [sflag:$0x1] =	stream.indirect.gather [hbm4b:s4+s21], $0x10, s3, s21, $0xb8;
	[tilespmem:$0x1CEA8] =	vst v63  }
0x95: {  	_ =	swait.ge [sflag:s23], $0x4000  }
0x96: {  	[sflag:s23] =	ssyncset.done $0x0  }
0x97: {  	[sflag:s23] =	ssyncadd.s32 $0xFFFFC000  }
0x98: {  	[spmem:s2] =	stream.indirect.scatter.add.f32 [tilespmem:s22], [sflag:$0x2], $0x10, s21, s21, $0xb8;
	[tilespmem:$0x1CEA8] =	vst v63  }
0x99: {  	_ =	swait.ge [sflag:s20], $0x4000  }
0x9a: {  	[sflag:s20] =	ssyncset.done $0x0  }
0x9b: {  	[sflag:s20] =	ssyncadd.s32 $0xFFFFC000  }
0x9c: {  	s25 =	simm.s32 @p1 $0x1FC2;
	[bflag:$0x0] =	sbarrier.arrive $0xFFFF  }
0x9d: {  	[hbm:s9], [sflag:s25] =	dma.local @p1 [spmem:s17], $0x3020  }
0x9e: {  	s25 =	simm.s32 @p1 $0x2  }
0x9f: {  	_ =	swait.ge @p1 [sflag:s25], $0x3020  }
0xa0: {  	[sflag:s25] =	ssyncset.done @p1 $0x0  }
.Ltmp6:
0xa1: {  	[sflag:s25] =	ssyncadd.s32 @p1 $0xFFFFCFE0;
	s25 =	simm.s32 @!p1 $0x2;
	(pc) =	sbr.rel .LBB2_8-.Ltmp6, $4  }
0xa2: {  	[hbm:s8], [sflag:s18] =	dma.local @!p1 [spmem:s19], $0x30E0  }
0xa3: {  	_ =	swait.ge @!p1 [sflag:s25], $0x30E0  }
0xa4: {  	[sflag:s25] =	ssyncset.done @!p1 $0x0  }
0xa5: {  	[sflag:s25] =	ssyncadd.s32 @!p1 $0xFFFFCF20  }
.LBB2_9:
0xa6: {  	_ =	sfence.sel $0x180000  }
0xa7: {  	[bflag:$0x0] =	sbarrier.arrive $0xFFFF  }
0xa8: {  	p0 =	sne.s32 s1, $0x0;
	_ =	strace $0x90000053  }
0xa9: {  	s0 =	sadd.s32 @!p0 $0x100000, s0;
	[bflag:$0x2] =	sbarrier.arrive $0xFFFF  }
0xaa: {  	[sflag:s0] =	ssyncadd.tile.s32 @!p0 $0x1;
	_ =	shalt  }
.Lfunc_end2:
_tile_overlayer_lowered:
.L_overlay_start_2:
0xab: {  	(tag) =	ssettag $0x2  }
0xac: {  	s0 =	rddreg [dreg:$0x0];
	s2 =	stileid.u32  }
0xad: {  	s1 =	rddreg [dreg:$0x1];
	p0 =	sne.s32 s2, $0x0  }
0xae: {  	s3 =	rddreg [dreg:$0x2];
	[bflag:$0x3] =	sbarrier.arrive $0xFFFF;
	s2 =	simm.s32 @!p0 $0x1C02  }
0xaf: {  	[timem:s3], [sflag:s2] =	dma.local @!p0 [hbm:s0], s1  }
0xb0: {  	s0 =	simm.s32 @!p0 $0x2  }
0xb1: {  	_ =	swait.ge @!p0 [sflag:s0], s1  }
0xb2: {  	s1 =	ssub.s32 @!p0 $0x0, s1;
	[sflag:s0] =	ssyncset.done @!p0 $0x0  }
0xb3: {  	[sflag:s0] =	ssyncadd.s32 @!p0 s1  }
0xb4: {  	[bflag:$0x3] =	sbarrier.arrive $0xFFFF  }
0xb5: {  	_ =	shalt  }

</sc_bundles>
